<compile_context>
chip_gen: v7x
topology: tpu7x:2x2x1
jax: 0.10.2.dev20260603
libtpu: 0.0.44.dev20260713+nightly
codegen_flags: <defaults>
</compile_context>

<pallas_src>
import functools

import jax
import jax.numpy as jnp
from jax import lax
from jax.experimental import pallas as pl
from jax.experimental.pallas import tpu as pltpu
from jax.experimental.pallas import tpu_sc as plsc

B = 8
HW = 384 * 384
NTPI = 4
CHUNK = HW // NTPI
NPIECE = 4
PIECE = CHUNK // NPIECE
VECS_PER_PIECE = PIECE // 16
SENT = 0x7FFFFFFF

SHIFT = (22, 14, 7, 0)
BMASK = (0x1FF, 0xFF, 0x7F, 0x7F)
NBINS = (512, 256, 128, 128)
PCHK = (31, 22, 14, 7)
PWID = (9, 8, 7, 7)
MAXB = 512

_mesh = plsc.VectorSubcoreMesh(core_axis_name="c", subcore_axis_name="s")


@functools.partial(
    pl.kernel,
    out_type=jax.ShapeDtypeStruct((B, 16), jnp.float32),
    mesh=_mesh,
    compiler_params=pltpu.CompilerParams(needs_layout_passes=False),
    scratch_types=[
        pltpu.VMEM((PIECE,), jnp.float32),
        pltpu.VMEM((PIECE,), jnp.float32),
        pltpu.VMEM((PIECE,), jnp.int32),
        pltpu.VMEM((CHUNK,), jnp.int32),
        pltpu.VMEM((MAXB * 16,), jnp.int32),
        pltpu.VMEM((MAXB,), jnp.int32),
        pltpu.VMEM((NTPI, MAXB), jnp.int32),
        pltpu.VMEM((CHUNK + 16,), jnp.int32),
        pltpu.VMEM((16,), jnp.float32),
        pltpu.VMEM((16,), jnp.float32),
        pltpu.VMEM_SHARED((16, MAXB), jnp.int32),
    ],
)
def _tmae_sc(pred_hbm, targ_hbm, mask_hbm, out_hbm,
             pv, tv, mv, errb, cnt_ls, cnt_c, cnt_cb, cand,
             acc_v, outv, shared_cnt):
    c = lax.axis_index("c")
    s = lax.axis_index("s")
    il = s // NTPI
    tg = s % NTPI
    img = c * (16 // NTPI) + il
    base = img * HW + tg * CHUNK

    iota16 = lax.iota(jnp.int32, 16)
    ones_i = jnp.ones((16,), jnp.int32)
    zeros_i = jnp.zeros((16,), jnp.int32)
    zeros_f = jnp.zeros((16,), jnp.float32)

    def zero_hist(nb):
        def zbody(i, _):
            cnt_ls[pl.ds(i * 16, 16)] = zeros_i
            return 0
        lax.fori_loop(0, nb, zbody, 0, unroll=4)

    def hist_count(ebits, valid, level):
        bins = jnp.right_shift(ebits, SHIFT[level]) & jnp.int32(BMASK[level])
        idx = bins * jnp.int32(16) + iota16
        plsc.addupdate_scatter(cnt_ls, [idx], ones_i, mask=valid)

    def publish_and_combine(nb):
        def cbody(i, _):
            acc_c = zeros_i
            for j in range(16):
                cc = jnp.sum(cnt_ls[pl.ds((i * 16 + j) * 16, 16)])
                acc_c = jnp.where(iota16 == j, cc, acc_c)
            cnt_c[pl.ds(i * 16, 16)] = acc_c
            return 0
        lax.fori_loop(0, nb // 16, cbody, 0)
        pltpu.sync_copy(cnt_c, shared_cnt.at[s])
        plsc.subcore_barrier()
        pltpu.sync_copy(shared_cnt.at[pl.ds(il * NTPI, NTPI)], cnt_cb)
        plsc.subcore_barrier()

    def group_cnt(i):
        return (cnt_cb[0, pl.ds(i * 16, 16)] + cnt_cb[1, pl.ds(i * 16, 16)]
                + cnt_cb[2, pl.ds(i * 16, 16)] + cnt_cb[3, pl.ds(i * 16, 16)])

    def find_bin(nb, kk):
        def fbody(i, carry):
            cum, found, binf, cbel = carry
            cvec = group_cnt(i)
            inc = plsc.cumsum(cvec)
            hit = (inc + cum) >= kk
            first = jnp.min(jnp.where(hit, iota16, jnp.int32(16)))
            newhit = jnp.logical_and(first < 16, found == 0)
            exc_c = jnp.sum(jnp.where(iota16 < first, cvec, jnp.int32(0)))
            binf = jnp.where(newhit, i * 16 + first, binf)
            cbel = jnp.where(newhit, cum + exc_c, cbel)
            found = jnp.where(newhit, jnp.int32(1), found)
            cum = cum + jnp.sum(cvec)
            return cum, found, binf, cbel
        init = (jnp.int32(0), jnp.int32(0), jnp.int32(0), jnp.int32(0))
        out = lax.fori_loop(0, nb // 16, fbody, init)
        return out[2], out[3]

    zero_hist(NBINS[0])

    def piece_body(j, _):
        off = base + j * PIECE
        pltpu.sync_copy(pred_hbm.at[pl.ds(off, PIECE)], pv)
        pltpu.sync_copy(targ_hbm.at[pl.ds(off, PIECE)], tv)
        pltpu.sync_copy(mask_hbm.at[pl.ds(off, PIECE)], mv)

        def vbody(i, _):
            p = pv[pl.ds(i * 16, 16)]
            t = tv[pl.ds(i * 16, 16)]
            m = mv[pl.ds(i * 16, 16)]
            d = jnp.abs(p - t)
            db = lax.bitcast_convert_type(d, jnp.int32)
            valid = m > 0
            eb = jnp.where(valid, db, jnp.int32(SENT))
            errb[pl.ds((j * VECS_PER_PIECE + i) * 16, 16)] = eb
            hist_count(eb, valid, 0)
            return 0
        lax.fori_loop(0, VECS_PER_PIECE, vbody, 0, unroll=8)
        return 0

    lax.fori_loop(0, NPIECE, piece_body, 0)
    publish_and_combine(NBINS[0])

    def mbody(i, acc):
        return acc + jnp.sum(group_cnt(i))
    M = lax.fori_loop(0, NBINS[0] // 16, mbody, jnp.int32(0))
    Mf = M.astype(jnp.float32)
    kf = Mf * jnp.float32(0.8)
    k = kf.astype(jnp.int32)
    k = jnp.where(k.astype(jnp.float32) > kf, k - 1, k)

    b0, c0 = find_bin(NBINS[0], k)
    kk = k - c0
    prefix = b0
    T0 = b0 * jnp.int32(1 << 22)

    zero_hist(NBINS[1])

    def l1body(i, carry):
        off_v, acc = carry
        eb = errb[pl.ds(i * 16, 16)]
        match = jnp.logical_and(
            eb != jnp.int32(SENT),
            jnp.right_shift(eb, PCHK[1]) == prefix)
        hist_count(eb, match, 1)
        pos = plsc.cumsum(match.astype(jnp.int32))
        idx = off_v + pos - jnp.int32(1)
        plsc.store_scatter(cand, [idx], eb, mask=match)
        vals = lax.bitcast_convert_type(eb, jnp.float32)
        acc = acc + jnp.where(eb < T0, vals, zeros_f)
        off_v = off_v + plsc.all_reduce_population_count(match)
        return off_v, acc
    off_v, acc0 = lax.fori_loop(0, CHUNK // 16, l1body,
                                (zeros_i, zeros_f), unroll=4)
    nc = jnp.max(off_v)
    acc_v[...] = acc0
    publish_and_combine(NBINS[1])
    b1, c1 = find_bin(NBINS[1], kk)
    kk = kk - c1
    prefix = prefix * jnp.int32(1 << PWID[1]) + b1

    nvec = (nc + jnp.int32(15)) // jnp.int32(16)
    for level in (2, 3):
        zero_hist(NBINS[level])

        def lbody(i, _, _level=level, _prefix=prefix):
            eb = cand[pl.ds(i * 16, 16)]
            inb = (i * 16 + iota16) < nc
            valid = jnp.logical_and(
                inb, jnp.right_shift(eb, PCHK[_level]) == _prefix)
            hist_count(eb, valid, _level)
            return 0
        lax.fori_loop(0, nvec, lbody, 0)
        publish_and_combine(NBINS[level])
        bl, cl = find_bin(NBINS[level], kk)
        kk = kk - cl
        prefix = prefix * jnp.int32(1 << PWID[level]) + bl

    def sbody(i, _):
        eb = cand[pl.ds(i * 16, 16)]
        inb = (i * 16 + iota16) < nc
        sel = jnp.logical_and(inb, eb < prefix)
        vals = lax.bitcast_convert_type(eb, jnp.float32)
        acc_v[...] = acc_v[...] + jnp.where(sel, vals, zeros_f)
        return 0
    lax.fori_loop(0, nvec, sbody, 0)
    spart = jnp.sum(acc_v[...])

    cnt_c[pl.ds(0, 16)] = lax.bitcast_convert_type(
        jnp.where(iota16 == 0, spart, zeros_f), jnp.int32)
    pltpu.sync_copy(cnt_c, shared_cnt.at[s])
    plsc.subcore_barrier()
    pltpu.sync_copy(shared_cnt.at[pl.ds(il * NTPI, NTPI)], cnt_cb)
    p0 = jnp.sum(lax.bitcast_convert_type(cnt_cb[0, pl.ds(0, 16)], jnp.float32))
    p1 = jnp.sum(lax.bitcast_convert_type(cnt_cb[1, pl.ds(0, 16)], jnp.float32))
    p2 = jnp.sum(lax.bitcast_convert_type(cnt_cb[2, pl.ds(0, 16)], jnp.float32))
    p3 = jnp.sum(lax.bitcast_convert_type(cnt_cb[3, pl.ds(0, 16)], jnp.float32))
    sum_below = p0 + p1 + p2 + p3

    t = jnp.max(lax.bitcast_convert_type(
        jnp.full((16,), prefix, jnp.int32), jnp.float32))
    image_sum = sum_below + kk.astype(jnp.float32) * t

    @pl.when(tg == 0)
    def _():
        outv[...] = jnp.where(iota16 == 0, image_sum,
                              jnp.where(iota16 == 1, Mf, jnp.float32(0.0)))
        pltpu.sync_copy(outv, out_hbm.at[img])


def kernel(prediction, target, mask):
    pf = prediction.reshape(-1)
    tf = target.reshape(-1)
    mf = mask.reshape(-1)
    out = _tmae_sc(pf, tf, mf)
    image_sum = out[:, 0]
    M = out[:, 1]
    divisor = jnp.sum(M * jnp.float32(0.8))
    return jnp.where(divisor == 0,
                     jnp.float32(0.0),
                     jnp.sum(image_sum) / jnp.maximum(divisor, jnp.float32(1e-12)))

# --- scband reference (transcript-rebuilt; emitter-appended) ---
"""Pipeline reference for scband-trimmed-maeloss-33406255628551 (READ-ONLY COPY).

The authoritative reference and input builder live on the scoring server;
editing this copy changes nothing except your own understanding.
"""

import jax, jax.numpy as jnp
import numpy as np


def setup_inputs(seed: int = 0) -> dict:
    key = jax.random.key(seed)
    k1, k2, k3 = jax.random.split(key, 3)
    prediction = jax.random.normal(k1, (8, 384, 384), dtype=jnp.float32)
    target = jax.random.normal(k2, (8, 384, 384), dtype=jnp.float32)
    mask = jax.random.randint(k3, (8, 384, 384), 0, 2, dtype=jnp.int32)
    return {"prediction": prediction, "target": target, "mask": mask}


def reference(prediction, target, mask):
    trim_ratio = 0.2
    B = prediction.shape[0]
    HW = prediction.shape[1] * prediction.shape[2]
    mflat = (mask > 0).reshape(B, HW)
    M = jnp.sum(mflat.astype(jnp.float32), axis=1)
    res = jnp.abs(prediction - target).reshape(B, HW)
    big = jnp.float32(1e10)
    # invalid pixels pushed to the end of the sort with a huge sentinel
    errs = jnp.where(mflat, res, big)
    sorted_errs = jnp.sort(errs, axis=1)
    # per-image number of kept (smallest) errors: int(M_i * (1 - trim_ratio))
    num_keep = jnp.floor(M * (1.0 - trim_ratio)).astype(jnp.int32)
    ranks = jnp.arange(HW, dtype=jnp.int32)[None, :]
    keep = ranks < num_keep[:, None]
    image_loss = jnp.sum(jnp.where(keep, sorted_errs, jnp.float32(0.0)), axis=1)
    # batch-based reduction
    divisor = jnp.sum(M * (1.0 - trim_ratio))
    loss = jnp.where(divisor == 0,
                     jnp.float32(0.0),
                     jnp.sum(image_loss) / jnp.maximum(divisor, jnp.float32(1e-12)))
    return loss

if __name__ == "__main__":
    import jax
    _d = setup_inputs()
    print(jax.jit(kernel)(*tuple(_d.values())))

</pallas_src>

<mosaic_0001>
#map = affine_map<(d0, d1) -> (0)>
#map1 = affine_map<(d0, d1) -> (0, 0)>
module attributes {stable_mosaic.version = 14 : i64} {
  func.func @_tmae_sc(%arg0: i32, %arg1: i32, %arg2: memref<1179648xf32, #tpu.memory_space<hbm>>, %arg3: memref<1179648xf32, #tpu.memory_space<hbm>>, %arg4: memref<1179648xi32, #tpu.memory_space<hbm>>, %arg5: memref<8x16xf32, #tpu.memory_space<hbm>>, %arg6: memref<9216xf32, #tpu.memory_space<vmem>>, %arg7: memref<9216xf32, #tpu.memory_space<vmem>>, %arg8: memref<9216xi32, #tpu.memory_space<vmem>>, %arg9: memref<36864xi32, #tpu.memory_space<vmem>>, %arg10: memref<8192xi32, #tpu.memory_space<vmem>>, %arg11: memref<512xi32, #tpu.memory_space<vmem>>, %arg12: memref<4x512xi32, #tpu.memory_space<vmem>>, %arg13: memref<36880xi32, #tpu.memory_space<vmem>>, %arg14: memref<16xf32, #tpu.memory_space<vmem>>, %arg15: memref<16xf32, #tpu.memory_space<vmem>>, %arg16: memref<16x512xi32, #tpu.memory_space<vmem_shared>>) attributes {dimension_semantics = [#tpu.dimension_semantics<core_parallel>, #tpu.dimension_semantics<subcore_parallel>], iteration_bounds = array<i64: 2, 16>, scalar_prefetch = 0 : i64, scratch_operands = 11 : i64, tpu.core_type = #tpu.core_type<sc_vector_subcore>, window_params = [{transform_indices = #map}, {transform_indices = #map}, {transform_indices = #map}, {transform_indices = #map1}]} {
    %jit3A = arith.constant 4 : i32
    %div3A = arith.divsi %arg1, %jit3A : i32
    %sign3A = arith.constant 0 : i32
    %sign3A_0 = arith.cmpi sgt, %arg1, %sign3A : i32
    %sign3A_1 = arith.extui %sign3A_0 : i1 to i32
    %sign3A_2 = arith.constant 0 : i32
    %sign3A_3 = arith.cmpi slt, %arg1, %sign3A_2 : i32
    %sign3A_4 = arith.extui %sign3A_3 : i1 to i32
    %sign3A_5 = arith.subi %sign3A_1, %sign3A_4 : i32
    %sign3A_6 = arith.constant 0 : i32
    %sign3A_7 = arith.cmpi sgt, %jit3A, %sign3A_6 : i32
    %sign3A_8 = arith.extui %sign3A_7 : i1 to i32
    %sign3A_9 = arith.constant 0 : i32
    %sign3A_10 = arith.cmpi slt, %jit3A, %sign3A_9 : i32
    %sign3A_11 = arith.extui %sign3A_10 : i1 to i32
    %sign3A_12 = arith.subi %sign3A_8, %sign3A_11 : i32
    %ne3A = arith.cmpi ne, %sign3A_5, %sign3A_12 : i32
    %rem3A = arith.remsi %arg1, %jit3A : i32
    %ne3A_13 = arith.constant 0 : i32
    %ne3A_14 = arith.cmpi ne, %rem3A, %ne3A_13 : i32
    %and3A = arith.andi %ne3A, %ne3A_14 : i1
    %sub3A = arith.constant 1 : i32
    %sub3A_15 = arith.subi %div3A, %sub3A : i32
    %select_n3A = arith.select %and3A, %sub3A_15, %div3A : i32
    %jit3A_16 = arith.constant 4 : i32
    %eq3A = arith.constant 0 : i32
    %eq3A_17 = arith.cmpi eq, %jit3A_16, %eq3A : i32
    %jit3A_18 = arith.constant 1 : i32
    %select_n3A_19 = arith.select %eq3A_17, %jit3A_18, %jit3A_16 : i32
    %rem3A_20 = arith.remsi %arg1, %select_n3A_19 : i32
    %ne3A_21 = arith.constant 0 : i32
    %ne3A_22 = arith.cmpi ne, %rem3A_20, %ne3A_21 : i32
    %lt3A = arith.constant 0 : i32
    %lt3A_23 = arith.cmpi slt, %rem3A_20, %lt3A : i32
    %lt3A_24 = arith.constant 0 : i32
    %lt3A_25 = arith.cmpi slt, %select_n3A_19, %lt3A_24 : i32
    %ne3A_26 = arith.xori %lt3A_23, %lt3A_25 : i1
    %and3A_27 = arith.andi %ne3A_26, %ne3A_22 : i1
    %add3A = arith.addi %rem3A_20, %select_n3A_19 : i32
    %select_n3A_28 = arith.select %and3A_27, %add3A, %rem3A_20 : i32
    %mul3A = arith.constant 4 : i32
    %mul3A_29 = arith.muli %arg0, %mul3A : i32
    %add3A_30 = arith.addi %mul3A_29, %select_n3A : i32
    %mul3A_31 = arith.constant 147456 : i32
    %mul3A_32 = arith.muli %add3A_30, %mul3A_31 : i32
    %mul3A_33 = arith.constant 36864 : i32
    %mul3A_34 = arith.muli %select_n3A_28, %mul3A_33 : i32
    %add3A_35 = arith.addi %mul3A_32, %mul3A_34 : i32
    %iota3A = tpu.iota {dimensions = array<i32: 0>} : vector<16xi32>
    %broadcast_in_dim3A = arith.constant 1 : i32
    %broadcast_in_dim3A_36 = vector.broadcast %broadcast_in_dim3A : i32 to vector<16xi32>
    %broadcast_in_dim3A_37 = arith.constant 0 : i32
    %broadcast_in_dim3A_38 = vector.broadcast %broadcast_in_dim3A_37 : i32 to vector<16xi32>
    %broadcast_in_dim3A_39 = arith.constant 0.000000e+00 : f32
    %broadcast_in_dim3A_40 = vector.broadcast %broadcast_in_dim3A_39 : f32 to vector<16xf32>
    %scan3A = arith.constant 0 : i32
    %scan3A_41 = arith.constant 0 : i32
    %scan3A_42 = arith.constant 512 : i32
    %scan3A_43 = arith.addi %scan3A_41, %scan3A_42 : i32
    %scan3A_44 = arith.constant 4 : i32
    %scan3A_45 = scf.for %scan3A_328 = %scan3A_41 to %scan3A_43 step %scan3A_44 iter_args(%scan3A_329 = %scan3A) -> (i32)  : i32 {
      %mul3A_330 = arith.constant 16 : i32
      %mul3A_331 = arith.muli %scan3A_328, %mul3A_330 : i32
      %swap3A_332 = arith.index_cast %mul3A_331 : i32 to index
      %swap3A_333 = tpu.vector_load %arg10[%swap3A_332] {strides = array<i32>} : memref<8192xi32, #tpu.memory_space<vmem>>, vector<16xi32>,
      tpu.vector_store %arg10[%swap3A_332], %broadcast_in_dim3A_38 {strides = array<i32>} : memref<8192xi32, #tpu.memory_space<vmem>>, vector<16xi32>,
      %scan3A_334 = arith.constant 0 : i32
      %scan3A_335 = arith.constant 1 : i32
      %scan3A_336 = arith.addi %scan3A_328, %scan3A_335 : i32
      %mul3A_337 = arith.constant 16 : i32
      %mul3A_338 = arith.muli %scan3A_336, %mul3A_337 : i32
      %swap3A_339 = arith.index_cast %mul3A_338 : i32 to index
      %swap3A_340 = tpu.vector_load %arg10[%swap3A_339] {strides = array<i32>} : memref<8192xi32, #tpu.memory_space<vmem>>, vector<16xi32>,
      tpu.vector_store %arg10[%swap3A_339], %broadcast_in_dim3A_38 {strides = array<i32>} : memref<8192xi32, #tpu.memory_space<vmem>>, vector<16xi32>,
      %scan3A_341 = arith.constant 0 : i32
      %scan3A_342 = arith.constant 2 : i32
      %scan3A_343 = arith.addi %scan3A_328, %scan3A_342 : i32
      %mul3A_344 = arith.constant 16 : i32
      %mul3A_345 = arith.muli %scan3A_343, %mul3A_344 : i32
      %swap3A_346 = arith.index_cast %mul3A_345 : i32 to index
      %swap3A_347 = tpu.vector_load %arg10[%swap3A_346] {strides = array<i32>} : memref<8192xi32, #tpu.memory_space<vmem>>, vector<16xi32>,
      tpu.vector_store %arg10[%swap3A_346], %broadcast_in_dim3A_38 {strides = array<i32>} : memref<8192xi32, #tpu.memory_space<vmem>>, vector<16xi32>,
      %scan3A_348 = arith.constant 0 : i32
      %scan3A_349 = arith.constant 3 : i32
      %scan3A_350 = arith.addi %scan3A_328, %scan3A_349 : i32
      %mul3A_351 = arith.constant 16 : i32
      %mul3A_352 = arith.muli %scan3A_350, %mul3A_351 : i32
      %swap3A_353 = arith.index_cast %mul3A_352 : i32 to index
      %swap3A_354 = tpu.vector_load %arg10[%swap3A_353] {strides = array<i32>} : memref<8192xi32, #tpu.memory_space<vmem>>, vector<16xi32>,
      tpu.vector_store %arg10[%swap3A_353], %broadcast_in_dim3A_38 {strides = array<i32>} : memref<8192xi32, #tpu.memory_space<vmem>>, vector<16xi32>,
      %scan3A_355 = arith.constant 0 : i32
      scf.yield %scan3A_355 : i32
    }
    %scan3A_46 = arith.constant 512 : i32
    %scan3A_47 = arith.constant 0 : i32
    %scan3A_48 = arith.constant 0 : i32
    %scan3A_49 = arith.constant 4 : i32
    %scan3A_50 = arith.addi %scan3A_48, %scan3A_49 : i32
    %scan3A_51 = arith.constant 1 : i32
    %scan3A_52 = scf.for %scan3A_328 = %scan3A_48 to %scan3A_50 step %scan3A_51 iter_args(%scan3A_329 = %scan3A_47) -> (i32)  : i32 {
      %mul3A_330 = arith.constant 9216 : i32
      %mul3A_331 = arith.muli %scan3A_328, %mul3A_330 : i32
      %add3A_332 = arith.addi %add3A_35, %mul3A_331 : i32
      "tpu.region"() ({
        %run_scoped3A = tpu.sem_alloc : memref<!tpu.dma_semaphore, #tpu.memory_space<semaphore_mem>>
        %dma_start3A = tpu.memref_slice %arg2[%add3A_332] : memref<1179648xf32, #tpu.memory_space<hbm>> -> memref<9216xf32, #tpu.memory_space<hbm>>
        %dma_start3A_341 = tpu.memref_slice %arg2[%add3A_332] : memref<1179648xf32, #tpu.memory_space<hbm>> -> memref<9216xf32, #tpu.memory_space<hbm>>
        tpu.enqueue_dma source(%dma_start3A_341 : memref<9216xf32, #tpu.memory_space<hbm>>) target(%arg6 : memref<9216xf32, #tpu.memory_space<vmem>>) target_semaphore(%run_scoped3A : memref<!tpu.dma_semaphore, #tpu.memory_space<semaphore_mem>>)
        %dma_wait3A = tpu.memref_slice %arg2[%add3A_332] : memref<1179648xf32, #tpu.memory_space<hbm>> -> memref<9216xf32, #tpu.memory_space<hbm>>
        %dma_wait3A_342 = tpu.memref_slice %arg2[%add3A_332] : memref<1179648xf32, #tpu.memory_space<hbm>> -> memref<9216xf32, #tpu.memory_space<hbm>>
        tpu.wait_dma2 semaphore(%run_scoped3A : memref<!tpu.dma_semaphore, #tpu.memory_space<semaphore_mem>>) src(%dma_wait3A_342 : memref<9216xf32, #tpu.memory_space<hbm>>) dst(%arg6 : memref<9216xf32, #tpu.memory_space<vmem>>)
        tpu.yield
      }) : () -> ()
      "tpu.region"() ({
        %run_scoped3A = tpu.sem_alloc : memref<!tpu.dma_semaphore, #tpu.memory_space<semaphore_mem>>
        %dma_start3A = tpu.memref_slice %arg3[%add3A_332] : memref<1179648xf32, #tpu.memory_space<hbm>> -> memref<9216xf32, #tpu.memory_space<hbm>>
        %dma_start3A_341 = tpu.memref_slice %arg3[%add3A_332] : memref<1179648xf32, #tpu.memory_space<hbm>> -> memref<9216xf32, #tpu.memory_space<hbm>>
        tpu.enqueue_dma source(%dma_start3A_341 : memref<9216xf32, #tpu.memory_space<hbm>>) target(%arg7 : memref<9216xf32, #tpu.memory_space<vmem>>) target_semaphore(%run_scoped3A : memref<!tpu.dma_semaphore, #tpu.memory_space<semaphore_mem>>)
        %dma_wait3A = tpu.memref_slice %arg3[%add3A_332] : memref<1179648xf32, #tpu.memory_space<hbm>> -> memref<9216xf32, #tpu.memory_space<hbm>>
        %dma_wait3A_342 = tpu.memref_slice %arg3[%add3A_332] : memref<1179648xf32, #tpu.memory_space<hbm>> -> memref<9216xf32, #tpu.memory_space<hbm>>
        tpu.wait_dma2 semaphore(%run_scoped3A : memref<!tpu.dma_semaphore, #tpu.memory_space<semaphore_mem>>) src(%dma_wait3A_342 : memref<9216xf32, #tpu.memory_space<hbm>>) dst(%arg7 : memref<9216xf32, #tpu.memory_space<vmem>>)
        tpu.yield
      }) : () -> ()
      "tpu.region"() ({
        %run_scoped3A = tpu.sem_alloc : memref<!tpu.dma_semaphore, #tpu.memory_space<semaphore_mem>>
        %dma_start3A = tpu.memref_slice %arg4[%add3A_332] : memref<1179648xi32, #tpu.memory_space<hbm>> -> memref<9216xi32, #tpu.memory_space<hbm>>
        %dma_start3A_341 = tpu.memref_slice %arg4[%add3A_332] : memref<1179648xi32, #tpu.memory_space<hbm>> -> memref<9216xi32, #tpu.memory_space<hbm>>
        tpu.enqueue_dma source(%dma_start3A_341 : memref<9216xi32, #tpu.memory_space<hbm>>) target(%arg8 : memref<9216xi32, #tpu.memory_space<vmem>>) target_semaphore(%run_scoped3A : memref<!tpu.dma_semaphore, #tpu.memory_space<semaphore_mem>>)
        %dma_wait3A = tpu.memref_slice %arg4[%add3A_332] : memref<1179648xi32, #tpu.memory_space<hbm>> -> memref<9216xi32, #tpu.memory_space<hbm>>
        %dma_wait3A_342 = tpu.memref_slice %arg4[%add3A_332] : memref<1179648xi32, #tpu.memory_space<hbm>> -> memref<9216xi32, #tpu.memory_space<hbm>>
        tpu.wait_dma2 semaphore(%run_scoped3A : memref<!tpu.dma_semaphore, #tpu.memory_space<semaphore_mem>>) src(%dma_wait3A_342 : memref<9216xi32, #tpu.memory_space<hbm>>) dst(%arg8 : memref<9216xi32, #tpu.memory_space<vmem>>)
        tpu.yield
      }) : () -> ()
      %scan3A_333 = arith.constant 0 : i32
      %scan3A_334 = arith.constant 0 : i32
      %scan3A_335 = arith.constant 576 : i32
      %scan3A_336 = arith.addi %scan3A_334, %scan3A_335 : i32
      %scan3A_337 = arith.constant 8 : i32
      %scan3A_338 = scf.for %scan3A_341 = %scan3A_334 to %scan3A_336 step %scan3A_337 iter_args(%scan3A_342 = %scan3A_333) -> (i32)  : i32 {
        %mul3A_343 = arith.constant 16 : i32
        %mul3A_344 = arith.muli %scan3A_341, %mul3A_343 : i32
        %get3A_345 = arith.index_cast %mul3A_344 : i32 to index
        %get3A_346 = tpu.vector_load %arg6[%get3A_345] {strides = array<i32>} : memref<9216xf32, #tpu.memory_space<vmem>>, vector<16xf32>,
        %mul3A_347 = arith.constant 16 : i32
        %mul3A_348 = arith.muli %scan3A_341, %mul3A_347 : i32
        %get3A_349 = arith.index_cast %mul3A_348 : i32 to index
        %get3A_350 = tpu.vector_load %arg7[%get3A_349] {strides = array<i32>} : memref<9216xf32, #tpu.memory_space<vmem>>, vector<16xf32>,
        %mul3A_351 = arith.constant 16 : i32
        %mul3A_352 = arith.muli %scan3A_341, %mul3A_351 : i32
        %get3A_353 = arith.index_cast %mul3A_352 : i32 to index
        %get3A_354 = tpu.vector_load %arg8[%get3A_353] {strides = array<i32>} : memref<9216xi32, #tpu.memory_space<vmem>>, vector<16xi32>,
        %sub3A_355 = arith.subf %get3A_346, %get3A_350 : vector<16xf32>
        %abs3A = math.absf %sub3A_355 : vector<16xf32>
        %bitcast_convert_type3A_356 = tpu.bitcast %abs3A : vector<16xf32> -> vector<16xi32>
        %gt3A_357 = arith.constant 0 : i32
        %gt3A_358 = vector.broadcast %gt3A_357 : i32 to vector<16xi32>
        %gt3A_359 = arith.cmpi sgt, %get3A_354, %gt3A_358 : vector<16xi32>
        %jit3A_360 = arith.constant 2147483647 : i32
        %broadcast_in_dim3A_361 = vector.broadcast %jit3A_360 : i32 to vector<16xi32>
        %select_n3A_362 = arith.select %gt3A_359, %bitcast_convert_type3A_356, %broadcast_in_dim3A_361 : vector<16xi1>, vector<16xi32>
        %mul3A_363 = arith.constant 576 : i32
        %mul3A_364 = arith.muli %scan3A_328, %mul3A_363 : i32
        %add3A_365 = arith.addi %mul3A_364, %scan3A_341 : i32
        %mul3A_366 = arith.constant 16 : i32
        %mul3A_367 = arith.muli %add3A_365, %mul3A_366 : i32
        %swap3A_368 = arith.index_cast %mul3A_367 : i32 to index
        %swap3A_369 = tpu.vector_load %arg9[%swap3A_368] {strides = array<i32>} : memref<36864xi32, #tpu.memory_space<vmem>>, vector<16xi32>,
        tpu.vector_store %arg9[%swap3A_368], %select_n3A_362 {strides = array<i32>} : memref<36864xi32, #tpu.memory_space<vmem>>, vector<16xi32>,
        %shift_right_arithmetic3A = arith.constant 22 : i32
        %shift_right_arithmetic3A_370 = vector.broadcast %shift_right_arithmetic3A : i32 to vector<16xi32>
        %shift_right_arithmetic3A_371 = arith.shrsi %select_n3A_362, %shift_right_arithmetic3A_370 : vector<16xi32>
        %and3A_372 = arith.constant 511 : i32
        %and3A_373 = vector.broadcast %and3A_372 : i32 to vector<16xi32>
        %and3A_374 = arith.andi %shift_right_arithmetic3A_371, %and3A_373 : vector<16xi32>
        %mul3A_375 = arith.constant 16 : i32
        %mul3A_376 = vector.broadcast %mul3A_375 : i32 to vector<16xi32>
        %mul3A_377 = arith.muli %and3A_374, %mul3A_376 : vector<16xi32>
        %add3A_378 = arith.addi %mul3A_377, %iota3A : vector<16xi32>
        tpu.vector_store_idx %arg10[%add3A_378], %broadcast_in_dim3A_36 masked %gt3A_359 {add = true} : memref<8192xi32, #tpu.memory_space<vmem>>[vector<16xi32>], vector<16xi32>, vector<16xi1>
        %scan3A_379 = arith.constant 0 : i32
        %scan3A_380 = arith.constant 1 : i32
        %scan3A_381 = arith.addi %scan3A_341, %scan3A_380 : i32
        %mul3A_382 = arith.constant 16 : i32
        %mul3A_383 = arith.muli %scan3A_381, %mul3A_382 : i32
        %get3A_384 = arith.index_cast %mul3A_383 : i32 to index
        %get3A_385 = tpu.vector_load %arg6[%get3A_384] {strides = array<i32>} : memref<9216xf32, #tpu.memory_space<vmem>>, vector<16xf32>,
        %mul3A_386 = arith.constant 16 : i32
        %mul3A_387 = arith.muli %scan3A_381, %mul3A_386 : i32
        %get3A_388 = arith.index_cast %mul3A_387 : i32 to index
        %get3A_389 = tpu.vector_load %arg7[%get3A_388] {strides = array<i32>} : memref<9216xf32, #tpu.memory_space<vmem>>, vector<16xf32>,
        %mul3A_390 = arith.constant 16 : i32
        %mul3A_391 = arith.muli %scan3A_381, %mul3A_390 : i32
        %get3A_392 = arith.index_cast %mul3A_391 : i32 to index
        %get3A_393 = tpu.vector_load %arg8[%get3A_392] {strides = array<i32>} : memref<9216xi32, #tpu.memory_space<vmem>>, vector<16xi32>,
        %sub3A_394 = arith.subf %get3A_385, %get3A_389 : vector<16xf32>
        %abs3A_395 = math.absf %sub3A_394 : vector<16xf32>
        %bitcast_convert_type3A_396 = tpu.bitcast %abs3A_395 : vector<16xf32> -> vector<16xi32>
        %gt3A_397 = arith.constant 0 : i32
        %gt3A_398 = vector.broadcast %gt3A_397 : i32 to vector<16xi32>
        %gt3A_399 = arith.cmpi sgt, %get3A_393, %gt3A_398 : vector<16xi32>
        %jit3A_400 = arith.constant 2147483647 : i32
        %broadcast_in_dim3A_401 = vector.broadcast %jit3A_400 : i32 to vector<16xi32>
        %select_n3A_402 = arith.select %gt3A_399, %bitcast_convert_type3A_396, %broadcast_in_dim3A_401 : vector<16xi1>, vector<16xi32>
        %mul3A_403 = arith.constant 576 : i32
        %mul3A_404 = arith.muli %scan3A_328, %mul3A_403 : i32
        %add3A_405 = arith.addi %mul3A_404, %scan3A_381 : i32
        %mul3A_406 = arith.constant 16 : i32
        %mul3A_407 = arith.muli %add3A_405, %mul3A_406 : i32
        %swap3A_408 = arith.index_cast %mul3A_407 : i32 to index
        %swap3A_409 = tpu.vector_load %arg9[%swap3A_408] {strides = array<i32>} : memref<36864xi32, #tpu.memory_space<vmem>>, vector<16xi32>,
        tpu.vector_store %arg9[%swap3A_408], %select_n3A_402 {strides = array<i32>} : memref<36864xi32, #tpu.memory_space<vmem>>, vector<16xi32>,
        %shift_right_arithmetic3A_410 = arith.constant 22 : i32
        %shift_right_arithmetic3A_411 = vector.broadcast %shift_right_arithmetic3A_410 : i32 to vector<16xi32>
        %shift_right_arithmetic3A_412 = arith.shrsi %select_n3A_402, %shift_right_arithmetic3A_411 : vector<16xi32>
        %and3A_413 = arith.constant 511 : i32
        %and3A_414 = vector.broadcast %and3A_413 : i32 to vector<16xi32>
        %and3A_415 = arith.andi %shift_right_arithmetic3A_412, %and3A_414 : vector<16xi32>
        %mul3A_416 = arith.constant 16 : i32
        %mul3A_417 = vector.broadcast %mul3A_416 : i32 to vector<16xi32>
        %mul3A_418 = arith.muli %and3A_415, %mul3A_417 : vector<16xi32>
        %add3A_419 = arith.addi %mul3A_418, %iota3A : vector<16xi32>
        tpu.vector_store_idx %arg10[%add3A_419], %broadcast_in_dim3A_36 masked %gt3A_399 {add = true} : memref<8192xi32, #tpu.memory_space<vmem>>[vector<16xi32>], vector<16xi32>, vector<16xi1>
        %scan3A_420 = arith.constant 0 : i32
        %scan3A_421 = arith.constant 2 : i32
        %scan3A_422 = arith.addi %scan3A_341, %scan3A_421 : i32
        %mul3A_423 = arith.constant 16 : i32
        %mul3A_424 = arith.muli %scan3A_422, %mul3A_423 : i32
        %get3A_425 = arith.index_cast %mul3A_424 : i32 to index
        %get3A_426 = tpu.vector_load %arg6[%get3A_425] {strides = array<i32>} : memref<9216xf32, #tpu.memory_space<vmem>>, vector<16xf32>,
        %mul3A_427 = arith.constant 16 : i32
        %mul3A_428 = arith.muli %scan3A_422, %mul3A_427 : i32
        %get3A_429 = arith.index_cast %mul3A_428 : i32 to index
        %get3A_430 = tpu.vector_load %arg7[%get3A_429] {strides = array<i32>} : memref<9216xf32, #tpu.memory_space<vmem>>, vector<16xf32>,
        %mul3A_431 = arith.constant 16 : i32
        %mul3A_432 = arith.muli %scan3A_422, %mul3A_431 : i32
        %get3A_433 = arith.index_cast %mul3A_432 : i32 to index
        %get3A_434 = tpu.vector_load %arg8[%get3A_433] {strides = array<i32>} : memref<9216xi32, #tpu.memory_space<vmem>>, vector<16xi32>,
        %sub3A_435 = arith.subf %get3A_426, %get3A_430 : vector<16xf32>
        %abs3A_436 = math.absf %sub3A_435 : vector<16xf32>
        %bitcast_convert_type3A_437 = tpu.bitcast %abs3A_436 : vector<16xf32> -> vector<16xi32>
        %gt3A_438 = arith.constant 0 : i32
        %gt3A_439 = vector.broadcast %gt3A_438 : i32 to vector<16xi32>
        %gt3A_440 = arith.cmpi sgt, %get3A_434, %gt3A_439 : vector<16xi32>
        %jit3A_441 = arith.constant 2147483647 : i32
        %broadcast_in_dim3A_442 = vector.broadcast %jit3A_441 : i32 to vector<16xi32>
        %select_n3A_443 = arith.select %gt3A_440, %bitcast_convert_type3A_437, %broadcast_in_dim3A_442 : vector<16xi1>, vector<16xi32>
        %mul3A_444 = arith.constant 576 : i32
        %mul3A_445 = arith.muli %scan3A_328, %mul3A_444 : i32
        %add3A_446 = arith.addi %mul3A_445, %scan3A_422 : i32
        %mul3A_447 = arith.constant 16 : i32
        %mul3A_448 = arith.muli %add3A_446, %mul3A_447 : i32
        %swap3A_449 = arith.index_cast %mul3A_448 : i32 to index
        %swap3A_450 = tpu.vector_load %arg9[%swap3A_449] {strides = array<i32>} : memref<36864xi32, #tpu.memory_space<vmem>>, vector<16xi32>,
        tpu.vector_store %arg9[%swap3A_449], %select_n3A_443 {strides = array<i32>} : memref<36864xi32, #tpu.memory_space<vmem>>, vector<16xi32>,
        %shift_right_arithmetic3A_451 = arith.constant 22 : i32
        %shift_right_arithmetic3A_452 = vector.broadcast %shift_right_arithmetic3A_451 : i32 to vector<16xi32>
        %shift_right_arithmetic3A_453 = arith.shrsi %select_n3A_443, %shift_right_arithmetic3A_452 : vector<16xi32>
        %and3A_454 = arith.constant 511 : i32
        %and3A_455 = vector.broadcast %and3A_454 : i32 to vector<16xi32>
        %and3A_456 = arith.andi %shift_right_arithmetic3A_453, %and3A_455 : vector<16xi32>
        %mul3A_457 = arith.constant 16 : i32
        %mul3A_458 = vector.broadcast %mul3A_457 : i32 to vector<16xi32>
        %mul3A_459 = arith.muli %and3A_456, %mul3A_458 : vector<16xi32>
        %add3A_460 = arith.addi %mul3A_459, %iota3A : vector<16xi32>
        tpu.vector_store_idx %arg10[%add3A_460], %broadcast_in_dim3A_36 masked %gt3A_440 {add = true} : memref<8192xi32, #tpu.memory_space<vmem>>[vector<16xi32>], vector<16xi32>, vector<16xi1>
        %scan3A_461 = arith.constant 0 : i32
        %scan3A_462 = arith.constant 3 : i32
        %scan3A_463 = arith.addi %scan3A_341, %scan3A_462 : i32
        %mul3A_464 = arith.constant 16 : i32
        %mul3A_465 = arith.muli %scan3A_463, %mul3A_464 : i32
        %get3A_466 = arith.index_cast %mul3A_465 : i32 to index
        %get3A_467 = tpu.vector_load %arg6[%get3A_466] {strides = array<i32>} : memref<9216xf32, #tpu.memory_space<vmem>>, vector<16xf32>,
        %mul3A_468 = arith.constant 16 : i32
        %mul3A_469 = arith.muli %scan3A_463, %mul3A_468 : i32
        %get3A_470 = arith.index_cast %mul3A_469 : i32 to index
        %get3A_471 = tpu.vector_load %arg7[%get3A_470] {strides = array<i32>} : memref<9216xf32, #tpu.memory_space<vmem>>, vector<16xf32>,
        %mul3A_472 = arith.constant 16 : i32
        %mul3A_473 = arith.muli %scan3A_463, %mul3A_472 : i32
        %get3A_474 = arith.index_cast %mul3A_473 : i32 to index
        %get3A_475 = tpu.vector_load %arg8[%get3A_474] {strides = array<i32>} : memref<9216xi32, #tpu.memory_space<vmem>>, vector<16xi32>,
        %sub3A_476 = arith.subf %get3A_467, %get3A_471 : vector<16xf32>
        %abs3A_477 = math.absf %sub3A_476 : vector<16xf32>
        %bitcast_convert_type3A_478 = tpu.bitcast %abs3A_477 : vector<16xf32> -> vector<16xi32>
        %gt3A_479 = arith.constant 0 : i32
        %gt3A_480 = vector.broadcast %gt3A_479 : i32 to vector<16xi32>
        %gt3A_481 = arith.cmpi sgt, %get3A_475, %gt3A_480 : vector<16xi32>
        %jit3A_482 = arith.constant 2147483647 : i32
        %broadcast_in_dim3A_483 = vector.broadcast %jit3A_482 : i32 to vector<16xi32>
        %select_n3A_484 = arith.select %gt3A_481, %bitcast_convert_type3A_478, %broadcast_in_dim3A_483 : vector<16xi1>, vector<16xi32>
        %mul3A_485 = arith.constant 576 : i32
        %mul3A_486 = arith.muli %scan3A_328, %mul3A_485 : i32
        %add3A_487 = arith.addi %mul3A_486, %scan3A_463 : i32
        %mul3A_488 = arith.constant 16 : i32
        %mul3A_489 = arith.muli %add3A_487, %mul3A_488 : i32
        %swap3A_490 = arith.index_cast %mul3A_489 : i32 to index
        %swap3A_491 = tpu.vector_load %arg9[%swap3A_490] {strides = array<i32>} : memref<36864xi32, #tpu.memory_space<vmem>>, vector<16xi32>,
        tpu.vector_store %arg9[%swap3A_490], %select_n3A_484 {strides = array<i32>} : memref<36864xi32, #tpu.memory_space<vmem>>, vector<16xi32>,
        %shift_right_arithmetic3A_492 = arith.constant 22 : i32
        %shift_right_arithmetic3A_493 = vector.broadcast %shift_right_arithmetic3A_492 : i32 to vector<16xi32>
        %shift_right_arithmetic3A_494 = arith.shrsi %select_n3A_484, %shift_right_arithmetic3A_493 : vector<16xi32>
        %and3A_495 = arith.constant 511 : i32
        %and3A_496 = vector.broadcast %and3A_495 : i32 to vector<16xi32>
        %and3A_497 = arith.andi %shift_right_arithmetic3A_494, %and3A_496 : vector<16xi32>
        %mul3A_498 = arith.constant 16 : i32
        %mul3A_499 = vector.broadcast %mul3A_498 : i32 to vector<16xi32>
        %mul3A_500 = arith.muli %and3A_497, %mul3A_499 : vector<16xi32>
        %add3A_501 = arith.addi %mul3A_500, %iota3A : vector<16xi32>
        tpu.vector_store_idx %arg10[%add3A_501], %broadcast_in_dim3A_36 masked %gt3A_481 {add = true} : memref<8192xi32, #tpu.memory_space<vmem>>[vector<16xi32>], vector<16xi32>, vector<16xi1>
        %scan3A_502 = arith.constant 0 : i32
        %scan3A_503 = arith.constant 4 : i32
        %scan3A_504 = arith.addi %scan3A_341, %scan3A_503 : i32
        %mul3A_505 = arith.constant 16 : i32
        %mul3A_506 = arith.muli %scan3A_504, %mul3A_505 : i32
        %get3A_507 = arith.index_cast %mul3A_506 : i32 to index
        %get3A_508 = tpu.vector_load %arg6[%get3A_507] {strides = array<i32>} : memref<9216xf32, #tpu.memory_space<vmem>>, vector<16xf32>,
        %mul3A_509 = arith.constant 16 : i32
        %mul3A_510 = arith.muli %scan3A_504, %mul3A_509 : i32
        %get3A_511 = arith.index_cast %mul3A_510 : i32 to index
        %get3A_512 = tpu.vector_load %arg7[%get3A_511] {strides = array<i32>} : memref<9216xf32, #tpu.memory_space<vmem>>, vector<16xf32>,
        %mul3A_513 = arith.constant 16 : i32
        %mul3A_514 = arith.muli %scan3A_504, %mul3A_513 : i32
        %get3A_515 = arith.index_cast %mul3A_514 : i32 to index
        %get3A_516 = tpu.vector_load %arg8[%get3A_515] {strides = array<i32>} : memref<9216xi32, #tpu.memory_space<vmem>>, vector<16xi32>,
        %sub3A_517 = arith.subf %get3A_508, %get3A_512 : vector<16xf32>
        %abs3A_518 = math.absf %sub3A_517 : vector<16xf32>
        %bitcast_convert_type3A_519 = tpu.bitcast %abs3A_518 : vector<16xf32> -> vector<16xi32>
        %gt3A_520 = arith.constant 0 : i32
        %gt3A_521 = vector.broadcast %gt3A_520 : i32 to vector<16xi32>
        %gt3A_522 = arith.cmpi sgt, %get3A_516, %gt3A_521 : vector<16xi32>
        %jit3A_523 = arith.constant 2147483647 : i32
        %broadcast_in_dim3A_524 = vector.broadcast %jit3A_523 : i32 to vector<16xi32>
        %select_n3A_525 = arith.select %gt3A_522, %bitcast_convert_type3A_519, %broadcast_in_dim3A_524 : vector<16xi1>, vector<16xi32>
        %mul3A_526 = arith.constant 576 : i32
        %mul3A_527 = arith.muli %scan3A_328, %mul3A_526 : i32
        %add3A_528 = arith.addi %mul3A_527, %scan3A_504 : i32
        %mul3A_529 = arith.constant 16 : i32
        %mul3A_530 = arith.muli %add3A_528, %mul3A_529 : i32
        %swap3A_531 = arith.index_cast %mul3A_530 : i32 to index
        %swap3A_532 = tpu.vector_load %arg9[%swap3A_531] {strides = array<i32>} : memref<36864xi32, #tpu.memory_space<vmem>>, vector<16xi32>,
        tpu.vector_store %arg9[%swap3A_531], %select_n3A_525 {strides = array<i32>} : memref<36864xi32, #tpu.memory_space<vmem>>, vector<16xi32>,
        %shift_right_arithmetic3A_533 = arith.constant 22 : i32
        %shift_right_arithmetic3A_534 = vector.broadcast %shift_right_arithmetic3A_533 : i32 to vector<16xi32>
        %shift_right_arithmetic3A_535 = arith.shrsi %select_n3A_525, %shift_right_arithmetic3A_534 : vector<16xi32>
        %and3A_536 = arith.constant 511 : i32
        %and3A_537 = vector.broadcast %and3A_536 : i32 to vector<16xi32>
        %and3A_538 = arith.andi %shift_right_arithmetic3A_535, %and3A_537 : vector<16xi32>
        %mul3A_539 = arith.constant 16 : i32
        %mul3A_540 = vector.broadcast %mul3A_539 : i32 to vector<16xi32>
        %mul3A_541 = arith.muli %and3A_538, %mul3A_540 : vector<16xi32>
        %add3A_542 = arith.addi %mul3A_541, %iota3A : vector<16xi32>
        tpu.vector_store_idx %arg10[%add3A_542], %broadcast_in_dim3A_36 masked %gt3A_522 {add = true} : memref<8192xi32, #tpu.memory_space<vmem>>[vector<16xi32>], vector<16xi32>, vector<16xi1>
        %scan3A_543 = arith.constant 0 : i32
        %scan3A_544 = arith.constant 5 : i32
        %scan3A_545 = arith.addi %scan3A_341, %scan3A_544 : i32
        %mul3A_546 = arith.constant 16 : i32
        %mul3A_547 = arith.muli %scan3A_545, %mul3A_546 : i32
        %get3A_548 = arith.index_cast %mul3A_547 : i32 to index
        %get3A_549 = tpu.vector_load %arg6[%get3A_548] {strides = array<i32>} : memref<9216xf32, #tpu.memory_space<vmem>>, vector<16xf32>,
        %mul3A_550 = arith.constant 16 : i32
        %mul3A_551 = arith.muli %scan3A_545, %mul3A_550 : i32
        %get3A_552 = arith.index_cast %mul3A_551 : i32 to index
        %get3A_553 = tpu.vector_load %arg7[%get3A_552] {strides = array<i32>} : memref<9216xf32, #tpu.memory_space<vmem>>, vector<16xf32>,
        %mul3A_554 = arith.constant 16 : i32
        %mul3A_555 = arith.muli %scan3A_545, %mul3A_554 : i32
        %get3A_556 = arith.index_cast %mul3A_555 : i32 to index
        %get3A_557 = tpu.vector_load %arg8[%get3A_556] {strides = array<i32>} : memref<9216xi32, #tpu.memory_space<vmem>>, vector<16xi32>,
        %sub3A_558 = arith.subf %get3A_549, %get3A_553 : vector<16xf32>
        %abs3A_559 = math.absf %sub3A_558 : vector<16xf32>
        %bitcast_convert_type3A_560 = tpu.bitcast %abs3A_559 : vector<16xf32> -> vector<16xi32>
        %gt3A_561 = arith.constant 0 : i32
        %gt3A_562 = vector.broadcast %gt3A_561 : i32 to vector<16xi32>
        %gt3A_563 = arith.cmpi sgt, %get3A_557, %gt3A_562 : vector<16xi32>
        %jit3A_564 = arith.constant 2147483647 : i32
        %broadcast_in_dim3A_565 = vector.broadcast %jit3A_564 : i32 to vector<16xi32>
        %select_n3A_566 = arith.select %gt3A_563, %bitcast_convert_type3A_560, %broadcast_in_dim3A_565 : vector<16xi1>, vector<16xi32>
        %mul3A_567 = arith.constant 576 : i32
        %mul3A_568 = arith.muli %scan3A_328, %mul3A_567 : i32
        %add3A_569 = arith.addi %mul3A_568, %scan3A_545 : i32
        %mul3A_570 = arith.constant 16 : i32
        %mul3A_571 = arith.muli %add3A_569, %mul3A_570 : i32
        %swap3A_572 = arith.index_cast %mul3A_571 : i32 to index
        %swap3A_573 = tpu.vector_load %arg9[%swap3A_572] {strides = array<i32>} : memref<36864xi32, #tpu.memory_space<vmem>>, vector<16xi32>,
        tpu.vector_store %arg9[%swap3A_572], %select_n3A_566 {strides = array<i32>} : memref<36864xi32, #tpu.memory_space<vmem>>, vector<16xi32>,
        %shift_right_arithmetic3A_574 = arith.constant 22 : i32
        %shift_right_arithmetic3A_575 = vector.broadcast %shift_right_arithmetic3A_574 : i32 to vector<16xi32>
        %shift_right_arithmetic3A_576 = arith.shrsi %select_n3A_566, %shift_right_arithmetic3A_575 : vector<16xi32>
        %and3A_577 = arith.constant 511 : i32
        %and3A_578 = vector.broadcast %and3A_577 : i32 to vector<16xi32>
        %and3A_579 = arith.andi %shift_right_arithmetic3A_576, %and3A_578 : vector<16xi32>
        %mul3A_580 = arith.constant 16 : i32
        %mul3A_581 = vector.broadcast %mul3A_580 : i32 to vector<16xi32>
        %mul3A_582 = arith.muli %and3A_579, %mul3A_581 : vector<16xi32>
        %add3A_583 = arith.addi %mul3A_582, %iota3A : vector<16xi32>
        tpu.vector_store_idx %arg10[%add3A_583], %broadcast_in_dim3A_36 masked %gt3A_563 {add = true} : memref<8192xi32, #tpu.memory_space<vmem>>[vector<16xi32>], vector<16xi32>, vector<16xi1>
        %scan3A_584 = arith.constant 0 : i32
        %scan3A_585 = arith.constant 6 : i32
        %scan3A_586 = arith.addi %scan3A_341, %scan3A_585 : i32
        %mul3A_587 = arith.constant 16 : i32
        %mul3A_588 = arith.muli %scan3A_586, %mul3A_587 : i32
        %get3A_589 = arith.index_cast %mul3A_588 : i32 to index
        %get3A_590 = tpu.vector_load %arg6[%get3A_589] {strides = array<i32>} : memref<9216xf32, #tpu.memory_space<vmem>>, vector<16xf32>,
        %mul3A_591 = arith.constant 16 : i32
        %mul3A_592 = arith.muli %scan3A_586, %mul3A_591 : i32
        %get3A_593 = arith.index_cast %mul3A_592 : i32 to index
        %get3A_594 = tpu.vector_load %arg7[%get3A_593] {strides = array<i32>} : memref<9216xf32, #tpu.memory_space<vmem>>, vector<16xf32>,
        %mul3A_595 = arith.constant 16 : i32
        %mul3A_596 = arith.muli %scan3A_586, %mul3A_595 : i32
        %get3A_597 = arith.index_cast %mul3A_596 : i32 to index
        %get3A_598 = tpu.vector_load %arg8[%get3A_597] {strides = array<i32>} : memref<9216xi32, #tpu.memory_space<vmem>>, vector<16xi32>,
        %sub3A_599 = arith.subf %get3A_590, %get3A_594 : vector<16xf32>
        %abs3A_600 = math.absf %sub3A_599 : vector<16xf32>
        %bitcast_convert_type3A_601 = tpu.bitcast %abs3A_600 : vector<16xf32> -> vector<16xi32>
        %gt3A_602 = arith.constant 0 : i32
        %gt3A_603 = vector.broadcast %gt3A_602 : i32 to vector<16xi32>
        %gt3A_604 = arith.cmpi sgt, %get3A_598, %gt3A_603 : vector<16xi32>
        %jit3A_605 = arith.constant 2147483647 : i32
        %broadcast_in_dim3A_606 = vector.broadcast %jit3A_605 : i32 to vector<16xi32>
        %select_n3A_607 = arith.select %gt3A_604, %bitcast_convert_type3A_601, %broadcast_in_dim3A_606 : vector<16xi1>, vector<16xi32>
        %mul3A_608 = arith.constant 576 : i32
        %mul3A_609 = arith.muli %scan3A_328, %mul3A_608 : i32
        %add3A_610 = arith.addi %mul3A_609, %scan3A_586 : i32
        %mul3A_611 = arith.constant 16 : i32
        %mul3A_612 = arith.muli %add3A_610, %mul3A_611 : i32
        %swap3A_613 = arith.index_cast %mul3A_612 : i32 to index
        %swap3A_614 = tpu.vector_load %arg9[%swap3A_613] {strides = array<i32>} : memref<36864xi32, #tpu.memory_space<vmem>>, vector<16xi32>,
        tpu.vector_store %arg9[%swap3A_613], %select_n3A_607 {strides = array<i32>} : memref<36864xi32, #tpu.memory_space<vmem>>, vector<16xi32>,
        %shift_right_arithmetic3A_615 = arith.constant 22 : i32
        %shift_right_arithmetic3A_616 = vector.broadcast %shift_right_arithmetic3A_615 : i32 to vector<16xi32>
        %shift_right_arithmetic3A_617 = arith.shrsi %select_n3A_607, %shift_right_arithmetic3A_616 : vector<16xi32>
        %and3A_618 = arith.constant 511 : i32
        %and3A_619 = vector.broadcast %and3A_618 : i32 to vector<16xi32>
        %and3A_620 = arith.andi %shift_right_arithmetic3A_617, %and3A_619 : vector<16xi32>
        %mul3A_621 = arith.constant 16 : i32
        %mul3A_622 = vector.broadcast %mul3A_621 : i32 to vector<16xi32>
        %mul3A_623 = arith.muli %and3A_620, %mul3A_622 : vector<16xi32>
        %add3A_624 = arith.addi %mul3A_623, %iota3A : vector<16xi32>
        tpu.vector_store_idx %arg10[%add3A_624], %broadcast_in_dim3A_36 masked %gt3A_604 {add = true} : memref<8192xi32, #tpu.memory_space<vmem>>[vector<16xi32>], vector<16xi32>, vector<16xi1>
        %scan3A_625 = arith.constant 0 : i32
        %scan3A_626 = arith.constant 7 : i32
        %scan3A_627 = arith.addi %scan3A_341, %scan3A_626 : i32
        %mul3A_628 = arith.constant 16 : i32
        %mul3A_629 = arith.muli %scan3A_627, %mul3A_628 : i32
        %get3A_630 = arith.index_cast %mul3A_629 : i32 to index
        %get3A_631 = tpu.vector_load %arg6[%get3A_630] {strides = array<i32>} : memref<9216xf32, #tpu.memory_space<vmem>>, vector<16xf32>,
        %mul3A_632 = arith.constant 16 : i32
        %mul3A_633 = arith.muli %scan3A_627, %mul3A_632 : i32
        %get3A_634 = arith.index_cast %mul3A_633 : i32 to index
        %get3A_635 = tpu.vector_load %arg7[%get3A_634] {strides = array<i32>} : memref<9216xf32, #tpu.memory_space<vmem>>, vector<16xf32>,
        %mul3A_636 = arith.constant 16 : i32
        %mul3A_637 = arith.muli %scan3A_627, %mul3A_636 : i32
        %get3A_638 = arith.index_cast %mul3A_637 : i32 to index
        %get3A_639 = tpu.vector_load %arg8[%get3A_638] {strides = array<i32>} : memref<9216xi32, #tpu.memory_space<vmem>>, vector<16xi32>,
        %sub3A_640 = arith.subf %get3A_631, %get3A_635 : vector<16xf32>
        %abs3A_641 = math.absf %sub3A_640 : vector<16xf32>
        %bitcast_convert_type3A_642 = tpu.bitcast %abs3A_641 : vector<16xf32> -> vector<16xi32>
        %gt3A_643 = arith.constant 0 : i32
        %gt3A_644 = vector.broadcast %gt3A_643 : i32 to vector<16xi32>
        %gt3A_645 = arith.cmpi sgt, %get3A_639, %gt3A_644 : vector<16xi32>
        %jit3A_646 = arith.constant 2147483647 : i32
        %broadcast_in_dim3A_647 = vector.broadcast %jit3A_646 : i32 to vector<16xi32>
        %select_n3A_648 = arith.select %gt3A_645, %bitcast_convert_type3A_642, %broadcast_in_dim3A_647 : vector<16xi1>, vector<16xi32>
        %mul3A_649 = arith.constant 576 : i32
        %mul3A_650 = arith.muli %scan3A_328, %mul3A_649 : i32
        %add3A_651 = arith.addi %mul3A_650, %scan3A_627 : i32
        %mul3A_652 = arith.constant 16 : i32
        %mul3A_653 = arith.muli %add3A_651, %mul3A_652 : i32
        %swap3A_654 = arith.index_cast %mul3A_653 : i32 to index
        %swap3A_655 = tpu.vector_load %arg9[%swap3A_654] {strides = array<i32>} : memref<36864xi32, #tpu.memory_space<vmem>>, vector<16xi32>,
        tpu.vector_store %arg9[%swap3A_654], %select_n3A_648 {strides = array<i32>} : memref<36864xi32, #tpu.memory_space<vmem>>, vector<16xi32>,
        %shift_right_arithmetic3A_656 = arith.constant 22 : i32
        %shift_right_arithmetic3A_657 = vector.broadcast %shift_right_arithmetic3A_656 : i32 to vector<16xi32>
        %shift_right_arithmetic3A_658 = arith.shrsi %select_n3A_648, %shift_right_arithmetic3A_657 : vector<16xi32>
        %and3A_659 = arith.constant 511 : i32
        %and3A_660 = vector.broadcast %and3A_659 : i32 to vector<16xi32>
        %and3A_661 = arith.andi %shift_right_arithmetic3A_658, %and3A_660 : vector<16xi32>
        %mul3A_662 = arith.constant 16 : i32
        %mul3A_663 = vector.broadcast %mul3A_662 : i32 to vector<16xi32>
        %mul3A_664 = arith.muli %and3A_661, %mul3A_663 : vector<16xi32>
        %add3A_665 = arith.addi %mul3A_664, %iota3A : vector<16xi32>
        tpu.vector_store_idx %arg10[%add3A_665], %broadcast_in_dim3A_36 masked %gt3A_645 {add = true} : memref<8192xi32, #tpu.memory_space<vmem>>[vector<16xi32>], vector<16xi32>, vector<16xi1>
        %scan3A_666 = arith.constant 0 : i32
        scf.yield %scan3A_666 : i32
      }
      %scan3A_339 = arith.constant 576 : i32
      %scan3A_340 = arith.constant 0 : i32
      scf.yield %scan3A_340 : i32
    }
    %scan3A_53 = arith.constant 4 : i32
    %scan3A_54 = arith.constant 0 : i32
    %scan3A_55 = arith.constant 0 : i32
    %scan3A_56 = arith.constant 32 : i32
    %scan3A_57 = arith.addi %scan3A_55, %scan3A_56 : i32
    %scan3A_58 = arith.constant 1 : i32
    %scan3A_59 = scf.for %scan3A_328 = %scan3A_55 to %scan3A_57 step %scan3A_58 iter_args(%scan3A_329 = %scan3A_54) -> (i32)  : i32 {
      %mul3A_330 = arith.constant 16 : i32
      %mul3A_331 = arith.muli %scan3A_328, %mul3A_330 : i32
      %add3A_332 = arith.constant 0 : i32
      %add3A_333 = arith.addi %mul3A_331, %add3A_332 : i32
      %mul3A_334 = arith.constant 16 : i32
      %mul3A_335 = arith.muli %add3A_333, %mul3A_334 : i32
      %get3A_336 = arith.index_cast %mul3A_335 : i32 to index
      %get3A_337 = tpu.vector_load %arg10[%get3A_336] {strides = array<i32>} : memref<8192xi32, #tpu.memory_space<vmem>>, vector<16xi32>,
      %reduce_sum3A_338 = arith.constant true
      %reduce_sum3A_339 = vector.broadcast %reduce_sum3A_338 : i1 to vector<16xi1>
      %reduce_sum3A_340 = tpu.scan <sum>, %get3A_337 masked %reduce_sum3A_339 : vector<16xi32>, vector<16xi1> -> vector<16xi32>
      %reduce_sum3A_341 = vector.extract %reduce_sum3A_340[15] : i32 from vector<16xi32>
      %eq3A_342 = arith.constant 0 : i32
      %eq3A_343 = vector.broadcast %eq3A_342 : i32 to vector<16xi32>
      %eq3A_344 = arith.cmpi eq, %iota3A, %eq3A_343 : vector<16xi32>
      %broadcast_in_dim3A_345 = vector.broadcast %reduce_sum3A_341 : i32 to vector<16xi32>
      %select_n3A_346 = arith.select %eq3A_344, %broadcast_in_dim3A_345, %broadcast_in_dim3A_38 : vector<16xi1>, vector<16xi32>
      %mul3A_347 = arith.constant 16 : i32
      %mul3A_348 = arith.muli %scan3A_328, %mul3A_347 : i32
      %add3A_349 = arith.constant 1 : i32
      %add3A_350 = arith.addi %mul3A_348, %add3A_349 : i32
      %mul3A_351 = arith.constant 16 : i32
      %mul3A_352 = arith.muli %add3A_350, %mul3A_351 : i32
      %get3A_353 = arith.index_cast %mul3A_352 : i32 to index
      %get3A_354 = tpu.vector_load %arg10[%get3A_353] {strides = array<i32>} : memref<8192xi32, #tpu.memory_space<vmem>>, vector<16xi32>,
      %reduce_sum3A_355 = arith.constant true
      %reduce_sum3A_356 = vector.broadcast %reduce_sum3A_355 : i1 to vector<16xi1>
      %reduce_sum3A_357 = tpu.scan <sum>, %get3A_354 masked %reduce_sum3A_356 : vector<16xi32>, vector<16xi1> -> vector<16xi32>
      %reduce_sum3A_358 = vector.extract %reduce_sum3A_357[15] : i32 from vector<16xi32>
      %eq3A_359 = arith.constant 1 : i32
      %eq3A_360 = vector.broadcast %eq3A_359 : i32 to vector<16xi32>
      %eq3A_361 = arith.cmpi eq, %iota3A, %eq3A_360 : vector<16xi32>
      %broadcast_in_dim3A_362 = vector.broadcast %reduce_sum3A_358 : i32 to vector<16xi32>
      %select_n3A_363 = arith.select %eq3A_361, %broadcast_in_dim3A_362, %select_n3A_346 : vector<16xi1>, vector<16xi32>
      %mul3A_364 = arith.constant 16 : i32
      %mul3A_365 = arith.muli %scan3A_328, %mul3A_364 : i32
      %add3A_366 = arith.constant 2 : i32
      %add3A_367 = arith.addi %mul3A_365, %add3A_366 : i32
      %mul3A_368 = arith.constant 16 : i32
      %mul3A_369 = arith.muli %add3A_367, %mul3A_368 : i32
      %get3A_370 = arith.index_cast %mul3A_369 : i32 to index
      %get3A_371 = tpu.vector_load %arg10[%get3A_370] {strides = array<i32>} : memref<8192xi32, #tpu.memory_space<vmem>>, vector<16xi32>,
      %reduce_sum3A_372 = arith.constant true
      %reduce_sum3A_373 = vector.broadcast %reduce_sum3A_372 : i1 to vector<16xi1>
      %reduce_sum3A_374 = tpu.scan <sum>, %get3A_371 masked %reduce_sum3A_373 : vector<16xi32>, vector<16xi1> -> vector<16xi32>
      %reduce_sum3A_375 = vector.extract %reduce_sum3A_374[15] : i32 from vector<16xi32>
      %eq3A_376 = arith.constant 2 : i32
      %eq3A_377 = vector.broadcast %eq3A_376 : i32 to vector<16xi32>
      %eq3A_378 = arith.cmpi eq, %iota3A, %eq3A_377 : vector<16xi32>
      %broadcast_in_dim3A_379 = vector.broadcast %reduce_sum3A_375 : i32 to vector<16xi32>
      %select_n3A_380 = arith.select %eq3A_378, %broadcast_in_dim3A_379, %select_n3A_363 : vector<16xi1>, vector<16xi32>
      %mul3A_381 = arith.constant 16 : i32
      %mul3A_382 = arith.muli %scan3A_328, %mul3A_381 : i32
      %add3A_383 = arith.constant 3 : i32
      %add3A_384 = arith.addi %mul3A_382, %add3A_383 : i32
      %mul3A_385 = arith.constant 16 : i32
      %mul3A_386 = arith.muli %add3A_384, %mul3A_385 : i32
      %get3A_387 = arith.index_cast %mul3A_386 : i32 to index
      %get3A_388 = tpu.vector_load %arg10[%get3A_387] {strides = array<i32>} : memref<8192xi32, #tpu.memory_space<vmem>>, vector<16xi32>,
      %reduce_sum3A_389 = arith.constant true
      %reduce_sum3A_390 = vector.broadcast %reduce_sum3A_389 : i1 to vector<16xi1>
      %reduce_sum3A_391 = tpu.scan <sum>, %get3A_388 masked %reduce_sum3A_390 : vector<16xi32>, vector<16xi1> -> vector<16xi32>
      %reduce_sum3A_392 = vector.extract %reduce_sum3A_391[15] : i32 from vector<16xi32>
      %eq3A_393 = arith.constant 3 : i32
      %eq3A_394 = vector.broadcast %eq3A_393 : i32 to vector<16xi32>
      %eq3A_395 = arith.cmpi eq, %iota3A, %eq3A_394 : vector<16xi32>
      %broadcast_in_dim3A_396 = vector.broadcast %reduce_sum3A_392 : i32 to vector<16xi32>
      %select_n3A_397 = arith.select %eq3A_395, %broadcast_in_dim3A_396, %select_n3A_380 : vector<16xi1>, vector<16xi32>
      %mul3A_398 = arith.constant 16 : i32
      %mul3A_399 = arith.muli %scan3A_328, %mul3A_398 : i32
      %add3A_400 = arith.constant 4 : i32
      %add3A_401 = arith.addi %mul3A_399, %add3A_400 : i32
      %mul3A_402 = arith.constant 16 : i32
      %mul3A_403 = arith.muli %add3A_401, %mul3A_402 : i32
      %get3A_404 = arith.index_cast %mul3A_403 : i32 to index
      %get3A_405 = tpu.vector_load %arg10[%get3A_404] {strides = array<i32>} : memref<8192xi32, #tpu.memory_space<vmem>>, vector<16xi32>,
      %reduce_sum3A_406 = arith.constant true
      %reduce_sum3A_407 = vector.broadcast %reduce_sum3A_406 : i1 to vector<16xi1>
      %reduce_sum3A_408 = tpu.scan <sum>, %get3A_405 masked %reduce_sum3A_407 : vector<16xi32>, vector<16xi1> -> vector<16xi32>
      %reduce_sum3A_409 = vector.extract %reduce_sum3A_408[15] : i32 from vector<16xi32>
      %eq3A_410 = arith.constant 4 : i32
      %eq3A_411 = vector.broadcast %eq3A_410 : i32 to vector<16xi32>
      %eq3A_412 = arith.cmpi eq, %iota3A, %eq3A_411 : vector<16xi32>
      %broadcast_in_dim3A_413 = vector.broadcast %reduce_sum3A_409 : i32 to vector<16xi32>
      %select_n3A_414 = arith.select %eq3A_412, %broadcast_in_dim3A_413, %select_n3A_397 : vector<16xi1>, vector<16xi32>
      %mul3A_415 = arith.constant 16 : i32
      %mul3A_416 = arith.muli %scan3A_328, %mul3A_415 : i32
      %add3A_417 = arith.constant 5 : i32
      %add3A_418 = arith.addi %mul3A_416, %add3A_417 : i32
      %mul3A_419 = arith.constant 16 : i32
      %mul3A_420 = arith.muli %add3A_418, %mul3A_419 : i32
      %get3A_421 = arith.index_cast %mul3A_420 : i32 to index
      %get3A_422 = tpu.vector_load %arg10[%get3A_421] {strides = array<i32>} : memref<8192xi32, #tpu.memory_space<vmem>>, vector<16xi32>,
      %reduce_sum3A_423 = arith.constant true
      %reduce_sum3A_424 = vector.broadcast %reduce_sum3A_423 : i1 to vector<16xi1>
      %reduce_sum3A_425 = tpu.scan <sum>, %get3A_422 masked %reduce_sum3A_424 : vector<16xi32>, vector<16xi1> -> vector<16xi32>
      %reduce_sum3A_426 = vector.extract %reduce_sum3A_425[15] : i32 from vector<16xi32>
      %eq3A_427 = arith.constant 5 : i32
      %eq3A_428 = vector.broadcast %eq3A_427 : i32 to vector<16xi32>
      %eq3A_429 = arith.cmpi eq, %iota3A, %eq3A_428 : vector<16xi32>
      %broadcast_in_dim3A_430 = vector.broadcast %reduce_sum3A_426 : i32 to vector<16xi32>
      %select_n3A_431 = arith.select %eq3A_429, %broadcast_in_dim3A_430, %select_n3A_414 : vector<16xi1>, vector<16xi32>
      %mul3A_432 = arith.constant 16 : i32
      %mul3A_433 = arith.muli %scan3A_328, %mul3A_432 : i32
      %add3A_434 = arith.constant 6 : i32
      %add3A_435 = arith.addi %mul3A_433, %add3A_434 : i32
      %mul3A_436 = arith.constant 16 : i32
      %mul3A_437 = arith.muli %add3A_435, %mul3A_436 : i32
      %get3A_438 = arith.index_cast %mul3A_437 : i32 to index
      %get3A_439 = tpu.vector_load %arg10[%get3A_438] {strides = array<i32>} : memref<8192xi32, #tpu.memory_space<vmem>>, vector<16xi32>,
      %reduce_sum3A_440 = arith.constant true
      %reduce_sum3A_441 = vector.broadcast %reduce_sum3A_440 : i1 to vector<16xi1>
      %reduce_sum3A_442 = tpu.scan <sum>, %get3A_439 masked %reduce_sum3A_441 : vector<16xi32>, vector<16xi1> -> vector<16xi32>
      %reduce_sum3A_443 = vector.extract %reduce_sum3A_442[15] : i32 from vector<16xi32>
      %eq3A_444 = arith.constant 6 : i32
      %eq3A_445 = vector.broadcast %eq3A_444 : i32 to vector<16xi32>
      %eq3A_446 = arith.cmpi eq, %iota3A, %eq3A_445 : vector<16xi32>
      %broadcast_in_dim3A_447 = vector.broadcast %reduce_sum3A_443 : i32 to vector<16xi32>
      %select_n3A_448 = arith.select %eq3A_446, %broadcast_in_dim3A_447, %select_n3A_431 : vector<16xi1>, vector<16xi32>
      %mul3A_449 = arith.constant 16 : i32
      %mul3A_450 = arith.muli %scan3A_328, %mul3A_449 : i32
      %add3A_451 = arith.constant 7 : i32
      %add3A_452 = arith.addi %mul3A_450, %add3A_451 : i32
      %mul3A_453 = arith.constant 16 : i32
      %mul3A_454 = arith.muli %add3A_452, %mul3A_453 : i32
      %get3A_455 = arith.index_cast %mul3A_454 : i32 to index
      %get3A_456 = tpu.vector_load %arg10[%get3A_455] {strides = array<i32>} : memref<8192xi32, #tpu.memory_space<vmem>>, vector<16xi32>,
      %reduce_sum3A_457 = arith.constant true
      %reduce_sum3A_458 = vector.broadcast %reduce_sum3A_457 : i1 to vector<16xi1>
      %reduce_sum3A_459 = tpu.scan <sum>, %get3A_456 masked %reduce_sum3A_458 : vector<16xi32>, vector<16xi1> -> vector<16xi32>
      %reduce_sum3A_460 = vector.extract %reduce_sum3A_459[15] : i32 from vector<16xi32>
      %eq3A_461 = arith.constant 7 : i32
      %eq3A_462 = vector.broadcast %eq3A_461 : i32 to vector<16xi32>
      %eq3A_463 = arith.cmpi eq, %iota3A, %eq3A_462 : vector<16xi32>
      %broadcast_in_dim3A_464 = vector.broadcast %reduce_sum3A_460 : i32 to vector<16xi32>
      %select_n3A_465 = arith.select %eq3A_463, %broadcast_in_dim3A_464, %select_n3A_448 : vector<16xi1>, vector<16xi32>
      %mul3A_466 = arith.constant 16 : i32
      %mul3A_467 = arith.muli %scan3A_328, %mul3A_466 : i32
      %add3A_468 = arith.constant 8 : i32
      %add3A_469 = arith.addi %mul3A_467, %add3A_468 : i32
      %mul3A_470 = arith.constant 16 : i32
      %mul3A_471 = arith.muli %add3A_469, %mul3A_470 : i32
      %get3A_472 = arith.index_cast %mul3A_471 : i32 to index
      %get3A_473 = tpu.vector_load %arg10[%get3A_472] {strides = array<i32>} : memref<8192xi32, #tpu.memory_space<vmem>>, vector<16xi32>,
      %reduce_sum3A_474 = arith.constant true
      %reduce_sum3A_475 = vector.broadcast %reduce_sum3A_474 : i1 to vector<16xi1>
      %reduce_sum3A_476 = tpu.scan <sum>, %get3A_473 masked %reduce_sum3A_475 : vector<16xi32>, vector<16xi1> -> vector<16xi32>
      %reduce_sum3A_477 = vector.extract %reduce_sum3A_476[15] : i32 from vector<16xi32>
      %eq3A_478 = arith.constant 8 : i32
      %eq3A_479 = vector.broadcast %eq3A_478 : i32 to vector<16xi32>
      %eq3A_480 = arith.cmpi eq, %iota3A, %eq3A_479 : vector<16xi32>
      %broadcast_in_dim3A_481 = vector.broadcast %reduce_sum3A_477 : i32 to vector<16xi32>
      %select_n3A_482 = arith.select %eq3A_480, %broadcast_in_dim3A_481, %select_n3A_465 : vector<16xi1>, vector<16xi32>
      %mul3A_483 = arith.constant 16 : i32
      %mul3A_484 = arith.muli %scan3A_328, %mul3A_483 : i32
      %add3A_485 = arith.constant 9 : i32
      %add3A_486 = arith.addi %mul3A_484, %add3A_485 : i32
      %mul3A_487 = arith.constant 16 : i32
      %mul3A_488 = arith.muli %add3A_486, %mul3A_487 : i32
      %get3A_489 = arith.index_cast %mul3A_488 : i32 to index
      %get3A_490 = tpu.vector_load %arg10[%get3A_489] {strides = array<i32>} : memref<8192xi32, #tpu.memory_space<vmem>>, vector<16xi32>,
      %reduce_sum3A_491 = arith.constant true
      %reduce_sum3A_492 = vector.broadcast %reduce_sum3A_491 : i1 to vector<16xi1>
      %reduce_sum3A_493 = tpu.scan <sum>, %get3A_490 masked %reduce_sum3A_492 : vector<16xi32>, vector<16xi1> -> vector<16xi32>
      %reduce_sum3A_494 = vector.extract %reduce_sum3A_493[15] : i32 from vector<16xi32>
      %eq3A_495 = arith.constant 9 : i32
      %eq3A_496 = vector.broadcast %eq3A_495 : i32 to vector<16xi32>
      %eq3A_497 = arith.cmpi eq, %iota3A, %eq3A_496 : vector<16xi32>
      %broadcast_in_dim3A_498 = vector.broadcast %reduce_sum3A_494 : i32 to vector<16xi32>
      %select_n3A_499 = arith.select %eq3A_497, %broadcast_in_dim3A_498, %select_n3A_482 : vector<16xi1>, vector<16xi32>
      %mul3A_500 = arith.constant 16 : i32
      %mul3A_501 = arith.muli %scan3A_328, %mul3A_500 : i32
      %add3A_502 = arith.constant 10 : i32
      %add3A_503 = arith.addi %mul3A_501, %add3A_502 : i32
      %mul3A_504 = arith.constant 16 : i32
      %mul3A_505 = arith.muli %add3A_503, %mul3A_504 : i32
      %get3A_506 = arith.index_cast %mul3A_505 : i32 to index
      %get3A_507 = tpu.vector_load %arg10[%get3A_506] {strides = array<i32>} : memref<8192xi32, #tpu.memory_space<vmem>>, vector<16xi32>,
      %reduce_sum3A_508 = arith.constant true
      %reduce_sum3A_509 = vector.broadcast %reduce_sum3A_508 : i1 to vector<16xi1>
      %reduce_sum3A_510 = tpu.scan <sum>, %get3A_507 masked %reduce_sum3A_509 : vector<16xi32>, vector<16xi1> -> vector<16xi32>
      %reduce_sum3A_511 = vector.extract %reduce_sum3A_510[15] : i32 from vector<16xi32>
      %eq3A_512 = arith.constant 10 : i32
      %eq3A_513 = vector.broadcast %eq3A_512 : i32 to vector<16xi32>
      %eq3A_514 = arith.cmpi eq, %iota3A, %eq3A_513 : vector<16xi32>
      %broadcast_in_dim3A_515 = vector.broadcast %reduce_sum3A_511 : i32 to vector<16xi32>
      %select_n3A_516 = arith.select %eq3A_514, %broadcast_in_dim3A_515, %select_n3A_499 : vector<16xi1>, vector<16xi32>
      %mul3A_517 = arith.constant 16 : i32
      %mul3A_518 = arith.muli %scan3A_328, %mul3A_517 : i32
      %add3A_519 = arith.constant 11 : i32
      %add3A_520 = arith.addi %mul3A_518, %add3A_519 : i32
      %mul3A_521 = arith.constant 16 : i32
      %mul3A_522 = arith.muli %add3A_520, %mul3A_521 : i32
      %get3A_523 = arith.index_cast %mul3A_522 : i32 to index
      %get3A_524 = tpu.vector_load %arg10[%get3A_523] {strides = array<i32>} : memref<8192xi32, #tpu.memory_space<vmem>>, vector<16xi32>,
      %reduce_sum3A_525 = arith.constant true
      %reduce_sum3A_526 = vector.broadcast %reduce_sum3A_525 : i1 to vector<16xi1>
      %reduce_sum3A_527 = tpu.scan <sum>, %get3A_524 masked %reduce_sum3A_526 : vector<16xi32>, vector<16xi1> -> vector<16xi32>
      %reduce_sum3A_528 = vector.extract %reduce_sum3A_527[15] : i32 from vector<16xi32>
      %eq3A_529 = arith.constant 11 : i32
      %eq3A_530 = vector.broadcast %eq3A_529 : i32 to vector<16xi32>
      %eq3A_531 = arith.cmpi eq, %iota3A, %eq3A_530 : vector<16xi32>
      %broadcast_in_dim3A_532 = vector.broadcast %reduce_sum3A_528 : i32 to vector<16xi32>
      %select_n3A_533 = arith.select %eq3A_531, %broadcast_in_dim3A_532, %select_n3A_516 : vector<16xi1>, vector<16xi32>
      %mul3A_534 = arith.constant 16 : i32
      %mul3A_535 = arith.muli %scan3A_328, %mul3A_534 : i32
      %add3A_536 = arith.constant 12 : i32
      %add3A_537 = arith.addi %mul3A_535, %add3A_536 : i32
      %mul3A_538 = arith.constant 16 : i32
      %mul3A_539 = arith.muli %add3A_537, %mul3A_538 : i32
      %get3A_540 = arith.index_cast %mul3A_539 : i32 to index
      %get3A_541 = tpu.vector_load %arg10[%get3A_540] {strides = array<i32>} : memref<8192xi32, #tpu.memory_space<vmem>>, vector<16xi32>,
      %reduce_sum3A_542 = arith.constant true
      %reduce_sum3A_543 = vector.broadcast %reduce_sum3A_542 : i1 to vector<16xi1>
      %reduce_sum3A_544 = tpu.scan <sum>, %get3A_541 masked %reduce_sum3A_543 : vector<16xi32>, vector<16xi1> -> vector<16xi32>
      %reduce_sum3A_545 = vector.extract %reduce_sum3A_544[15] : i32 from vector<16xi32>
      %eq3A_546 = arith.constant 12 : i32
      %eq3A_547 = vector.broadcast %eq3A_546 : i32 to vector<16xi32>
      %eq3A_548 = arith.cmpi eq, %iota3A, %eq3A_547 : vector<16xi32>
      %broadcast_in_dim3A_549 = vector.broadcast %reduce_sum3A_545 : i32 to vector<16xi32>
      %select_n3A_550 = arith.select %eq3A_548, %broadcast_in_dim3A_549, %select_n3A_533 : vector<16xi1>, vector<16xi32>
      %mul3A_551 = arith.constant 16 : i32
      %mul3A_552 = arith.muli %scan3A_328, %mul3A_551 : i32
      %add3A_553 = arith.constant 13 : i32
      %add3A_554 = arith.addi %mul3A_552, %add3A_553 : i32
      %mul3A_555 = arith.constant 16 : i32
      %mul3A_556 = arith.muli %add3A_554, %mul3A_555 : i32
      %get3A_557 = arith.index_cast %mul3A_556 : i32 to index
      %get3A_558 = tpu.vector_load %arg10[%get3A_557] {strides = array<i32>} : memref<8192xi32, #tpu.memory_space<vmem>>, vector<16xi32>,
      %reduce_sum3A_559 = arith.constant true
      %reduce_sum3A_560 = vector.broadcast %reduce_sum3A_559 : i1 to vector<16xi1>
      %reduce_sum3A_561 = tpu.scan <sum>, %get3A_558 masked %reduce_sum3A_560 : vector<16xi32>, vector<16xi1> -> vector<16xi32>
      %reduce_sum3A_562 = vector.extract %reduce_sum3A_561[15] : i32 from vector<16xi32>
      %eq3A_563 = arith.constant 13 : i32
      %eq3A_564 = vector.broadcast %eq3A_563 : i32 to vector<16xi32>
      %eq3A_565 = arith.cmpi eq, %iota3A, %eq3A_564 : vector<16xi32>
      %broadcast_in_dim3A_566 = vector.broadcast %reduce_sum3A_562 : i32 to vector<16xi32>
      %select_n3A_567 = arith.select %eq3A_565, %broadcast_in_dim3A_566, %select_n3A_550 : vector<16xi1>, vector<16xi32>
      %mul3A_568 = arith.constant 16 : i32
      %mul3A_569 = arith.muli %scan3A_328, %mul3A_568 : i32
      %add3A_570 = arith.constant 14 : i32
      %add3A_571 = arith.addi %mul3A_569, %add3A_570 : i32
      %mul3A_572 = arith.constant 16 : i32
      %mul3A_573 = arith.muli %add3A_571, %mul3A_572 : i32
      %get3A_574 = arith.index_cast %mul3A_573 : i32 to index
      %get3A_575 = tpu.vector_load %arg10[%get3A_574] {strides = array<i32>} : memref<8192xi32, #tpu.memory_space<vmem>>, vector<16xi32>,
      %reduce_sum3A_576 = arith.constant true
      %reduce_sum3A_577 = vector.broadcast %reduce_sum3A_576 : i1 to vector<16xi1>
      %reduce_sum3A_578 = tpu.scan <sum>, %get3A_575 masked %reduce_sum3A_577 : vector<16xi32>, vector<16xi1> -> vector<16xi32>
      %reduce_sum3A_579 = vector.extract %reduce_sum3A_578[15] : i32 from vector<16xi32>
      %eq3A_580 = arith.constant 14 : i32
      %eq3A_581 = vector.broadcast %eq3A_580 : i32 to vector<16xi32>
      %eq3A_582 = arith.cmpi eq, %iota3A, %eq3A_581 : vector<16xi32>
      %broadcast_in_dim3A_583 = vector.broadcast %reduce_sum3A_579 : i32 to vector<16xi32>
      %select_n3A_584 = arith.select %eq3A_582, %broadcast_in_dim3A_583, %select_n3A_567 : vector<16xi1>, vector<16xi32>
      %mul3A_585 = arith.constant 16 : i32
      %mul3A_586 = arith.muli %scan3A_328, %mul3A_585 : i32
      %add3A_587 = arith.constant 15 : i32
      %add3A_588 = arith.addi %mul3A_586, %add3A_587 : i32
      %mul3A_589 = arith.constant 16 : i32
      %mul3A_590 = arith.muli %add3A_588, %mul3A_589 : i32
      %get3A_591 = arith.index_cast %mul3A_590 : i32 to index
      %get3A_592 = tpu.vector_load %arg10[%get3A_591] {strides = array<i32>} : memref<8192xi32, #tpu.memory_space<vmem>>, vector<16xi32>,
      %reduce_sum3A_593 = arith.constant true
      %reduce_sum3A_594 = vector.broadcast %reduce_sum3A_593 : i1 to vector<16xi1>
      %reduce_sum3A_595 = tpu.scan <sum>, %get3A_592 masked %reduce_sum3A_594 : vector<16xi32>, vector<16xi1> -> vector<16xi32>
      %reduce_sum3A_596 = vector.extract %reduce_sum3A_595[15] : i32 from vector<16xi32>
      %eq3A_597 = arith.constant 15 : i32
      %eq3A_598 = vector.broadcast %eq3A_597 : i32 to vector<16xi32>
      %eq3A_599 = arith.cmpi eq, %iota3A, %eq3A_598 : vector<16xi32>
      %broadcast_in_dim3A_600 = vector.broadcast %reduce_sum3A_596 : i32 to vector<16xi32>
      %select_n3A_601 = arith.select %eq3A_599, %broadcast_in_dim3A_600, %select_n3A_584 : vector<16xi1>, vector<16xi32>
      %mul3A_602 = arith.constant 16 : i32
      %mul3A_603 = arith.muli %scan3A_328, %mul3A_602 : i32
      %swap3A_604 = arith.index_cast %mul3A_603 : i32 to index
      %swap3A_605 = tpu.vector_load %arg11[%swap3A_604] {strides = array<i32>} : memref<512xi32, #tpu.memory_space<vmem>>, vector<16xi32>,
      tpu.vector_store %arg11[%swap3A_604], %select_n3A_601 {strides = array<i32>} : memref<512xi32, #tpu.memory_space<vmem>>, vector<16xi32>,
      %scan3A_606 = arith.constant 0 : i32
      scf.yield %scan3A_606 : i32
    }
    %scan3A_60 = arith.constant 32 : i32
    "tpu.region"() ({
      %run_scoped3A = tpu.sem_alloc : memref<!tpu.dma_semaphore, #tpu.memory_space<semaphore_mem>>
      %dma_start3A = arith.constant 0 : i32
      %dma_start3A_328 = tpu.memref_slice %arg16[%arg1, %dma_start3A] : memref<16x512xi32, #tpu.memory_space<vmem_shared>> -> memref<1x512xi32, #tpu.memory_space<vmem_shared>>
      %dma_start3A_329 = tpu.memref_squeeze %dma_start3A_328 : memref<1x512xi32, #tpu.memory_space<vmem_shared>> -> memref<512xi32, #tpu.memory_space<vmem_shared>>
      %dma_start3A_330 = arith.constant 0 : i32
      %dma_start3A_331 = tpu.memref_slice %arg16[%arg1, %dma_start3A_330] : memref<16x512xi32, #tpu.memory_space<vmem_shared>> -> memref<1x512xi32, #tpu.memory_space<vmem_shared>>
      %dma_start3A_332 = tpu.memref_squeeze %dma_start3A_331 : memref<1x512xi32, #tpu.memory_space<vmem_shared>> -> memref<512xi32, #tpu.memory_space<vmem_shared>>
      tpu.enqueue_dma source(%arg11 : memref<512xi32, #tpu.memory_space<vmem>>) target(%dma_start3A_332 : memref<512xi32, #tpu.memory_space<vmem_shared>>) target_semaphore(%run_scoped3A : memref<!tpu.dma_semaphore, #tpu.memory_space<semaphore_mem>>)
      %dma_wait3A = arith.constant 0 : i32
      %dma_wait3A_333 = tpu.memref_slice %arg16[%arg1, %dma_wait3A] : memref<16x512xi32, #tpu.memory_space<vmem_shared>> -> memref<1x512xi32, #tpu.memory_space<vmem_shared>>
      %dma_wait3A_334 = tpu.memref_squeeze %dma_wait3A_333 : memref<1x512xi32, #tpu.memory_space<vmem_shared>> -> memref<512xi32, #tpu.memory_space<vmem_shared>>
      %dma_wait3A_335 = arith.constant 0 : i32
      %dma_wait3A_336 = tpu.memref_slice %arg16[%arg1, %dma_wait3A_335] : memref<16x512xi32, #tpu.memory_space<vmem_shared>> -> memref<1x512xi32, #tpu.memory_space<vmem_shared>>
      %dma_wait3A_337 = tpu.memref_squeeze %dma_wait3A_336 : memref<1x512xi32, #tpu.memory_space<vmem_shared>> -> memref<512xi32, #tpu.memory_space<vmem_shared>>
      tpu.wait_dma2 semaphore(%run_scoped3A : memref<!tpu.dma_semaphore, #tpu.memory_space<semaphore_mem>>) src(%arg11 : memref<512xi32, #tpu.memory_space<vmem>>) dst(%dma_wait3A_337 : memref<512xi32, #tpu.memory_space<vmem_shared>>)
      tpu.yield
    }) : () -> ()
    %barrier3A = arith.constant 0 : index
    tpu.barrier barrier_id(%barrier3A)
    %mul3A_61 = arith.constant 4 : i32
    %mul3A_62 = arith.muli %select_n3A, %mul3A_61 : i32
    "tpu.region"() ({
      %run_scoped3A = tpu.sem_alloc : memref<!tpu.dma_semaphore, #tpu.memory_space<semaphore_mem>>
      %dma_start3A = arith.constant 0 : i32
      %dma_start3A_328 = tpu.memref_slice %arg16[%mul3A_62, %dma_start3A] : memref<16x512xi32, #tpu.memory_space<vmem_shared>> -> memref<4x512xi32, #tpu.memory_space<vmem_shared>>
      %dma_start3A_329 = arith.constant 0 : i32
      %dma_start3A_330 = tpu.memref_slice %arg16[%mul3A_62, %dma_start3A_329] : memref<16x512xi32, #tpu.memory_space<vmem_shared>> -> memref<4x512xi32, #tpu.memory_space<vmem_shared>>
      tpu.enqueue_dma source(%dma_start3A_330 : memref<4x512xi32, #tpu.memory_space<vmem_shared>>) target(%arg12 : memref<4x512xi32, #tpu.memory_space<vmem>>) target_semaphore(%run_scoped3A : memref<!tpu.dma_semaphore, #tpu.memory_space<semaphore_mem>>)
      %dma_wait3A = arith.constant 0 : i32
      %dma_wait3A_331 = tpu.memref_slice %arg16[%mul3A_62, %dma_wait3A] : memref<16x512xi32, #tpu.memory_space<vmem_shared>> -> memref<4x512xi32, #tpu.memory_space<vmem_shared>>
      %dma_wait3A_332 = arith.constant 0 : i32
      %dma_wait3A_333 = tpu.memref_slice %arg16[%mul3A_62, %dma_wait3A_332] : memref<16x512xi32, #tpu.memory_space<vmem_shared>> -> memref<4x512xi32, #tpu.memory_space<vmem_shared>>
      tpu.wait_dma2 semaphore(%run_scoped3A : memref<!tpu.dma_semaphore, #tpu.memory_space<semaphore_mem>>) src(%dma_wait3A_333 : memref<4x512xi32, #tpu.memory_space<vmem_shared>>) dst(%arg12 : memref<4x512xi32, #tpu.memory_space<vmem>>)
      tpu.yield
    }) : () -> ()
    %barrier3A_63 = arith.constant 0 : index
    tpu.barrier barrier_id(%barrier3A_63)
    %scan3A_64 = arith.constant 0 : i32
    %scan3A_65 = arith.constant 0 : i32
    %scan3A_66 = arith.constant 32 : i32
    %scan3A_67 = arith.addi %scan3A_65, %scan3A_66 : i32
    %scan3A_68 = arith.constant 1 : i32
    %scan3A_69 = scf.for %scan3A_328 = %scan3A_65 to %scan3A_67 step %scan3A_68 iter_args(%scan3A_329 = %scan3A_64) -> (i32)  : i32 {
      %mul3A_330 = arith.constant 16 : i32
      %mul3A_331 = arith.muli %scan3A_328, %mul3A_330 : i32
      %get3A_332 = arith.constant 0 : i32
      %get3A_333 = arith.index_cast %get3A_332 : i32 to index
      %get3A_334 = arith.index_cast %mul3A_331 : i32 to index
      %get3A_335 = tpu.vector_load %arg12[%get3A_333, %get3A_334] {strides = array<i32>} : memref<4x512xi32, #tpu.memory_space<vmem>>, vector<16xi32>,
      %mul3A_336 = arith.constant 16 : i32
      %mul3A_337 = arith.muli %scan3A_328, %mul3A_336 : i32
      %get3A_338 = arith.constant 1 : i32
      %get3A_339 = arith.index_cast %get3A_338 : i32 to index
      %get3A_340 = arith.index_cast %mul3A_337 : i32 to index
      %get3A_341 = tpu.vector_load %arg12[%get3A_339, %get3A_340] {strides = array<i32>} : memref<4x512xi32, #tpu.memory_space<vmem>>, vector<16xi32>,
      %add3A_342 = arith.addi %get3A_335, %get3A_341 : vector<16xi32>
      %mul3A_343 = arith.constant 16 : i32
      %mul3A_344 = arith.muli %scan3A_328, %mul3A_343 : i32
      %get3A_345 = arith.constant 2 : i32
      %get3A_346 = arith.index_cast %get3A_345 : i32 to index
      %get3A_347 = arith.index_cast %mul3A_344 : i32 to index
      %get3A_348 = tpu.vector_load %arg12[%get3A_346, %get3A_347] {strides = array<i32>} : memref<4x512xi32, #tpu.memory_space<vmem>>, vector<16xi32>,
      %add3A_349 = arith.addi %add3A_342, %get3A_348 : vector<16xi32>
      %mul3A_350 = arith.constant 16 : i32
      %mul3A_351 = arith.muli %scan3A_328, %mul3A_350 : i32
      %get3A_352 = arith.constant 3 : i32
      %get3A_353 = arith.index_cast %get3A_352 : i32 to index
      %get3A_354 = arith.index_cast %mul3A_351 : i32 to index
      %get3A_355 = tpu.vector_load %arg12[%get3A_353, %get3A_354] {strides = array<i32>} : memref<4x512xi32, #tpu.memory_space<vmem>>, vector<16xi32>,
      %add3A_356 = arith.addi %add3A_349, %get3A_355 : vector<16xi32>
      %reduce_sum3A_357 = arith.constant true
      %reduce_sum3A_358 = vector.broadcast %reduce_sum3A_357 : i1 to vector<16xi1>
      %reduce_sum3A_359 = tpu.scan <sum>, %add3A_356 masked %reduce_sum3A_358 : vector<16xi32>, vector<16xi1> -> vector<16xi32>
      %reduce_sum3A_360 = vector.extract %reduce_sum3A_359[15] : i32 from vector<16xi32>
      %add3A_361 = arith.addi %scan3A_329, %reduce_sum3A_360 : i32
      scf.yield %add3A_361 : i32
    }
    %scan3A_70 = arith.constant 32 : i32
    %convert_element_type3A = arith.sitofp %scan3A_69 : i32 to f32
    %mul3A_71 = arith.constant 8.000000e-01 : f32
    %mul3A_72 = arith.mulf %convert_element_type3A, %mul3A_71 : f32
    %convert_element_type3A_73 = arith.fptosi %mul3A_72 : f32 to i32
    %convert_element_type3A_74 = arith.sitofp %convert_element_type3A_73 : i32 to f32
    %gt3A = arith.cmpf ogt, %convert_element_type3A_74, %mul3A_72 : f32
    %sub3A_75 = arith.constant 1 : i32
    %sub3A_76 = arith.subi %convert_element_type3A_73, %sub3A_75 : i32
    %select_n3A_77 = arith.select %gt3A, %sub3A_76, %convert_element_type3A_73 : i32
    %scan3A_78 = arith.constant 0 : i32
    %scan3A_79 = arith.constant 0 : i32
    %scan3A_80 = arith.constant 0 : i32
    %scan3A_81 = arith.constant 0 : i32
    %scan3A_82 = arith.constant 0 : i32
    %scan3A_83 = arith.constant 32 : i32
    %scan3A_84 = arith.addi %scan3A_82, %scan3A_83 : i32
    %scan3A_85 = arith.constant 1 : i32
    %scan3A_86:4 = scf.for %scan3A_328 = %scan3A_82 to %scan3A_84 step %scan3A_85 iter_args(%scan3A_329 = %scan3A_78, %scan3A_330 = %scan3A_79, %scan3A_331 = %scan3A_80, %scan3A_332 = %scan3A_81) -> (i32, i32, i32, i32)  : i32 {
      %mul3A_333 = arith.constant 16 : i32
      %mul3A_334 = arith.muli %scan3A_328, %mul3A_333 : i32
      %get3A_335 = arith.constant 0 : i32
      %get3A_336 = arith.index_cast %get3A_335 : i32 to index
      %get3A_337 = arith.index_cast %mul3A_334 : i32 to index
      %get3A_338 = tpu.vector_load %arg12[%get3A_336, %get3A_337] {strides = array<i32>} : memref<4x512xi32, #tpu.memory_space<vmem>>, vector<16xi32>,
      %mul3A_339 = arith.constant 16 : i32
      %mul3A_340 = arith.muli %scan3A_328, %mul3A_339 : i32
      %get3A_341 = arith.constant 1 : i32
      %get3A_342 = arith.index_cast %get3A_341 : i32 to index
      %get3A_343 = arith.index_cast %mul3A_340 : i32 to index
      %get3A_344 = tpu.vector_load %arg12[%get3A_342, %get3A_343] {strides = array<i32>} : memref<4x512xi32, #tpu.memory_space<vmem>>, vector<16xi32>,
      %add3A_345 = arith.addi %get3A_338, %get3A_344 : vector<16xi32>
      %mul3A_346 = arith.constant 16 : i32
      %mul3A_347 = arith.muli %scan3A_328, %mul3A_346 : i32
      %get3A_348 = arith.constant 2 : i32
      %get3A_349 = arith.index_cast %get3A_348 : i32 to index
      %get3A_350 = arith.index_cast %mul3A_347 : i32 to index
      %get3A_351 = tpu.vector_load %arg12[%get3A_349, %get3A_350] {strides = array<i32>} : memref<4x512xi32, #tpu.memory_space<vmem>>, vector<16xi32>,
      %add3A_352 = arith.addi %add3A_345, %get3A_351 : vector<16xi32>
      %mul3A_353 = arith.constant 16 : i32
      %mul3A_354 = arith.muli %scan3A_328, %mul3A_353 : i32
      %get3A_355 = arith.constant 3 : i32
      %get3A_356 = arith.index_cast %get3A_355 : i32 to index
      %get3A_357 = arith.index_cast %mul3A_354 : i32 to index
      %get3A_358 = tpu.vector_load %arg12[%get3A_356, %get3A_357] {strides = array<i32>} : memref<4x512xi32, #tpu.memory_space<vmem>>, vector<16xi32>,
      %add3A_359 = arith.addi %add3A_352, %get3A_358 : vector<16xi32>
      %broadcast_in_dim3A_360 = arith.constant true
      %broadcast_in_dim3A_361 = vector.broadcast %broadcast_in_dim3A_360 : i1 to vector<16xi1>
      %masked_cumsum3A = tpu.scan <sum>, %add3A_359 masked %broadcast_in_dim3A_361 : vector<16xi32>, vector<16xi1> -> vector<16xi32>
      %add3A_362 = vector.broadcast %scan3A_329 : i32 to vector<16xi32>
      %add3A_363 = arith.addi %masked_cumsum3A, %add3A_362 : vector<16xi32>
      %ge3A = vector.broadcast %select_n3A_77 : i32 to vector<16xi32>
      %ge3A_364 = arith.cmpi sge, %add3A_363, %ge3A : vector<16xi32>
      %jit3A_365 = arith.constant 16 : i32
      %broadcast_in_dim3A_366 = vector.broadcast %jit3A_365 : i32 to vector<16xi32>
      %select_n3A_367 = arith.select %ge3A_364, %iota3A, %broadcast_in_dim3A_366 : vector<16xi1>, vector<16xi32>
      %reduce_min3A = arith.constant true
      %reduce_min3A_368 = vector.broadcast %reduce_min3A : i1 to vector<16xi1>
      %reduce_min3A_369 = arith.constant -2147483648 : i32
      %reduce_min3A_370 = vector.broadcast %reduce_min3A_369 : i32 to vector<16xi32>
      %reduce_min3A_371 = arith.xori %select_n3A_367, %reduce_min3A_370 : vector<16xi32>
      %reduce_min3A_372 = tpu.scan <min>, %reduce_min3A_371 masked %reduce_min3A_368 : vector<16xi32>, vector<16xi1> -> vector<16xi32>
      %reduce_min3A_373 = arith.xori %reduce_min3A_372, %reduce_min3A_370 : vector<16xi32>
      %reduce_min3A_374 = vector.extract %reduce_min3A_373[15] : i32 from vector<16xi32>
      %lt3A_375 = arith.constant 16 : i32
      %lt3A_376 = arith.cmpi slt, %reduce_min3A_374, %lt3A_375 : i32
      %eq3A_377 = arith.constant 0 : i32
      %eq3A_378 = arith.cmpi eq, %scan3A_330, %eq3A_377 : i32
      %and3A_379 = arith.andi %lt3A_376, %eq3A_378 : i1
      %lt3A_380 = vector.broadcast %reduce_min3A_374 : i32 to vector<16xi32>
      %lt3A_381 = arith.cmpi slt, %iota3A, %lt3A_380 : vector<16xi32>
      %jit3A_382 = arith.constant 0 : i32
      %broadcast_in_dim3A_383 = vector.broadcast %jit3A_382 : i32 to vector<16xi32>
      %select_n3A_384 = arith.select %lt3A_381, %add3A_359, %broadcast_in_dim3A_383 : vector<16xi1>, vector<16xi32>
      %reduce_sum3A_385 = arith.constant true
      %reduce_sum3A_386 = vector.broadcast %reduce_sum3A_385 : i1 to vector<16xi1>
      %reduce_sum3A_387 = tpu.scan <sum>, %select_n3A_384 masked %reduce_sum3A_386 : vector<16xi32>, vector<16xi1> -> vector<16xi32>
      %reduce_sum3A_388 = vector.extract %reduce_sum3A_387[15] : i32 from vector<16xi32>
      %mul3A_389 = arith.constant 16 : i32
      %mul3A_390 = arith.muli %scan3A_328, %mul3A_389 : i32
      %add3A_391 = arith.addi %mul3A_390, %reduce_min3A_374 : i32
      %select_n3A_392 = arith.select %and3A_379, %add3A_391, %scan3A_331 : i32
      %add3A_393 = arith.addi %scan3A_329, %reduce_sum3A_388 : i32
      %select_n3A_394 = arith.select %and3A_379, %add3A_393, %scan3A_332 : i32
      %jit3A_395 = arith.constant 1 : i32
      %select_n3A_396 = arith.select %and3A_379, %jit3A_395, %scan3A_330 : i32
      %reduce_sum3A_397 = arith.constant true
      %reduce_sum3A_398 = vector.broadcast %reduce_sum3A_397 : i1 to vector<16xi1>
      %reduce_sum3A_399 = tpu.scan <sum>, %add3A_359 masked %reduce_sum3A_398 : vector<16xi32>, vector<16xi1> -> vector<16xi32>
      %reduce_sum3A_400 = vector.extract %reduce_sum3A_399[15] : i32 from vector<16xi32>
      %add3A_401 = arith.addi %scan3A_329, %reduce_sum3A_400 : i32
      scf.yield %add3A_401, %select_n3A_396, %select_n3A_392, %select_n3A_394 : i32, i32, i32, i32
    }
    %scan3A_87 = arith.constant 32 : i32
    %sub3A_88 = arith.subi %select_n3A_77, %scan3A_86#3 : i32
    %mul3A_89 = arith.constant 4194304 : i32
    %mul3A_90 = arith.muli %scan3A_86#2, %mul3A_89 : i32
    %scan3A_91 = arith.constant 0 : i32
    %scan3A_92 = arith.constant 0 : i32
    %scan3A_93 = arith.constant 256 : i32
    %scan3A_94 = arith.addi %scan3A_92, %scan3A_93 : i32
    %scan3A_95 = arith.constant 4 : i32
    %scan3A_96 = scf.for %scan3A_328 = %scan3A_92 to %scan3A_94 step %scan3A_95 iter_args(%scan3A_329 = %scan3A_91) -> (i32)  : i32 {
      %mul3A_330 = arith.constant 16 : i32
      %mul3A_331 = arith.muli %scan3A_328, %mul3A_330 : i32
      %swap3A_332 = arith.index_cast %mul3A_331 : i32 to index
      %swap3A_333 = tpu.vector_load %arg10[%swap3A_332] {strides = array<i32>} : memref<8192xi32, #tpu.memory_space<vmem>>, vector<16xi32>,
      tpu.vector_store %arg10[%swap3A_332], %broadcast_in_dim3A_38 {strides = array<i32>} : memref<8192xi32, #tpu.memory_space<vmem>>, vector<16xi32>,
      %scan3A_334 = arith.constant 0 : i32
      %scan3A_335 = arith.constant 1 : i32
      %scan3A_336 = arith.addi %scan3A_328, %scan3A_335 : i32
      %mul3A_337 = arith.constant 16 : i32
      %mul3A_338 = arith.muli %scan3A_336, %mul3A_337 : i32
      %swap3A_339 = arith.index_cast %mul3A_338 : i32 to index
      %swap3A_340 = tpu.vector_load %arg10[%swap3A_339] {strides = array<i32>} : memref<8192xi32, #tpu.memory_space<vmem>>, vector<16xi32>,
      tpu.vector_store %arg10[%swap3A_339], %broadcast_in_dim3A_38 {strides = array<i32>} : memref<8192xi32, #tpu.memory_space<vmem>>, vector<16xi32>,
      %scan3A_341 = arith.constant 0 : i32
      %scan3A_342 = arith.constant 2 : i32
      %scan3A_343 = arith.addi %scan3A_328, %scan3A_342 : i32
      %mul3A_344 = arith.constant 16 : i32
      %mul3A_345 = arith.muli %scan3A_343, %mul3A_344 : i32
      %swap3A_346 = arith.index_cast %mul3A_345 : i32 to index
      %swap3A_347 = tpu.vector_load %arg10[%swap3A_346] {strides = array<i32>} : memref<8192xi32, #tpu.memory_space<vmem>>, vector<16xi32>,
      tpu.vector_store %arg10[%swap3A_346], %broadcast_in_dim3A_38 {strides = array<i32>} : memref<8192xi32, #tpu.memory_space<vmem>>, vector<16xi32>,
      %scan3A_348 = arith.constant 0 : i32
      %scan3A_349 = arith.constant 3 : i32
      %scan3A_350 = arith.addi %scan3A_328, %scan3A_349 : i32
      %mul3A_351 = arith.constant 16 : i32
      %mul3A_352 = arith.muli %scan3A_350, %mul3A_351 : i32
      %swap3A_353 = arith.index_cast %mul3A_352 : i32 to index
      %swap3A_354 = tpu.vector_load %arg10[%swap3A_353] {strides = array<i32>} : memref<8192xi32, #tpu.memory_space<vmem>>, vector<16xi32>,
      tpu.vector_store %arg10[%swap3A_353], %broadcast_in_dim3A_38 {strides = array<i32>} : memref<8192xi32, #tpu.memory_space<vmem>>, vector<16xi32>,
      %scan3A_355 = arith.constant 0 : i32
      scf.yield %scan3A_355 : i32
    }
    %scan3A_97 = arith.constant 256 : i32
    %scan3A_98 = arith.constant 0 : i32
    %scan3A_99 = arith.constant 2304 : i32
    %scan3A_100 = arith.addi %scan3A_98, %scan3A_99 : i32
    %scan3A_101 = arith.constant 4 : i32
    %scan3A_102:2 = scf.for %scan3A_328 = %scan3A_98 to %scan3A_100 step %scan3A_101 iter_args(%scan3A_329 = %broadcast_in_dim3A_38, %scan3A_330 = %broadcast_in_dim3A_40) -> (vector<16xi32>, vector<16xf32>)  : i32 {
      %mul3A_331 = arith.constant 16 : i32
      %mul3A_332 = arith.muli %scan3A_328, %mul3A_331 : i32
      %get3A_333 = arith.index_cast %mul3A_332 : i32 to index
      %get3A_334 = tpu.vector_load %arg9[%get3A_333] {strides = array<i32>} : memref<36864xi32, #tpu.memory_space<vmem>>, vector<16xi32>,
      %ne3A_335 = arith.constant 2147483647 : i32
      %ne3A_336 = vector.broadcast %ne3A_335 : i32 to vector<16xi32>
      %ne3A_337 = arith.cmpi ne, %get3A_334, %ne3A_336 : vector<16xi32>
      %shift_right_arithmetic3A = arith.constant 22 : i32
      %shift_right_arithmetic3A_338 = vector.broadcast %shift_right_arithmetic3A : i32 to vector<16xi32>
      %shift_right_arithmetic3A_339 = arith.shrsi %get3A_334, %shift_right_arithmetic3A_338 : vector<16xi32>
      %eq3A_340 = vector.broadcast %scan3A_86#2 : i32 to vector<16xi32>
      %eq3A_341 = arith.cmpi eq, %shift_right_arithmetic3A_339, %eq3A_340 : vector<16xi32>
      %and3A_342 = arith.andi %ne3A_337, %eq3A_341 : vector<16xi1>
      %shift_right_arithmetic3A_343 = arith.constant 14 : i32
      %shift_right_arithmetic3A_344 = vector.broadcast %shift_right_arithmetic3A_343 : i32 to vector<16xi32>
      %shift_right_arithmetic3A_345 = arith.shrsi %get3A_334, %shift_right_arithmetic3A_344 : vector<16xi32>
      %and3A_346 = arith.constant 255 : i32
      %and3A_347 = vector.broadcast %and3A_346 : i32 to vector<16xi32>
      %and3A_348 = arith.andi %shift_right_arithmetic3A_345, %and3A_347 : vector<16xi32>
      %mul3A_349 = arith.constant 16 : i32
      %mul3A_350 = vector.broadcast %mul3A_349 : i32 to vector<16xi32>
      %mul3A_351 = arith.muli %and3A_348, %mul3A_350 : vector<16xi32>
      %add3A_352 = arith.addi %mul3A_351, %iota3A : vector<16xi32>
      tpu.vector_store_idx %arg10[%add3A_352], %broadcast_in_dim3A_36 masked %and3A_342 {add = true} : memref<8192xi32, #tpu.memory_space<vmem>>[vector<16xi32>], vector<16xi32>, vector<16xi1>
      %convert_element_type3A_353 = arith.extui %and3A_342 : vector<16xi1> to vector<16xi32>
      %broadcast_in_dim3A_354 = arith.constant true
      %broadcast_in_dim3A_355 = vector.broadcast %broadcast_in_dim3A_354 : i1 to vector<16xi1>
      %masked_cumsum3A = tpu.scan <sum>, %convert_element_type3A_353 masked %broadcast_in_dim3A_355 : vector<16xi32>, vector<16xi1> -> vector<16xi32>
      %add3A_356 = arith.addi %scan3A_329, %masked_cumsum3A : vector<16xi32>
      %sub3A_357 = arith.constant 1 : i32
      %sub3A_358 = vector.broadcast %sub3A_357 : i32 to vector<16xi32>
      %sub3A_359 = arith.subi %add3A_356, %sub3A_358 : vector<16xi32>
      tpu.vector_store_idx %arg13[%sub3A_359], %get3A_334 masked %and3A_342 : memref<36880xi32, #tpu.memory_space<vmem>>[vector<16xi32>], vector<16xi32>, vector<16xi1>
      %bitcast_convert_type3A_360 = tpu.bitcast %get3A_334 : vector<16xi32> -> vector<16xf32>
      %lt3A_361 = vector.broadcast %mul3A_90 : i32 to vector<16xi32>
      %lt3A_362 = arith.cmpi slt, %get3A_334, %lt3A_361 : vector<16xi32>
      %select_n3A_363 = arith.select %lt3A_362, %bitcast_convert_type3A_360, %broadcast_in_dim3A_40 : vector<16xi1>, vector<16xf32>
      %add3A_364 = arith.addf %scan3A_330, %select_n3A_363 : vector<16xf32>
      %all_reduce_population_count3A = tpu.all_reduce %and3A_342 {dim = 0 : i64, kind = #tpu.reduction_kind<sum>} : vector<16xi1> -> vector<16xi32>
      %add3A_365 = arith.addi %scan3A_329, %all_reduce_population_count3A : vector<16xi32>
      %scan3A_366 = arith.constant 1 : i32
      %scan3A_367 = arith.addi %scan3A_328, %scan3A_366 : i32
      %mul3A_368 = arith.constant 16 : i32
      %mul3A_369 = arith.muli %scan3A_367, %mul3A_368 : i32
      %get3A_370 = arith.index_cast %mul3A_369 : i32 to index
      %get3A_371 = tpu.vector_load %arg9[%get3A_370] {strides = array<i32>} : memref<36864xi32, #tpu.memory_space<vmem>>, vector<16xi32>,
      %ne3A_372 = arith.constant 2147483647 : i32
      %ne3A_373 = vector.broadcast %ne3A_372 : i32 to vector<16xi32>
      %ne3A_374 = arith.cmpi ne, %get3A_371, %ne3A_373 : vector<16xi32>
      %shift_right_arithmetic3A_375 = arith.constant 22 : i32
      %shift_right_arithmetic3A_376 = vector.broadcast %shift_right_arithmetic3A_375 : i32 to vector<16xi32>
      %shift_right_arithmetic3A_377 = arith.shrsi %get3A_371, %shift_right_arithmetic3A_376 : vector<16xi32>
      %eq3A_378 = vector.broadcast %scan3A_86#2 : i32 to vector<16xi32>
      %eq3A_379 = arith.cmpi eq, %shift_right_arithmetic3A_377, %eq3A_378 : vector<16xi32>
      %and3A_380 = arith.andi %ne3A_374, %eq3A_379 : vector<16xi1>
      %shift_right_arithmetic3A_381 = arith.constant 14 : i32
      %shift_right_arithmetic3A_382 = vector.broadcast %shift_right_arithmetic3A_381 : i32 to vector<16xi32>
      %shift_right_arithmetic3A_383 = arith.shrsi %get3A_371, %shift_right_arithmetic3A_382 : vector<16xi32>
      %and3A_384 = arith.constant 255 : i32
      %and3A_385 = vector.broadcast %and3A_384 : i32 to vector<16xi32>
      %and3A_386 = arith.andi %shift_right_arithmetic3A_383, %and3A_385 : vector<16xi32>
      %mul3A_387 = arith.constant 16 : i32
      %mul3A_388 = vector.broadcast %mul3A_387 : i32 to vector<16xi32>
      %mul3A_389 = arith.muli %and3A_386, %mul3A_388 : vector<16xi32>
      %add3A_390 = arith.addi %mul3A_389, %iota3A : vector<16xi32>
      tpu.vector_store_idx %arg10[%add3A_390], %broadcast_in_dim3A_36 masked %and3A_380 {add = true} : memref<8192xi32, #tpu.memory_space<vmem>>[vector<16xi32>], vector<16xi32>, vector<16xi1>
      %convert_element_type3A_391 = arith.extui %and3A_380 : vector<16xi1> to vector<16xi32>
      %broadcast_in_dim3A_392 = arith.constant true
      %broadcast_in_dim3A_393 = vector.broadcast %broadcast_in_dim3A_392 : i1 to vector<16xi1>
      %masked_cumsum3A_394 = tpu.scan <sum>, %convert_element_type3A_391 masked %broadcast_in_dim3A_393 : vector<16xi32>, vector<16xi1> -> vector<16xi32>
      %add3A_395 = arith.addi %add3A_365, %masked_cumsum3A_394 : vector<16xi32>
      %sub3A_396 = arith.constant 1 : i32
      %sub3A_397 = vector.broadcast %sub3A_396 : i32 to vector<16xi32>
      %sub3A_398 = arith.subi %add3A_395, %sub3A_397 : vector<16xi32>
      tpu.vector_store_idx %arg13[%sub3A_398], %get3A_371 masked %and3A_380 : memref<36880xi32, #tpu.memory_space<vmem>>[vector<16xi32>], vector<16xi32>, vector<16xi1>
      %bitcast_convert_type3A_399 = tpu.bitcast %get3A_371 : vector<16xi32> -> vector<16xf32>
      %lt3A_400 = vector.broadcast %mul3A_90 : i32 to vector<16xi32>
      %lt3A_401 = arith.cmpi slt, %get3A_371, %lt3A_400 : vector<16xi32>
      %select_n3A_402 = arith.select %lt3A_401, %bitcast_convert_type3A_399, %broadcast_in_dim3A_40 : vector<16xi1>, vector<16xf32>
      %add3A_403 = arith.addf %add3A_364, %select_n3A_402 : vector<16xf32>
      %all_reduce_population_count3A_404 = tpu.all_reduce %and3A_380 {dim = 0 : i64, kind = #tpu.reduction_kind<sum>} : vector<16xi1> -> vector<16xi32>
      %add3A_405 = arith.addi %add3A_365, %all_reduce_population_count3A_404 : vector<16xi32>
      %scan3A_406 = arith.constant 2 : i32
      %scan3A_407 = arith.addi %scan3A_328, %scan3A_406 : i32
      %mul3A_408 = arith.constant 16 : i32
      %mul3A_409 = arith.muli %scan3A_407, %mul3A_408 : i32
      %get3A_410 = arith.index_cast %mul3A_409 : i32 to index
      %get3A_411 = tpu.vector_load %arg9[%get3A_410] {strides = array<i32>} : memref<36864xi32, #tpu.memory_space<vmem>>, vector<16xi32>,
      %ne3A_412 = arith.constant 2147483647 : i32
      %ne3A_413 = vector.broadcast %ne3A_412 : i32 to vector<16xi32>
      %ne3A_414 = arith.cmpi ne, %get3A_411, %ne3A_413 : vector<16xi32>
      %shift_right_arithmetic3A_415 = arith.constant 22 : i32
      %shift_right_arithmetic3A_416 = vector.broadcast %shift_right_arithmetic3A_415 : i32 to vector<16xi32>
      %shift_right_arithmetic3A_417 = arith.shrsi %get3A_411, %shift_right_arithmetic3A_416 : vector<16xi32>
      %eq3A_418 = vector.broadcast %scan3A_86#2 : i32 to vector<16xi32>
      %eq3A_419 = arith.cmpi eq, %shift_right_arithmetic3A_417, %eq3A_418 : vector<16xi32>
      %and3A_420 = arith.andi %ne3A_414, %eq3A_419 : vector<16xi1>
      %shift_right_arithmetic3A_421 = arith.constant 14 : i32
      %shift_right_arithmetic3A_422 = vector.broadcast %shift_right_arithmetic3A_421 : i32 to vector<16xi32>
      %shift_right_arithmetic3A_423 = arith.shrsi %get3A_411, %shift_right_arithmetic3A_422 : vector<16xi32>
      %and3A_424 = arith.constant 255 : i32
      %and3A_425 = vector.broadcast %and3A_424 : i32 to vector<16xi32>
      %and3A_426 = arith.andi %shift_right_arithmetic3A_423, %and3A_425 : vector<16xi32>
      %mul3A_427 = arith.constant 16 : i32
      %mul3A_428 = vector.broadcast %mul3A_427 : i32 to vector<16xi32>
      %mul3A_429 = arith.muli %and3A_426, %mul3A_428 : vector<16xi32>
      %add3A_430 = arith.addi %mul3A_429, %iota3A : vector<16xi32>
      tpu.vector_store_idx %arg10[%add3A_430], %broadcast_in_dim3A_36 masked %and3A_420 {add = true} : memref<8192xi32, #tpu.memory_space<vmem>>[vector<16xi32>], vector<16xi32>, vector<16xi1>
      %convert_element_type3A_431 = arith.extui %and3A_420 : vector<16xi1> to vector<16xi32>
      %broadcast_in_dim3A_432 = arith.constant true
      %broadcast_in_dim3A_433 = vector.broadcast %broadcast_in_dim3A_432 : i1 to vector<16xi1>
      %masked_cumsum3A_434 = tpu.scan <sum>, %convert_element_type3A_431 masked %broadcast_in_dim3A_433 : vector<16xi32>, vector<16xi1> -> vector<16xi32>
      %add3A_435 = arith.addi %add3A_405, %masked_cumsum3A_434 : vector<16xi32>
      %sub3A_436 = arith.constant 1 : i32
      %sub3A_437 = vector.broadcast %sub3A_436 : i32 to vector<16xi32>
      %sub3A_438 = arith.subi %add3A_435, %sub3A_437 : vector<16xi32>
      tpu.vector_store_idx %arg13[%sub3A_438], %get3A_411 masked %and3A_420 : memref<36880xi32, #tpu.memory_space<vmem>>[vector<16xi32>], vector<16xi32>, vector<16xi1>
      %bitcast_convert_type3A_439 = tpu.bitcast %get3A_411 : vector<16xi32> -> vector<16xf32>
      %lt3A_440 = vector.broadcast %mul3A_90 : i32 to vector<16xi32>
      %lt3A_441 = arith.cmpi slt, %get3A_411, %lt3A_440 : vector<16xi32>
      %select_n3A_442 = arith.select %lt3A_441, %bitcast_convert_type3A_439, %broadcast_in_dim3A_40 : vector<16xi1>, vector<16xf32>
      %add3A_443 = arith.addf %add3A_403, %select_n3A_442 : vector<16xf32>
      %all_reduce_population_count3A_444 = tpu.all_reduce %and3A_420 {dim = 0 : i64, kind = #tpu.reduction_kind<sum>} : vector<16xi1> -> vector<16xi32>
      %add3A_445 = arith.addi %add3A_405, %all_reduce_population_count3A_444 : vector<16xi32>
      %scan3A_446 = arith.constant 3 : i32
      %scan3A_447 = arith.addi %scan3A_328, %scan3A_446 : i32
      %mul3A_448 = arith.constant 16 : i32
      %mul3A_449 = arith.muli %scan3A_447, %mul3A_448 : i32
      %get3A_450 = arith.index_cast %mul3A_449 : i32 to index
      %get3A_451 = tpu.vector_load %arg9[%get3A_450] {strides = array<i32>} : memref<36864xi32, #tpu.memory_space<vmem>>, vector<16xi32>,
      %ne3A_452 = arith.constant 2147483647 : i32
      %ne3A_453 = vector.broadcast %ne3A_452 : i32 to vector<16xi32>
      %ne3A_454 = arith.cmpi ne, %get3A_451, %ne3A_453 : vector<16xi32>
      %shift_right_arithmetic3A_455 = arith.constant 22 : i32
      %shift_right_arithmetic3A_456 = vector.broadcast %shift_right_arithmetic3A_455 : i32 to vector<16xi32>
      %shift_right_arithmetic3A_457 = arith.shrsi %get3A_451, %shift_right_arithmetic3A_456 : vector<16xi32>
      %eq3A_458 = vector.broadcast %scan3A_86#2 : i32 to vector<16xi32>
      %eq3A_459 = arith.cmpi eq, %shift_right_arithmetic3A_457, %eq3A_458 : vector<16xi32>
      %and3A_460 = arith.andi %ne3A_454, %eq3A_459 : vector<16xi1>
      %shift_right_arithmetic3A_461 = arith.constant 14 : i32
      %shift_right_arithmetic3A_462 = vector.broadcast %shift_right_arithmetic3A_461 : i32 to vector<16xi32>
      %shift_right_arithmetic3A_463 = arith.shrsi %get3A_451, %shift_right_arithmetic3A_462 : vector<16xi32>
      %and3A_464 = arith.constant 255 : i32
      %and3A_465 = vector.broadcast %and3A_464 : i32 to vector<16xi32>
      %and3A_466 = arith.andi %shift_right_arithmetic3A_463, %and3A_465 : vector<16xi32>
      %mul3A_467 = arith.constant 16 : i32
      %mul3A_468 = vector.broadcast %mul3A_467 : i32 to vector<16xi32>
      %mul3A_469 = arith.muli %and3A_466, %mul3A_468 : vector<16xi32>
      %add3A_470 = arith.addi %mul3A_469, %iota3A : vector<16xi32>
      tpu.vector_store_idx %arg10[%add3A_470], %broadcast_in_dim3A_36 masked %and3A_460 {add = true} : memref<8192xi32, #tpu.memory_space<vmem>>[vector<16xi32>], vector<16xi32>, vector<16xi1>
      %convert_element_type3A_471 = arith.extui %and3A_460 : vector<16xi1> to vector<16xi32>
      %broadcast_in_dim3A_472 = arith.constant true
      %broadcast_in_dim3A_473 = vector.broadcast %broadcast_in_dim3A_472 : i1 to vector<16xi1>
      %masked_cumsum3A_474 = tpu.scan <sum>, %convert_element_type3A_471 masked %broadcast_in_dim3A_473 : vector<16xi32>, vector<16xi1> -> vector<16xi32>
      %add3A_475 = arith.addi %add3A_445, %masked_cumsum3A_474 : vector<16xi32>
      %sub3A_476 = arith.constant 1 : i32
      %sub3A_477 = vector.broadcast %sub3A_476 : i32 to vector<16xi32>
      %sub3A_478 = arith.subi %add3A_475, %sub3A_477 : vector<16xi32>
      tpu.vector_store_idx %arg13[%sub3A_478], %get3A_451 masked %and3A_460 : memref<36880xi32, #tpu.memory_space<vmem>>[vector<16xi32>], vector<16xi32>, vector<16xi1>
      %bitcast_convert_type3A_479 = tpu.bitcast %get3A_451 : vector<16xi32> -> vector<16xf32>
      %lt3A_480 = vector.broadcast %mul3A_90 : i32 to vector<16xi32>
      %lt3A_481 = arith.cmpi slt, %get3A_451, %lt3A_480 : vector<16xi32>
      %select_n3A_482 = arith.select %lt3A_481, %bitcast_convert_type3A_479, %broadcast_in_dim3A_40 : vector<16xi1>, vector<16xf32>
      %add3A_483 = arith.addf %add3A_443, %select_n3A_482 : vector<16xf32>
      %all_reduce_population_count3A_484 = tpu.all_reduce %and3A_460 {dim = 0 : i64, kind = #tpu.reduction_kind<sum>} : vector<16xi1> -> vector<16xi32>
      %add3A_485 = arith.addi %add3A_445, %all_reduce_population_count3A_484 : vector<16xi32>
      scf.yield %add3A_485, %add3A_483 : vector<16xi32>, vector<16xf32>
    }
    %scan3A_103 = arith.constant 2304 : i32
    %reduce_max3A = arith.constant true
    %reduce_max3A_104 = vector.broadcast %reduce_max3A : i1 to vector<16xi1>
    %reduce_max3A_105 = arith.constant -2147483648 : i32
    %reduce_max3A_106 = vector.broadcast %reduce_max3A_105 : i32 to vector<16xi32>
    %reduce_max3A_107 = arith.xori %scan3A_102#0, %reduce_max3A_106 : vector<16xi32>
    %reduce_max3A_108 = tpu.scan <max>, %reduce_max3A_107 masked %reduce_max3A_104 : vector<16xi32>, vector<16xi1> -> vector<16xi32>
    %reduce_max3A_109 = arith.xori %reduce_max3A_108, %reduce_max3A_106 : vector<16xi32>
    %reduce_max3A_110 = vector.extract %reduce_max3A_109[15] : i32 from vector<16xi32>
    %swap3A = arith.constant 0 : index
    %swap3A_111 = tpu.vector_load %arg14[%swap3A] {strides = array<i32>} : memref<16xf32, #tpu.memory_space<vmem>>, vector<16xf32>,
    tpu.vector_store %arg14[%swap3A], %scan3A_102#1 {strides = array<i32>} : memref<16xf32, #tpu.memory_space<vmem>>, vector<16xf32>,
    %scan3A_112 = arith.constant 0 : i32
    %scan3A_113 = arith.constant 0 : i32
    %scan3A_114 = arith.constant 16 : i32
    %scan3A_115 = arith.addi %scan3A_113, %scan3A_114 : i32
    %scan3A_116 = arith.constant 1 : i32
    %scan3A_117 = scf.for %scan3A_328 = %scan3A_113 to %scan3A_115 step %scan3A_116 iter_args(%scan3A_329 = %scan3A_112) -> (i32)  : i32 {
      %mul3A_330 = arith.constant 16 : i32
      %mul3A_331 = arith.muli %scan3A_328, %mul3A_330 : i32
      %add3A_332 = arith.constant 0 : i32
      %add3A_333 = arith.addi %mul3A_331, %add3A_332 : i32
      %mul3A_334 = arith.constant 16 : i32
      %mul3A_335 = arith.muli %add3A_333, %mul3A_334 : i32
      %get3A_336 = arith.index_cast %mul3A_335 : i32 to index
      %get3A_337 = tpu.vector_load %arg10[%get3A_336] {strides = array<i32>} : memref<8192xi32, #tpu.memory_space<vmem>>, vector<16xi32>,
      %reduce_sum3A_338 = arith.constant true
      %reduce_sum3A_339 = vector.broadcast %reduce_sum3A_338 : i1 to vector<16xi1>
      %reduce_sum3A_340 = tpu.scan <sum>, %get3A_337 masked %reduce_sum3A_339 : vector<16xi32>, vector<16xi1> -> vector<16xi32>
      %reduce_sum3A_341 = vector.extract %reduce_sum3A_340[15] : i32 from vector<16xi32>
      %eq3A_342 = arith.constant 0 : i32
      %eq3A_343 = vector.broadcast %eq3A_342 : i32 to vector<16xi32>
      %eq3A_344 = arith.cmpi eq, %iota3A, %eq3A_343 : vector<16xi32>
      %broadcast_in_dim3A_345 = vector.broadcast %reduce_sum3A_341 : i32 to vector<16xi32>
      %select_n3A_346 = arith.select %eq3A_344, %broadcast_in_dim3A_345, %broadcast_in_dim3A_38 : vector<16xi1>, vector<16xi32>
      %mul3A_347 = arith.constant 16 : i32
      %mul3A_348 = arith.muli %scan3A_328, %mul3A_347 : i32
      %add3A_349 = arith.constant 1 : i32
      %add3A_350 = arith.addi %mul3A_348, %add3A_349 : i32
      %mul3A_351 = arith.constant 16 : i32
      %mul3A_352 = arith.muli %add3A_350, %mul3A_351 : i32
      %get3A_353 = arith.index_cast %mul3A_352 : i32 to index
      %get3A_354 = tpu.vector_load %arg10[%get3A_353] {strides = array<i32>} : memref<8192xi32, #tpu.memory_space<vmem>>, vector<16xi32>,
      %reduce_sum3A_355 = arith.constant true
      %reduce_sum3A_356 = vector.broadcast %reduce_sum3A_355 : i1 to vector<16xi1>
      %reduce_sum3A_357 = tpu.scan <sum>, %get3A_354 masked %reduce_sum3A_356 : vector<16xi32>, vector<16xi1> -> vector<16xi32>
      %reduce_sum3A_358 = vector.extract %reduce_sum3A_357[15] : i32 from vector<16xi32>
      %eq3A_359 = arith.constant 1 : i32
      %eq3A_360 = vector.broadcast %eq3A_359 : i32 to vector<16xi32>
      %eq3A_361 = arith.cmpi eq, %iota3A, %eq3A_360 : vector<16xi32>
      %broadcast_in_dim3A_362 = vector.broadcast %reduce_sum3A_358 : i32 to vector<16xi32>
      %select_n3A_363 = arith.select %eq3A_361, %broadcast_in_dim3A_362, %select_n3A_346 : vector<16xi1>, vector<16xi32>
      %mul3A_364 = arith.constant 16 : i32
      %mul3A_365 = arith.muli %scan3A_328, %mul3A_364 : i32
      %add3A_366 = arith.constant 2 : i32
      %add3A_367 = arith.addi %mul3A_365, %add3A_366 : i32
      %mul3A_368 = arith.constant 16 : i32
      %mul3A_369 = arith.muli %add3A_367, %mul3A_368 : i32
      %get3A_370 = arith.index_cast %mul3A_369 : i32 to index
      %get3A_371 = tpu.vector_load %arg10[%get3A_370] {strides = array<i32>} : memref<8192xi32, #tpu.memory_space<vmem>>, vector<16xi32>,
      %reduce_sum3A_372 = arith.constant true
      %reduce_sum3A_373 = vector.broadcast %reduce_sum3A_372 : i1 to vector<16xi1>
      %reduce_sum3A_374 = tpu.scan <sum>, %get3A_371 masked %reduce_sum3A_373 : vector<16xi32>, vector<16xi1> -> vector<16xi32>
      %reduce_sum3A_375 = vector.extract %reduce_sum3A_374[15] : i32 from vector<16xi32>
      %eq3A_376 = arith.constant 2 : i32
      %eq3A_377 = vector.broadcast %eq3A_376 : i32 to vector<16xi32>
      %eq3A_378 = arith.cmpi eq, %iota3A, %eq3A_377 : vector<16xi32>
      %broadcast_in_dim3A_379 = vector.broadcast %reduce_sum3A_375 : i32 to vector<16xi32>
      %select_n3A_380 = arith.select %eq3A_378, %broadcast_in_dim3A_379, %select_n3A_363 : vector<16xi1>, vector<16xi32>
      %mul3A_381 = arith.constant 16 : i32
      %mul3A_382 = arith.muli %scan3A_328, %mul3A_381 : i32
      %add3A_383 = arith.constant 3 : i32
      %add3A_384 = arith.addi %mul3A_382, %add3A_383 : i32
      %mul3A_385 = arith.constant 16 : i32
      %mul3A_386 = arith.muli %add3A_384, %mul3A_385 : i32
      %get3A_387 = arith.index_cast %mul3A_386 : i32 to index
      %get3A_388 = tpu.vector_load %arg10[%get3A_387] {strides = array<i32>} : memref<8192xi32, #tpu.memory_space<vmem>>, vector<16xi32>,
      %reduce_sum3A_389 = arith.constant true
      %reduce_sum3A_390 = vector.broadcast %reduce_sum3A_389 : i1 to vector<16xi1>
      %reduce_sum3A_391 = tpu.scan <sum>, %get3A_388 masked %reduce_sum3A_390 : vector<16xi32>, vector<16xi1> -> vector<16xi32>
      %reduce_sum3A_392 = vector.extract %reduce_sum3A_391[15] : i32 from vector<16xi32>
      %eq3A_393 = arith.constant 3 : i32
      %eq3A_394 = vector.broadcast %eq3A_393 : i32 to vector<16xi32>
      %eq3A_395 = arith.cmpi eq, %iota3A, %eq3A_394 : vector<16xi32>
      %broadcast_in_dim3A_396 = vector.broadcast %reduce_sum3A_392 : i32 to vector<16xi32>
      %select_n3A_397 = arith.select %eq3A_395, %broadcast_in_dim3A_396, %select_n3A_380 : vector<16xi1>, vector<16xi32>
      %mul3A_398 = arith.constant 16 : i32
      %mul3A_399 = arith.muli %scan3A_328, %mul3A_398 : i32
      %add3A_400 = arith.constant 4 : i32
      %add3A_401 = arith.addi %mul3A_399, %add3A_400 : i32
      %mul3A_402 = arith.constant 16 : i32
      %mul3A_403 = arith.muli %add3A_401, %mul3A_402 : i32
      %get3A_404 = arith.index_cast %mul3A_403 : i32 to index
      %get3A_405 = tpu.vector_load %arg10[%get3A_404] {strides = array<i32>} : memref<8192xi32, #tpu.memory_space<vmem>>, vector<16xi32>,
      %reduce_sum3A_406 = arith.constant true
      %reduce_sum3A_407 = vector.broadcast %reduce_sum3A_406 : i1 to vector<16xi1>
      %reduce_sum3A_408 = tpu.scan <sum>, %get3A_405 masked %reduce_sum3A_407 : vector<16xi32>, vector<16xi1> -> vector<16xi32>
      %reduce_sum3A_409 = vector.extract %reduce_sum3A_408[15] : i32 from vector<16xi32>
      %eq3A_410 = arith.constant 4 : i32
      %eq3A_411 = vector.broadcast %eq3A_410 : i32 to vector<16xi32>
      %eq3A_412 = arith.cmpi eq, %iota3A, %eq3A_411 : vector<16xi32>
      %broadcast_in_dim3A_413 = vector.broadcast %reduce_sum3A_409 : i32 to vector<16xi32>
      %select_n3A_414 = arith.select %eq3A_412, %broadcast_in_dim3A_413, %select_n3A_397 : vector<16xi1>, vector<16xi32>
      %mul3A_415 = arith.constant 16 : i32
      %mul3A_416 = arith.muli %scan3A_328, %mul3A_415 : i32
      %add3A_417 = arith.constant 5 : i32
      %add3A_418 = arith.addi %mul3A_416, %add3A_417 : i32
      %mul3A_419 = arith.constant 16 : i32
      %mul3A_420 = arith.muli %add3A_418, %mul3A_419 : i32
      %get3A_421 = arith.index_cast %mul3A_420 : i32 to index
      %get3A_422 = tpu.vector_load %arg10[%get3A_421] {strides = array<i32>} : memref<8192xi32, #tpu.memory_space<vmem>>, vector<16xi32>,
      %reduce_sum3A_423 = arith.constant true
      %reduce_sum3A_424 = vector.broadcast %reduce_sum3A_423 : i1 to vector<16xi1>
      %reduce_sum3A_425 = tpu.scan <sum>, %get3A_422 masked %reduce_sum3A_424 : vector<16xi32>, vector<16xi1> -> vector<16xi32>
      %reduce_sum3A_426 = vector.extract %reduce_sum3A_425[15] : i32 from vector<16xi32>
      %eq3A_427 = arith.constant 5 : i32
      %eq3A_428 = vector.broadcast %eq3A_427 : i32 to vector<16xi32>
      %eq3A_429 = arith.cmpi eq, %iota3A, %eq3A_428 : vector<16xi32>
      %broadcast_in_dim3A_430 = vector.broadcast %reduce_sum3A_426 : i32 to vector<16xi32>
      %select_n3A_431 = arith.select %eq3A_429, %broadcast_in_dim3A_430, %select_n3A_414 : vector<16xi1>, vector<16xi32>
      %mul3A_432 = arith.constant 16 : i32
      %mul3A_433 = arith.muli %scan3A_328, %mul3A_432 : i32
      %add3A_434 = arith.constant 6 : i32
      %add3A_435 = arith.addi %mul3A_433, %add3A_434 : i32
      %mul3A_436 = arith.constant 16 : i32
      %mul3A_437 = arith.muli %add3A_435, %mul3A_436 : i32
      %get3A_438 = arith.index_cast %mul3A_437 : i32 to index
      %get3A_439 = tpu.vector_load %arg10[%get3A_438] {strides = array<i32>} : memref<8192xi32, #tpu.memory_space<vmem>>, vector<16xi32>,
      %reduce_sum3A_440 = arith.constant true
      %reduce_sum3A_441 = vector.broadcast %reduce_sum3A_440 : i1 to vector<16xi1>
      %reduce_sum3A_442 = tpu.scan <sum>, %get3A_439 masked %reduce_sum3A_441 : vector<16xi32>, vector<16xi1> -> vector<16xi32>
      %reduce_sum3A_443 = vector.extract %reduce_sum3A_442[15] : i32 from vector<16xi32>
      %eq3A_444 = arith.constant 6 : i32
      %eq3A_445 = vector.broadcast %eq3A_444 : i32 to vector<16xi32>
      %eq3A_446 = arith.cmpi eq, %iota3A, %eq3A_445 : vector<16xi32>
      %broadcast_in_dim3A_447 = vector.broadcast %reduce_sum3A_443 : i32 to vector<16xi32>
      %select_n3A_448 = arith.select %eq3A_446, %broadcast_in_dim3A_447, %select_n3A_431 : vector<16xi1>, vector<16xi32>
      %mul3A_449 = arith.constant 16 : i32
      %mul3A_450 = arith.muli %scan3A_328, %mul3A_449 : i32
      %add3A_451 = arith.constant 7 : i32
      %add3A_452 = arith.addi %mul3A_450, %add3A_451 : i32
      %mul3A_453 = arith.constant 16 : i32
      %mul3A_454 = arith.muli %add3A_452, %mul3A_453 : i32
      %get3A_455 = arith.index_cast %mul3A_454 : i32 to index
      %get3A_456 = tpu.vector_load %arg10[%get3A_455] {strides = array<i32>} : memref<8192xi32, #tpu.memory_space<vmem>>, vector<16xi32>,
      %reduce_sum3A_457 = arith.constant true
      %reduce_sum3A_458 = vector.broadcast %reduce_sum3A_457 : i1 to vector<16xi1>
      %reduce_sum3A_459 = tpu.scan <sum>, %get3A_456 masked %reduce_sum3A_458 : vector<16xi32>, vector<16xi1> -> vector<16xi32>
      %reduce_sum3A_460 = vector.extract %reduce_sum3A_459[15] : i32 from vector<16xi32>
      %eq3A_461 = arith.constant 7 : i32
      %eq3A_462 = vector.broadcast %eq3A_461 : i32 to vector<16xi32>
      %eq3A_463 = arith.cmpi eq, %iota3A, %eq3A_462 : vector<16xi32>
      %broadcast_in_dim3A_464 = vector.broadcast %reduce_sum3A_460 : i32 to vector<16xi32>
      %select_n3A_465 = arith.select %eq3A_463, %broadcast_in_dim3A_464, %select_n3A_448 : vector<16xi1>, vector<16xi32>
      %mul3A_466 = arith.constant 16 : i32
      %mul3A_467 = arith.muli %scan3A_328, %mul3A_466 : i32
      %add3A_468 = arith.constant 8 : i32
      %add3A_469 = arith.addi %mul3A_467, %add3A_468 : i32
      %mul3A_470 = arith.constant 16 : i32
      %mul3A_471 = arith.muli %add3A_469, %mul3A_470 : i32
      %get3A_472 = arith.index_cast %mul3A_471 : i32 to index
      %get3A_473 = tpu.vector_load %arg10[%get3A_472] {strides = array<i32>} : memref<8192xi32, #tpu.memory_space<vmem>>, vector<16xi32>,
      %reduce_sum3A_474 = arith.constant true
      %reduce_sum3A_475 = vector.broadcast %reduce_sum3A_474 : i1 to vector<16xi1>
      %reduce_sum3A_476 = tpu.scan <sum>, %get3A_473 masked %reduce_sum3A_475 : vector<16xi32>, vector<16xi1> -> vector<16xi32>
      %reduce_sum3A_477 = vector.extract %reduce_sum3A_476[15] : i32 from vector<16xi32>
      %eq3A_478 = arith.constant 8 : i32
      %eq3A_479 = vector.broadcast %eq3A_478 : i32 to vector<16xi32>
      %eq3A_480 = arith.cmpi eq, %iota3A, %eq3A_479 : vector<16xi32>
      %broadcast_in_dim3A_481 = vector.broadcast %reduce_sum3A_477 : i32 to vector<16xi32>
      %select_n3A_482 = arith.select %eq3A_480, %broadcast_in_dim3A_481, %select_n3A_465 : vector<16xi1>, vector<16xi32>
      %mul3A_483 = arith.constant 16 : i32
      %mul3A_484 = arith.muli %scan3A_328, %mul3A_483 : i32
      %add3A_485 = arith.constant 9 : i32
      %add3A_486 = arith.addi %mul3A_484, %add3A_485 : i32
      %mul3A_487 = arith.constant 16 : i32
      %mul3A_488 = arith.muli %add3A_486, %mul3A_487 : i32
      %get3A_489 = arith.index_cast %mul3A_488 : i32 to index
      %get3A_490 = tpu.vector_load %arg10[%get3A_489] {strides = array<i32>} : memref<8192xi32, #tpu.memory_space<vmem>>, vector<16xi32>,
      %reduce_sum3A_491 = arith.constant true
      %reduce_sum3A_492 = vector.broadcast %reduce_sum3A_491 : i1 to vector<16xi1>
      %reduce_sum3A_493 = tpu.scan <sum>, %get3A_490 masked %reduce_sum3A_492 : vector<16xi32>, vector<16xi1> -> vector<16xi32>
      %reduce_sum3A_494 = vector.extract %reduce_sum3A_493[15] : i32 from vector<16xi32>
      %eq3A_495 = arith.constant 9 : i32
      %eq3A_496 = vector.broadcast %eq3A_495 : i32 to vector<16xi32>
      %eq3A_497 = arith.cmpi eq, %iota3A, %eq3A_496 : vector<16xi32>
      %broadcast_in_dim3A_498 = vector.broadcast %reduce_sum3A_494 : i32 to vector<16xi32>
      %select_n3A_499 = arith.select %eq3A_497, %broadcast_in_dim3A_498, %select_n3A_482 : vector<16xi1>, vector<16xi32>
      %mul3A_500 = arith.constant 16 : i32
      %mul3A_501 = arith.muli %scan3A_328, %mul3A_500 : i32
      %add3A_502 = arith.constant 10 : i32
      %add3A_503 = arith.addi %mul3A_501, %add3A_502 : i32
      %mul3A_504 = arith.constant 16 : i32
      %mul3A_505 = arith.muli %add3A_503, %mul3A_504 : i32
      %get3A_506 = arith.index_cast %mul3A_505 : i32 to index
      %get3A_507 = tpu.vector_load %arg10[%get3A_506] {strides = array<i32>} : memref<8192xi32, #tpu.memory_space<vmem>>, vector<16xi32>,
      %reduce_sum3A_508 = arith.constant true
      %reduce_sum3A_509 = vector.broadcast %reduce_sum3A_508 : i1 to vector<16xi1>
      %reduce_sum3A_510 = tpu.scan <sum>, %get3A_507 masked %reduce_sum3A_509 : vector<16xi32>, vector<16xi1> -> vector<16xi32>
      %reduce_sum3A_511 = vector.extract %reduce_sum3A_510[15] : i32 from vector<16xi32>
      %eq3A_512 = arith.constant 10 : i32
      %eq3A_513 = vector.broadcast %eq3A_512 : i32 to vector<16xi32>
      %eq3A_514 = arith.cmpi eq, %iota3A, %eq3A_513 : vector<16xi32>
      %broadcast_in_dim3A_515 = vector.broadcast %reduce_sum3A_511 : i32 to vector<16xi32>
      %select_n3A_516 = arith.select %eq3A_514, %broadcast_in_dim3A_515, %select_n3A_499 : vector<16xi1>, vector<16xi32>
      %mul3A_517 = arith.constant 16 : i32
      %mul3A_518 = arith.muli %scan3A_328, %mul3A_517 : i32
      %add3A_519 = arith.constant 11 : i32
      %add3A_520 = arith.addi %mul3A_518, %add3A_519 : i32
      %mul3A_521 = arith.constant 16 : i32
      %mul3A_522 = arith.muli %add3A_520, %mul3A_521 : i32
      %get3A_523 = arith.index_cast %mul3A_522 : i32 to index
      %get3A_524 = tpu.vector_load %arg10[%get3A_523] {strides = array<i32>} : memref<8192xi32, #tpu.memory_space<vmem>>, vector<16xi32>,
      %reduce_sum3A_525 = arith.constant true
      %reduce_sum3A_526 = vector.broadcast %reduce_sum3A_525 : i1 to vector<16xi1>
      %reduce_sum3A_527 = tpu.scan <sum>, %get3A_524 masked %reduce_sum3A_526 : vector<16xi32>, vector<16xi1> -> vector<16xi32>
      %reduce_sum3A_528 = vector.extract %reduce_sum3A_527[15] : i32 from vector<16xi32>
      %eq3A_529 = arith.constant 11 : i32
      %eq3A_530 = vector.broadcast %eq3A_529 : i32 to vector<16xi32>
      %eq3A_531 = arith.cmpi eq, %iota3A, %eq3A_530 : vector<16xi32>
      %broadcast_in_dim3A_532 = vector.broadcast %reduce_sum3A_528 : i32 to vector<16xi32>
      %select_n3A_533 = arith.select %eq3A_531, %broadcast_in_dim3A_532, %select_n3A_516 : vector<16xi1>, vector<16xi32>
      %mul3A_534 = arith.constant 16 : i32
      %mul3A_535 = arith.muli %scan3A_328, %mul3A_534 : i32
      %add3A_536 = arith.constant 12 : i32
      %add3A_537 = arith.addi %mul3A_535, %add3A_536 : i32
      %mul3A_538 = arith.constant 16 : i32
      %mul3A_539 = arith.muli %add3A_537, %mul3A_538 : i32
      %get3A_540 = arith.index_cast %mul3A_539 : i32 to index
      %get3A_541 = tpu.vector_load %arg10[%get3A_540] {strides = array<i32>} : memref<8192xi32, #tpu.memory_space<vmem>>, vector<16xi32>,
      %reduce_sum3A_542 = arith.constant true
      %reduce_sum3A_543 = vector.broadcast %reduce_sum3A_542 : i1 to vector<16xi1>
      %reduce_sum3A_544 = tpu.scan <sum>, %get3A_541 masked %reduce_sum3A_543 : vector<16xi32>, vector<16xi1> -> vector<16xi32>
      %reduce_sum3A_545 = vector.extract %reduce_sum3A_544[15] : i32 from vector<16xi32>
      %eq3A_546 = arith.constant 12 : i32
      %eq3A_547 = vector.broadcast %eq3A_546 : i32 to vector<16xi32>
      %eq3A_548 = arith.cmpi eq, %iota3A, %eq3A_547 : vector<16xi32>
      %broadcast_in_dim3A_549 = vector.broadcast %reduce_sum3A_545 : i32 to vector<16xi32>
      %select_n3A_550 = arith.select %eq3A_548, %broadcast_in_dim3A_549, %select_n3A_533 : vector<16xi1>, vector<16xi32>
      %mul3A_551 = arith.constant 16 : i32
      %mul3A_552 = arith.muli %scan3A_328, %mul3A_551 : i32
      %add3A_553 = arith.constant 13 : i32
      %add3A_554 = arith.addi %mul3A_552, %add3A_553 : i32
      %mul3A_555 = arith.constant 16 : i32
      %mul3A_556 = arith.muli %add3A_554, %mul3A_555 : i32
      %get3A_557 = arith.index_cast %mul3A_556 : i32 to index
      %get3A_558 = tpu.vector_load %arg10[%get3A_557] {strides = array<i32>} : memref<8192xi32, #tpu.memory_space<vmem>>, vector<16xi32>,
      %reduce_sum3A_559 = arith.constant true
      %reduce_sum3A_560 = vector.broadcast %reduce_sum3A_559 : i1 to vector<16xi1>
      %reduce_sum3A_561 = tpu.scan <sum>, %get3A_558 masked %reduce_sum3A_560 : vector<16xi32>, vector<16xi1> -> vector<16xi32>
      %reduce_sum3A_562 = vector.extract %reduce_sum3A_561[15] : i32 from vector<16xi32>
      %eq3A_563 = arith.constant 13 : i32
      %eq3A_564 = vector.broadcast %eq3A_563 : i32 to vector<16xi32>
      %eq3A_565 = arith.cmpi eq, %iota3A, %eq3A_564 : vector<16xi32>
      %broadcast_in_dim3A_566 = vector.broadcast %reduce_sum3A_562 : i32 to vector<16xi32>
      %select_n3A_567 = arith.select %eq3A_565, %broadcast_in_dim3A_566, %select_n3A_550 : vector<16xi1>, vector<16xi32>
      %mul3A_568 = arith.constant 16 : i32
      %mul3A_569 = arith.muli %scan3A_328, %mul3A_568 : i32
      %add3A_570 = arith.constant 14 : i32
      %add3A_571 = arith.addi %mul3A_569, %add3A_570 : i32
      %mul3A_572 = arith.constant 16 : i32
      %mul3A_573 = arith.muli %add3A_571, %mul3A_572 : i32
      %get3A_574 = arith.index_cast %mul3A_573 : i32 to index
      %get3A_575 = tpu.vector_load %arg10[%get3A_574] {strides = array<i32>} : memref<8192xi32, #tpu.memory_space<vmem>>, vector<16xi32>,
      %reduce_sum3A_576 = arith.constant true
      %reduce_sum3A_577 = vector.broadcast %reduce_sum3A_576 : i1 to vector<16xi1>
      %reduce_sum3A_578 = tpu.scan <sum>, %get3A_575 masked %reduce_sum3A_577 : vector<16xi32>, vector<16xi1> -> vector<16xi32>
      %reduce_sum3A_579 = vector.extract %reduce_sum3A_578[15] : i32 from vector<16xi32>
      %eq3A_580 = arith.constant 14 : i32
      %eq3A_581 = vector.broadcast %eq3A_580 : i32 to vector<16xi32>
      %eq3A_582 = arith.cmpi eq, %iota3A, %eq3A_581 : vector<16xi32>
      %broadcast_in_dim3A_583 = vector.broadcast %reduce_sum3A_579 : i32 to vector<16xi32>
      %select_n3A_584 = arith.select %eq3A_582, %broadcast_in_dim3A_583, %select_n3A_567 : vector<16xi1>, vector<16xi32>
      %mul3A_585 = arith.constant 16 : i32
      %mul3A_586 = arith.muli %scan3A_328, %mul3A_585 : i32
      %add3A_587 = arith.constant 15 : i32
      %add3A_588 = arith.addi %mul3A_586, %add3A_587 : i32
      %mul3A_589 = arith.constant 16 : i32
      %mul3A_590 = arith.muli %add3A_588, %mul3A_589 : i32
      %get3A_591 = arith.index_cast %mul3A_590 : i32 to index
      %get3A_592 = tpu.vector_load %arg10[%get3A_591] {strides = array<i32>} : memref<8192xi32, #tpu.memory_space<vmem>>, vector<16xi32>,
      %reduce_sum3A_593 = arith.constant true
      %reduce_sum3A_594 = vector.broadcast %reduce_sum3A_593 : i1 to vector<16xi1>
      %reduce_sum3A_595 = tpu.scan <sum>, %get3A_592 masked %reduce_sum3A_594 : vector<16xi32>, vector<16xi1> -> vector<16xi32>
      %reduce_sum3A_596 = vector.extract %reduce_sum3A_595[15] : i32 from vector<16xi32>
      %eq3A_597 = arith.constant 15 : i32
      %eq3A_598 = vector.broadcast %eq3A_597 : i32 to vector<16xi32>
      %eq3A_599 = arith.cmpi eq, %iota3A, %eq3A_598 : vector<16xi32>
      %broadcast_in_dim3A_600 = vector.broadcast %reduce_sum3A_596 : i32 to vector<16xi32>
      %select_n3A_601 = arith.select %eq3A_599, %broadcast_in_dim3A_600, %select_n3A_584 : vector<16xi1>, vector<16xi32>
      %mul3A_602 = arith.constant 16 : i32
      %mul3A_603 = arith.muli %scan3A_328, %mul3A_602 : i32
      %swap3A_604 = arith.index_cast %mul3A_603 : i32 to index
      %swap3A_605 = tpu.vector_load %arg11[%swap3A_604] {strides = array<i32>} : memref<512xi32, #tpu.memory_space<vmem>>, vector<16xi32>,
      tpu.vector_store %arg11[%swap3A_604], %select_n3A_601 {strides = array<i32>} : memref<512xi32, #tpu.memory_space<vmem>>, vector<16xi32>,
      %scan3A_606 = arith.constant 0 : i32
      scf.yield %scan3A_606 : i32
    }
    %scan3A_118 = arith.constant 16 : i32
    "tpu.region"() ({
      %run_scoped3A = tpu.sem_alloc : memref<!tpu.dma_semaphore, #tpu.memory_space<semaphore_mem>>
      %dma_start3A = arith.constant 0 : i32
      %dma_start3A_328 = tpu.memref_slice %arg16[%arg1, %dma_start3A] : memref<16x512xi32, #tpu.memory_space<vmem_shared>> -> memref<1x512xi32, #tpu.memory_space<vmem_shared>>
      %dma_start3A_329 = tpu.memref_squeeze %dma_start3A_328 : memref<1x512xi32, #tpu.memory_space<vmem_shared>> -> memref<512xi32, #tpu.memory_space<vmem_shared>>
      %dma_start3A_330 = arith.constant 0 : i32
      %dma_start3A_331 = tpu.memref_slice %arg16[%arg1, %dma_start3A_330] : memref<16x512xi32, #tpu.memory_space<vmem_shared>> -> memref<1x512xi32, #tpu.memory_space<vmem_shared>>
      %dma_start3A_332 = tpu.memref_squeeze %dma_start3A_331 : memref<1x512xi32, #tpu.memory_space<vmem_shared>> -> memref<512xi32, #tpu.memory_space<vmem_shared>>
      tpu.enqueue_dma source(%arg11 : memref<512xi32, #tpu.memory_space<vmem>>) target(%dma_start3A_332 : memref<512xi32, #tpu.memory_space<vmem_shared>>) target_semaphore(%run_scoped3A : memref<!tpu.dma_semaphore, #tpu.memory_space<semaphore_mem>>)
      %dma_wait3A = arith.constant 0 : i32
      %dma_wait3A_333 = tpu.memref_slice %arg16[%arg1, %dma_wait3A] : memref<16x512xi32, #tpu.memory_space<vmem_shared>> -> memref<1x512xi32, #tpu.memory_space<vmem_shared>>
      %dma_wait3A_334 = tpu.memref_squeeze %dma_wait3A_333 : memref<1x512xi32, #tpu.memory_space<vmem_shared>> -> memref<512xi32, #tpu.memory_space<vmem_shared>>
      %dma_wait3A_335 = arith.constant 0 : i32
      %dma_wait3A_336 = tpu.memref_slice %arg16[%arg1, %dma_wait3A_335] : memref<16x512xi32, #tpu.memory_space<vmem_shared>> -> memref<1x512xi32, #tpu.memory_space<vmem_shared>>
      %dma_wait3A_337 = tpu.memref_squeeze %dma_wait3A_336 : memref<1x512xi32, #tpu.memory_space<vmem_shared>> -> memref<512xi32, #tpu.memory_space<vmem_shared>>
      tpu.wait_dma2 semaphore(%run_scoped3A : memref<!tpu.dma_semaphore, #tpu.memory_space<semaphore_mem>>) src(%arg11 : memref<512xi32, #tpu.memory_space<vmem>>) dst(%dma_wait3A_337 : memref<512xi32, #tpu.memory_space<vmem_shared>>)
      tpu.yield
    }) : () -> ()
    %barrier3A_119 = arith.constant 0 : index
    tpu.barrier barrier_id(%barrier3A_119)
    %mul3A_120 = arith.constant 4 : i32
    %mul3A_121 = arith.muli %select_n3A, %mul3A_120 : i32
    "tpu.region"() ({
      %run_scoped3A = tpu.sem_alloc : memref<!tpu.dma_semaphore, #tpu.memory_space<semaphore_mem>>
      %dma_start3A = arith.constant 0 : i32
      %dma_start3A_328 = tpu.memref_slice %arg16[%mul3A_121, %dma_start3A] : memref<16x512xi32, #tpu.memory_space<vmem_shared>> -> memref<4x512xi32, #tpu.memory_space<vmem_shared>>
      %dma_start3A_329 = arith.constant 0 : i32
      %dma_start3A_330 = tpu.memref_slice %arg16[%mul3A_121, %dma_start3A_329] : memref<16x512xi32, #tpu.memory_space<vmem_shared>> -> memref<4x512xi32, #tpu.memory_space<vmem_shared>>
      tpu.enqueue_dma source(%dma_start3A_330 : memref<4x512xi32, #tpu.memory_space<vmem_shared>>) target(%arg12 : memref<4x512xi32, #tpu.memory_space<vmem>>) target_semaphore(%run_scoped3A : memref<!tpu.dma_semaphore, #tpu.memory_space<semaphore_mem>>)
      %dma_wait3A = arith.constant 0 : i32
      %dma_wait3A_331 = tpu.memref_slice %arg16[%mul3A_121, %dma_wait3A] : memref<16x512xi32, #tpu.memory_space<vmem_shared>> -> memref<4x512xi32, #tpu.memory_space<vmem_shared>>
      %dma_wait3A_332 = arith.constant 0 : i32
      %dma_wait3A_333 = tpu.memref_slice %arg16[%mul3A_121, %dma_wait3A_332] : memref<16x512xi32, #tpu.memory_space<vmem_shared>> -> memref<4x512xi32, #tpu.memory_space<vmem_shared>>
      tpu.wait_dma2 semaphore(%run_scoped3A : memref<!tpu.dma_semaphore, #tpu.memory_space<semaphore_mem>>) src(%dma_wait3A_333 : memref<4x512xi32, #tpu.memory_space<vmem_shared>>) dst(%arg12 : memref<4x512xi32, #tpu.memory_space<vmem>>)
      tpu.yield
    }) : () -> ()
    %barrier3A_122 = arith.constant 0 : index
    tpu.barrier barrier_id(%barrier3A_122)
    %scan3A_123 = arith.constant 0 : i32
    %scan3A_124 = arith.constant 0 : i32
    %scan3A_125 = arith.constant 0 : i32
    %scan3A_126 = arith.constant 0 : i32
    %scan3A_127 = arith.constant 0 : i32
    %scan3A_128 = arith.constant 16 : i32
    %scan3A_129 = arith.addi %scan3A_127, %scan3A_128 : i32
    %scan3A_130 = arith.constant 1 : i32
    %scan3A_131:4 = scf.for %scan3A_328 = %scan3A_127 to %scan3A_129 step %scan3A_130 iter_args(%scan3A_329 = %scan3A_123, %scan3A_330 = %scan3A_124, %scan3A_331 = %scan3A_125, %scan3A_332 = %scan3A_126) -> (i32, i32, i32, i32)  : i32 {
      %mul3A_333 = arith.constant 16 : i32
      %mul3A_334 = arith.muli %scan3A_328, %mul3A_333 : i32
      %get3A_335 = arith.constant 0 : i32
      %get3A_336 = arith.index_cast %get3A_335 : i32 to index
      %get3A_337 = arith.index_cast %mul3A_334 : i32 to index
      %get3A_338 = tpu.vector_load %arg12[%get3A_336, %get3A_337] {strides = array<i32>} : memref<4x512xi32, #tpu.memory_space<vmem>>, vector<16xi32>,
      %mul3A_339 = arith.constant 16 : i32
      %mul3A_340 = arith.muli %scan3A_328, %mul3A_339 : i32
      %get3A_341 = arith.constant 1 : i32
      %get3A_342 = arith.index_cast %get3A_341 : i32 to index
      %get3A_343 = arith.index_cast %mul3A_340 : i32 to index
      %get3A_344 = tpu.vector_load %arg12[%get3A_342, %get3A_343] {strides = array<i32>} : memref<4x512xi32, #tpu.memory_space<vmem>>, vector<16xi32>,
      %add3A_345 = arith.addi %get3A_338, %get3A_344 : vector<16xi32>
      %mul3A_346 = arith.constant 16 : i32
      %mul3A_347 = arith.muli %scan3A_328, %mul3A_346 : i32
      %get3A_348 = arith.constant 2 : i32
      %get3A_349 = arith.index_cast %get3A_348 : i32 to index
      %get3A_350 = arith.index_cast %mul3A_347 : i32 to index
      %get3A_351 = tpu.vector_load %arg12[%get3A_349, %get3A_350] {strides = array<i32>} : memref<4x512xi32, #tpu.memory_space<vmem>>, vector<16xi32>,
      %add3A_352 = arith.addi %add3A_345, %get3A_351 : vector<16xi32>
      %mul3A_353 = arith.constant 16 : i32
      %mul3A_354 = arith.muli %scan3A_328, %mul3A_353 : i32
      %get3A_355 = arith.constant 3 : i32
      %get3A_356 = arith.index_cast %get3A_355 : i32 to index
      %get3A_357 = arith.index_cast %mul3A_354 : i32 to index
      %get3A_358 = tpu.vector_load %arg12[%get3A_356, %get3A_357] {strides = array<i32>} : memref<4x512xi32, #tpu.memory_space<vmem>>, vector<16xi32>,
      %add3A_359 = arith.addi %add3A_352, %get3A_358 : vector<16xi32>
      %broadcast_in_dim3A_360 = arith.constant true
      %broadcast_in_dim3A_361 = vector.broadcast %broadcast_in_dim3A_360 : i1 to vector<16xi1>
      %masked_cumsum3A = tpu.scan <sum>, %add3A_359 masked %broadcast_in_dim3A_361 : vector<16xi32>, vector<16xi1> -> vector<16xi32>
      %add3A_362 = vector.broadcast %scan3A_329 : i32 to vector<16xi32>
      %add3A_363 = arith.addi %masked_cumsum3A, %add3A_362 : vector<16xi32>
      %ge3A = vector.broadcast %sub3A_88 : i32 to vector<16xi32>
      %ge3A_364 = arith.cmpi sge, %add3A_363, %ge3A : vector<16xi32>
      %jit3A_365 = arith.constant 16 : i32
      %broadcast_in_dim3A_366 = vector.broadcast %jit3A_365 : i32 to vector<16xi32>
      %select_n3A_367 = arith.select %ge3A_364, %iota3A, %broadcast_in_dim3A_366 : vector<16xi1>, vector<16xi32>
      %reduce_min3A = arith.constant true
      %reduce_min3A_368 = vector.broadcast %reduce_min3A : i1 to vector<16xi1>
      %reduce_min3A_369 = arith.constant -2147483648 : i32
      %reduce_min3A_370 = vector.broadcast %reduce_min3A_369 : i32 to vector<16xi32>
      %reduce_min3A_371 = arith.xori %select_n3A_367, %reduce_min3A_370 : vector<16xi32>
      %reduce_min3A_372 = tpu.scan <min>, %reduce_min3A_371 masked %reduce_min3A_368 : vector<16xi32>, vector<16xi1> -> vector<16xi32>
      %reduce_min3A_373 = arith.xori %reduce_min3A_372, %reduce_min3A_370 : vector<16xi32>
      %reduce_min3A_374 = vector.extract %reduce_min3A_373[15] : i32 from vector<16xi32>
      %lt3A_375 = arith.constant 16 : i32
      %lt3A_376 = arith.cmpi slt, %reduce_min3A_374, %lt3A_375 : i32
      %eq3A_377 = arith.constant 0 : i32
      %eq3A_378 = arith.cmpi eq, %scan3A_330, %eq3A_377 : i32
      %and3A_379 = arith.andi %lt3A_376, %eq3A_378 : i1
      %lt3A_380 = vector.broadcast %reduce_min3A_374 : i32 to vector<16xi32>
      %lt3A_381 = arith.cmpi slt, %iota3A, %lt3A_380 : vector<16xi32>
      %jit3A_382 = arith.constant 0 : i32
      %broadcast_in_dim3A_383 = vector.broadcast %jit3A_382 : i32 to vector<16xi32>
      %select_n3A_384 = arith.select %lt3A_381, %add3A_359, %broadcast_in_dim3A_383 : vector<16xi1>, vector<16xi32>
      %reduce_sum3A_385 = arith.constant true
      %reduce_sum3A_386 = vector.broadcast %reduce_sum3A_385 : i1 to vector<16xi1>
      %reduce_sum3A_387 = tpu.scan <sum>, %select_n3A_384 masked %reduce_sum3A_386 : vector<16xi32>, vector<16xi1> -> vector<16xi32>
      %reduce_sum3A_388 = vector.extract %reduce_sum3A_387[15] : i32 from vector<16xi32>
      %mul3A_389 = arith.constant 16 : i32
      %mul3A_390 = arith.muli %scan3A_328, %mul3A_389 : i32
      %add3A_391 = arith.addi %mul3A_390, %reduce_min3A_374 : i32
      %select_n3A_392 = arith.select %and3A_379, %add3A_391, %scan3A_331 : i32
      %add3A_393 = arith.addi %scan3A_329, %reduce_sum3A_388 : i32
      %select_n3A_394 = arith.select %and3A_379, %add3A_393, %scan3A_332 : i32
      %jit3A_395 = arith.constant 1 : i32
      %select_n3A_396 = arith.select %and3A_379, %jit3A_395, %scan3A_330 : i32
      %reduce_sum3A_397 = arith.constant true
      %reduce_sum3A_398 = vector.broadcast %reduce_sum3A_397 : i1 to vector<16xi1>
      %reduce_sum3A_399 = tpu.scan <sum>, %add3A_359 masked %reduce_sum3A_398 : vector<16xi32>, vector<16xi1> -> vector<16xi32>
      %reduce_sum3A_400 = vector.extract %reduce_sum3A_399[15] : i32 from vector<16xi32>
      %add3A_401 = arith.addi %scan3A_329, %reduce_sum3A_400 : i32
      scf.yield %add3A_401, %select_n3A_396, %select_n3A_392, %select_n3A_394 : i32, i32, i32, i32
    }
    %scan3A_132 = arith.constant 16 : i32
    %sub3A_133 = arith.subi %sub3A_88, %scan3A_131#3 : i32
    %mul3A_134 = arith.constant 256 : i32
    %mul3A_135 = arith.muli %scan3A_86#2, %mul3A_134 : i32
    %add3A_136 = arith.addi %mul3A_135, %scan3A_131#2 : i32
    %add3A_137 = arith.constant 15 : i32
    %add3A_138 = arith.addi %reduce_max3A_110, %add3A_137 : i32
    %jit3A_139 = arith.constant 16 : i32
    %div3A_140 = arith.divsi %add3A_138, %jit3A_139 : i32
    %sign3A_141 = arith.constant 0 : i32
    %sign3A_142 = arith.cmpi sgt, %add3A_138, %sign3A_141 : i32
    %sign3A_143 = arith.extui %sign3A_142 : i1 to i32
    %sign3A_144 = arith.constant 0 : i32
    %sign3A_145 = arith.cmpi slt, %add3A_138, %sign3A_144 : i32
    %sign3A_146 = arith.extui %sign3A_145 : i1 to i32
    %sign3A_147 = arith.subi %sign3A_143, %sign3A_146 : i32
    %sign3A_148 = arith.constant 0 : i32
    %sign3A_149 = arith.cmpi sgt, %jit3A_139, %sign3A_148 : i32
    %sign3A_150 = arith.extui %sign3A_149 : i1 to i32
    %sign3A_151 = arith.constant 0 : i32
    %sign3A_152 = arith.cmpi slt, %jit3A_139, %sign3A_151 : i32
    %sign3A_153 = arith.extui %sign3A_152 : i1 to i32
    %sign3A_154 = arith.subi %sign3A_150, %sign3A_153 : i32
    %ne3A_155 = arith.cmpi ne, %sign3A_147, %sign3A_154 : i32
    %rem3A_156 = arith.remsi %add3A_138, %jit3A_139 : i32
    %ne3A_157 = arith.constant 0 : i32
    %ne3A_158 = arith.cmpi ne, %rem3A_156, %ne3A_157 : i32
    %and3A_159 = arith.andi %ne3A_155, %ne3A_158 : i1
    %sub3A_160 = arith.constant 1 : i32
    %sub3A_161 = arith.subi %div3A_140, %sub3A_160 : i32
    %select_n3A_162 = arith.select %and3A_159, %sub3A_161, %div3A_140 : i32
    %scan3A_163 = arith.constant 0 : i32
    %scan3A_164 = arith.constant 0 : i32
    %scan3A_165 = arith.constant 128 : i32
    %scan3A_166 = arith.addi %scan3A_164, %scan3A_165 : i32
    %scan3A_167 = arith.constant 4 : i32
    %scan3A_168 = scf.for %scan3A_328 = %scan3A_164 to %scan3A_166 step %scan3A_167 iter_args(%scan3A_329 = %scan3A_163) -> (i32)  : i32 {
      %mul3A_330 = arith.constant 16 : i32
      %mul3A_331 = arith.muli %scan3A_328, %mul3A_330 : i32
      %swap3A_332 = arith.index_cast %mul3A_331 : i32 to index
      %swap3A_333 = tpu.vector_load %arg10[%swap3A_332] {strides = array<i32>} : memref<8192xi32, #tpu.memory_space<vmem>>, vector<16xi32>,
      tpu.vector_store %arg10[%swap3A_332], %broadcast_in_dim3A_38 {strides = array<i32>} : memref<8192xi32, #tpu.memory_space<vmem>>, vector<16xi32>,
      %scan3A_334 = arith.constant 0 : i32
      %scan3A_335 = arith.constant 1 : i32
      %scan3A_336 = arith.addi %scan3A_328, %scan3A_335 : i32
      %mul3A_337 = arith.constant 16 : i32
      %mul3A_338 = arith.muli %scan3A_336, %mul3A_337 : i32
      %swap3A_339 = arith.index_cast %mul3A_338 : i32 to index
      %swap3A_340 = tpu.vector_load %arg10[%swap3A_339] {strides = array<i32>} : memref<8192xi32, #tpu.memory_space<vmem>>, vector<16xi32>,
      tpu.vector_store %arg10[%swap3A_339], %broadcast_in_dim3A_38 {strides = array<i32>} : memref<8192xi32, #tpu.memory_space<vmem>>, vector<16xi32>,
      %scan3A_341 = arith.constant 0 : i32
      %scan3A_342 = arith.constant 2 : i32
      %scan3A_343 = arith.addi %scan3A_328, %scan3A_342 : i32
      %mul3A_344 = arith.constant 16 : i32
      %mul3A_345 = arith.muli %scan3A_343, %mul3A_344 : i32
      %swap3A_346 = arith.index_cast %mul3A_345 : i32 to index
      %swap3A_347 = tpu.vector_load %arg10[%swap3A_346] {strides = array<i32>} : memref<8192xi32, #tpu.memory_space<vmem>>, vector<16xi32>,
      tpu.vector_store %arg10[%swap3A_346], %broadcast_in_dim3A_38 {strides = array<i32>} : memref<8192xi32, #tpu.memory_space<vmem>>, vector<16xi32>,
      %scan3A_348 = arith.constant 0 : i32
      %scan3A_349 = arith.constant 3 : i32
      %scan3A_350 = arith.addi %scan3A_328, %scan3A_349 : i32
      %mul3A_351 = arith.constant 16 : i32
      %mul3A_352 = arith.muli %scan3A_350, %mul3A_351 : i32
      %swap3A_353 = arith.index_cast %mul3A_352 : i32 to index
      %swap3A_354 = tpu.vector_load %arg10[%swap3A_353] {strides = array<i32>} : memref<8192xi32, #tpu.memory_space<vmem>>, vector<16xi32>,
      tpu.vector_store %arg10[%swap3A_353], %broadcast_in_dim3A_38 {strides = array<i32>} : memref<8192xi32, #tpu.memory_space<vmem>>, vector<16xi32>,
      %scan3A_355 = arith.constant 0 : i32
      scf.yield %scan3A_355 : i32
    }
    %scan3A_169 = arith.constant 128 : i32
    %while3A = arith.constant 0 : i32
    %while3A_170 = arith.constant 0 : i32
    %while3A_171 = arith.subi %select_n3A_162, %while3A : i32
    %while3A_172 = arith.addi %while3A, %while3A_171 : i32
    %while3A_173 = arith.constant 1 : i32
    %while3A_174 = arith.divsi %while3A_171, %while3A_173 : i32
    %while3A_175 = arith.muli %while3A_174, %while3A_173 : i32
    %while3A_176 = arith.addi %while3A, %while3A_175 : i32
    %while3A_177 = arith.constant 1 : i32
    %while3A_178 = scf.for %while3A_328 = %while3A to %while3A_176 step %while3A_177 iter_args(%while3A_329 = %while3A_170) -> (i32)  : i32 {
      %mul3A_330 = arith.constant 16 : i32
      %mul3A_331 = arith.muli %while3A_328, %mul3A_330 : i32
      %get3A_332 = arith.index_cast %mul3A_331 : i32 to index
      %get3A_333 = tpu.vector_load %arg13[%get3A_332] {strides = array<i32>} : memref<36880xi32, #tpu.memory_space<vmem>>, vector<16xi32>,
      %mul3A_334 = arith.constant 16 : i32
      %mul3A_335 = arith.muli %while3A_328, %mul3A_334 : i32
      %add3A_336 = vector.broadcast %mul3A_335 : i32 to vector<16xi32>
      %add3A_337 = arith.addi %add3A_336, %iota3A : vector<16xi32>
      %lt3A_338 = vector.broadcast %reduce_max3A_110 : i32 to vector<16xi32>
      %lt3A_339 = arith.cmpi slt, %add3A_337, %lt3A_338 : vector<16xi32>
      %shift_right_arithmetic3A = arith.constant 14 : i32
      %shift_right_arithmetic3A_340 = vector.broadcast %shift_right_arithmetic3A : i32 to vector<16xi32>
      %shift_right_arithmetic3A_341 = arith.shrsi %get3A_333, %shift_right_arithmetic3A_340 : vector<16xi32>
      %eq3A_342 = vector.broadcast %add3A_136 : i32 to vector<16xi32>
      %eq3A_343 = arith.cmpi eq, %shift_right_arithmetic3A_341, %eq3A_342 : vector<16xi32>
      %and3A_344 = arith.andi %lt3A_339, %eq3A_343 : vector<16xi1>
      %shift_right_arithmetic3A_345 = arith.constant 7 : i32
      %shift_right_arithmetic3A_346 = vector.broadcast %shift_right_arithmetic3A_345 : i32 to vector<16xi32>
      %shift_right_arithmetic3A_347 = arith.shrsi %get3A_333, %shift_right_arithmetic3A_346 : vector<16xi32>
      %and3A_348 = arith.constant 127 : i32
      %and3A_349 = vector.broadcast %and3A_348 : i32 to vector<16xi32>
      %and3A_350 = arith.andi %shift_right_arithmetic3A_347, %and3A_349 : vector<16xi32>
      %mul3A_351 = arith.constant 16 : i32
      %mul3A_352 = vector.broadcast %mul3A_351 : i32 to vector<16xi32>
      %mul3A_353 = arith.muli %and3A_350, %mul3A_352 : vector<16xi32>
      %add3A_354 = arith.addi %mul3A_353, %iota3A : vector<16xi32>
      tpu.vector_store_idx %arg10[%add3A_354], %broadcast_in_dim3A_36 masked %and3A_344 {add = true} : memref<8192xi32, #tpu.memory_space<vmem>>[vector<16xi32>], vector<16xi32>, vector<16xi1>
      %while3A_355 = arith.constant 0 : i32
      scf.yield %while3A_355 : i32
    }
    %while3A_179 = arith.constant 1 : i32
    %while3A_180 = scf.for %while3A_328 = %while3A_176 to %while3A_172 step %while3A_179 iter_args(%while3A_329 = %while3A_178) -> (i32)  : i32 {
      %mul3A_330 = arith.constant 16 : i32
      %mul3A_331 = arith.muli %while3A_328, %mul3A_330 : i32
      %get3A_332 = arith.index_cast %mul3A_331 : i32 to index
      %get3A_333 = tpu.vector_load %arg13[%get3A_332] {strides = array<i32>} : memref<36880xi32, #tpu.memory_space<vmem>>, vector<16xi32>,
      %mul3A_334 = arith.constant 16 : i32
      %mul3A_335 = arith.muli %while3A_328, %mul3A_334 : i32
      %add3A_336 = vector.broadcast %mul3A_335 : i32 to vector<16xi32>
      %add3A_337 = arith.addi %add3A_336, %iota3A : vector<16xi32>
      %lt3A_338 = vector.broadcast %reduce_max3A_110 : i32 to vector<16xi32>
      %lt3A_339 = arith.cmpi slt, %add3A_337, %lt3A_338 : vector<16xi32>
      %shift_right_arithmetic3A = arith.constant 14 : i32
      %shift_right_arithmetic3A_340 = vector.broadcast %shift_right_arithmetic3A : i32 to vector<16xi32>
      %shift_right_arithmetic3A_341 = arith.shrsi %get3A_333, %shift_right_arithmetic3A_340 : vector<16xi32>
      %eq3A_342 = vector.broadcast %add3A_136 : i32 to vector<16xi32>
      %eq3A_343 = arith.cmpi eq, %shift_right_arithmetic3A_341, %eq3A_342 : vector<16xi32>
      %and3A_344 = arith.andi %lt3A_339, %eq3A_343 : vector<16xi1>
      %shift_right_arithmetic3A_345 = arith.constant 7 : i32
      %shift_right_arithmetic3A_346 = vector.broadcast %shift_right_arithmetic3A_345 : i32 to vector<16xi32>
      %shift_right_arithmetic3A_347 = arith.shrsi %get3A_333, %shift_right_arithmetic3A_346 : vector<16xi32>
      %and3A_348 = arith.constant 127 : i32
      %and3A_349 = vector.broadcast %and3A_348 : i32 to vector<16xi32>
      %and3A_350 = arith.andi %shift_right_arithmetic3A_347, %and3A_349 : vector<16xi32>
      %mul3A_351 = arith.constant 16 : i32
      %mul3A_352 = vector.broadcast %mul3A_351 : i32 to vector<16xi32>
      %mul3A_353 = arith.muli %and3A_350, %mul3A_352 : vector<16xi32>
      %add3A_354 = arith.addi %mul3A_353, %iota3A : vector<16xi32>
      tpu.vector_store_idx %arg10[%add3A_354], %broadcast_in_dim3A_36 masked %and3A_344 {add = true} : memref<8192xi32, #tpu.memory_space<vmem>>[vector<16xi32>], vector<16xi32>, vector<16xi1>
      %while3A_355 = arith.constant 0 : i32
      scf.yield %while3A_355 : i32
    }
    %scan3A_181 = arith.constant 0 : i32
    %scan3A_182 = arith.constant 0 : i32
    %scan3A_183 = arith.constant 8 : i32
    %scan3A_184 = arith.addi %scan3A_182, %scan3A_183 : i32
    %scan3A_185 = arith.constant 1 : i32
    %scan3A_186 = scf.for %scan3A_328 = %scan3A_182 to %scan3A_184 step %scan3A_185 iter_args(%scan3A_329 = %scan3A_181) -> (i32)  : i32 {
      %mul3A_330 = arith.constant 16 : i32
      %mul3A_331 = arith.muli %scan3A_328, %mul3A_330 : i32
      %add3A_332 = arith.constant 0 : i32
      %add3A_333 = arith.addi %mul3A_331, %add3A_332 : i32
      %mul3A_334 = arith.constant 16 : i32
      %mul3A_335 = arith.muli %add3A_333, %mul3A_334 : i32
      %get3A_336 = arith.index_cast %mul3A_335 : i32 to index
      %get3A_337 = tpu.vector_load %arg10[%get3A_336] {strides = array<i32>} : memref<8192xi32, #tpu.memory_space<vmem>>, vector<16xi32>,
      %reduce_sum3A_338 = arith.constant true
      %reduce_sum3A_339 = vector.broadcast %reduce_sum3A_338 : i1 to vector<16xi1>
      %reduce_sum3A_340 = tpu.scan <sum>, %get3A_337 masked %reduce_sum3A_339 : vector<16xi32>, vector<16xi1> -> vector<16xi32>
      %reduce_sum3A_341 = vector.extract %reduce_sum3A_340[15] : i32 from vector<16xi32>
      %eq3A_342 = arith.constant 0 : i32
      %eq3A_343 = vector.broadcast %eq3A_342 : i32 to vector<16xi32>
      %eq3A_344 = arith.cmpi eq, %iota3A, %eq3A_343 : vector<16xi32>
      %broadcast_in_dim3A_345 = vector.broadcast %reduce_sum3A_341 : i32 to vector<16xi32>
      %select_n3A_346 = arith.select %eq3A_344, %broadcast_in_dim3A_345, %broadcast_in_dim3A_38 : vector<16xi1>, vector<16xi32>
      %mul3A_347 = arith.constant 16 : i32
      %mul3A_348 = arith.muli %scan3A_328, %mul3A_347 : i32
      %add3A_349 = arith.constant 1 : i32
      %add3A_350 = arith.addi %mul3A_348, %add3A_349 : i32
      %mul3A_351 = arith.constant 16 : i32
      %mul3A_352 = arith.muli %add3A_350, %mul3A_351 : i32
      %get3A_353 = arith.index_cast %mul3A_352 : i32 to index
      %get3A_354 = tpu.vector_load %arg10[%get3A_353] {strides = array<i32>} : memref<8192xi32, #tpu.memory_space<vmem>>, vector<16xi32>,
      %reduce_sum3A_355 = arith.constant true
      %reduce_sum3A_356 = vector.broadcast %reduce_sum3A_355 : i1 to vector<16xi1>
      %reduce_sum3A_357 = tpu.scan <sum>, %get3A_354 masked %reduce_sum3A_356 : vector<16xi32>, vector<16xi1> -> vector<16xi32>
      %reduce_sum3A_358 = vector.extract %reduce_sum3A_357[15] : i32 from vector<16xi32>
      %eq3A_359 = arith.constant 1 : i32
      %eq3A_360 = vector.broadcast %eq3A_359 : i32 to vector<16xi32>
      %eq3A_361 = arith.cmpi eq, %iota3A, %eq3A_360 : vector<16xi32>
      %broadcast_in_dim3A_362 = vector.broadcast %reduce_sum3A_358 : i32 to vector<16xi32>
      %select_n3A_363 = arith.select %eq3A_361, %broadcast_in_dim3A_362, %select_n3A_346 : vector<16xi1>, vector<16xi32>
      %mul3A_364 = arith.constant 16 : i32
      %mul3A_365 = arith.muli %scan3A_328, %mul3A_364 : i32
      %add3A_366 = arith.constant 2 : i32
      %add3A_367 = arith.addi %mul3A_365, %add3A_366 : i32
      %mul3A_368 = arith.constant 16 : i32
      %mul3A_369 = arith.muli %add3A_367, %mul3A_368 : i32
      %get3A_370 = arith.index_cast %mul3A_369 : i32 to index
      %get3A_371 = tpu.vector_load %arg10[%get3A_370] {strides = array<i32>} : memref<8192xi32, #tpu.memory_space<vmem>>, vector<16xi32>,
      %reduce_sum3A_372 = arith.constant true
      %reduce_sum3A_373 = vector.broadcast %reduce_sum3A_372 : i1 to vector<16xi1>
      %reduce_sum3A_374 = tpu.scan <sum>, %get3A_371 masked %reduce_sum3A_373 : vector<16xi32>, vector<16xi1> -> vector<16xi32>
      %reduce_sum3A_375 = vector.extract %reduce_sum3A_374[15] : i32 from vector<16xi32>
      %eq3A_376 = arith.constant 2 : i32
      %eq3A_377 = vector.broadcast %eq3A_376 : i32 to vector<16xi32>
      %eq3A_378 = arith.cmpi eq, %iota3A, %eq3A_377 : vector<16xi32>
      %broadcast_in_dim3A_379 = vector.broadcast %reduce_sum3A_375 : i32 to vector<16xi32>
      %select_n3A_380 = arith.select %eq3A_378, %broadcast_in_dim3A_379, %select_n3A_363 : vector<16xi1>, vector<16xi32>
      %mul3A_381 = arith.constant 16 : i32
      %mul3A_382 = arith.muli %scan3A_328, %mul3A_381 : i32
      %add3A_383 = arith.constant 3 : i32
      %add3A_384 = arith.addi %mul3A_382, %add3A_383 : i32
      %mul3A_385 = arith.constant 16 : i32
      %mul3A_386 = arith.muli %add3A_384, %mul3A_385 : i32
      %get3A_387 = arith.index_cast %mul3A_386 : i32 to index
      %get3A_388 = tpu.vector_load %arg10[%get3A_387] {strides = array<i32>} : memref<8192xi32, #tpu.memory_space<vmem>>, vector<16xi32>,
      %reduce_sum3A_389 = arith.constant true
      %reduce_sum3A_390 = vector.broadcast %reduce_sum3A_389 : i1 to vector<16xi1>
      %reduce_sum3A_391 = tpu.scan <sum>, %get3A_388 masked %reduce_sum3A_390 : vector<16xi32>, vector<16xi1> -> vector<16xi32>
      %reduce_sum3A_392 = vector.extract %reduce_sum3A_391[15] : i32 from vector<16xi32>
      %eq3A_393 = arith.constant 3 : i32
      %eq3A_394 = vector.broadcast %eq3A_393 : i32 to vector<16xi32>
      %eq3A_395 = arith.cmpi eq, %iota3A, %eq3A_394 : vector<16xi32>
      %broadcast_in_dim3A_396 = vector.broadcast %reduce_sum3A_392 : i32 to vector<16xi32>
      %select_n3A_397 = arith.select %eq3A_395, %broadcast_in_dim3A_396, %select_n3A_380 : vector<16xi1>, vector<16xi32>
      %mul3A_398 = arith.constant 16 : i32
      %mul3A_399 = arith.muli %scan3A_328, %mul3A_398 : i32
      %add3A_400 = arith.constant 4 : i32
      %add3A_401 = arith.addi %mul3A_399, %add3A_400 : i32
      %mul3A_402 = arith.constant 16 : i32
      %mul3A_403 = arith.muli %add3A_401, %mul3A_402 : i32
      %get3A_404 = arith.index_cast %mul3A_403 : i32 to index
      %get3A_405 = tpu.vector_load %arg10[%get3A_404] {strides = array<i32>} : memref<8192xi32, #tpu.memory_space<vmem>>, vector<16xi32>,
      %reduce_sum3A_406 = arith.constant true
      %reduce_sum3A_407 = vector.broadcast %reduce_sum3A_406 : i1 to vector<16xi1>
      %reduce_sum3A_408 = tpu.scan <sum>, %get3A_405 masked %reduce_sum3A_407 : vector<16xi32>, vector<16xi1> -> vector<16xi32>
      %reduce_sum3A_409 = vector.extract %reduce_sum3A_408[15] : i32 from vector<16xi32>
      %eq3A_410 = arith.constant 4 : i32
      %eq3A_411 = vector.broadcast %eq3A_410 : i32 to vector<16xi32>
      %eq3A_412 = arith.cmpi eq, %iota3A, %eq3A_411 : vector<16xi32>
      %broadcast_in_dim3A_413 = vector.broadcast %reduce_sum3A_409 : i32 to vector<16xi32>
      %select_n3A_414 = arith.select %eq3A_412, %broadcast_in_dim3A_413, %select_n3A_397 : vector<16xi1>, vector<16xi32>
      %mul3A_415 = arith.constant 16 : i32
      %mul3A_416 = arith.muli %scan3A_328, %mul3A_415 : i32
      %add3A_417 = arith.constant 5 : i32
      %add3A_418 = arith.addi %mul3A_416, %add3A_417 : i32
      %mul3A_419 = arith.constant 16 : i32
      %mul3A_420 = arith.muli %add3A_418, %mul3A_419 : i32
      %get3A_421 = arith.index_cast %mul3A_420 : i32 to index
      %get3A_422 = tpu.vector_load %arg10[%get3A_421] {strides = array<i32>} : memref<8192xi32, #tpu.memory_space<vmem>>, vector<16xi32>,
      %reduce_sum3A_423 = arith.constant true
      %reduce_sum3A_424 = vector.broadcast %reduce_sum3A_423 : i1 to vector<16xi1>
      %reduce_sum3A_425 = tpu.scan <sum>, %get3A_422 masked %reduce_sum3A_424 : vector<16xi32>, vector<16xi1> -> vector<16xi32>
      %reduce_sum3A_426 = vector.extract %reduce_sum3A_425[15] : i32 from vector<16xi32>
      %eq3A_427 = arith.constant 5 : i32
      %eq3A_428 = vector.broadcast %eq3A_427 : i32 to vector<16xi32>
      %eq3A_429 = arith.cmpi eq, %iota3A, %eq3A_428 : vector<16xi32>
      %broadcast_in_dim3A_430 = vector.broadcast %reduce_sum3A_426 : i32 to vector<16xi32>
      %select_n3A_431 = arith.select %eq3A_429, %broadcast_in_dim3A_430, %select_n3A_414 : vector<16xi1>, vector<16xi32>
      %mul3A_432 = arith.constant 16 : i32
      %mul3A_433 = arith.muli %scan3A_328, %mul3A_432 : i32
      %add3A_434 = arith.constant 6 : i32
      %add3A_435 = arith.addi %mul3A_433, %add3A_434 : i32
      %mul3A_436 = arith.constant 16 : i32
      %mul3A_437 = arith.muli %add3A_435, %mul3A_436 : i32
      %get3A_438 = arith.index_cast %mul3A_437 : i32 to index
      %get3A_439 = tpu.vector_load %arg10[%get3A_438] {strides = array<i32>} : memref<8192xi32, #tpu.memory_space<vmem>>, vector<16xi32>,
      %reduce_sum3A_440 = arith.constant true
      %reduce_sum3A_441 = vector.broadcast %reduce_sum3A_440 : i1 to vector<16xi1>
      %reduce_sum3A_442 = tpu.scan <sum>, %get3A_439 masked %reduce_sum3A_441 : vector<16xi32>, vector<16xi1> -> vector<16xi32>
      %reduce_sum3A_443 = vector.extract %reduce_sum3A_442[15] : i32 from vector<16xi32>
      %eq3A_444 = arith.constant 6 : i32
      %eq3A_445 = vector.broadcast %eq3A_444 : i32 to vector<16xi32>
      %eq3A_446 = arith.cmpi eq, %iota3A, %eq3A_445 : vector<16xi32>
      %broadcast_in_dim3A_447 = vector.broadcast %reduce_sum3A_443 : i32 to vector<16xi32>
      %select_n3A_448 = arith.select %eq3A_446, %broadcast_in_dim3A_447, %select_n3A_431 : vector<16xi1>, vector<16xi32>
      %mul3A_449 = arith.constant 16 : i32
      %mul3A_450 = arith.muli %scan3A_328, %mul3A_449 : i32
      %add3A_451 = arith.constant 7 : i32
      %add3A_452 = arith.addi %mul3A_450, %add3A_451 : i32
      %mul3A_453 = arith.constant 16 : i32
      %mul3A_454 = arith.muli %add3A_452, %mul3A_453 : i32
      %get3A_455 = arith.index_cast %mul3A_454 : i32 to index
      %get3A_456 = tpu.vector_load %arg10[%get3A_455] {strides = array<i32>} : memref<8192xi32, #tpu.memory_space<vmem>>, vector<16xi32>,
      %reduce_sum3A_457 = arith.constant true
      %reduce_sum3A_458 = vector.broadcast %reduce_sum3A_457 : i1 to vector<16xi1>
      %reduce_sum3A_459 = tpu.scan <sum>, %get3A_456 masked %reduce_sum3A_458 : vector<16xi32>, vector<16xi1> -> vector<16xi32>
      %reduce_sum3A_460 = vector.extract %reduce_sum3A_459[15] : i32 from vector<16xi32>
      %eq3A_461 = arith.constant 7 : i32
      %eq3A_462 = vector.broadcast %eq3A_461 : i32 to vector<16xi32>
      %eq3A_463 = arith.cmpi eq, %iota3A, %eq3A_462 : vector<16xi32>
      %broadcast_in_dim3A_464 = vector.broadcast %reduce_sum3A_460 : i32 to vector<16xi32>
      %select_n3A_465 = arith.select %eq3A_463, %broadcast_in_dim3A_464, %select_n3A_448 : vector<16xi1>, vector<16xi32>
      %mul3A_466 = arith.constant 16 : i32
      %mul3A_467 = arith.muli %scan3A_328, %mul3A_466 : i32
      %add3A_468 = arith.constant 8 : i32
      %add3A_469 = arith.addi %mul3A_467, %add3A_468 : i32
      %mul3A_470 = arith.constant 16 : i32
      %mul3A_471 = arith.muli %add3A_469, %mul3A_470 : i32
      %get3A_472 = arith.index_cast %mul3A_471 : i32 to index
      %get3A_473 = tpu.vector_load %arg10[%get3A_472] {strides = array<i32>} : memref<8192xi32, #tpu.memory_space<vmem>>, vector<16xi32>,
      %reduce_sum3A_474 = arith.constant true
      %reduce_sum3A_475 = vector.broadcast %reduce_sum3A_474 : i1 to vector<16xi1>
      %reduce_sum3A_476 = tpu.scan <sum>, %get3A_473 masked %reduce_sum3A_475 : vector<16xi32>, vector<16xi1> -> vector<16xi32>
      %reduce_sum3A_477 = vector.extract %reduce_sum3A_476[15] : i32 from vector<16xi32>
      %eq3A_478 = arith.constant 8 : i32
      %eq3A_479 = vector.broadcast %eq3A_478 : i32 to vector<16xi32>
      %eq3A_480 = arith.cmpi eq, %iota3A, %eq3A_479 : vector<16xi32>
      %broadcast_in_dim3A_481 = vector.broadcast %reduce_sum3A_477 : i32 to vector<16xi32>
      %select_n3A_482 = arith.select %eq3A_480, %broadcast_in_dim3A_481, %select_n3A_465 : vector<16xi1>, vector<16xi32>
      %mul3A_483 = arith.constant 16 : i32
      %mul3A_484 = arith.muli %scan3A_328, %mul3A_483 : i32
      %add3A_485 = arith.constant 9 : i32
      %add3A_486 = arith.addi %mul3A_484, %add3A_485 : i32
      %mul3A_487 = arith.constant 16 : i32
      %mul3A_488 = arith.muli %add3A_486, %mul3A_487 : i32
      %get3A_489 = arith.index_cast %mul3A_488 : i32 to index
      %get3A_490 = tpu.vector_load %arg10[%get3A_489] {strides = array<i32>} : memref<8192xi32, #tpu.memory_space<vmem>>, vector<16xi32>,
      %reduce_sum3A_491 = arith.constant true
      %reduce_sum3A_492 = vector.broadcast %reduce_sum3A_491 : i1 to vector<16xi1>
      %reduce_sum3A_493 = tpu.scan <sum>, %get3A_490 masked %reduce_sum3A_492 : vector<16xi32>, vector<16xi1> -> vector<16xi32>
      %reduce_sum3A_494 = vector.extract %reduce_sum3A_493[15] : i32 from vector<16xi32>
      %eq3A_495 = arith.constant 9 : i32
      %eq3A_496 = vector.broadcast %eq3A_495 : i32 to vector<16xi32>
      %eq3A_497 = arith.cmpi eq, %iota3A, %eq3A_496 : vector<16xi32>
      %broadcast_in_dim3A_498 = vector.broadcast %reduce_sum3A_494 : i32 to vector<16xi32>
      %select_n3A_499 = arith.select %eq3A_497, %broadcast_in_dim3A_498, %select_n3A_482 : vector<16xi1>, vector<16xi32>
      %mul3A_500 = arith.constant 16 : i32
      %mul3A_501 = arith.muli %scan3A_328, %mul3A_500 : i32
      %add3A_502 = arith.constant 10 : i32
      %add3A_503 = arith.addi %mul3A_501, %add3A_502 : i32
      %mul3A_504 = arith.constant 16 : i32
      %mul3A_505 = arith.muli %add3A_503, %mul3A_504 : i32
      %get3A_506 = arith.index_cast %mul3A_505 : i32 to index
      %get3A_507 = tpu.vector_load %arg10[%get3A_506] {strides = array<i32>} : memref<8192xi32, #tpu.memory_space<vmem>>, vector<16xi32>,
      %reduce_sum3A_508 = arith.constant true
      %reduce_sum3A_509 = vector.broadcast %reduce_sum3A_508 : i1 to vector<16xi1>
      %reduce_sum3A_510 = tpu.scan <sum>, %get3A_507 masked %reduce_sum3A_509 : vector<16xi32>, vector<16xi1> -> vector<16xi32>
      %reduce_sum3A_511 = vector.extract %reduce_sum3A_510[15] : i32 from vector<16xi32>
      %eq3A_512 = arith.constant 10 : i32
      %eq3A_513 = vector.broadcast %eq3A_512 : i32 to vector<16xi32>
      %eq3A_514 = arith.cmpi eq, %iota3A, %eq3A_513 : vector<16xi32>
      %broadcast_in_dim3A_515 = vector.broadcast %reduce_sum3A_511 : i32 to vector<16xi32>
      %select_n3A_516 = arith.select %eq3A_514, %broadcast_in_dim3A_515, %select_n3A_499 : vector<16xi1>, vector<16xi32>
      %mul3A_517 = arith.constant 16 : i32
      %mul3A_518 = arith.muli %scan3A_328, %mul3A_517 : i32
      %add3A_519 = arith.constant 11 : i32
      %add3A_520 = arith.addi %mul3A_518, %add3A_519 : i32
      %mul3A_521 = arith.constant 16 : i32
      %mul3A_522 = arith.muli %add3A_520, %mul3A_521 : i32
      %get3A_523 = arith.index_cast %mul3A_522 : i32 to index
      %get3A_524 = tpu.vector_load %arg10[%get3A_523] {strides = array<i32>} : memref<8192xi32, #tpu.memory_space<vmem>>, vector<16xi32>,
      %reduce_sum3A_525 = arith.constant true
      %reduce_sum3A_526 = vector.broadcast %reduce_sum3A_525 : i1 to vector<16xi1>
      %reduce_sum3A_527 = tpu.scan <sum>, %get3A_524 masked %reduce_sum3A_526 : vector<16xi32>, vector<16xi1> -> vector<16xi32>
      %reduce_sum3A_528 = vector.extract %reduce_sum3A_527[15] : i32 from vector<16xi32>
      %eq3A_529 = arith.constant 11 : i32
      %eq3A_530 = vector.broadcast %eq3A_529 : i32 to vector<16xi32>
      %eq3A_531 = arith.cmpi eq, %iota3A, %eq3A_530 : vector<16xi32>
      %broadcast_in_dim3A_532 = vector.broadcast %reduce_sum3A_528 : i32 to vector<16xi32>
      %select_n3A_533 = arith.select %eq3A_531, %broadcast_in_dim3A_532, %select_n3A_516 : vector<16xi1>, vector<16xi32>
      %mul3A_534 = arith.constant 16 : i32
      %mul3A_535 = arith.muli %scan3A_328, %mul3A_534 : i32
      %add3A_536 = arith.constant 12 : i32
      %add3A_537 = arith.addi %mul3A_535, %add3A_536 : i32
      %mul3A_538 = arith.constant 16 : i32
      %mul3A_539 = arith.muli %add3A_537, %mul3A_538 : i32
      %get3A_540 = arith.index_cast %mul3A_539 : i32 to index
      %get3A_541 = tpu.vector_load %arg10[%get3A_540] {strides = array<i32>} : memref<8192xi32, #tpu.memory_space<vmem>>, vector<16xi32>,
      %reduce_sum3A_542 = arith.constant true
      %reduce_sum3A_543 = vector.broadcast %reduce_sum3A_542 : i1 to vector<16xi1>
      %reduce_sum3A_544 = tpu.scan <sum>, %get3A_541 masked %reduce_sum3A_543 : vector<16xi32>, vector<16xi1> -> vector<16xi32>
      %reduce_sum3A_545 = vector.extract %reduce_sum3A_544[15] : i32 from vector<16xi32>
      %eq3A_546 = arith.constant 12 : i32
      %eq3A_547 = vector.broadcast %eq3A_546 : i32 to vector<16xi32>
      %eq3A_548 = arith.cmpi eq, %iota3A, %eq3A_547 : vector<16xi32>
      %broadcast_in_dim3A_549 = vector.broadcast %reduce_sum3A_545 : i32 to vector<16xi32>
      %select_n3A_550 = arith.select %eq3A_548, %broadcast_in_dim3A_549, %select_n3A_533 : vector<16xi1>, vector<16xi32>
      %mul3A_551 = arith.constant 16 : i32
      %mul3A_552 = arith.muli %scan3A_328, %mul3A_551 : i32
      %add3A_553 = arith.constant 13 : i32
      %add3A_554 = arith.addi %mul3A_552, %add3A_553 : i32
      %mul3A_555 = arith.constant 16 : i32
      %mul3A_556 = arith.muli %add3A_554, %mul3A_555 : i32
      %get3A_557 = arith.index_cast %mul3A_556 : i32 to index
      %get3A_558 = tpu.vector_load %arg10[%get3A_557] {strides = array<i32>} : memref<8192xi32, #tpu.memory_space<vmem>>, vector<16xi32>,
      %reduce_sum3A_559 = arith.constant true
      %reduce_sum3A_560 = vector.broadcast %reduce_sum3A_559 : i1 to vector<16xi1>
      %reduce_sum3A_561 = tpu.scan <sum>, %get3A_558 masked %reduce_sum3A_560 : vector<16xi32>, vector<16xi1> -> vector<16xi32>
      %reduce_sum3A_562 = vector.extract %reduce_sum3A_561[15] : i32 from vector<16xi32>
      %eq3A_563 = arith.constant 13 : i32
      %eq3A_564 = vector.broadcast %eq3A_563 : i32 to vector<16xi32>
      %eq3A_565 = arith.cmpi eq, %iota3A, %eq3A_564 : vector<16xi32>
      %broadcast_in_dim3A_566 = vector.broadcast %reduce_sum3A_562 : i32 to vector<16xi32>
      %select_n3A_567 = arith.select %eq3A_565, %broadcast_in_dim3A_566, %select_n3A_550 : vector<16xi1>, vector<16xi32>
      %mul3A_568 = arith.constant 16 : i32
      %mul3A_569 = arith.muli %scan3A_328, %mul3A_568 : i32
      %add3A_570 = arith.constant 14 : i32
      %add3A_571 = arith.addi %mul3A_569, %add3A_570 : i32
      %mul3A_572 = arith.constant 16 : i32
      %mul3A_573 = arith.muli %add3A_571, %mul3A_572 : i32
      %get3A_574 = arith.index_cast %mul3A_573 : i32 to index
      %get3A_575 = tpu.vector_load %arg10[%get3A_574] {strides = array<i32>} : memref<8192xi32, #tpu.memory_space<vmem>>, vector<16xi32>,
      %reduce_sum3A_576 = arith.constant true
      %reduce_sum3A_577 = vector.broadcast %reduce_sum3A_576 : i1 to vector<16xi1>
      %reduce_sum3A_578 = tpu.scan <sum>, %get3A_575 masked %reduce_sum3A_577 : vector<16xi32>, vector<16xi1> -> vector<16xi32>
      %reduce_sum3A_579 = vector.extract %reduce_sum3A_578[15] : i32 from vector<16xi32>
      %eq3A_580 = arith.constant 14 : i32
      %eq3A_581 = vector.broadcast %eq3A_580 : i32 to vector<16xi32>
      %eq3A_582 = arith.cmpi eq, %iota3A, %eq3A_581 : vector<16xi32>
      %broadcast_in_dim3A_583 = vector.broadcast %reduce_sum3A_579 : i32 to vector<16xi32>
      %select_n3A_584 = arith.select %eq3A_582, %broadcast_in_dim3A_583, %select_n3A_567 : vector<16xi1>, vector<16xi32>
      %mul3A_585 = arith.constant 16 : i32
      %mul3A_586 = arith.muli %scan3A_328, %mul3A_585 : i32
      %add3A_587 = arith.constant 15 : i32
      %add3A_588 = arith.addi %mul3A_586, %add3A_587 : i32
      %mul3A_589 = arith.constant 16 : i32
      %mul3A_590 = arith.muli %add3A_588, %mul3A_589 : i32
      %get3A_591 = arith.index_cast %mul3A_590 : i32 to index
      %get3A_592 = tpu.vector_load %arg10[%get3A_591] {strides = array<i32>} : memref<8192xi32, #tpu.memory_space<vmem>>, vector<16xi32>,
      %reduce_sum3A_593 = arith.constant true
      %reduce_sum3A_594 = vector.broadcast %reduce_sum3A_593 : i1 to vector<16xi1>
      %reduce_sum3A_595 = tpu.scan <sum>, %get3A_592 masked %reduce_sum3A_594 : vector<16xi32>, vector<16xi1> -> vector<16xi32>
      %reduce_sum3A_596 = vector.extract %reduce_sum3A_595[15] : i32 from vector<16xi32>
      %eq3A_597 = arith.constant 15 : i32
      %eq3A_598 = vector.broadcast %eq3A_597 : i32 to vector<16xi32>
      %eq3A_599 = arith.cmpi eq, %iota3A, %eq3A_598 : vector<16xi32>
      %broadcast_in_dim3A_600 = vector.broadcast %reduce_sum3A_596 : i32 to vector<16xi32>
      %select_n3A_601 = arith.select %eq3A_599, %broadcast_in_dim3A_600, %select_n3A_584 : vector<16xi1>, vector<16xi32>
      %mul3A_602 = arith.constant 16 : i32
      %mul3A_603 = arith.muli %scan3A_328, %mul3A_602 : i32
      %swap3A_604 = arith.index_cast %mul3A_603 : i32 to index
      %swap3A_605 = tpu.vector_load %arg11[%swap3A_604] {strides = array<i32>} : memref<512xi32, #tpu.memory_space<vmem>>, vector<16xi32>,
      tpu.vector_store %arg11[%swap3A_604], %select_n3A_601 {strides = array<i32>} : memref<512xi32, #tpu.memory_space<vmem>>, vector<16xi32>,
      %scan3A_606 = arith.constant 0 : i32
      scf.yield %scan3A_606 : i32
    }
    %scan3A_187 = arith.constant 8 : i32
    "tpu.region"() ({
      %run_scoped3A = tpu.sem_alloc : memref<!tpu.dma_semaphore, #tpu.memory_space<semaphore_mem>>
      %dma_start3A = arith.constant 0 : i32
      %dma_start3A_328 = tpu.memref_slice %arg16[%arg1, %dma_start3A] : memref<16x512xi32, #tpu.memory_space<vmem_shared>> -> memref<1x512xi32, #tpu.memory_space<vmem_shared>>
      %dma_start3A_329 = tpu.memref_squeeze %dma_start3A_328 : memref<1x512xi32, #tpu.memory_space<vmem_shared>> -> memref<512xi32, #tpu.memory_space<vmem_shared>>
      %dma_start3A_330 = arith.constant 0 : i32
      %dma_start3A_331 = tpu.memref_slice %arg16[%arg1, %dma_start3A_330] : memref<16x512xi32, #tpu.memory_space<vmem_shared>> -> memref<1x512xi32, #tpu.memory_space<vmem_shared>>
      %dma_start3A_332 = tpu.memref_squeeze %dma_start3A_331 : memref<1x512xi32, #tpu.memory_space<vmem_shared>> -> memref<512xi32, #tpu.memory_space<vmem_shared>>
      tpu.enqueue_dma source(%arg11 : memref<512xi32, #tpu.memory_space<vmem>>) target(%dma_start3A_332 : memref<512xi32, #tpu.memory_space<vmem_shared>>) target_semaphore(%run_scoped3A : memref<!tpu.dma_semaphore, #tpu.memory_space<semaphore_mem>>)
      %dma_wait3A = arith.constant 0 : i32
      %dma_wait3A_333 = tpu.memref_slice %arg16[%arg1, %dma_wait3A] : memref<16x512xi32, #tpu.memory_space<vmem_shared>> -> memref<1x512xi32, #tpu.memory_space<vmem_shared>>
      %dma_wait3A_334 = tpu.memref_squeeze %dma_wait3A_333 : memref<1x512xi32, #tpu.memory_space<vmem_shared>> -> memref<512xi32, #tpu.memory_space<vmem_shared>>
      %dma_wait3A_335 = arith.constant 0 : i32
      %dma_wait3A_336 = tpu.memref_slice %arg16[%arg1, %dma_wait3A_335] : memref<16x512xi32, #tpu.memory_space<vmem_shared>> -> memref<1x512xi32, #tpu.memory_space<vmem_shared>>
      %dma_wait3A_337 = tpu.memref_squeeze %dma_wait3A_336 : memref<1x512xi32, #tpu.memory_space<vmem_shared>> -> memref<512xi32, #tpu.memory_space<vmem_shared>>
      tpu.wait_dma2 semaphore(%run_scoped3A : memref<!tpu.dma_semaphore, #tpu.memory_space<semaphore_mem>>) src(%arg11 : memref<512xi32, #tpu.memory_space<vmem>>) dst(%dma_wait3A_337 : memref<512xi32, #tpu.memory_space<vmem_shared>>)
      tpu.yield
    }) : () -> ()
    %barrier3A_188 = arith.constant 0 : index
    tpu.barrier barrier_id(%barrier3A_188)
    %mul3A_189 = arith.constant 4 : i32
    %mul3A_190 = arith.muli %select_n3A, %mul3A_189 : i32
    "tpu.region"() ({
      %run_scoped3A = tpu.sem_alloc : memref<!tpu.dma_semaphore, #tpu.memory_space<semaphore_mem>>
      %dma_start3A = arith.constant 0 : i32
      %dma_start3A_328 = tpu.memref_slice %arg16[%mul3A_190, %dma_start3A] : memref<16x512xi32, #tpu.memory_space<vmem_shared>> -> memref<4x512xi32, #tpu.memory_space<vmem_shared>>
      %dma_start3A_329 = arith.constant 0 : i32
      %dma_start3A_330 = tpu.memref_slice %arg16[%mul3A_190, %dma_start3A_329] : memref<16x512xi32, #tpu.memory_space<vmem_shared>> -> memref<4x512xi32, #tpu.memory_space<vmem_shared>>
      tpu.enqueue_dma source(%dma_start3A_330 : memref<4x512xi32, #tpu.memory_space<vmem_shared>>) target(%arg12 : memref<4x512xi32, #tpu.memory_space<vmem>>) target_semaphore(%run_scoped3A : memref<!tpu.dma_semaphore, #tpu.memory_space<semaphore_mem>>)
      %dma_wait3A = arith.constant 0 : i32
      %dma_wait3A_331 = tpu.memref_slice %arg16[%mul3A_190, %dma_wait3A] : memref<16x512xi32, #tpu.memory_space<vmem_shared>> -> memref<4x512xi32, #tpu.memory_space<vmem_shared>>
      %dma_wait3A_332 = arith.constant 0 : i32
      %dma_wait3A_333 = tpu.memref_slice %arg16[%mul3A_190, %dma_wait3A_332] : memref<16x512xi32, #tpu.memory_space<vmem_shared>> -> memref<4x512xi32, #tpu.memory_space<vmem_shared>>
      tpu.wait_dma2 semaphore(%run_scoped3A : memref<!tpu.dma_semaphore, #tpu.memory_space<semaphore_mem>>) src(%dma_wait3A_333 : memref<4x512xi32, #tpu.memory_space<vmem_shared>>) dst(%arg12 : memref<4x512xi32, #tpu.memory_space<vmem>>)
      tpu.yield
    }) : () -> ()
    %barrier3A_191 = arith.constant 0 : index
    tpu.barrier barrier_id(%barrier3A_191)
    %scan3A_192 = arith.constant 0 : i32
    %scan3A_193 = arith.constant 0 : i32
    %scan3A_194 = arith.constant 0 : i32
    %scan3A_195 = arith.constant 0 : i32
    %scan3A_196 = arith.constant 0 : i32
    %scan3A_197 = arith.constant 8 : i32
    %scan3A_198 = arith.addi %scan3A_196, %scan3A_197 : i32
    %scan3A_199 = arith.constant 1 : i32
    %scan3A_200:4 = scf.for %scan3A_328 = %scan3A_196 to %scan3A_198 step %scan3A_199 iter_args(%scan3A_329 = %scan3A_192, %scan3A_330 = %scan3A_193, %scan3A_331 = %scan3A_194, %scan3A_332 = %scan3A_195) -> (i32, i32, i32, i32)  : i32 {
      %mul3A_333 = arith.constant 16 : i32
      %mul3A_334 = arith.muli %scan3A_328, %mul3A_333 : i32
      %get3A_335 = arith.constant 0 : i32
      %get3A_336 = arith.index_cast %get3A_335 : i32 to index
      %get3A_337 = arith.index_cast %mul3A_334 : i32 to index
      %get3A_338 = tpu.vector_load %arg12[%get3A_336, %get3A_337] {strides = array<i32>} : memref<4x512xi32, #tpu.memory_space<vmem>>, vector<16xi32>,
      %mul3A_339 = arith.constant 16 : i32
      %mul3A_340 = arith.muli %scan3A_328, %mul3A_339 : i32
      %get3A_341 = arith.constant 1 : i32
      %get3A_342 = arith.index_cast %get3A_341 : i32 to index
      %get3A_343 = arith.index_cast %mul3A_340 : i32 to index
      %get3A_344 = tpu.vector_load %arg12[%get3A_342, %get3A_343] {strides = array<i32>} : memref<4x512xi32, #tpu.memory_space<vmem>>, vector<16xi32>,
      %add3A_345 = arith.addi %get3A_338, %get3A_344 : vector<16xi32>
      %mul3A_346 = arith.constant 16 : i32
      %mul3A_347 = arith.muli %scan3A_328, %mul3A_346 : i32
      %get3A_348 = arith.constant 2 : i32
      %get3A_349 = arith.index_cast %get3A_348 : i32 to index
      %get3A_350 = arith.index_cast %mul3A_347 : i32 to index
      %get3A_351 = tpu.vector_load %arg12[%get3A_349, %get3A_350] {strides = array<i32>} : memref<4x512xi32, #tpu.memory_space<vmem>>, vector<16xi32>,
      %add3A_352 = arith.addi %add3A_345, %get3A_351 : vector<16xi32>
      %mul3A_353 = arith.constant 16 : i32
      %mul3A_354 = arith.muli %scan3A_328, %mul3A_353 : i32
      %get3A_355 = arith.constant 3 : i32
      %get3A_356 = arith.index_cast %get3A_355 : i32 to index
      %get3A_357 = arith.index_cast %mul3A_354 : i32 to index
      %get3A_358 = tpu.vector_load %arg12[%get3A_356, %get3A_357] {strides = array<i32>} : memref<4x512xi32, #tpu.memory_space<vmem>>, vector<16xi32>,
      %add3A_359 = arith.addi %add3A_352, %get3A_358 : vector<16xi32>
      %broadcast_in_dim3A_360 = arith.constant true
      %broadcast_in_dim3A_361 = vector.broadcast %broadcast_in_dim3A_360 : i1 to vector<16xi1>
      %masked_cumsum3A = tpu.scan <sum>, %add3A_359 masked %broadcast_in_dim3A_361 : vector<16xi32>, vector<16xi1> -> vector<16xi32>
      %add3A_362 = vector.broadcast %scan3A_329 : i32 to vector<16xi32>
      %add3A_363 = arith.addi %masked_cumsum3A, %add3A_362 : vector<16xi32>
      %ge3A = vector.broadcast %sub3A_133 : i32 to vector<16xi32>
      %ge3A_364 = arith.cmpi sge, %add3A_363, %ge3A : vector<16xi32>
      %jit3A_365 = arith.constant 16 : i32
      %broadcast_in_dim3A_366 = vector.broadcast %jit3A_365 : i32 to vector<16xi32>
      %select_n3A_367 = arith.select %ge3A_364, %iota3A, %broadcast_in_dim3A_366 : vector<16xi1>, vector<16xi32>
      %reduce_min3A = arith.constant true
      %reduce_min3A_368 = vector.broadcast %reduce_min3A : i1 to vector<16xi1>
      %reduce_min3A_369 = arith.constant -2147483648 : i32
      %reduce_min3A_370 = vector.broadcast %reduce_min3A_369 : i32 to vector<16xi32>
      %reduce_min3A_371 = arith.xori %select_n3A_367, %reduce_min3A_370 : vector<16xi32>
      %reduce_min3A_372 = tpu.scan <min>, %reduce_min3A_371 masked %reduce_min3A_368 : vector<16xi32>, vector<16xi1> -> vector<16xi32>
      %reduce_min3A_373 = arith.xori %reduce_min3A_372, %reduce_min3A_370 : vector<16xi32>
      %reduce_min3A_374 = vector.extract %reduce_min3A_373[15] : i32 from vector<16xi32>
      %lt3A_375 = arith.constant 16 : i32
      %lt3A_376 = arith.cmpi slt, %reduce_min3A_374, %lt3A_375 : i32
      %eq3A_377 = arith.constant 0 : i32
      %eq3A_378 = arith.cmpi eq, %scan3A_330, %eq3A_377 : i32
      %and3A_379 = arith.andi %lt3A_376, %eq3A_378 : i1
      %lt3A_380 = vector.broadcast %reduce_min3A_374 : i32 to vector<16xi32>
      %lt3A_381 = arith.cmpi slt, %iota3A, %lt3A_380 : vector<16xi32>
      %jit3A_382 = arith.constant 0 : i32
      %broadcast_in_dim3A_383 = vector.broadcast %jit3A_382 : i32 to vector<16xi32>
      %select_n3A_384 = arith.select %lt3A_381, %add3A_359, %broadcast_in_dim3A_383 : vector<16xi1>, vector<16xi32>
      %reduce_sum3A_385 = arith.constant true
      %reduce_sum3A_386 = vector.broadcast %reduce_sum3A_385 : i1 to vector<16xi1>
      %reduce_sum3A_387 = tpu.scan <sum>, %select_n3A_384 masked %reduce_sum3A_386 : vector<16xi32>, vector<16xi1> -> vector<16xi32>
      %reduce_sum3A_388 = vector.extract %reduce_sum3A_387[15] : i32 from vector<16xi32>
      %mul3A_389 = arith.constant 16 : i32
      %mul3A_390 = arith.muli %scan3A_328, %mul3A_389 : i32
      %add3A_391 = arith.addi %mul3A_390, %reduce_min3A_374 : i32
      %select_n3A_392 = arith.select %and3A_379, %add3A_391, %scan3A_331 : i32
      %add3A_393 = arith.addi %scan3A_329, %reduce_sum3A_388 : i32
      %select_n3A_394 = arith.select %and3A_379, %add3A_393, %scan3A_332 : i32
      %jit3A_395 = arith.constant 1 : i32
      %select_n3A_396 = arith.select %and3A_379, %jit3A_395, %scan3A_330 : i32
      %reduce_sum3A_397 = arith.constant true
      %reduce_sum3A_398 = vector.broadcast %reduce_sum3A_397 : i1 to vector<16xi1>
      %reduce_sum3A_399 = tpu.scan <sum>, %add3A_359 masked %reduce_sum3A_398 : vector<16xi32>, vector<16xi1> -> vector<16xi32>
      %reduce_sum3A_400 = vector.extract %reduce_sum3A_399[15] : i32 from vector<16xi32>
      %add3A_401 = arith.addi %scan3A_329, %reduce_sum3A_400 : i32
      scf.yield %add3A_401, %select_n3A_396, %select_n3A_392, %select_n3A_394 : i32, i32, i32, i32
    }
    %scan3A_201 = arith.constant 8 : i32
    %sub3A_202 = arith.subi %sub3A_133, %scan3A_200#3 : i32
    %mul3A_203 = arith.constant 128 : i32
    %mul3A_204 = arith.muli %add3A_136, %mul3A_203 : i32
    %add3A_205 = arith.addi %mul3A_204, %scan3A_200#2 : i32
    %scan3A_206 = arith.constant 0 : i32
    %scan3A_207 = arith.constant 0 : i32
    %scan3A_208 = arith.constant 128 : i32
    %scan3A_209 = arith.addi %scan3A_207, %scan3A_208 : i32
    %scan3A_210 = arith.constant 4 : i32
    %scan3A_211 = scf.for %scan3A_328 = %scan3A_207 to %scan3A_209 step %scan3A_210 iter_args(%scan3A_329 = %scan3A_206) -> (i32)  : i32 {
      %mul3A_330 = arith.constant 16 : i32
      %mul3A_331 = arith.muli %scan3A_328, %mul3A_330 : i32
      %swap3A_332 = arith.index_cast %mul3A_331 : i32 to index
      %swap3A_333 = tpu.vector_load %arg10[%swap3A_332] {strides = array<i32>} : memref<8192xi32, #tpu.memory_space<vmem>>, vector<16xi32>,
      tpu.vector_store %arg10[%swap3A_332], %broadcast_in_dim3A_38 {strides = array<i32>} : memref<8192xi32, #tpu.memory_space<vmem>>, vector<16xi32>,
      %scan3A_334 = arith.constant 0 : i32
      %scan3A_335 = arith.constant 1 : i32
      %scan3A_336 = arith.addi %scan3A_328, %scan3A_335 : i32
      %mul3A_337 = arith.constant 16 : i32
      %mul3A_338 = arith.muli %scan3A_336, %mul3A_337 : i32
      %swap3A_339 = arith.index_cast %mul3A_338 : i32 to index
      %swap3A_340 = tpu.vector_load %arg10[%swap3A_339] {strides = array<i32>} : memref<8192xi32, #tpu.memory_space<vmem>>, vector<16xi32>,
      tpu.vector_store %arg10[%swap3A_339], %broadcast_in_dim3A_38 {strides = array<i32>} : memref<8192xi32, #tpu.memory_space<vmem>>, vector<16xi32>,
      %scan3A_341 = arith.constant 0 : i32
      %scan3A_342 = arith.constant 2 : i32
      %scan3A_343 = arith.addi %scan3A_328, %scan3A_342 : i32
      %mul3A_344 = arith.constant 16 : i32
      %mul3A_345 = arith.muli %scan3A_343, %mul3A_344 : i32
      %swap3A_346 = arith.index_cast %mul3A_345 : i32 to index
      %swap3A_347 = tpu.vector_load %arg10[%swap3A_346] {strides = array<i32>} : memref<8192xi32, #tpu.memory_space<vmem>>, vector<16xi32>,
      tpu.vector_store %arg10[%swap3A_346], %broadcast_in_dim3A_38 {strides = array<i32>} : memref<8192xi32, #tpu.memory_space<vmem>>, vector<16xi32>,
      %scan3A_348 = arith.constant 0 : i32
      %scan3A_349 = arith.constant 3 : i32
      %scan3A_350 = arith.addi %scan3A_328, %scan3A_349 : i32
      %mul3A_351 = arith.constant 16 : i32
      %mul3A_352 = arith.muli %scan3A_350, %mul3A_351 : i32
      %swap3A_353 = arith.index_cast %mul3A_352 : i32 to index
      %swap3A_354 = tpu.vector_load %arg10[%swap3A_353] {strides = array<i32>} : memref<8192xi32, #tpu.memory_space<vmem>>, vector<16xi32>,
      tpu.vector_store %arg10[%swap3A_353], %broadcast_in_dim3A_38 {strides = array<i32>} : memref<8192xi32, #tpu.memory_space<vmem>>, vector<16xi32>,
      %scan3A_355 = arith.constant 0 : i32
      scf.yield %scan3A_355 : i32
    }
    %scan3A_212 = arith.constant 128 : i32
    %while3A_213 = arith.constant 0 : i32
    %while3A_214 = arith.constant 0 : i32
    %while3A_215 = arith.subi %select_n3A_162, %while3A_213 : i32
    %while3A_216 = arith.addi %while3A_213, %while3A_215 : i32
    %while3A_217 = arith.constant 1 : i32
    %while3A_218 = arith.divsi %while3A_215, %while3A_217 : i32
    %while3A_219 = arith.muli %while3A_218, %while3A_217 : i32
    %while3A_220 = arith.addi %while3A_213, %while3A_219 : i32
    %while3A_221 = arith.constant 1 : i32
    %while3A_222 = scf.for %while3A_328 = %while3A_213 to %while3A_220 step %while3A_221 iter_args(%while3A_329 = %while3A_214) -> (i32)  : i32 {
      %mul3A_330 = arith.constant 16 : i32
      %mul3A_331 = arith.muli %while3A_328, %mul3A_330 : i32
      %get3A_332 = arith.index_cast %mul3A_331 : i32 to index
      %get3A_333 = tpu.vector_load %arg13[%get3A_332] {strides = array<i32>} : memref<36880xi32, #tpu.memory_space<vmem>>, vector<16xi32>,
      %mul3A_334 = arith.constant 16 : i32
      %mul3A_335 = arith.muli %while3A_328, %mul3A_334 : i32
      %add3A_336 = vector.broadcast %mul3A_335 : i32 to vector<16xi32>
      %add3A_337 = arith.addi %add3A_336, %iota3A : vector<16xi32>
      %lt3A_338 = vector.broadcast %reduce_max3A_110 : i32 to vector<16xi32>
      %lt3A_339 = arith.cmpi slt, %add3A_337, %lt3A_338 : vector<16xi32>
      %shift_right_arithmetic3A = arith.constant 7 : i32
      %shift_right_arithmetic3A_340 = vector.broadcast %shift_right_arithmetic3A : i32 to vector<16xi32>
      %shift_right_arithmetic3A_341 = arith.shrsi %get3A_333, %shift_right_arithmetic3A_340 : vector<16xi32>
      %eq3A_342 = vector.broadcast %add3A_205 : i32 to vector<16xi32>
      %eq3A_343 = arith.cmpi eq, %shift_right_arithmetic3A_341, %eq3A_342 : vector<16xi32>
      %and3A_344 = arith.andi %lt3A_339, %eq3A_343 : vector<16xi1>
      %shift_right_arithmetic3A_345 = arith.constant 0 : i32
      %shift_right_arithmetic3A_346 = vector.broadcast %shift_right_arithmetic3A_345 : i32 to vector<16xi32>
      %shift_right_arithmetic3A_347 = arith.shrsi %get3A_333, %shift_right_arithmetic3A_346 : vector<16xi32>
      %and3A_348 = arith.constant 127 : i32
      %and3A_349 = vector.broadcast %and3A_348 : i32 to vector<16xi32>
      %and3A_350 = arith.andi %shift_right_arithmetic3A_347, %and3A_349 : vector<16xi32>
      %mul3A_351 = arith.constant 16 : i32
      %mul3A_352 = vector.broadcast %mul3A_351 : i32 to vector<16xi32>
      %mul3A_353 = arith.muli %and3A_350, %mul3A_352 : vector<16xi32>
      %add3A_354 = arith.addi %mul3A_353, %iota3A : vector<16xi32>
      tpu.vector_store_idx %arg10[%add3A_354], %broadcast_in_dim3A_36 masked %and3A_344 {add = true} : memref<8192xi32, #tpu.memory_space<vmem>>[vector<16xi32>], vector<16xi32>, vector<16xi1>
      %while3A_355 = arith.constant 0 : i32
      scf.yield %while3A_355 : i32
    }
    %while3A_223 = arith.constant 1 : i32
    %while3A_224 = scf.for %while3A_328 = %while3A_220 to %while3A_216 step %while3A_223 iter_args(%while3A_329 = %while3A_222) -> (i32)  : i32 {
      %mul3A_330 = arith.constant 16 : i32
      %mul3A_331 = arith.muli %while3A_328, %mul3A_330 : i32
      %get3A_332 = arith.index_cast %mul3A_331 : i32 to index
      %get3A_333 = tpu.vector_load %arg13[%get3A_332] {strides = array<i32>} : memref<36880xi32, #tpu.memory_space<vmem>>, vector<16xi32>,
      %mul3A_334 = arith.constant 16 : i32
      %mul3A_335 = arith.muli %while3A_328, %mul3A_334 : i32
      %add3A_336 = vector.broadcast %mul3A_335 : i32 to vector<16xi32>
      %add3A_337 = arith.addi %add3A_336, %iota3A : vector<16xi32>
      %lt3A_338 = vector.broadcast %reduce_max3A_110 : i32 to vector<16xi32>
      %lt3A_339 = arith.cmpi slt, %add3A_337, %lt3A_338 : vector<16xi32>
      %shift_right_arithmetic3A = arith.constant 7 : i32
      %shift_right_arithmetic3A_340 = vector.broadcast %shift_right_arithmetic3A : i32 to vector<16xi32>
      %shift_right_arithmetic3A_341 = arith.shrsi %get3A_333, %shift_right_arithmetic3A_340 : vector<16xi32>
      %eq3A_342 = vector.broadcast %add3A_205 : i32 to vector<16xi32>
      %eq3A_343 = arith.cmpi eq, %shift_right_arithmetic3A_341, %eq3A_342 : vector<16xi32>
      %and3A_344 = arith.andi %lt3A_339, %eq3A_343 : vector<16xi1>
      %shift_right_arithmetic3A_345 = arith.constant 0 : i32
      %shift_right_arithmetic3A_346 = vector.broadcast %shift_right_arithmetic3A_345 : i32 to vector<16xi32>
      %shift_right_arithmetic3A_347 = arith.shrsi %get3A_333, %shift_right_arithmetic3A_346 : vector<16xi32>
      %and3A_348 = arith.constant 127 : i32
      %and3A_349 = vector.broadcast %and3A_348 : i32 to vector<16xi32>
      %and3A_350 = arith.andi %shift_right_arithmetic3A_347, %and3A_349 : vector<16xi32>
      %mul3A_351 = arith.constant 16 : i32
      %mul3A_352 = vector.broadcast %mul3A_351 : i32 to vector<16xi32>
      %mul3A_353 = arith.muli %and3A_350, %mul3A_352 : vector<16xi32>
      %add3A_354 = arith.addi %mul3A_353, %iota3A : vector<16xi32>
      tpu.vector_store_idx %arg10[%add3A_354], %broadcast_in_dim3A_36 masked %and3A_344 {add = true} : memref<8192xi32, #tpu.memory_space<vmem>>[vector<16xi32>], vector<16xi32>, vector<16xi1>
      %while3A_355 = arith.constant 0 : i32
      scf.yield %while3A_355 : i32
    }
    %scan3A_225 = arith.constant 0 : i32
    %scan3A_226 = arith.constant 0 : i32
    %scan3A_227 = arith.constant 8 : i32
    %scan3A_228 = arith.addi %scan3A_226, %scan3A_227 : i32
    %scan3A_229 = arith.constant 1 : i32
    %scan3A_230 = scf.for %scan3A_328 = %scan3A_226 to %scan3A_228 step %scan3A_229 iter_args(%scan3A_329 = %scan3A_225) -> (i32)  : i32 {
      %mul3A_330 = arith.constant 16 : i32
      %mul3A_331 = arith.muli %scan3A_328, %mul3A_330 : i32
      %add3A_332 = arith.constant 0 : i32
      %add3A_333 = arith.addi %mul3A_331, %add3A_332 : i32
      %mul3A_334 = arith.constant 16 : i32
      %mul3A_335 = arith.muli %add3A_333, %mul3A_334 : i32
      %get3A_336 = arith.index_cast %mul3A_335 : i32 to index
      %get3A_337 = tpu.vector_load %arg10[%get3A_336] {strides = array<i32>} : memref<8192xi32, #tpu.memory_space<vmem>>, vector<16xi32>,
      %reduce_sum3A_338 = arith.constant true
      %reduce_sum3A_339 = vector.broadcast %reduce_sum3A_338 : i1 to vector<16xi1>
      %reduce_sum3A_340 = tpu.scan <sum>, %get3A_337 masked %reduce_sum3A_339 : vector<16xi32>, vector<16xi1> -> vector<16xi32>
      %reduce_sum3A_341 = vector.extract %reduce_sum3A_340[15] : i32 from vector<16xi32>
      %eq3A_342 = arith.constant 0 : i32
      %eq3A_343 = vector.broadcast %eq3A_342 : i32 to vector<16xi32>
      %eq3A_344 = arith.cmpi eq, %iota3A, %eq3A_343 : vector<16xi32>
      %broadcast_in_dim3A_345 = vector.broadcast %reduce_sum3A_341 : i32 to vector<16xi32>
      %select_n3A_346 = arith.select %eq3A_344, %broadcast_in_dim3A_345, %broadcast_in_dim3A_38 : vector<16xi1>, vector<16xi32>
      %mul3A_347 = arith.constant 16 : i32
      %mul3A_348 = arith.muli %scan3A_328, %mul3A_347 : i32
      %add3A_349 = arith.constant 1 : i32
      %add3A_350 = arith.addi %mul3A_348, %add3A_349 : i32
      %mul3A_351 = arith.constant 16 : i32
      %mul3A_352 = arith.muli %add3A_350, %mul3A_351 : i32
      %get3A_353 = arith.index_cast %mul3A_352 : i32 to index
      %get3A_354 = tpu.vector_load %arg10[%get3A_353] {strides = array<i32>} : memref<8192xi32, #tpu.memory_space<vmem>>, vector<16xi32>,
      %reduce_sum3A_355 = arith.constant true
      %reduce_sum3A_356 = vector.broadcast %reduce_sum3A_355 : i1 to vector<16xi1>
      %reduce_sum3A_357 = tpu.scan <sum>, %get3A_354 masked %reduce_sum3A_356 : vector<16xi32>, vector<16xi1> -> vector<16xi32>
      %reduce_sum3A_358 = vector.extract %reduce_sum3A_357[15] : i32 from vector<16xi32>
      %eq3A_359 = arith.constant 1 : i32
      %eq3A_360 = vector.broadcast %eq3A_359 : i32 to vector<16xi32>
      %eq3A_361 = arith.cmpi eq, %iota3A, %eq3A_360 : vector<16xi32>
      %broadcast_in_dim3A_362 = vector.broadcast %reduce_sum3A_358 : i32 to vector<16xi32>
      %select_n3A_363 = arith.select %eq3A_361, %broadcast_in_dim3A_362, %select_n3A_346 : vector<16xi1>, vector<16xi32>
      %mul3A_364 = arith.constant 16 : i32
      %mul3A_365 = arith.muli %scan3A_328, %mul3A_364 : i32
      %add3A_366 = arith.constant 2 : i32
      %add3A_367 = arith.addi %mul3A_365, %add3A_366 : i32
      %mul3A_368 = arith.constant 16 : i32
      %mul3A_369 = arith.muli %add3A_367, %mul3A_368 : i32
      %get3A_370 = arith.index_cast %mul3A_369 : i32 to index
      %get3A_371 = tpu.vector_load %arg10[%get3A_370] {strides = array<i32>} : memref<8192xi32, #tpu.memory_space<vmem>>, vector<16xi32>,
      %reduce_sum3A_372 = arith.constant true
      %reduce_sum3A_373 = vector.broadcast %reduce_sum3A_372 : i1 to vector<16xi1>
      %reduce_sum3A_374 = tpu.scan <sum>, %get3A_371 masked %reduce_sum3A_373 : vector<16xi32>, vector<16xi1> -> vector<16xi32>
      %reduce_sum3A_375 = vector.extract %reduce_sum3A_374[15] : i32 from vector<16xi32>
      %eq3A_376 = arith.constant 2 : i32
      %eq3A_377 = vector.broadcast %eq3A_376 : i32 to vector<16xi32>
      %eq3A_378 = arith.cmpi eq, %iota3A, %eq3A_377 : vector<16xi32>
      %broadcast_in_dim3A_379 = vector.broadcast %reduce_sum3A_375 : i32 to vector<16xi32>
      %select_n3A_380 = arith.select %eq3A_378, %broadcast_in_dim3A_379, %select_n3A_363 : vector<16xi1>, vector<16xi32>
      %mul3A_381 = arith.constant 16 : i32
      %mul3A_382 = arith.muli %scan3A_328, %mul3A_381 : i32
      %add3A_383 = arith.constant 3 : i32
      %add3A_384 = arith.addi %mul3A_382, %add3A_383 : i32
      %mul3A_385 = arith.constant 16 : i32
      %mul3A_386 = arith.muli %add3A_384, %mul3A_385 : i32
      %get3A_387 = arith.index_cast %mul3A_386 : i32 to index
      %get3A_388 = tpu.vector_load %arg10[%get3A_387] {strides = array<i32>} : memref<8192xi32, #tpu.memory_space<vmem>>, vector<16xi32>,
      %reduce_sum3A_389 = arith.constant true
      %reduce_sum3A_390 = vector.broadcast %reduce_sum3A_389 : i1 to vector<16xi1>
      %reduce_sum3A_391 = tpu.scan <sum>, %get3A_388 masked %reduce_sum3A_390 : vector<16xi32>, vector<16xi1> -> vector<16xi32>
      %reduce_sum3A_392 = vector.extract %reduce_sum3A_391[15] : i32 from vector<16xi32>
      %eq3A_393 = arith.constant 3 : i32
      %eq3A_394 = vector.broadcast %eq3A_393 : i32 to vector<16xi32>
      %eq3A_395 = arith.cmpi eq, %iota3A, %eq3A_394 : vector<16xi32>
      %broadcast_in_dim3A_396 = vector.broadcast %reduce_sum3A_392 : i32 to vector<16xi32>
      %select_n3A_397 = arith.select %eq3A_395, %broadcast_in_dim3A_396, %select_n3A_380 : vector<16xi1>, vector<16xi32>
      %mul3A_398 = arith.constant 16 : i32
      %mul3A_399 = arith.muli %scan3A_328, %mul3A_398 : i32
      %add3A_400 = arith.constant 4 : i32
      %add3A_401 = arith.addi %mul3A_399, %add3A_400 : i32
      %mul3A_402 = arith.constant 16 : i32
      %mul3A_403 = arith.muli %add3A_401, %mul3A_402 : i32
      %get3A_404 = arith.index_cast %mul3A_403 : i32 to index
      %get3A_405 = tpu.vector_load %arg10[%get3A_404] {strides = array<i32>} : memref<8192xi32, #tpu.memory_space<vmem>>, vector<16xi32>,
      %reduce_sum3A_406 = arith.constant true
      %reduce_sum3A_407 = vector.broadcast %reduce_sum3A_406 : i1 to vector<16xi1>
      %reduce_sum3A_408 = tpu.scan <sum>, %get3A_405 masked %reduce_sum3A_407 : vector<16xi32>, vector<16xi1> -> vector<16xi32>
      %reduce_sum3A_409 = vector.extract %reduce_sum3A_408[15] : i32 from vector<16xi32>
      %eq3A_410 = arith.constant 4 : i32
      %eq3A_411 = vector.broadcast %eq3A_410 : i32 to vector<16xi32>
      %eq3A_412 = arith.cmpi eq, %iota3A, %eq3A_411 : vector<16xi32>
      %broadcast_in_dim3A_413 = vector.broadcast %reduce_sum3A_409 : i32 to vector<16xi32>
      %select_n3A_414 = arith.select %eq3A_412, %broadcast_in_dim3A_413, %select_n3A_397 : vector<16xi1>, vector<16xi32>
      %mul3A_415 = arith.constant 16 : i32
      %mul3A_416 = arith.muli %scan3A_328, %mul3A_415 : i32
      %add3A_417 = arith.constant 5 : i32
      %add3A_418 = arith.addi %mul3A_416, %add3A_417 : i32
      %mul3A_419 = arith.constant 16 : i32
      %mul3A_420 = arith.muli %add3A_418, %mul3A_419 : i32
      %get3A_421 = arith.index_cast %mul3A_420 : i32 to index
      %get3A_422 = tpu.vector_load %arg10[%get3A_421] {strides = array<i32>} : memref<8192xi32, #tpu.memory_space<vmem>>, vector<16xi32>,
      %reduce_sum3A_423 = arith.constant true
      %reduce_sum3A_424 = vector.broadcast %reduce_sum3A_423 : i1 to vector<16xi1>
      %reduce_sum3A_425 = tpu.scan <sum>, %get3A_422 masked %reduce_sum3A_424 : vector<16xi32>, vector<16xi1> -> vector<16xi32>
      %reduce_sum3A_426 = vector.extract %reduce_sum3A_425[15] : i32 from vector<16xi32>
      %eq3A_427 = arith.constant 5 : i32
      %eq3A_428 = vector.broadcast %eq3A_427 : i32 to vector<16xi32>
      %eq3A_429 = arith.cmpi eq, %iota3A, %eq3A_428 : vector<16xi32>
      %broadcast_in_dim3A_430 = vector.broadcast %reduce_sum3A_426 : i32 to vector<16xi32>
      %select_n3A_431 = arith.select %eq3A_429, %broadcast_in_dim3A_430, %select_n3A_414 : vector<16xi1>, vector<16xi32>
      %mul3A_432 = arith.constant 16 : i32
      %mul3A_433 = arith.muli %scan3A_328, %mul3A_432 : i32
      %add3A_434 = arith.constant 6 : i32
      %add3A_435 = arith.addi %mul3A_433, %add3A_434 : i32
      %mul3A_436 = arith.constant 16 : i32
      %mul3A_437 = arith.muli %add3A_435, %mul3A_436 : i32
      %get3A_438 = arith.index_cast %mul3A_437 : i32 to index
      %get3A_439 = tpu.vector_load %arg10[%get3A_438] {strides = array<i32>} : memref<8192xi32, #tpu.memory_space<vmem>>, vector<16xi32>,
      %reduce_sum3A_440 = arith.constant true
      %reduce_sum3A_441 = vector.broadcast %reduce_sum3A_440 : i1 to vector<16xi1>
      %reduce_sum3A_442 = tpu.scan <sum>, %get3A_439 masked %reduce_sum3A_441 : vector<16xi32>, vector<16xi1> -> vector<16xi32>
      %reduce_sum3A_443 = vector.extract %reduce_sum3A_442[15] : i32 from vector<16xi32>
      %eq3A_444 = arith.constant 6 : i32
      %eq3A_445 = vector.broadcast %eq3A_444 : i32 to vector<16xi32>
      %eq3A_446 = arith.cmpi eq, %iota3A, %eq3A_445 : vector<16xi32>
      %broadcast_in_dim3A_447 = vector.broadcast %reduce_sum3A_443 : i32 to vector<16xi32>
      %select_n3A_448 = arith.select %eq3A_446, %broadcast_in_dim3A_447, %select_n3A_431 : vector<16xi1>, vector<16xi32>
      %mul3A_449 = arith.constant 16 : i32
      %mul3A_450 = arith.muli %scan3A_328, %mul3A_449 : i32
      %add3A_451 = arith.constant 7 : i32
      %add3A_452 = arith.addi %mul3A_450, %add3A_451 : i32
      %mul3A_453 = arith.constant 16 : i32
      %mul3A_454 = arith.muli %add3A_452, %mul3A_453 : i32
      %get3A_455 = arith.index_cast %mul3A_454 : i32 to index
      %get3A_456 = tpu.vector_load %arg10[%get3A_455] {strides = array<i32>} : memref<8192xi32, #tpu.memory_space<vmem>>, vector<16xi32>,
      %reduce_sum3A_457 = arith.constant true
      %reduce_sum3A_458 = vector.broadcast %reduce_sum3A_457 : i1 to vector<16xi1>
      %reduce_sum3A_459 = tpu.scan <sum>, %get3A_456 masked %reduce_sum3A_458 : vector<16xi32>, vector<16xi1> -> vector<16xi32>
      %reduce_sum3A_460 = vector.extract %reduce_sum3A_459[15] : i32 from vector<16xi32>
      %eq3A_461 = arith.constant 7 : i32
      %eq3A_462 = vector.broadcast %eq3A_461 : i32 to vector<16xi32>
      %eq3A_463 = arith.cmpi eq, %iota3A, %eq3A_462 : vector<16xi32>
      %broadcast_in_dim3A_464 = vector.broadcast %reduce_sum3A_460 : i32 to vector<16xi32>
      %select_n3A_465 = arith.select %eq3A_463, %broadcast_in_dim3A_464, %select_n3A_448 : vector<16xi1>, vector<16xi32>
      %mul3A_466 = arith.constant 16 : i32
      %mul3A_467 = arith.muli %scan3A_328, %mul3A_466 : i32
      %add3A_468 = arith.constant 8 : i32
      %add3A_469 = arith.addi %mul3A_467, %add3A_468 : i32
      %mul3A_470 = arith.constant 16 : i32
      %mul3A_471 = arith.muli %add3A_469, %mul3A_470 : i32
      %get3A_472 = arith.index_cast %mul3A_471 : i32 to index
      %get3A_473 = tpu.vector_load %arg10[%get3A_472] {strides = array<i32>} : memref<8192xi32, #tpu.memory_space<vmem>>, vector<16xi32>,
      %reduce_sum3A_474 = arith.constant true
      %reduce_sum3A_475 = vector.broadcast %reduce_sum3A_474 : i1 to vector<16xi1>
      %reduce_sum3A_476 = tpu.scan <sum>, %get3A_473 masked %reduce_sum3A_475 : vector<16xi32>, vector<16xi1> -> vector<16xi32>
      %reduce_sum3A_477 = vector.extract %reduce_sum3A_476[15] : i32 from vector<16xi32>
      %eq3A_478 = arith.constant 8 : i32
      %eq3A_479 = vector.broadcast %eq3A_478 : i32 to vector<16xi32>
      %eq3A_480 = arith.cmpi eq, %iota3A, %eq3A_479 : vector<16xi32>
      %broadcast_in_dim3A_481 = vector.broadcast %reduce_sum3A_477 : i32 to vector<16xi32>
      %select_n3A_482 = arith.select %eq3A_480, %broadcast_in_dim3A_481, %select_n3A_465 : vector<16xi1>, vector<16xi32>
      %mul3A_483 = arith.constant 16 : i32
      %mul3A_484 = arith.muli %scan3A_328, %mul3A_483 : i32
      %add3A_485 = arith.constant 9 : i32
      %add3A_486 = arith.addi %mul3A_484, %add3A_485 : i32
      %mul3A_487 = arith.constant 16 : i32
      %mul3A_488 = arith.muli %add3A_486, %mul3A_487 : i32
      %get3A_489 = arith.index_cast %mul3A_488 : i32 to index
      %get3A_490 = tpu.vector_load %arg10[%get3A_489] {strides = array<i32>} : memref<8192xi32, #tpu.memory_space<vmem>>, vector<16xi32>,
      %reduce_sum3A_491 = arith.constant true
      %reduce_sum3A_492 = vector.broadcast %reduce_sum3A_491 : i1 to vector<16xi1>
      %reduce_sum3A_493 = tpu.scan <sum>, %get3A_490 masked %reduce_sum3A_492 : vector<16xi32>, vector<16xi1> -> vector<16xi32>
      %reduce_sum3A_494 = vector.extract %reduce_sum3A_493[15] : i32 from vector<16xi32>
      %eq3A_495 = arith.constant 9 : i32
      %eq3A_496 = vector.broadcast %eq3A_495 : i32 to vector<16xi32>
      %eq3A_497 = arith.cmpi eq, %iota3A, %eq3A_496 : vector<16xi32>
      %broadcast_in_dim3A_498 = vector.broadcast %reduce_sum3A_494 : i32 to vector<16xi32>
      %select_n3A_499 = arith.select %eq3A_497, %broadcast_in_dim3A_498, %select_n3A_482 : vector<16xi1>, vector<16xi32>
      %mul3A_500 = arith.constant 16 : i32
      %mul3A_501 = arith.muli %scan3A_328, %mul3A_500 : i32
      %add3A_502 = arith.constant 10 : i32
      %add3A_503 = arith.addi %mul3A_501, %add3A_502 : i32
      %mul3A_504 = arith.constant 16 : i32
      %mul3A_505 = arith.muli %add3A_503, %mul3A_504 : i32
      %get3A_506 = arith.index_cast %mul3A_505 : i32 to index
      %get3A_507 = tpu.vector_load %arg10[%get3A_506] {strides = array<i32>} : memref<8192xi32, #tpu.memory_space<vmem>>, vector<16xi32>,
      %reduce_sum3A_508 = arith.constant true
      %reduce_sum3A_509 = vector.broadcast %reduce_sum3A_508 : i1 to vector<16xi1>
      %reduce_sum3A_510 = tpu.scan <sum>, %get3A_507 masked %reduce_sum3A_509 : vector<16xi32>, vector<16xi1> -> vector<16xi32>
      %reduce_sum3A_511 = vector.extract %reduce_sum3A_510[15] : i32 from vector<16xi32>
      %eq3A_512 = arith.constant 10 : i32
      %eq3A_513 = vector.broadcast %eq3A_512 : i32 to vector<16xi32>
      %eq3A_514 = arith.cmpi eq, %iota3A, %eq3A_513 : vector<16xi32>
      %broadcast_in_dim3A_515 = vector.broadcast %reduce_sum3A_511 : i32 to vector<16xi32>
      %select_n3A_516 = arith.select %eq3A_514, %broadcast_in_dim3A_515, %select_n3A_499 : vector<16xi1>, vector<16xi32>
      %mul3A_517 = arith.constant 16 : i32
      %mul3A_518 = arith.muli %scan3A_328, %mul3A_517 : i32
      %add3A_519 = arith.constant 11 : i32
      %add3A_520 = arith.addi %mul3A_518, %add3A_519 : i32
      %mul3A_521 = arith.constant 16 : i32
      %mul3A_522 = arith.muli %add3A_520, %mul3A_521 : i32
      %get3A_523 = arith.index_cast %mul3A_522 : i32 to index
      %get3A_524 = tpu.vector_load %arg10[%get3A_523] {strides = array<i32>} : memref<8192xi32, #tpu.memory_space<vmem>>, vector<16xi32>,
      %reduce_sum3A_525 = arith.constant true
      %reduce_sum3A_526 = vector.broadcast %reduce_sum3A_525 : i1 to vector<16xi1>
      %reduce_sum3A_527 = tpu.scan <sum>, %get3A_524 masked %reduce_sum3A_526 : vector<16xi32>, vector<16xi1> -> vector<16xi32>
      %reduce_sum3A_528 = vector.extract %reduce_sum3A_527[15] : i32 from vector<16xi32>
      %eq3A_529 = arith.constant 11 : i32
      %eq3A_530 = vector.broadcast %eq3A_529 : i32 to vector<16xi32>
      %eq3A_531 = arith.cmpi eq, %iota3A, %eq3A_530 : vector<16xi32>
      %broadcast_in_dim3A_532 = vector.broadcast %reduce_sum3A_528 : i32 to vector<16xi32>
      %select_n3A_533 = arith.select %eq3A_531, %broadcast_in_dim3A_532, %select_n3A_516 : vector<16xi1>, vector<16xi32>
      %mul3A_534 = arith.constant 16 : i32
      %mul3A_535 = arith.muli %scan3A_328, %mul3A_534 : i32
      %add3A_536 = arith.constant 12 : i32
      %add3A_537 = arith.addi %mul3A_535, %add3A_536 : i32
      %mul3A_538 = arith.constant 16 : i32
      %mul3A_539 = arith.muli %add3A_537, %mul3A_538 : i32
      %get3A_540 = arith.index_cast %mul3A_539 : i32 to index
      %get3A_541 = tpu.vector_load %arg10[%get3A_540] {strides = array<i32>} : memref<8192xi32, #tpu.memory_space<vmem>>, vector<16xi32>,
      %reduce_sum3A_542 = arith.constant true
      %reduce_sum3A_543 = vector.broadcast %reduce_sum3A_542 : i1 to vector<16xi1>
      %reduce_sum3A_544 = tpu.scan <sum>, %get3A_541 masked %reduce_sum3A_543 : vector<16xi32>, vector<16xi1> -> vector<16xi32>
      %reduce_sum3A_545 = vector.extract %reduce_sum3A_544[15] : i32 from vector<16xi32>
      %eq3A_546 = arith.constant 12 : i32
      %eq3A_547 = vector.broadcast %eq3A_546 : i32 to vector<16xi32>
      %eq3A_548 = arith.cmpi eq, %iota3A, %eq3A_547 : vector<16xi32>
      %broadcast_in_dim3A_549 = vector.broadcast %reduce_sum3A_545 : i32 to vector<16xi32>
      %select_n3A_550 = arith.select %eq3A_548, %broadcast_in_dim3A_549, %select_n3A_533 : vector<16xi1>, vector<16xi32>
      %mul3A_551 = arith.constant 16 : i32
      %mul3A_552 = arith.muli %scan3A_328, %mul3A_551 : i32
      %add3A_553 = arith.constant 13 : i32
      %add3A_554 = arith.addi %mul3A_552, %add3A_553 : i32
      %mul3A_555 = arith.constant 16 : i32
      %mul3A_556 = arith.muli %add3A_554, %mul3A_555 : i32
      %get3A_557 = arith.index_cast %mul3A_556 : i32 to index
      %get3A_558 = tpu.vector_load %arg10[%get3A_557] {strides = array<i32>} : memref<8192xi32, #tpu.memory_space<vmem>>, vector<16xi32>,
      %reduce_sum3A_559 = arith.constant true
      %reduce_sum3A_560 = vector.broadcast %reduce_sum3A_559 : i1 to vector<16xi1>
      %reduce_sum3A_561 = tpu.scan <sum>, %get3A_558 masked %reduce_sum3A_560 : vector<16xi32>, vector<16xi1> -> vector<16xi32>
      %reduce_sum3A_562 = vector.extract %reduce_sum3A_561[15] : i32 from vector<16xi32>
      %eq3A_563 = arith.constant 13 : i32
      %eq3A_564 = vector.broadcast %eq3A_563 : i32 to vector<16xi32>
      %eq3A_565 = arith.cmpi eq, %iota3A, %eq3A_564 : vector<16xi32>
      %broadcast_in_dim3A_566 = vector.broadcast %reduce_sum3A_562 : i32 to vector<16xi32>
      %select_n3A_567 = arith.select %eq3A_565, %broadcast_in_dim3A_566, %select_n3A_550 : vector<16xi1>, vector<16xi32>
      %mul3A_568 = arith.constant 16 : i32
      %mul3A_569 = arith.muli %scan3A_328, %mul3A_568 : i32
      %add3A_570 = arith.constant 14 : i32
      %add3A_571 = arith.addi %mul3A_569, %add3A_570 : i32
      %mul3A_572 = arith.constant 16 : i32
      %mul3A_573 = arith.muli %add3A_571, %mul3A_572 : i32
      %get3A_574 = arith.index_cast %mul3A_573 : i32 to index
      %get3A_575 = tpu.vector_load %arg10[%get3A_574] {strides = array<i32>} : memref<8192xi32, #tpu.memory_space<vmem>>, vector<16xi32>,
      %reduce_sum3A_576 = arith.constant true
      %reduce_sum3A_577 = vector.broadcast %reduce_sum3A_576 : i1 to vector<16xi1>
      %reduce_sum3A_578 = tpu.scan <sum>, %get3A_575 masked %reduce_sum3A_577 : vector<16xi32>, vector<16xi1> -> vector<16xi32>
      %reduce_sum3A_579 = vector.extract %reduce_sum3A_578[15] : i32 from vector<16xi32>
      %eq3A_580 = arith.constant 14 : i32
      %eq3A_581 = vector.broadcast %eq3A_580 : i32 to vector<16xi32>
      %eq3A_582 = arith.cmpi eq, %iota3A, %eq3A_581 : vector<16xi32>
      %broadcast_in_dim3A_583 = vector.broadcast %reduce_sum3A_579 : i32 to vector<16xi32>
      %select_n3A_584 = arith.select %eq3A_582, %broadcast_in_dim3A_583, %select_n3A_567 : vector<16xi1>, vector<16xi32>
      %mul3A_585 = arith.constant 16 : i32
      %mul3A_586 = arith.muli %scan3A_328, %mul3A_585 : i32
      %add3A_587 = arith.constant 15 : i32
      %add3A_588 = arith.addi %mul3A_586, %add3A_587 : i32
      %mul3A_589 = arith.constant 16 : i32
      %mul3A_590 = arith.muli %add3A_588, %mul3A_589 : i32
      %get3A_591 = arith.index_cast %mul3A_590 : i32 to index
      %get3A_592 = tpu.vector_load %arg10[%get3A_591] {strides = array<i32>} : memref<8192xi32, #tpu.memory_space<vmem>>, vector<16xi32>,
      %reduce_sum3A_593 = arith.constant true
      %reduce_sum3A_594 = vector.broadcast %reduce_sum3A_593 : i1 to vector<16xi1>
      %reduce_sum3A_595 = tpu.scan <sum>, %get3A_592 masked %reduce_sum3A_594 : vector<16xi32>, vector<16xi1> -> vector<16xi32>
      %reduce_sum3A_596 = vector.extract %reduce_sum3A_595[15] : i32 from vector<16xi32>
      %eq3A_597 = arith.constant 15 : i32
      %eq3A_598 = vector.broadcast %eq3A_597 : i32 to vector<16xi32>
      %eq3A_599 = arith.cmpi eq, %iota3A, %eq3A_598 : vector<16xi32>
      %broadcast_in_dim3A_600 = vector.broadcast %reduce_sum3A_596 : i32 to vector<16xi32>
      %select_n3A_601 = arith.select %eq3A_599, %broadcast_in_dim3A_600, %select_n3A_584 : vector<16xi1>, vector<16xi32>
      %mul3A_602 = arith.constant 16 : i32
      %mul3A_603 = arith.muli %scan3A_328, %mul3A_602 : i32
      %swap3A_604 = arith.index_cast %mul3A_603 : i32 to index
      %swap3A_605 = tpu.vector_load %arg11[%swap3A_604] {strides = array<i32>} : memref<512xi32, #tpu.memory_space<vmem>>, vector<16xi32>,
      tpu.vector_store %arg11[%swap3A_604], %select_n3A_601 {strides = array<i32>} : memref<512xi32, #tpu.memory_space<vmem>>, vector<16xi32>,
      %scan3A_606 = arith.constant 0 : i32
      scf.yield %scan3A_606 : i32
    }
    %scan3A_231 = arith.constant 8 : i32
    "tpu.region"() ({
      %run_scoped3A = tpu.sem_alloc : memref<!tpu.dma_semaphore, #tpu.memory_space<semaphore_mem>>
      %dma_start3A = arith.constant 0 : i32
      %dma_start3A_328 = tpu.memref_slice %arg16[%arg1, %dma_start3A] : memref<16x512xi32, #tpu.memory_space<vmem_shared>> -> memref<1x512xi32, #tpu.memory_space<vmem_shared>>
      %dma_start3A_329 = tpu.memref_squeeze %dma_start3A_328 : memref<1x512xi32, #tpu.memory_space<vmem_shared>> -> memref<512xi32, #tpu.memory_space<vmem_shared>>
      %dma_start3A_330 = arith.constant 0 : i32
      %dma_start3A_331 = tpu.memref_slice %arg16[%arg1, %dma_start3A_330] : memref<16x512xi32, #tpu.memory_space<vmem_shared>> -> memref<1x512xi32, #tpu.memory_space<vmem_shared>>
      %dma_start3A_332 = tpu.memref_squeeze %dma_start3A_331 : memref<1x512xi32, #tpu.memory_space<vmem_shared>> -> memref<512xi32, #tpu.memory_space<vmem_shared>>
      tpu.enqueue_dma source(%arg11 : memref<512xi32, #tpu.memory_space<vmem>>) target(%dma_start3A_332 : memref<512xi32, #tpu.memory_space<vmem_shared>>) target_semaphore(%run_scoped3A : memref<!tpu.dma_semaphore, #tpu.memory_space<semaphore_mem>>)
      %dma_wait3A = arith.constant 0 : i32
      %dma_wait3A_333 = tpu.memref_slice %arg16[%arg1, %dma_wait3A] : memref<16x512xi32, #tpu.memory_space<vmem_shared>> -> memref<1x512xi32, #tpu.memory_space<vmem_shared>>
      %dma_wait3A_334 = tpu.memref_squeeze %dma_wait3A_333 : memref<1x512xi32, #tpu.memory_space<vmem_shared>> -> memref<512xi32, #tpu.memory_space<vmem_shared>>
      %dma_wait3A_335 = arith.constant 0 : i32
      %dma_wait3A_336 = tpu.memref_slice %arg16[%arg1, %dma_wait3A_335] : memref<16x512xi32, #tpu.memory_space<vmem_shared>> -> memref<1x512xi32, #tpu.memory_space<vmem_shared>>
      %dma_wait3A_337 = tpu.memref_squeeze %dma_wait3A_336 : memref<1x512xi32, #tpu.memory_space<vmem_shared>> -> memref<512xi32, #tpu.memory_space<vmem_shared>>
      tpu.wait_dma2 semaphore(%run_scoped3A : memref<!tpu.dma_semaphore, #tpu.memory_space<semaphore_mem>>) src(%arg11 : memref<512xi32, #tpu.memory_space<vmem>>) dst(%dma_wait3A_337 : memref<512xi32, #tpu.memory_space<vmem_shared>>)
      tpu.yield
    }) : () -> ()
    %barrier3A_232 = arith.constant 0 : index
    tpu.barrier barrier_id(%barrier3A_232)
    %mul3A_233 = arith.constant 4 : i32
    %mul3A_234 = arith.muli %select_n3A, %mul3A_233 : i32
    "tpu.region"() ({
      %run_scoped3A = tpu.sem_alloc : memref<!tpu.dma_semaphore, #tpu.memory_space<semaphore_mem>>
      %dma_start3A = arith.constant 0 : i32
      %dma_start3A_328 = tpu.memref_slice %arg16[%mul3A_234, %dma_start3A] : memref<16x512xi32, #tpu.memory_space<vmem_shared>> -> memref<4x512xi32, #tpu.memory_space<vmem_shared>>
      %dma_start3A_329 = arith.constant 0 : i32
      %dma_start3A_330 = tpu.memref_slice %arg16[%mul3A_234, %dma_start3A_329] : memref<16x512xi32, #tpu.memory_space<vmem_shared>> -> memref<4x512xi32, #tpu.memory_space<vmem_shared>>
      tpu.enqueue_dma source(%dma_start3A_330 : memref<4x512xi32, #tpu.memory_space<vmem_shared>>) target(%arg12 : memref<4x512xi32, #tpu.memory_space<vmem>>) target_semaphore(%run_scoped3A : memref<!tpu.dma_semaphore, #tpu.memory_space<semaphore_mem>>)
      %dma_wait3A = arith.constant 0 : i32
      %dma_wait3A_331 = tpu.memref_slice %arg16[%mul3A_234, %dma_wait3A] : memref<16x512xi32, #tpu.memory_space<vmem_shared>> -> memref<4x512xi32, #tpu.memory_space<vmem_shared>>
      %dma_wait3A_332 = arith.constant 0 : i32
      %dma_wait3A_333 = tpu.memref_slice %arg16[%mul3A_234, %dma_wait3A_332] : memref<16x512xi32, #tpu.memory_space<vmem_shared>> -> memref<4x512xi32, #tpu.memory_space<vmem_shared>>
      tpu.wait_dma2 semaphore(%run_scoped3A : memref<!tpu.dma_semaphore, #tpu.memory_space<semaphore_mem>>) src(%dma_wait3A_333 : memref<4x512xi32, #tpu.memory_space<vmem_shared>>) dst(%arg12 : memref<4x512xi32, #tpu.memory_space<vmem>>)
      tpu.yield
    }) : () -> ()
    %barrier3A_235 = arith.constant 0 : index
    tpu.barrier barrier_id(%barrier3A_235)
    %scan3A_236 = arith.constant 0 : i32
    %scan3A_237 = arith.constant 0 : i32
    %scan3A_238 = arith.constant 0 : i32
    %scan3A_239 = arith.constant 0 : i32
    %scan3A_240 = arith.constant 0 : i32
    %scan3A_241 = arith.constant 8 : i32
    %scan3A_242 = arith.addi %scan3A_240, %scan3A_241 : i32
    %scan3A_243 = arith.constant 1 : i32
    %scan3A_244:4 = scf.for %scan3A_328 = %scan3A_240 to %scan3A_242 step %scan3A_243 iter_args(%scan3A_329 = %scan3A_236, %scan3A_330 = %scan3A_237, %scan3A_331 = %scan3A_238, %scan3A_332 = %scan3A_239) -> (i32, i32, i32, i32)  : i32 {
      %mul3A_333 = arith.constant 16 : i32
      %mul3A_334 = arith.muli %scan3A_328, %mul3A_333 : i32
      %get3A_335 = arith.constant 0 : i32
      %get3A_336 = arith.index_cast %get3A_335 : i32 to index
      %get3A_337 = arith.index_cast %mul3A_334 : i32 to index
      %get3A_338 = tpu.vector_load %arg12[%get3A_336, %get3A_337] {strides = array<i32>} : memref<4x512xi32, #tpu.memory_space<vmem>>, vector<16xi32>,
      %mul3A_339 = arith.constant 16 : i32
      %mul3A_340 = arith.muli %scan3A_328, %mul3A_339 : i32
      %get3A_341 = arith.constant 1 : i32
      %get3A_342 = arith.index_cast %get3A_341 : i32 to index
      %get3A_343 = arith.index_cast %mul3A_340 : i32 to index
      %get3A_344 = tpu.vector_load %arg12[%get3A_342, %get3A_343] {strides = array<i32>} : memref<4x512xi32, #tpu.memory_space<vmem>>, vector<16xi32>,
      %add3A_345 = arith.addi %get3A_338, %get3A_344 : vector<16xi32>
      %mul3A_346 = arith.constant 16 : i32
      %mul3A_347 = arith.muli %scan3A_328, %mul3A_346 : i32
      %get3A_348 = arith.constant 2 : i32
      %get3A_349 = arith.index_cast %get3A_348 : i32 to index
      %get3A_350 = arith.index_cast %mul3A_347 : i32 to index
      %get3A_351 = tpu.vector_load %arg12[%get3A_349, %get3A_350] {strides = array<i32>} : memref<4x512xi32, #tpu.memory_space<vmem>>, vector<16xi32>,
      %add3A_352 = arith.addi %add3A_345, %get3A_351 : vector<16xi32>
      %mul3A_353 = arith.constant 16 : i32
      %mul3A_354 = arith.muli %scan3A_328, %mul3A_353 : i32
      %get3A_355 = arith.constant 3 : i32
      %get3A_356 = arith.index_cast %get3A_355 : i32 to index
      %get3A_357 = arith.index_cast %mul3A_354 : i32 to index
      %get3A_358 = tpu.vector_load %arg12[%get3A_356, %get3A_357] {strides = array<i32>} : memref<4x512xi32, #tpu.memory_space<vmem>>, vector<16xi32>,
      %add3A_359 = arith.addi %add3A_352, %get3A_358 : vector<16xi32>
      %broadcast_in_dim3A_360 = arith.constant true
      %broadcast_in_dim3A_361 = vector.broadcast %broadcast_in_dim3A_360 : i1 to vector<16xi1>
      %masked_cumsum3A = tpu.scan <sum>, %add3A_359 masked %broadcast_in_dim3A_361 : vector<16xi32>, vector<16xi1> -> vector<16xi32>
      %add3A_362 = vector.broadcast %scan3A_329 : i32 to vector<16xi32>
      %add3A_363 = arith.addi %masked_cumsum3A, %add3A_362 : vector<16xi32>
      %ge3A = vector.broadcast %sub3A_202 : i32 to vector<16xi32>
      %ge3A_364 = arith.cmpi sge, %add3A_363, %ge3A : vector<16xi32>
      %jit3A_365 = arith.constant 16 : i32
      %broadcast_in_dim3A_366 = vector.broadcast %jit3A_365 : i32 to vector<16xi32>
      %select_n3A_367 = arith.select %ge3A_364, %iota3A, %broadcast_in_dim3A_366 : vector<16xi1>, vector<16xi32>
      %reduce_min3A = arith.constant true
      %reduce_min3A_368 = vector.broadcast %reduce_min3A : i1 to vector<16xi1>
      %reduce_min3A_369 = arith.constant -2147483648 : i32
      %reduce_min3A_370 = vector.broadcast %reduce_min3A_369 : i32 to vector<16xi32>
      %reduce_min3A_371 = arith.xori %select_n3A_367, %reduce_min3A_370 : vector<16xi32>
      %reduce_min3A_372 = tpu.scan <min>, %reduce_min3A_371 masked %reduce_min3A_368 : vector<16xi32>, vector<16xi1> -> vector<16xi32>
      %reduce_min3A_373 = arith.xori %reduce_min3A_372, %reduce_min3A_370 : vector<16xi32>
      %reduce_min3A_374 = vector.extract %reduce_min3A_373[15] : i32 from vector<16xi32>
      %lt3A_375 = arith.constant 16 : i32
      %lt3A_376 = arith.cmpi slt, %reduce_min3A_374, %lt3A_375 : i32
      %eq3A_377 = arith.constant 0 : i32
      %eq3A_378 = arith.cmpi eq, %scan3A_330, %eq3A_377 : i32
      %and3A_379 = arith.andi %lt3A_376, %eq3A_378 : i1
      %lt3A_380 = vector.broadcast %reduce_min3A_374 : i32 to vector<16xi32>
      %lt3A_381 = arith.cmpi slt, %iota3A, %lt3A_380 : vector<16xi32>
      %jit3A_382 = arith.constant 0 : i32
      %broadcast_in_dim3A_383 = vector.broadcast %jit3A_382 : i32 to vector<16xi32>
      %select_n3A_384 = arith.select %lt3A_381, %add3A_359, %broadcast_in_dim3A_383 : vector<16xi1>, vector<16xi32>
      %reduce_sum3A_385 = arith.constant true
      %reduce_sum3A_386 = vector.broadcast %reduce_sum3A_385 : i1 to vector<16xi1>
      %reduce_sum3A_387 = tpu.scan <sum>, %select_n3A_384 masked %reduce_sum3A_386 : vector<16xi32>, vector<16xi1> -> vector<16xi32>
      %reduce_sum3A_388 = vector.extract %reduce_sum3A_387[15] : i32 from vector<16xi32>
      %mul3A_389 = arith.constant 16 : i32
      %mul3A_390 = arith.muli %scan3A_328, %mul3A_389 : i32
      %add3A_391 = arith.addi %mul3A_390, %reduce_min3A_374 : i32
      %select_n3A_392 = arith.select %and3A_379, %add3A_391, %scan3A_331 : i32
      %add3A_393 = arith.addi %scan3A_329, %reduce_sum3A_388 : i32
      %select_n3A_394 = arith.select %and3A_379, %add3A_393, %scan3A_332 : i32
      %jit3A_395 = arith.constant 1 : i32
      %select_n3A_396 = arith.select %and3A_379, %jit3A_395, %scan3A_330 : i32
      %reduce_sum3A_397 = arith.constant true
      %reduce_sum3A_398 = vector.broadcast %reduce_sum3A_397 : i1 to vector<16xi1>
      %reduce_sum3A_399 = tpu.scan <sum>, %add3A_359 masked %reduce_sum3A_398 : vector<16xi32>, vector<16xi1> -> vector<16xi32>
      %reduce_sum3A_400 = vector.extract %reduce_sum3A_399[15] : i32 from vector<16xi32>
      %add3A_401 = arith.addi %scan3A_329, %reduce_sum3A_400 : i32
      scf.yield %add3A_401, %select_n3A_396, %select_n3A_392, %select_n3A_394 : i32, i32, i32, i32
    }
    %scan3A_245 = arith.constant 8 : i32
    %sub3A_246 = arith.subi %sub3A_202, %scan3A_244#3 : i32
    %mul3A_247 = arith.constant 128 : i32
    %mul3A_248 = arith.muli %add3A_205, %mul3A_247 : i32
    %add3A_249 = arith.addi %mul3A_248, %scan3A_244#2 : i32
    %while3A_250 = arith.constant 0 : i32
    %while3A_251 = arith.constant 0 : i32
    %while3A_252 = arith.subi %select_n3A_162, %while3A_250 : i32
    %while3A_253 = arith.addi %while3A_250, %while3A_252 : i32
    %while3A_254 = arith.constant 1 : i32
    %while3A_255 = arith.divsi %while3A_252, %while3A_254 : i32
    %while3A_256 = arith.muli %while3A_255, %while3A_254 : i32
    %while3A_257 = arith.addi %while3A_250, %while3A_256 : i32
    %while3A_258 = arith.constant 1 : i32
    %while3A_259 = scf.for %while3A_328 = %while3A_250 to %while3A_257 step %while3A_258 iter_args(%while3A_329 = %while3A_251) -> (i32)  : i32 {
      %mul3A_330 = arith.constant 16 : i32
      %mul3A_331 = arith.muli %while3A_328, %mul3A_330 : i32
      %get3A_332 = arith.index_cast %mul3A_331 : i32 to index
      %get3A_333 = tpu.vector_load %arg13[%get3A_332] {strides = array<i32>} : memref<36880xi32, #tpu.memory_space<vmem>>, vector<16xi32>,
      %mul3A_334 = arith.constant 16 : i32
      %mul3A_335 = arith.muli %while3A_328, %mul3A_334 : i32
      %add3A_336 = vector.broadcast %mul3A_335 : i32 to vector<16xi32>
      %add3A_337 = arith.addi %add3A_336, %iota3A : vector<16xi32>
      %lt3A_338 = vector.broadcast %reduce_max3A_110 : i32 to vector<16xi32>
      %lt3A_339 = arith.cmpi slt, %add3A_337, %lt3A_338 : vector<16xi32>
      %lt3A_340 = vector.broadcast %add3A_249 : i32 to vector<16xi32>
      %lt3A_341 = arith.cmpi slt, %get3A_333, %lt3A_340 : vector<16xi32>
      %and3A_342 = arith.andi %lt3A_339, %lt3A_341 : vector<16xi1>
      %bitcast_convert_type3A_343 = tpu.bitcast %get3A_333 : vector<16xi32> -> vector<16xf32>
      %get3A_344 = arith.constant 0 : index
      %get3A_345 = tpu.vector_load %arg14[%get3A_344] {strides = array<i32>} : memref<16xf32, #tpu.memory_space<vmem>>, vector<16xf32>,
      %select_n3A_346 = arith.select %and3A_342, %bitcast_convert_type3A_343, %broadcast_in_dim3A_40 : vector<16xi1>, vector<16xf32>
      %add3A_347 = arith.addf %get3A_345, %select_n3A_346 : vector<16xf32>
      %swap3A_348 = arith.constant 0 : index
      %swap3A_349 = tpu.vector_load %arg14[%swap3A_348] {strides = array<i32>} : memref<16xf32, #tpu.memory_space<vmem>>, vector<16xf32>,
      tpu.vector_store %arg14[%swap3A_348], %add3A_347 {strides = array<i32>} : memref<16xf32, #tpu.memory_space<vmem>>, vector<16xf32>,
      %while3A_350 = arith.constant 0 : i32
      scf.yield %while3A_350 : i32
    }
    %while3A_260 = arith.constant 1 : i32
    %while3A_261 = scf.for %while3A_328 = %while3A_257 to %while3A_253 step %while3A_260 iter_args(%while3A_329 = %while3A_259) -> (i32)  : i32 {
      %mul3A_330 = arith.constant 16 : i32
      %mul3A_331 = arith.muli %while3A_328, %mul3A_330 : i32
      %get3A_332 = arith.index_cast %mul3A_331 : i32 to index
      %get3A_333 = tpu.vector_load %arg13[%get3A_332] {strides = array<i32>} : memref<36880xi32, #tpu.memory_space<vmem>>, vector<16xi32>,
      %mul3A_334 = arith.constant 16 : i32
      %mul3A_335 = arith.muli %while3A_328, %mul3A_334 : i32
      %add3A_336 = vector.broadcast %mul3A_335 : i32 to vector<16xi32>
      %add3A_337 = arith.addi %add3A_336, %iota3A : vector<16xi32>
      %lt3A_338 = vector.broadcast %reduce_max3A_110 : i32 to vector<16xi32>
      %lt3A_339 = arith.cmpi slt, %add3A_337, %lt3A_338 : vector<16xi32>
      %lt3A_340 = vector.broadcast %add3A_249 : i32 to vector<16xi32>
      %lt3A_341 = arith.cmpi slt, %get3A_333, %lt3A_340 : vector<16xi32>
      %and3A_342 = arith.andi %lt3A_339, %lt3A_341 : vector<16xi1>
      %bitcast_convert_type3A_343 = tpu.bitcast %get3A_333 : vector<16xi32> -> vector<16xf32>
      %get3A_344 = arith.constant 0 : index
      %get3A_345 = tpu.vector_load %arg14[%get3A_344] {strides = array<i32>} : memref<16xf32, #tpu.memory_space<vmem>>, vector<16xf32>,
      %select_n3A_346 = arith.select %and3A_342, %bitcast_convert_type3A_343, %broadcast_in_dim3A_40 : vector<16xi1>, vector<16xf32>
      %add3A_347 = arith.addf %get3A_345, %select_n3A_346 : vector<16xf32>
      %swap3A_348 = arith.constant 0 : index
      %swap3A_349 = tpu.vector_load %arg14[%swap3A_348] {strides = array<i32>} : memref<16xf32, #tpu.memory_space<vmem>>, vector<16xf32>,
      tpu.vector_store %arg14[%swap3A_348], %add3A_347 {strides = array<i32>} : memref<16xf32, #tpu.memory_space<vmem>>, vector<16xf32>,
      %while3A_350 = arith.constant 0 : i32
      scf.yield %while3A_350 : i32
    }
    %get3A = arith.constant 0 : index
    %get3A_262 = tpu.vector_load %arg14[%get3A] {strides = array<i32>} : memref<16xf32, #tpu.memory_space<vmem>>, vector<16xf32>,
    %reduce_sum3A = arith.constant true
    %reduce_sum3A_263 = vector.broadcast %reduce_sum3A : i1 to vector<16xi1>
    %reduce_sum3A_264 = tpu.scan <sum>, %get3A_262 masked %reduce_sum3A_263 : vector<16xf32>, vector<16xi1> -> vector<16xf32>
    %reduce_sum3A_265 = vector.extract %reduce_sum3A_264[15] : f32 from vector<16xf32>
    %eq3A_266 = arith.constant 0 : i32
    %eq3A_267 = vector.broadcast %eq3A_266 : i32 to vector<16xi32>
    %eq3A_268 = arith.cmpi eq, %iota3A, %eq3A_267 : vector<16xi32>
    %broadcast_in_dim3A_269 = vector.broadcast %reduce_sum3A_265 : f32 to vector<16xf32>
    %select_n3A_270 = arith.select %eq3A_268, %broadcast_in_dim3A_269, %broadcast_in_dim3A_40 : vector<16xi1>, vector<16xf32>
    %bitcast_convert_type3A = tpu.bitcast %select_n3A_270 : vector<16xf32> -> vector<16xi32>
    %swap3A_271 = arith.constant 0 : index
    %swap3A_272 = tpu.vector_load %arg11[%swap3A_271] {strides = array<i32>} : memref<512xi32, #tpu.memory_space<vmem>>, vector<16xi32>,
    tpu.vector_store %arg11[%swap3A_271], %bitcast_convert_type3A {strides = array<i32>} : memref<512xi32, #tpu.memory_space<vmem>>, vector<16xi32>,
    "tpu.region"() ({
      %run_scoped3A = tpu.sem_alloc : memref<!tpu.dma_semaphore, #tpu.memory_space<semaphore_mem>>
      %dma_start3A = arith.constant 0 : i32
      %dma_start3A_328 = tpu.memref_slice %arg16[%arg1, %dma_start3A] : memref<16x512xi32, #tpu.memory_space<vmem_shared>> -> memref<1x512xi32, #tpu.memory_space<vmem_shared>>
      %dma_start3A_329 = tpu.memref_squeeze %dma_start3A_328 : memref<1x512xi32, #tpu.memory_space<vmem_shared>> -> memref<512xi32, #tpu.memory_space<vmem_shared>>
      %dma_start3A_330 = arith.constant 0 : i32
      %dma_start3A_331 = tpu.memref_slice %arg16[%arg1, %dma_start3A_330] : memref<16x512xi32, #tpu.memory_space<vmem_shared>> -> memref<1x512xi32, #tpu.memory_space<vmem_shared>>
      %dma_start3A_332 = tpu.memref_squeeze %dma_start3A_331 : memref<1x512xi32, #tpu.memory_space<vmem_shared>> -> memref<512xi32, #tpu.memory_space<vmem_shared>>
      tpu.enqueue_dma source(%arg11 : memref<512xi32, #tpu.memory_space<vmem>>) target(%dma_start3A_332 : memref<512xi32, #tpu.memory_space<vmem_shared>>) target_semaphore(%run_scoped3A : memref<!tpu.dma_semaphore, #tpu.memory_space<semaphore_mem>>)
      %dma_wait3A = arith.constant 0 : i32
      %dma_wait3A_333 = tpu.memref_slice %arg16[%arg1, %dma_wait3A] : memref<16x512xi32, #tpu.memory_space<vmem_shared>> -> memref<1x512xi32, #tpu.memory_space<vmem_shared>>
      %dma_wait3A_334 = tpu.memref_squeeze %dma_wait3A_333 : memref<1x512xi32, #tpu.memory_space<vmem_shared>> -> memref<512xi32, #tpu.memory_space<vmem_shared>>
      %dma_wait3A_335 = arith.constant 0 : i32
      %dma_wait3A_336 = tpu.memref_slice %arg16[%arg1, %dma_wait3A_335] : memref<16x512xi32, #tpu.memory_space<vmem_shared>> -> memref<1x512xi32, #tpu.memory_space<vmem_shared>>
      %dma_wait3A_337 = tpu.memref_squeeze %dma_wait3A_336 : memref<1x512xi32, #tpu.memory_space<vmem_shared>> -> memref<512xi32, #tpu.memory_space<vmem_shared>>
      tpu.wait_dma2 semaphore(%run_scoped3A : memref<!tpu.dma_semaphore, #tpu.memory_space<semaphore_mem>>) src(%arg11 : memref<512xi32, #tpu.memory_space<vmem>>) dst(%dma_wait3A_337 : memref<512xi32, #tpu.memory_space<vmem_shared>>)
      tpu.yield
    }) : () -> ()
    %barrier3A_273 = arith.constant 0 : index
    tpu.barrier barrier_id(%barrier3A_273)
    %mul3A_274 = arith.constant 4 : i32
    %mul3A_275 = arith.muli %select_n3A, %mul3A_274 : i32
    "tpu.region"() ({
      %run_scoped3A = tpu.sem_alloc : memref<!tpu.dma_semaphore, #tpu.memory_space<semaphore_mem>>
      %dma_start3A = arith.constant 0 : i32
      %dma_start3A_328 = tpu.memref_slice %arg16[%mul3A_275, %dma_start3A] : memref<16x512xi32, #tpu.memory_space<vmem_shared>> -> memref<4x512xi32, #tpu.memory_space<vmem_shared>>
      %dma_start3A_329 = arith.constant 0 : i32
      %dma_start3A_330 = tpu.memref_slice %arg16[%mul3A_275, %dma_start3A_329] : memref<16x512xi32, #tpu.memory_space<vmem_shared>> -> memref<4x512xi32, #tpu.memory_space<vmem_shared>>
      tpu.enqueue_dma source(%dma_start3A_330 : memref<4x512xi32, #tpu.memory_space<vmem_shared>>) target(%arg12 : memref<4x512xi32, #tpu.memory_space<vmem>>) target_semaphore(%run_scoped3A : memref<!tpu.dma_semaphore, #tpu.memory_space<semaphore_mem>>)
      %dma_wait3A = arith.constant 0 : i32
      %dma_wait3A_331 = tpu.memref_slice %arg16[%mul3A_275, %dma_wait3A] : memref<16x512xi32, #tpu.memory_space<vmem_shared>> -> memref<4x512xi32, #tpu.memory_space<vmem_shared>>
      %dma_wait3A_332 = arith.constant 0 : i32
      %dma_wait3A_333 = tpu.memref_slice %arg16[%mul3A_275, %dma_wait3A_332] : memref<16x512xi32, #tpu.memory_space<vmem_shared>> -> memref<4x512xi32, #tpu.memory_space<vmem_shared>>
      tpu.wait_dma2 semaphore(%run_scoped3A : memref<!tpu.dma_semaphore, #tpu.memory_space<semaphore_mem>>) src(%dma_wait3A_333 : memref<4x512xi32, #tpu.memory_space<vmem_shared>>) dst(%arg12 : memref<4x512xi32, #tpu.memory_space<vmem>>)
      tpu.yield
    }) : () -> ()
    %get3A_276 = arith.constant 0 : i32
    %get3A_277 = arith.index_cast %get3A_276 : i32 to index
    %get3A_278 = arith.constant 0 : index
    %get3A_279 = tpu.vector_load %arg12[%get3A_277, %get3A_278] {strides = array<i32>} : memref<4x512xi32, #tpu.memory_space<vmem>>, vector<16xi32>,
    %bitcast_convert_type3A_280 = tpu.bitcast %get3A_279 : vector<16xi32> -> vector<16xf32>
    %reduce_sum3A_281 = arith.constant true
    %reduce_sum3A_282 = vector.broadcast %reduce_sum3A_281 : i1 to vector<16xi1>
    %reduce_sum3A_283 = tpu.scan <sum>, %bitcast_convert_type3A_280 masked %reduce_sum3A_282 : vector<16xf32>, vector<16xi1> -> vector<16xf32>
    %reduce_sum3A_284 = vector.extract %reduce_sum3A_283[15] : f32 from vector<16xf32>
    %get3A_285 = arith.constant 1 : i32
    %get3A_286 = arith.index_cast %get3A_285 : i32 to index
    %get3A_287 = arith.constant 0 : index
    %get3A_288 = tpu.vector_load %arg12[%get3A_286, %get3A_287] {strides = array<i32>} : memref<4x512xi32, #tpu.memory_space<vmem>>, vector<16xi32>,
    %bitcast_convert_type3A_289 = tpu.bitcast %get3A_288 : vector<16xi32> -> vector<16xf32>
    %reduce_sum3A_290 = arith.constant true
    %reduce_sum3A_291 = vector.broadcast %reduce_sum3A_290 : i1 to vector<16xi1>
    %reduce_sum3A_292 = tpu.scan <sum>, %bitcast_convert_type3A_289 masked %reduce_sum3A_291 : vector<16xf32>, vector<16xi1> -> vector<16xf32>
    %reduce_sum3A_293 = vector.extract %reduce_sum3A_292[15] : f32 from vector<16xf32>
    %get3A_294 = arith.constant 2 : i32
    %get3A_295 = arith.index_cast %get3A_294 : i32 to index
    %get3A_296 = arith.constant 0 : index
    %get3A_297 = tpu.vector_load %arg12[%get3A_295, %get3A_296] {strides = array<i32>} : memref<4x512xi32, #tpu.memory_space<vmem>>, vector<16xi32>,
    %bitcast_convert_type3A_298 = tpu.bitcast %get3A_297 : vector<16xi32> -> vector<16xf32>
    %reduce_sum3A_299 = arith.constant true
    %reduce_sum3A_300 = vector.broadcast %reduce_sum3A_299 : i1 to vector<16xi1>
    %reduce_sum3A_301 = tpu.scan <sum>, %bitcast_convert_type3A_298 masked %reduce_sum3A_300 : vector<16xf32>, vector<16xi1> -> vector<16xf32>
    %reduce_sum3A_302 = vector.extract %reduce_sum3A_301[15] : f32 from vector<16xf32>
    %get3A_303 = arith.constant 3 : i32
    %get3A_304 = arith.index_cast %get3A_303 : i32 to index
    %get3A_305 = arith.constant 0 : index
    %get3A_306 = tpu.vector_load %arg12[%get3A_304, %get3A_305] {strides = array<i32>} : memref<4x512xi32, #tpu.memory_space<vmem>>, vector<16xi32>,
    %bitcast_convert_type3A_307 = tpu.bitcast %get3A_306 : vector<16xi32> -> vector<16xf32>
    %reduce_sum3A_308 = arith.constant true
    %reduce_sum3A_309 = vector.broadcast %reduce_sum3A_308 : i1 to vector<16xi1>
    %reduce_sum3A_310 = tpu.scan <sum>, %bitcast_convert_type3A_307 masked %reduce_sum3A_309 : vector<16xf32>, vector<16xi1> -> vector<16xf32>
    %reduce_sum3A_311 = vector.extract %reduce_sum3A_310[15] : f32 from vector<16xf32>
    %add3A_312 = arith.addf %reduce_sum3A_284, %reduce_sum3A_293 : f32
    %add3A_313 = arith.addf %add3A_312, %reduce_sum3A_302 : f32
    %add3A_314 = arith.addf %add3A_313, %reduce_sum3A_311 : f32
    %broadcast_in_dim3A_315 = vector.broadcast %add3A_249 : i32 to vector<16xi32>
    %bitcast_convert_type3A_316 = tpu.bitcast %broadcast_in_dim3A_315 : vector<16xi32> -> vector<16xf32>
    %reduce_max3A_317 = arith.constant true
    %reduce_max3A_318 = vector.broadcast %reduce_max3A_317 : i1 to vector<16xi1>
    %reduce_max3A_319 = tpu.scan <max>, %bitcast_convert_type3A_316 masked %reduce_max3A_318 : vector<16xf32>, vector<16xi1> -> vector<16xf32>
    %reduce_max3A_320 = vector.extract %reduce_max3A_319[15] : f32 from vector<16xf32>
    %convert_element_type3A_321 = arith.sitofp %sub3A_246 : i32 to f32
    %mul3A_322 = arith.mulf %convert_element_type3A_321, %reduce_max3A_320 : f32
    %add3A_323 = arith.addf %add3A_314, %mul3A_322 : f32
    %eq3A_324 = arith.constant 0 : i32
    %eq3A_325 = arith.cmpi eq, %select_n3A_28, %eq3A_324 : i32
    %convert_element_type3A_326 = arith.extui %eq3A_325 : i1 to i32
    %cond3A = arith.constant 0 : i32
    %cond3A_327 = arith.cmpi ne, %convert_element_type3A_326, %cond3A : i32
    scf.if %cond3A_327 {
      %eq3A_328 = arith.constant 0 : i32
      %eq3A_329 = vector.broadcast %eq3A_328 : i32 to vector<16xi32>
      %eq3A_330 = arith.cmpi eq, %iota3A, %eq3A_329 : vector<16xi32>
      %eq3A_331 = arith.constant 1 : i32
      %eq3A_332 = vector.broadcast %eq3A_331 : i32 to vector<16xi32>
      %eq3A_333 = arith.cmpi eq, %iota3A, %eq3A_332 : vector<16xi32>
      %jit3A_334 = arith.constant 0.000000e+00 : f32
      %broadcast_in_dim3A_335 = vector.broadcast %convert_element_type3A : f32 to vector<16xf32>
      %broadcast_in_dim3A_336 = vector.broadcast %jit3A_334 : f32 to vector<16xf32>
      %select_n3A_337 = arith.select %eq3A_333, %broadcast_in_dim3A_335, %broadcast_in_dim3A_336 : vector<16xi1>, vector<16xf32>
      %broadcast_in_dim3A_338 = vector.broadcast %add3A_323 : f32 to vector<16xf32>
      %select_n3A_339 = arith.select %eq3A_330, %broadcast_in_dim3A_338, %select_n3A_337 : vector<16xi1>, vector<16xf32>
      %swap3A_340 = arith.constant 0 : index
      %swap3A_341 = tpu.vector_load %arg15[%swap3A_340] {strides = array<i32>} : memref<16xf32, #tpu.memory_space<vmem>>, vector<16xf32>,
      tpu.vector_store %arg15[%swap3A_340], %select_n3A_339 {strides = array<i32>} : memref<16xf32, #tpu.memory_space<vmem>>, vector<16xf32>,
      "tpu.region"() ({
        %run_scoped3A = tpu.sem_alloc : memref<!tpu.dma_semaphore, #tpu.memory_space<semaphore_mem>>
        %dma_start3A = arith.constant 0 : i32
        %dma_start3A_342 = tpu.memref_slice %arg5[%add3A_30, %dma_start3A] : memref<8x16xf32, #tpu.memory_space<hbm>> -> memref<1x16xf32, #tpu.memory_space<hbm>>
        %dma_start3A_343 = tpu.memref_squeeze %dma_start3A_342 : memref<1x16xf32, #tpu.memory_space<hbm>> -> memref<16xf32, #tpu.memory_space<hbm>>
        %dma_start3A_344 = arith.constant 0 : i32
        %dma_start3A_345 = tpu.memref_slice %arg5[%add3A_30, %dma_start3A_344] : memref<8x16xf32, #tpu.memory_space<hbm>> -> memref<1x16xf32, #tpu.memory_space<hbm>>
        %dma_start3A_346 = tpu.memref_squeeze %dma_start3A_345 : memref<1x16xf32, #tpu.memory_space<hbm>> -> memref<16xf32, #tpu.memory_space<hbm>>
        tpu.enqueue_dma source(%arg15 : memref<16xf32, #tpu.memory_space<vmem>>) target(%dma_start3A_346 : memref<16xf32, #tpu.memory_space<hbm>>) target_semaphore(%run_scoped3A : memref<!tpu.dma_semaphore, #tpu.memory_space<semaphore_mem>>)
        %dma_wait3A = arith.constant 0 : i32
        %dma_wait3A_347 = tpu.memref_slice %arg5[%add3A_30, %dma_wait3A] : memref<8x16xf32, #tpu.memory_space<hbm>> -> memref<1x16xf32, #tpu.memory_space<hbm>>
        %dma_wait3A_348 = tpu.memref_squeeze %dma_wait3A_347 : memref<1x16xf32, #tpu.memory_space<hbm>> -> memref<16xf32, #tpu.memory_space<hbm>>
        %dma_wait3A_349 = arith.constant 0 : i32
        %dma_wait3A_350 = tpu.memref_slice %arg5[%add3A_30, %dma_wait3A_349] : memref<8x16xf32, #tpu.memory_space<hbm>> -> memref<1x16xf32, #tpu.memory_space<hbm>>
        %dma_wait3A_351 = tpu.memref_squeeze %dma_wait3A_350 : memref<1x16xf32, #tpu.memory_space<hbm>> -> memref<16xf32, #tpu.memory_space<hbm>>
        tpu.wait_dma2 semaphore(%run_scoped3A : memref<!tpu.dma_semaphore, #tpu.memory_space<semaphore_mem>>) src(%arg15 : memref<16xf32, #tpu.memory_space<vmem>>) dst(%dma_wait3A_351 : memref<16xf32, #tpu.memory_space<hbm>>)
        tpu.yield
      }) : () -> ()
    } else {
    }
    return
  }
}

</mosaic_0001>

<sc_bundles>
// kernel: kernel.3.cloned.1.call-start
scs
__scs_entry_jumppad:
0x0: {  	(pc) =	sbr.rel $0x88, $3  }
0x1: {  	(tag) =	ssettag $0x0;
	lr =	simm.s32 $0x1  }
0x2: {  	[smem:$0x3F9E] =	sst lr;
	_ =	strace $0xD0000000  }
0x3: {  	_ = 	snop  }
0x4: {  	_ = 	snop  }
0x5: {  	_ = 	snop  }
0x6: {  	_ = 	snop  }
0x7: {  	_ = 	snop  }
__scs_overlays_trampoline_lowered:
0x8: {  	[smem:$0x3FAD] =	sst s0  }
0x9: {  	[smem:$0x3FAE] =	sst s1  }
0xa: {  	[smem:$0x3FAF] =	sst s2  }
0xb: {  	[smem:$0x3FB0] =	sst s3  }
0xc: {  	[smem:$0x3FB1] =	sst s4  }
0xd: {  	[smem:$0x3FB2] =	sst s5  }
0xe: {  	[smem:$0x3FB3] =	sst s6  }
0xf: {  	[smem:$0x3FB4] =	sst s7  }
0x10: {  	[smem:$0x3FB5] =	sst s8  }
0x11: {  	[smem:$0x3FB6] =	sst s9;
	s0 =	simm.s32 @!p0 $0x0  }
0x12: {  	s1 =	sld [smem:$0x3F9C];
	s0 =	simm.s32 @p0 $0x1  }
0x13: {  	[smem:$0x3FB7] =	sst s0;
	s0 =	simm.s32 @!p1 $0x0  }
0x14: {  	s2 =	sld [smem:$0x3F9B];
	s0 =	simm.s32 @p1 $0x1  }
0x15: {  	[smem:$0x3FB8] =	sst s0;
	s0 =	simm.s32 @!p2 $0x0  }
0x16: {  	s3 =	sld [smem:$0x3FDB];
	s0 =	simm.s32 @p2 $0x1  }
0x17: {  	s4 =	simm.s32 $0x1BF5;
	[smem:$0x3FBA] =	sst s0  }
0x18: {  	s0 =	sld [smem:$0x3F9D];
	_ =	swait.ge [sflag:s4], $0x0  }
0x19: {  	s7 =	sld [smem:$0x3F9E]  }
0x1a: {  	s8 =	sadd.s32 $0xFFFFE003, lr  }
0x1b: {  	s9 =	sadd.s32 $0xFFFFFEF7, lr;
	s5 =	simm.s32 $0xFFFFFFFF;
	p2 =	slt.u32 s8, $0xFFFFF086  }
0x1c: {  	p1 =	slt.u32 s9, $0xF7A;
	s5 =	simm.s32 @!p2 $0x0  }
0x1d: {  	s5 =	simm.s32 @p1 $0x1;
	p0 =	seq.s32 s7, s2  }
0x1e: {  	s7 =	smul.u32 @!p0 $0xF7A, s2;
	p2 =	seq.s32 @!p0 s5, $0x0  }
0x1f: {  	s9 =	smul.u32 $0xF7A, s1;
	s8 =	simm.s32 @!p0 $0x1BF5;
	p2 =	por !p2, p0  }
0x20: {  	[sflag:s8] =	ssyncset.s32 @!p0 $0xFFFFF086;
	s6 =	sadd.s32 @!p0 s3, s7;
	s7 =	simm.s32 @!p0 $0x108  }
0x21: {  	s3 =	sadd.s32 s3, s9;
	s6 =	sadd.s32 @!p0 $0x88, s6;
	s7 =	simm.s32 @p2 $0x1082  }
0x22: {  	[simem:s7], [sflag:s8] =	dma.local @!p0 [hbm:s6], $0xF7A  }
0x23: {  	s9 =	sor.u32 $0xD0000000, s2;
	s6 =	simm.s32 $0x108;
	_ =	swait.ge @!p0 [sflag:s8], $0x0  }
0x24: {  	s3 =	sadd.s32 $0x88, s3;
	s6 =	simm.s32 @!p1 $0x1082;
	[sflag:s4] =	ssyncset.s32 $0xFFFFF086  }
0x25: {  	[simem:s6], [sflag:s4] =	dma.local [hbm:s3], $0xF7A  }
0x26: {  	[smem:$0x3F9E] =	sst s1;
	(tag) =	ssettag s2;
	_ =	strace s9  }
0x27: {  	s1 =	sld [smem:$0x3FAE]  }
0x28: {  	s2 =	sld [smem:$0x3FAF]  }
0x29: {  	s4 =	sld [smem:$0x3FB1]  }
0x2a: {  	p0 =	seq.s32 s5, $0x0;
	s5 =	sld [smem:$0x3FB2]  }
0x2b: {  	s6 =	sld [smem:$0x3FB3]  }
0x2c: {  	s7 =	sld [smem:$0x3FB4]  }
0x2d: {  	s3 =	simm.s32 $0x108;
	s8 =	sld [smem:$0x3FB5]  }
0x2e: {  	s3 =	simm.s32 @!p0 $0x1082;
	s9 =	sld [smem:$0x3FB6]  }
0x2f: {  	lr =	sadd.s32 s0, s3;
	s0 =	sld [smem:$0x3FAD]  }
0x30: {  	s3 =	sld [smem:$0x3FB0]  }
0x31: {  	[smem:$0x3FB9] =	sst s10  }
0x32: {  	s10 =	sld [smem:$0x3FB7];
	_ =	sdelay $0x3  }
0x33: {  	p0 =	seq.s32 s10, $0x1;
	s10 =	sld [smem:$0x3FB9];
	_ =	sdelay $0x3  }
0x34: {  	[smem:$0x3FB9] =	sst s10  }
0x35: {  	s10 =	sld [smem:$0x3FB8];
	_ =	sdelay $0x3  }
0x36: {  	p1 =	seq.s32 s10, $0x1;
	s10 =	sld [smem:$0x3FB9];
	_ =	sdelay $0x3  }
0x37: {  	[smem:$0x3FB9] =	sst s10  }
0x38: {  	s10 =	sld [smem:$0x3FBA]  }
0x39: {  	_ = 	snop;
	(pc) =	sbr.ind lr, $3  }
0x3a: {  	_ = 	snop  }
0x3b: {  	_ = 	snop  }
0x3c: {  	p2 =	seq.s32 s10, $0x1;
	s10 =	sld [smem:$0x3FB9]  }
0x3d: {  	_ =	shalt  }
0x3e: {  	_ =	shalt  }
0x3f: {  	_ =	shalt  }
0x40: {  	_ =	shalt  }
0x41: {  	_ =	shalt  }
0x42: {  	_ =	shalt  }
0x43: {  	_ =	shalt  }
0x44: {  	_ =	shalt  }
0x45: {  	_ =	shalt  }
0x46: {  	_ =	shalt  }
0x47: {  	_ =	shalt  }
0x48: {  	_ =	shalt  }
0x49: {  	_ =	shalt  }
0x4a: {  	_ =	shalt  }
0x4b: {  	_ =	shalt  }
0x4c: {  	_ =	shalt  }
0x4d: {  	_ =	shalt  }
0x4e: {  	_ =	shalt  }
0x4f: {  	_ =	shalt  }
0x50: {  	_ =	shalt  }
0x51: {  	_ =	shalt  }
0x52: {  	_ =	shalt  }
0x53: {  	_ =	shalt  }
0x54: {  	_ =	shalt  }
0x55: {  	_ =	shalt  }
0x56: {  	_ =	shalt  }
0x57: {  	_ =	shalt  }
0x58: {  	_ =	shalt  }
0x59: {  	_ =	shalt  }
0x5a: {  	_ =	shalt  }
0x5b: {  	_ =	shalt  }
0x5c: {  	_ =	shalt  }
0x5d: {  	_ =	shalt  }
0x5e: {  	_ =	shalt  }
0x5f: {  	_ =	shalt  }
0x60: {  	_ =	shalt  }
0x61: {  	_ =	shalt  }
0x62: {  	_ =	shalt  }
0x63: {  	_ =	shalt  }
0x64: {  	_ =	shalt  }
0x65: {  	_ =	shalt  }
0x66: {  	_ =	shalt  }
0x67: {  	_ =	shalt  }
0x68: {  	_ =	shalt  }
0x69: {  	_ =	shalt  }
0x6a: {  	_ =	shalt  }
0x6b: {  	_ =	shalt  }
0x6c: {  	_ =	shalt  }
0x6d: {  	_ =	shalt  }
0x6e: {  	_ =	shalt  }
0x6f: {  	_ =	shalt  }
0x70: {  	_ =	shalt  }
0x71: {  	_ =	shalt  }
0x72: {  	_ =	shalt  }
0x73: {  	_ =	shalt  }
0x74: {  	_ =	shalt  }
0x75: {  	_ =	shalt  }
0x76: {  	_ =	shalt  }
0x77: {  	_ =	shalt  }
0x78: {  	_ =	shalt  }
0x79: {  	_ =	shalt  }
0x7a: {  	_ =	shalt  }
0x7b: {  	_ =	shalt  }
0x7c: {  	_ =	shalt  }
0x7d: {  	_ =	shalt  }
0x7e: {  	_ =	shalt  }
0x7f: {  	_ =	shalt  }
0x80: {  	_ =	shalt  }
0x81: {  	_ =	shalt  }
0x82: {  	_ =	shalt  }
0x83: {  	_ =	shalt  }
0x84: {  	_ =	shalt  }
0x85: {  	_ =	shalt  }
0x86: {  	_ =	shalt  }
0x87: {  	_ =	shalt  }
.Lfunc_end0:
.L_simem_size_0:
called_computation_lowered:
.L_overlay_start_0:
0x88: {  	s2 =	sld [smem:$0x3FD9]  }
0x89: {  	s3 =	sld [smem:$0x3FFE];
	_ =	sdelay $0x1  }
0x8a: {  	s1 =	srdreg.scid  }
0x8b: {  	s0 =	sand.u32 $0x1, s1  }
0x8c: {  	s16 =	sshll.u32 s0, $0xA;
	s2 =	sadd.s32 s3, s2  }
0x8d: {  	s2 =	sadd.s32 s2, s16  }
0x8e: {  	[smem:$0x3FC5] =	sst s2  }
0x8f: {  	_ = 	snop  }
0x90: {  	(tm) =	ssettm $0x1  }
0x91: {  	s17 =	sld [smem:$0x3FFB];
	_ =	sdelay $0x3  }
0x92: {  	_ =	strace s17  }
0x93: {  	s2 =	sld [smem:$0x3FFC];
	_ =	sdelay $0x3  }
0x94: {  	_ =	strace s2  }
0x95: {  	s2 =	sld [smem:$0x3FFD];
	_ =	sdelay $0x3  }
0x96: {  	_ =	strace s2  }
0x97: {  	_ =	strace $0x8FFFFFFF  }
0x98: {  	s18 =	sld [smem:$0x3FDB];
	_ =	sdelay $0x1  }
0x99: {  	s19 =	simm.s32 $_scs_section_size  }
0x9a: {  	s4 =	simm.s32 $_size__tile_overlayer_lowered;
	s5 =	simm.s32 $_tile_overlayer_lowered  }
0x9b: {  	s22 =	simm.s32 $0x1BFF;
	s21 =	sshll.u32 s5, $0x1;
	s2 =	sadd.s32 s19, s18  }
0x9c: {  	s6 =	simm.s32 $0x0;
	s20 =	sshll.u32 s4, $0x1;
	s4 =	sadd.s32 s21, s2  }
0x9d: {  	[timem:s6], [sflag:s22] =	dma.local [hbm:s4], s20  }
0x9e: {  	_ =	swait.ge [sflag:s22], s20  }
0x9f: {  	s3 =	ssub.s32 $0x0, s20;
	[sflag:s22] =	ssyncset.done $0x0  }
0xa0: {  	[sflag:s22] =	ssyncadd.s32 s3;
	_ =	sdelay $0x1  }
0xa1: {  	s23 =	simm.s32 $0x1B8B  }
0xa2: {  	_ =	swait.ge [sflag:s23], $0x1  }
0xa3: {  	[sflag:s23] =	ssyncset.done $0x0  }
0xa4: {  	s25 =	simm.s32 $0x1B8E;
	s24 =	sld [smem:$0x3FFE];
	[sflag:s23] =	ssyncadd.s32 $0xFFFFFFFF  }
0xa5: {  	s26 =	simm.s32 $execute0_lowered;
	[smem:$0x3FD2] =	sst s25  }
0xa6: {  	s4 =	sshll.u32 s26, $0x1;
	_ =	strace $0x80000046;
	[dreg:$0x1] =	wrdreg $0xFFFFFFFF  }
0xa7: {  	s28 =	simm.s32 $_size_execute0_lowered;
	s2 =	sadd.s32 s2, s4;
	[dreg:$0x0] =	wrdreg $0x0  }
0xa8: {  	s4 =	sshll.u32 s28, $0x1;
	[dreg:$0x2] =	wrdreg s2  }
0xa9: {  	[dreg:$0x3] =	wrdreg s4  }
0xaa: {  	[dreg:$0x4] =	wrdreg $0xC0  }
0xab: {  	_ =	task [dreg:s6], $0x5FFFF  }
0xac: {  	[dreg:$0x1] =	wrdreg $0xFFFFFFFF  }
0xad: {  	[dreg:$0x0] =	wrdreg $0x60  }
0xae: {  	[dreg:$0x2] =	wrdreg s24  }
0xaf: {  	[dreg:$0x3] =	wrdreg $0x1B7800  }
0xb0: {  	[dreg:$0x4] =	wrdreg $0x9  }
0xb1: {  	_ =	task.clear_ibuf [dreg:s6], $0x5FFFF;
	_ =	strace $0x90000046  }
0xb2: {  	s29 =	simm.s32 $0x9;
	_ =	strace $0x80000048  }
0xb3: {  	_ =	swait.ge [sflag:s29], $0x1  }
0xb4: {  	[sflag:s29] =	ssyncadd.s32 $0xFFFFFFFF  }
0xb5: {  	_ =	strace $0x90000048  }
0xb6: {  	_ =	sfence  }
0xb7: {  	s30 =	sld [smem:$0x0];
	_ =	sdelay $0x2  }
0xb8: {  	s31 =	sshll.u32 s1, $0xD;
	s1 =	sshrl.u32 s1, $0x2  }
0xb9: {  	s3 =	sand.u32 $0x4000, s31;
	s1 =	sadd.s32 s1, s30  }
0xba: {  	s0 =	sor.u32 s3, s0;
	s1 =	sshll.u32 s1, $0x11  }
0xbb: {  	s0 =	sor.u32 s1, s0  }
0xbc: {  	s0 =	sadd.s32 $0x8F2B, s0  }
0xbd: {  	[sflag:s0] =	ssyncadd.remote.s32 $0x1  }
0xbe: {  	_ =	sfence.sel $0xFFFF  }
0xbf: {  	[dreg:$0x0] =	wrdreg $0xFFFFFFFF;
	(pc) =	sbr.abs _section_cstart, $3  }
0xc0: {  	[dreg:$0x1] =	wrdreg $0xFFFFFFFF  }
0xc1: {  	_ =	task.clear_ibuf [dreg:s6], $0x2FFFF;
	_ =	strace $0x9FFFFFFF  }
0xc2: {  	(tm) =	ssettm $0x7FFFFFFF  }
0xc3: {  	_ =	shalt  }
tec
execute0_lowered:
.L_overlay_start_1:
0x0: {  	(tag) =	ssettag $0x1  }
0x1: {  	s0 =	rddreg [dreg:$0x0]  }
0x2: {  	s1 =	rddreg [dreg:$0x1];
	s2 =	srdreg.scid  }
0x3: {  	s9 =	simm.s32 $0x0;
	s8 =	stileid.u32;
	s11 =	simm.s32 $0x1  }
0x4: {  	s16 =	simm.s32 $0x4800;
	s2 =	sand.u32 $0x1, s2;
	[smem:$0x7FF] =	sst s9  }
0x5: {  	s3 =	sshrl.u32 s8, $0x2;
	s10 =	sadd.s32 $0x600, s0;
	s12 =	sadd.s32 $0x24600, s0  }
0x6: {  	s13 =	sadd.s32 $0x48600, s0;
	s5 =	sand.u32 $0x3, s8;
	s6 =	sshll.u32 s8, $0x9  }
0x7: {  	s8 =	sshll.u32 s8, $0x7;
	s4 =	sshll.u32 s2, $0x2;
	_ =	strace $0x80000047  }
0x8: {  	s2 =	ssub.s32 $0x2, s2;
	s7 =	smul.u32 $0x9000, s5;
	[dreg:$0x3] =	wrdreg s10  }
0x9: {  	s6 =	sand.u32 $0x1000, s6;
	s28 =	sand.u32 $0x380, s8;
	[dreg:$0x4] =	wrdreg s12  }
0xa: {  	s30 =	sand.u32 $0x200, s8;
	[dreg:$0x5] =	wrdreg s13;
	s3 =	sor.u32 s3, s4  }
0xb: {  	v0 =	vimm.s32 $0x0;
	v1 =	vlaneseq.u32;
	s26 =	sshrl.u32 s2, $0x1;
	s1 =	sadd.s32 s6, s1;
	s4 =	sshll.u32 s3, $0x4  }
0xc: {  	v2 =	vimm.s32 $0x1;
	vm15 =	vmmov $0x1;
	vm1 =	vmmov $0x3;
	s3 =	smul.u32 $0x24000, s3;
	s2 =	ssub.s32 s2, s26;
	s29 =	sadd.s32 s28, s1  }
0xd: {  	vm2 =	vmmov $0x7;
	vm3 =	vmmov $0xf;
	vm4 =	vmmov $0x1f;
	s1 =	sadd.s32 s30, s1;
	s0 =	sadd.s32 s4, s0;
	[dreg:$0x7] =	wrdreg s29  }
.Ltmp0:
0xe: {  	vm5 =	vmmov $0x3f;
	vm6 =	vmmov $0x7f;
	v4 =	vimm.s32 $0x0;
	[dreg:$0x8] =	wrdreg s1;
	s31 =	smax.u32 s2, $0x1;
	(pc) =	sbr.rel .LBB2_1-.Ltmp0, $4  }
0xf: {  	vm7 =	vmmov $0xff;
	vm8 =	vmmov $0x1ff;
	v4 =	vsel vm15, $0xFFFFFFFF, v4;
	p0 =	sne.s32 s5, $0x0;
	s0 =	sadd.s32 $0x6C600, s0;
	[dreg:$0xa] =	wrdreg s31  }
0x10: {  	vm9 =	vmmov $0x3ff;
	vm10 =	vmmov $0x7ff;
	[tilespmem:$0x1FFE0] =	vst v4;
	v4 =	vimm.s32 $0x0;
	s15 =	sadd.s32 s7, s3;
	[dreg:$0x9] =	wrdreg s0;
	s0 =	simm.s32 @!p0 $0x0  }
0x11: {  	s14 =	simm.s32 $0xFC00;
	vm11 =	vmmov $0xfff;
	vm12 =	vmmov $0x1fff;
	v4 =	vsel vm1, $0xFFFFFFFF, v4;
	[dreg:$0x6] =	wrdreg s15;
	s0 =	simm.s32 @p0 $0x1  }
0x12: {  	vm13 =	vmmov $0x3fff;
	vm14 =	vmmov $0x7fff;
	s18 =	simm.s32 $0x0;
	v3 =	vor.u32 $0x80000000, v1;
	s8 =	simm.s32 $0x2400;
	[tilespmem:$0x1FFF0] =	vst v4;
	[smem:$0x7FD] =	sst s0  }
.LBB2_105:
0x13: {  	s4 =	simm.s32 $0x0  }
.LBB2_109:
0x14: {  	s4 =	sadd.s32 @p0 $0x10, s4  }
0x15: {  	s2 =	smov.u32 @p0 s4  }
0x16: {  	v8 =	vor.u32 s2, v1  }
0x17: {  	vm1 =	vlt.s32 v7, v6;
	vm0 =	vlt.s32 v8, v4  }
0x18: {  	vm0 =	vmand vm0, vm1  }
0x19: {  	v4 =	vnsel vm0, $0x0, v7  }
0x1a: {  	v4 =	vadd.f32 v4, v5;
	_ =	sdelay $0x1  }
0x1b: {  	[tilespmem:$0x1B680] =	vst v4;
	v4 =	vld [tilespmem:$0x1FFF0];
	_ =	sdelay $0x4  }
0x1c: {  	vm1 =	vnez.u8 v4  }
.LBB2_110:
0x1d: {  	v4 =	vld [tilespmem:$0x1B680];
	_ =	sdelay $0x4  }
0x1e: {  	(xrf2) =	vadd.scan.msk.f32 $0xffff, v4;
	_ =	sdelay $0x9  }
0x1f: {  	v4, _, _ =	vpop (xrf2)  }
0x20: {  	v4 =	vbroadcast v4, $0xF;
	_ =	sdelay $0x1  }
0x21: {  	s2 =	rddreg [dreg:$0x7];
	v4 =	vnsel vm15, $0x0, v4  }
0x22: {  	s4 =	simm.s32 $0x80;
	s5 =	simm.s32 $0x400;
	s6 =	simm.s32 $0x11C00;
	[tilespmem:$0x11C00] =	vst v4  }
0x23: {  	[spmem:s2] =	stream.strided.scatter [tilespmem:s6], [sflag:$0x1], $0x200, s5, s4, $0x38;
	[tilespmem:$0x1B980] =	vst v63  }
0x24: {  	_ =	swait.ge [sflag:s11], $0x200  }
0x25: {  	[sflag:s11] =	ssyncset.done $0x0  }
0x26: {  	[sflag:s11] =	ssyncadd.s32 $0xFFFFFE00  }
0x27: {  	[bflag:$0x0] =	sbarrier.arrive $0xFFFF  }
0x28: {  	s28 =	simm.s32 $0x200;
	s29 =	simm.s32 $0x11E00;
	s26 =	rddreg [dreg:$0x8]  }
0x29: {  	[tilespmem:s29], [sflag:$0x1] =	stream.strided.gather [spmem:s26], $0x800, s5, s28, $0x38;
	[tilespmem:$0x1B980] =	vst v63  }
0x2a: {  	_ =	swait.ge [sflag:s11], $0x800  }
0x2b: {  	s30 =	sld [smem:$0x7FD];
	_ =	sdelay $0x1  }
0x2c: {  	[sflag:s11] =	ssyncset.done $0x0  }
0x2d: {  	[sflag:s11] =	ssyncadd.s32 $0xFFFFF800;
	p1 =	seq.s32 s30, $0x1  }
0x2e: {  	v4 =	vld @!p1 [tilespmem:$0x11E00]  }
0x2f: {  	v5 =	vld @!p1 [tilespmem:$0x11E80];
	_ =	sdelay $0x1  }
0x30: {  	v6 =	vld @!p1 [tilespmem:$0x11F00]  }
0x31: {  	v7 =	vld @!p1 [tilespmem:$0x11F80]  }
0x32: {  	(xrf2) =	vadd.scan.msk.f32 @!p1 $0xffff, v4  }
0x33: {  	(xrf2) =	vadd.scan.msk.f32 @!p1 $0xffff, v5;
	_ =	sdelay $0x1  }
0x34: {  	(xrf2) =	vadd.scan.msk.f32 @!p1 $0xffff, v6  }
0x35: {  	(xrf2) =	vadd.scan.msk.f32 @!p1 $0xffff, v7  }
0x36: {  	v4 =	vmov @!p1 s1  }
0x37: {  	v4 =	vbroadcast @!p1 v4, $0x0;
	_ =	sdelay $0x2  }
0x38: {  	(xrf0) =	vmax.scan.msk.f32 @!p1 $0xffff, v4  }
0x39: {  	v4, _, _ =	vpop @!p1 (xrf2)  }
0x3a: {  	v5, _, _ =	vpop @!p1 (xrf2);
	(v2sf) =	vpush @!p1 v4, $0xF  }
0x3b: {  	(v2sf) =	vpush @!p1 v5, $0xF  }
0x3c: {  	v4, _, _ =	vpop @!p1 (xrf2)  }
0x3d: {  	(v2sf) =	vpush @!p1 v4, $0xF;
	v4, _, _ =	vpop @!p1 (xrf2)  }
0x3e: {  	(v2sf) =	vpush @!p1 v4, $0xF;
	v4, _, _ =	vpop @!p1 (xrf0)  }
0x3f: {  	(v2sf) =	vpush @!p1 v4, $0xF;
	_ =	sdelay $0x9  }
0x40: {  	s1 =	spop @!p1 (v2sf)  }
0x41: {  	s2 =	spop @!p1 (v2sf)  }
0x42: {  	s0 =	ssub.s32 s0, s3;
	s1 =	sadd.f32 @!p1 s2, s1  }
0x43: {  	s0 =	scvt.s32.f32 @!p1 s0;
	s2 =	spop @!p1 (v2sf)  }
0x44: {  	s3 =	spop @!p1 (v2sf);
	s1 =	sadd.f32 @!p1 s2, s1  }
0x45: {  	s2 =	spop @!p1 (v2sf)  }
0x46: {  	s0 =	smul.f32 @!p1 s0, s2;
	s1 =	sadd.f32 @!p1 s3, s1  }
0x47: {  	_ = 	snop  }
0x48: {  	s0 =	sadd.f32 @!p1 s1, s0;
	_ =	sdelay $0x1  }
0x49: {  	vm0 =	vcmask @!p1 $0x300;
	v4 =	vmov @!p1 s0  }
0x4a: {  	s0 =	rddreg [dreg:$0xc];
	v4 =	vnsel @!p1 vm0, $0x0, v4;
	vm0 =	vcmask @!p1 $0x704  }
0x4b: {  	v4 =	vsel @!p1 vm0, s0, v4  }
0x4c: {  	s2 =	rddreg [dreg:$0x9];
	s1 =	simm.s32 @!p1 $0x1B700;
	s0 =	simm.s32 @!p1 $0x0;
	[tilespmem:$0x1B700] =	vst @!p1 v4  }
0x4d: {  	[hbm4b:s2+s0] =	stream.linear.scatter @!p1 [tilespmem:s1], [sflag:$0x1], $0x80, $0x38;
	[tilespmem:$0x1B980] =	vst v63  }
0x4e: {  	s0 =	simm.s32 @!p1 $0x1  }
0x4f: {  	_ =	swait.ge @!p1 [sflag:s0], $0x80  }
0x50: {  	s18 =	sadd.s32 $0x1, s18;
	s31 =	rddreg [dreg:$0xa]  }
0x51: {  	p0 =	sne.s32 s18, s31  }
.Ltmp1:
0x52: {  	_ = 	snop;
	(pc) =	sbr.rel @!p0 .LBB2_111-.Ltmp1, $3  }
0x53: {  	_ =	sdelay $0x1  }
0x54: {  	[sflag:s0] =	ssyncset.done @!p1 $0x0  }
0x55: {  	[sflag:s0] =	ssyncadd.s32 @!p1 $0xFFFFFF80  }
.LBB2_1:
0x56: {  	s1 =	simm.s32 $0xFC20  }
0x57: {  	[tilespmem:s1+$0xFFFFFFE0] =	vst v0  }
0x58: {  	[tilespmem:s1+$0x10] =	vst v0  }
0x59: {  	s2 =	simm.s32 $0x0;
	s0 =	simm.s32 $0x6C40;
	[tilespmem:s1+$0x0] =	vst v0  }
.LBB2_2:
0x5a: {  	s2 =	sadd.s32 $0x4, s2  }
0x5b: {  	[tilespmem:s1+$0xFFFFFFF0] =	vst v0;
	s1 =	sadd.s32 $0x40, s1;
	p0 =	slt.u32 s2, $0x1FC  }
.Ltmp2:
0x5c: {  	[tilespmem:s1+$0xFFFFFFE0] =	vst v0;
	(pc) =	sbr.rel @p0 .LBB2_2-.Ltmp2, $3  }
0x5d: {  	_ =	sdelay $0x1  }
0x5e: {  	[tilespmem:s1+$0x10] =	vst v0  }
0x5f: {  	[tilespmem:s1+$0x0] =	vst v0  }
0x60: {  	[tilespmem:s1+$0xFFFFFFF0] =	vst v0;
	s1 =	simm.s32 $0x0  }
.LBB2_4:
0x61: {  	s2 =	smul.u32 $0x2400, s1;
	_ =	sdelay $0x1  }
0x62: {  	s2 =	sadd.s32 s2, s15  }
0x63: {  	s2 =	sshrl.u32 s2, $0x3  }
0x64: {  	s3 =	sadd.s32 s10, s2  }
0x65: {  	[tilespmem:s9], [sflag:$0x1] =	stream.linear.gather [hbm4b:s3+s9], $0x2400, $0x38;
	[tilespmem:$0x1B980] =	vst v63  }
0x66: {  	_ =	swait.ge [sflag:s11], $0x2400  }
0x67: {  	[sflag:s11] =	ssyncset.done $0x0  }
0x68: {  	s31 =	sadd.s32 s12, s2;
	[sflag:s11] =	ssyncadd.s32 $0xFFFFDC00  }
0x69: {  	[tilespmem:s8], [sflag:$0x1] =	stream.linear.gather [hbm4b:s31+s9], $0x2400, $0x38;
	[tilespmem:$0x1B980] =	vst v63  }
0x6a: {  	_ =	swait.ge [sflag:s11], $0x2400  }
0x6b: {  	[sflag:s11] =	ssyncset.done $0x0  }
0x6c: {  	s2 =	sadd.s32 s13, s2;
	[sflag:s11] =	ssyncadd.s32 $0xFFFFDC00  }
0x6d: {  	[tilespmem:s16], [sflag:$0x1] =	stream.linear.gather [hbm4b:s2+s9], $0x2400, $0x38;
	[tilespmem:$0x1B980] =	vst v63  }
0x6e: {  	s4 =	simm.s32 $0x40;
	_ =	swait.ge [sflag:s11], $0x2400  }
0x6f: {  	s5 =	simm.s32 $0x2440;
	s6 =	simm.s32 $0x4840;
	[sflag:s11] =	ssyncset.done $0x0  }
0x70: {  	s7 =	smov.u32 s0;
	s3 =	simm.s32 $0xFFFFFFF8;
	[sflag:s11] =	ssyncadd.s32 $0xFFFFDC00  }
.LBB2_5:
0x71: {  	v4 =	vld [tilespmem:s4+$0xFFFFFFC0]  }
0x72: {  	v5 =	vld [tilespmem:s5+$0xFFFFFFC0];
	_ =	sdelay $0x1  }
0x73: {  	v6 =	vld [tilespmem:s6+$0xFFFFFFC0];
	_ =	sdelay $0x2  }
0x74: {  	v4 =	vsub.f32 v4, v5;
	_ =	sdelay $0x1  }
0x75: {  	vm15 =	vgt.s32 v6, $0x0;
	v4 =	vand.u32 $0x7FFFFFFF, v4  }
0x76: {  	v4 =	vnsel vm15, $0x7FFFFFFF, v4  }
0x77: {  	v5 =	vshrl.u32 v4, $0x12  }
0x78: {  	v5 =	vand.u32 $0x1FF0, v5  }
0x79: {  	v5 =	vor.u32 v1, v5;
	_ =	sdelay $0x3  }
0x7a: {  	[tilespmem:s7+$0xFFFFFFC0] =	vst v4  }
0x7b: {  	[tilespmem:v5+s14+$0x0] =	vst.idx.add.s32.msk vm15, v2  }
0x7c: {  	v4 =	vld [tilespmem:s4+$0xFFFFFFD0]  }
0x7d: {  	v5 =	vld [tilespmem:s5+$0xFFFFFFD0];
	_ =	sdelay $0x1  }
0x7e: {  	v57 =	vld [tilespmem:s6+$0xFFFFFFD0];
	_ =	sdelay $0x2  }
0x7f: {  	v4 =	vsub.f32 v4, v5;
	_ =	sdelay $0x1  }
0x80: {  	vm15 =	vgt.s32 v57, $0x0;
	v4 =	vand.u32 $0x7FFFFFFF, v4  }
0x81: {  	v4 =	vnsel vm15, $0x7FFFFFFF, v4  }
0x82: {  	v5 =	vshrl.u32 v4, $0x12  }
0x83: {  	v5 =	vand.u32 $0x1FF0, v5  }
0x84: {  	v5 =	vor.u32 v1, v5;
	_ =	sdelay $0x3  }
0x85: {  	[tilespmem:s7+$0xFFFFFFD0] =	vst v4  }
0x86: {  	[tilespmem:v5+s14+$0x0] =	vst.idx.add.s32.msk vm15, v2  }
0x87: {  	v4 =	vld [tilespmem:s4+$0xFFFFFFE0]  }
0x88: {  	v5 =	vld [tilespmem:s5+$0xFFFFFFE0];
	_ =	sdelay $0x1  }
0x89: {  	v58 =	vld [tilespmem:s6+$0xFFFFFFE0];
	_ =	sdelay $0x2  }
0x8a: {  	v4 =	vsub.f32 v4, v5;
	_ =	sdelay $0x1  }
0x8b: {  	vm15 =	vgt.s32 v58, $0x0;
	v4 =	vand.u32 $0x7FFFFFFF, v4  }
0x8c: {  	v4 =	vnsel vm15, $0x7FFFFFFF, v4  }
0x8d: {  	v5 =	vshrl.u32 v4, $0x12  }
0x8e: {  	v5 =	vand.u32 $0x1FF0, v5  }
0x8f: {  	v5 =	vor.u32 v1, v5;
	_ =	sdelay $0x3  }
0x90: {  	[tilespmem:s7+$0xFFFFFFE0] =	vst v4  }
0x91: {  	[tilespmem:v5+s14+$0x0] =	vst.idx.add.s32.msk vm15, v2  }
0x92: {  	v4 =	vld [tilespmem:s4+$0xFFFFFFF0]  }
0x93: {  	v5 =	vld [tilespmem:s5+$0xFFFFFFF0];
	_ =	sdelay $0x1  }
0x94: {  	v59 =	vld [tilespmem:s6+$0xFFFFFFF0];
	_ =	sdelay $0x2  }
0x95: {  	v4 =	vsub.f32 v4, v5;
	_ =	sdelay $0x1  }
0x96: {  	vm15 =	vgt.s32 v59, $0x0;
	v4 =	vand.u32 $0x7FFFFFFF, v4  }
0x97: {  	v4 =	vnsel vm15, $0x7FFFFFFF, v4  }
0x98: {  	v5 =	vshrl.u32 v4, $0x12  }
0x99: {  	v5 =	vand.u32 $0x1FF0, v5  }
0x9a: {  	v5 =	vor.u32 v1, v5;
	_ =	sdelay $0x3  }
0x9b: {  	[tilespmem:s7+$0xFFFFFFF0] =	vst v4  }
0x9c: {  	[tilespmem:v5+s14+$0x0] =	vst.idx.add.s32.msk vm15, v2  }
0x9d: {  	v4 =	vld [tilespmem:s4+$0x0]  }
0x9e: {  	v5 =	vld [tilespmem:s5+$0x0];
	_ =	sdelay $0x1  }
0x9f: {  	v60 =	vld [tilespmem:s6+$0x0];
	_ =	sdelay $0x2  }
0xa0: {  	v4 =	vsub.f32 v4, v5;
	_ =	sdelay $0x1  }
0xa1: {  	vm15 =	vgt.s32 v60, $0x0;
	v4 =	vand.u32 $0x7FFFFFFF, v4  }
0xa2: {  	v4 =	vnsel vm15, $0x7FFFFFFF, v4  }
0xa3: {  	v5 =	vshrl.u32 v4, $0x12  }
0xa4: {  	v5 =	vand.u32 $0x1FF0, v5  }
0xa5: {  	v5 =	vor.u32 v1, v5;
	_ =	sdelay $0x3  }
0xa6: {  	[tilespmem:s7+$0x0] =	vst v4  }
0xa7: {  	[tilespmem:v5+s14+$0x0] =	vst.idx.add.s32.msk vm15, v2  }
0xa8: {  	v4 =	vld [tilespmem:s4+$0x10]  }
0xa9: {  	v5 =	vld [tilespmem:s5+$0x10];
	_ =	sdelay $0x1  }
0xaa: {  	v61 =	vld [tilespmem:s6+$0x10];
	_ =	sdelay $0x2  }
0xab: {  	v4 =	vsub.f32 v4, v5;
	_ =	sdelay $0x1  }
0xac: {  	vm15 =	vgt.s32 v61, $0x0;
	v4 =	vand.u32 $0x7FFFFFFF, v4  }
0xad: {  	v4 =	vnsel vm15, $0x7FFFFFFF, v4  }
0xae: {  	v5 =	vshrl.u32 v4, $0x12  }
0xaf: {  	v5 =	vand.u32 $0x1FF0, v5  }
0xb0: {  	v5 =	vor.u32 v1, v5;
	_ =	sdelay $0x3  }
0xb1: {  	[tilespmem:s7+$0x10] =	vst v4  }
0xb2: {  	[tilespmem:v5+s14+$0x0] =	vst.idx.add.s32.msk vm15, v2  }
0xb3: {  	v4 =	vld [tilespmem:s4+$0x20]  }
0xb4: {  	v5 =	vld [tilespmem:s5+$0x20];
	_ =	sdelay $0x1  }
0xb5: {  	v62 =	vld [tilespmem:s6+$0x20];
	_ =	sdelay $0x2  }
0xb6: {  	v4 =	vsub.f32 v4, v5;
	_ =	sdelay $0x1  }
0xb7: {  	vm15 =	vgt.s32 v62, $0x0;
	v4 =	vand.u32 $0x7FFFFFFF, v4  }
0xb8: {  	v4 =	vnsel vm15, $0x7FFFFFFF, v4  }
0xb9: {  	v5 =	vshrl.u32 v4, $0x12  }
0xba: {  	v5 =	vand.u32 $0x1FF0, v5  }
0xbb: {  	v5 =	vor.u32 v1, v5;
	_ =	sdelay $0x3  }
0xbc: {  	[tilespmem:s7+$0x20] =	vst v4  }
0xbd: {  	[tilespmem:v5+s14+$0x0] =	vst.idx.add.s32.msk vm15, v2  }
0xbe: {  	v4 =	vld [tilespmem:s4+$0x30]  }
0xbf: {  	v5 =	vld [tilespmem:s5+$0x30];
	_ =	sdelay $0x1  }
0xc0: {  	v63 =	vld [tilespmem:s6+$0x30];
	_ =	sdelay $0x2  }
0xc1: {  	v4 =	vsub.f32 v4, v5;
	_ =	sdelay $0x1  }
0xc2: {  	vm15 =	vgt.s32 v63, $0x0;
	v4 =	vand.u32 $0x7FFFFFFF, v4  }
0xc3: {  	v4 =	vnsel vm15, $0x7FFFFFFF, v4  }
0xc4: {  	v5 =	vshrl.u32 v4, $0x12  }
0xc5: {  	s3 =	sadd.s32 $0x8, s3;
	v5 =	vand.u32 $0x1FF0, v5  }
0xc6: {  	p0 =	slt.u32 s3, $0x238;
	v5 =	vor.u32 v1, v5  }
.Ltmp3:
0xc7: {  	_ = 	snop;
	(pc) =	sbr.rel @p0 .LBB2_5-.Ltmp3, $3  }
0xc8: {  	_ =	sdelay $0x1  }
0xc9: {  	s4 =	sadd.s32 $0x80, s4;
	[tilespmem:s7+$0x30] =	vst v4  }
0xca: {  	s5 =	sadd.s32 $0x80, s5;
	s6 =	sadd.s32 $0x80, s6;
	s7 =	sadd.s32 $0x80, s7;
	[tilespmem:v5+s14+$0x0] =	vst.idx.add.s32.msk vm15, v2  }
0xcb: {  	s1 =	sadd.s32 $0x1, s1  }
0xcc: {  	p0 =	sne.s32 s1, $0x4  }
.Ltmp4:
0xcd: {  	_ = 	snop;
	(pc) =	sbr.rel @p0 .LBB2_4-.Ltmp4, $2  }
0xce: {  	_ =	sdelay $0x2  }
0xcf: {  	s0 =	sadd.s32 $0x2400, s0  }
0xd0: {  	v6 =	vld [tilespmem:$0x1FFE0];
	_ =	sdelay $0x2  }
0xd1: {  	s1 =	simm.s32 $0xFC80  }
0xd2: {  	v5 =	vld [tilespmem:s1+$0xFFFFFF80]  }
0xd3: {  	s0 =	simm.s32 $0x0;
	s3 =	simm.s32 $0x40;
	v4 =	vld [tilespmem:s1+$0xFFFFFF90];
	vm0 =	vnez.u8 v6  }
.LBB2_8:
0xd4: {  	p0 =	sne.s32 s3, $0x7C0;
	v6 =	vld [tilespmem:s1+$0xFFFFFFA0]  }
0xd5: {  	v7 =	vld [tilespmem:s1+$0xFFFFFFB0]  }
0xd6: {  	v8 =	vld [tilespmem:s1+$0xFFFFFFC0]  }
0xd7: {  	v9 =	vld [tilespmem:s1+$0xFFFFFFD0];
	(xrf0) =	vadd.scan.msk.s32 $0xffff, v5  }
0xd8: {  	v5 =	vld [tilespmem:s1+$0xFFFFFFE0];
	(xrf0) =	vadd.scan.msk.s32 $0xffff, v4  }
0xd9: {  	v4 =	vld [tilespmem:s1+$0xFFFFFFF0];
	(xrf0) =	vadd.scan.msk.s32 $0xffff, v6  }
0xda: {  	v6 =	vld [tilespmem:s1+$0x0];
	(xrf0) =	vadd.scan.msk.s32 $0xffff, v7  }
0xdb: {  	v7 =	vld [tilespmem:s1+$0x10];
	(xrf0) =	vadd.scan.msk.s32 $0xffff, v8  }
0xdc: {  	v8 =	vld [tilespmem:s1+$0x20];
	(xrf0) =	vadd.scan.msk.s32 $0xffff, v9  }
0xdd: {  	v9 =	vld [tilespmem:s1+$0x30];
	v10, _, _ =	vpop (xrf0);
	(xrf0) =	vadd.scan.msk.s32 $0xffff, v5  }
0xde: {  	v5 =	vld [tilespmem:s1+$0x40];
	v11, _, _ =	vpop (xrf0);
	(xrf0) =	vadd.scan.msk.s32 $0xffff, v4  }
0xdf: {  	v4 =	vbroadcast v10, $0xF;
	v14 =	vbroadcast v11, $0xF;
	v11 =	vld [tilespmem:s1+$0x50];
	v12, _, _ =	vpop (xrf0);
	(xrf0) =	vadd.scan.msk.s32 $0xffff, v6  }
0xe0: {  	v6 =	vbroadcast v12, $0xF;
	v12 =	vld [tilespmem:s1+$0x60];
	v13, _, _ =	vpop (xrf0);
	(xrf0) =	vadd.scan.msk.s32 $0xffff, v7  }
0xe1: {  	v4 =	vsel vm0, v4, v14;
	v7 =	vbroadcast v13, $0xF;
	v10, _, _ =	vpop (xrf0);
	(xrf0) =	vadd.scan.msk.s32 $0xffff, v8  }
0xe2: {  	v4 =	vsel vm1, v4, v6;
	v10 =	vbroadcast v10, $0xF;
	v8, _, _ =	vpop (xrf0);
	(xrf0) =	vadd.scan.msk.s32 $0xffff, v9  }
0xe3: {  	v4 =	vsel vm2, v4, v7;
	v13 =	vbroadcast v8, $0xF;
	v8 =	vld [tilespmem:s1+$0x70];
	v9, _, _ =	vpop (xrf0);
	(xrf0) =	vadd.scan.msk.s32 $0xffff, v5  }
0xe4: {  	v4 =	vsel vm3, v4, v10;
	v5 =	vbroadcast v9, $0xF;
	v6, _, _ =	vpop (xrf0);
	(xrf0) =	vadd.scan.msk.s32 $0xffff, v11  }
0xe5: {  	v4 =	vsel vm4, v4, v13;
	v6 =	vbroadcast v6, $0xF;
	v7, _, _ =	vpop (xrf0);
	(xrf0) =	vadd.scan.msk.s32 $0xffff, v12  }
0xe6: {  	v4 =	vsel vm5, v4, v5;
	v5 =	vbroadcast v7, $0xF;
	v7, _, _ =	vpop (xrf0)  }
0xe7: {  	v4 =	vsel vm6, v4, v6;
	v6 =	vbroadcast v7, $0xF;
	v7, _, _ =	vpop (xrf0)  }
0xe8: {  	v4 =	vsel vm7, v4, v5;
	v5 =	vbroadcast v7, $0xF;
	v7, _, _ =	vpop (xrf0);
	(xrf0) =	vadd.scan.msk.s32 $0xffff, v8  }
0xe9: {  	v4 =	vsel vm8, v4, v6;
	v6 =	vbroadcast v7, $0xF;
	v7, _, _ =	vpop (xrf0)  }
0xea: {  	v4 =	vsel vm9, v4, v5;
	v5 =	vbroadcast v7, $0xF;
	v7, _, _ =	vpop (xrf0)  }
0xeb: {  	v4 =	vsel vm10, v4, v6;
	v6 =	vbroadcast v7, $0xF;
	v7, _, _ =	vpop (xrf0)  }
0xec: {  	v4 =	vsel vm11, v4, v5;
	v7 =	vbroadcast v7, $0xF  }
0xed: {  	v4 =	vsel vm12, v4, v6  }
.Ltmp5:
0xee: {  	v4 =	vsel vm13, v4, v7;
	v5, _, _ =	vpop (xrf0);
	(pc) =	sbr.rel @p0 .LBB2_8-.Ltmp5, $4  }
0xef: {  	s2 =	sshra.s32 s0, $0x2;
	s0 =	smov.u32 s3;
	v4 =	vsel vm14, v4, v5  }
0xf0: {  	s1 =	sadd.s32 $0x100, s1;
	[tilespmem:s2+$0x11C00] =	vst v4  }
0xf1: {  	v5 =	vld [tilespmem:s1+$0xFFFFFF80]  }
0xf2: {  	s3 =	sadd.s32 $0x40, s3;
	v4 =	vld [tilespmem:s1+$0xFFFFFF90]  }
0xf3: {  	v6 =	vld [tilespmem:s1+$0xFFFFFFA0]  }
0xf4: {  	v7 =	vld [tilespmem:s1+$0xFFFFFFB0]  }
0xf5: {  	v8 =	vld [tilespmem:s1+$0xFFFFFFC0]  }
0xf6: {  	v9 =	vld [tilespmem:s1+$0xFFFFFFD0];
	(xrf0) =	vadd.scan.msk.s32 $0xffff, v5  }
0xf7: {  	(xrf0) =	vadd.scan.msk.s32 $0xffff, v4  }
0xf8: {  	v5 =	vld [tilespmem:s1+$0xFFFFFFE0];
	(xrf0) =	vadd.scan.msk.s32 $0xffff, v6  }
0xf9: {  	v4 =	vld [tilespmem:s1+$0xFFFFFFF0];
	(xrf0) =	vadd.scan.msk.s32 $0xffff, v7  }
0xfa: {  	v6 =	vld [tilespmem:s1+$0x0];
	(xrf0) =	vadd.scan.msk.s32 $0xffff, v8  }
0xfb: {  	v7 =	vld [tilespmem:s1+$0x10];
	(xrf0) =	vadd.scan.msk.s32 $0xffff, v9  }
0xfc: {  	v8 =	vld [tilespmem:s1+$0x20];
	v10, _, _ =	vpop (xrf0)  }
0xfd: {  	(xrf0) =	vadd.scan.msk.s32 $0xffff, v5;
	v11, _, _ =	vpop (xrf0)  }
0xfe: {  	v51 =	vld [tilespmem:s1+$0x30];
	(xrf0) =	vadd.scan.msk.s32 $0xffff, v4;
	v4 =	vbroadcast v10, $0xF;
	v52 =	vbroadcast v11, $0xF;
	v12, _, _ =	vpop (xrf0)  }
0xff: {  	v5 =	vld [tilespmem:s1+$0x40];
	(xrf0) =	vadd.scan.msk.s32 $0xffff, v6;
	v6 =	vbroadcast v12, $0xF;
	v13, _, _ =	vpop (xrf0)  }
0x100: {  	v53 =	vld [tilespmem:s1+$0x50];
	(xrf0) =	vadd.scan.msk.s32 $0xffff, v7;
	v4 =	vsel vm0, v4, v52;
	v7 =	vbroadcast v13, $0xF;
	v55, _, _ =	vpop (xrf0)  }
0x101: {  	v54 =	vld [tilespmem:s1+$0x60];
	(xrf0) =	vadd.scan.msk.s32 $0xffff, v8;
	v4 =	vsel vm1, v4, v6;
	v6 =	vbroadcast v55, $0xF;
	v8, _, _ =	vpop (xrf0)  }
0x102: {  	v4 =	vsel vm2, v4, v7;
	v7 =	vbroadcast v8, $0xF  }
0x103: {  	(xrf0) =	vadd.scan.msk.s32 $0xffff, v51  }
0x104: {  	v56, _, _ =	vpop (xrf0);
	(xrf0) =	vadd.scan.msk.s32 $0xffff, v5  }
0x105: {  	v4 =	vsel vm3, v4, v6;
	v5 =	vbroadcast v56, $0xF;
	v6, _, _ =	vpop (xrf0);
	(xrf0) =	vadd.scan.msk.s32 $0xffff, v53  }
0x106: {  	v8 =	vld [tilespmem:s1+$0x70];
	v4 =	vsel vm4, v4, v7;
	v6 =	vbroadcast v6, $0xF;
	v7, _, _ =	vpop (xrf0);
	(xrf0) =	vadd.scan.msk.s32 $0xffff, v54  }
0x107: {  	v4 =	vsel vm5, v4, v5;
	v5 =	vbroadcast v7, $0xF;
	v7, _, _ =	vpop (xrf0)  }
0x108: {  	v4 =	vsel vm6, v4, v6;
	v6 =	vbroadcast v7, $0xF;
	v7, _, _ =	vpop (xrf0)  }
0x109: {  	v4 =	vsel vm7, v4, v5;
	v5 =	vbroadcast v7, $0xF;
	v7, _, _ =	vpop (xrf0)  }
0x10a: {  	v4 =	vsel vm8, v4, v6;
	v6 =	vbroadcast v7, $0xF;
	v7, _, _ =	vpop (xrf0)  }
0x10b: {  	(xrf0) =	vadd.scan.msk.s32 $0xffff, v8;
	v4 =	vsel vm9, v4, v5;
	v5 =	vbroadcast v7, $0xF;
	v7, _, _ =	vpop (xrf0)  }
0x10c: {  	v4 =	vsel vm10, v4, v6;
	v6 =	vbroadcast v7, $0xF;
	v7, _, _ =	vpop (xrf0)  }
0x10d: {  	v4 =	vsel vm11, v4, v5;
	v5 =	vbroadcast v7, $0xF;
	_ =	sdelay $0x2  }
0x10e: {  	v4 =	vsel vm12, v4, v6  }
0x10f: {  	v4 =	vsel vm13, v4, v5;
	v5, _, _ =	vpop (xrf0)  }
0x110: {  	s0 =	sshra.s32 s0, $0x2;
	s9 =	rddreg [dreg:$0x7];
	v4 =	vsel vm14, v4, v5  }
0x111: {  	s10 =	simm.s32 $0x80;
	s2 =	simm.s32 $0x400;
	s3 =	simm.s32 $0x11C00;
	[tilespmem:s0+$0x11C00] =	vst v4  }
0x112: {  	[spmem:s9] =	stream.strided.scatter [tilespmem:s3], [sflag:$0x1], $0x200, s2, s10, $0x38;
	[tilespmem:$0x1B980] =	vst v63  }
0x113: {  	_ =	swait.ge [sflag:s11], $0x200  }
0x114: {  	[sflag:s11] =	ssyncset.done $0x0  }
0x115: {  	[sflag:s11] =	ssyncadd.s32 $0xFFFFFE00  }
0x116: {  	[bflag:$0x0] =	sbarrier.arrive $0xFFFF  }
0x117: {  	s13 =	simm.s32 $0x200;
	s15 =	simm.s32 $0x11E00;
	s12 =	rddreg [dreg:$0x8]  }
0x118: {  	[tilespmem:s15], [sflag:$0x1] =	stream.strided.gather [spmem:s12], $0x800, s2, s13, $0x38;
	[tilespmem:$0x1B980] =	vst v63  }
0x119: {  	_ =	swait.ge [sflag:s11], $0x800  }
0x11a: {  	s0 =	simm.s32 $0x0;
	[sflag:s11] =	ssyncset.done $0x0  }
0x11b: {  	s16 =	sand.u32 $0x70, s0;
	s17 =	sand.u32 $0x600, s0;
	[sflag:s11] =	ssyncadd.s32 $0xFFFFF800  }
0x11c: {  	s1 =	sor.u32 s16, s17;
	[bflag:$0x0] =	sbarrier.arrive $0xFFFF  }
0x11d: {  	s2 =	sadd.s32 $0x11E00, s1;
	v4 =	vld [tilespmem:s1+$0x11E00]  }
0x11e: {  	s19 =	simm.s32 $0x10;
	s20 =	simm.s32 $0x40;
	v5 =	vld [tilespmem:s2+$0x80]  }
0x11f: {  	s3 =	sand.u32 $0x600, s20;
	v6 =	vld [tilespmem:s2+$0x100];
	s1 =	sand.u32 $0x70, s19  }
0x120: {  	v7 =	vld [tilespmem:s2+$0x180];
	s1 =	sor.u32 s1, s3  }
0x121: {  	s21 =	sadd.s32 $0x11E00, s1;
	v8 =	vld [tilespmem:s1+$0x11E00]  }
0x122: {  	v57 =	vld [tilespmem:s21+$0x80]  }
0x123: {  	s22 =	simm.s32 $0x20;
	s23 =	simm.s32 $0x80;
	v58 =	vld [tilespmem:s21+$0x100]  }
0x124: {  	s3 =	sand.u32 $0x600, s23;
	s1 =	sand.u32 $0x70, s22;
	v59 =	vld [tilespmem:s21+$0x180]  }
0x125: {  	s1 =	sor.u32 s1, s3  }
0x126: {  	s24 =	sadd.s32 $0x11E00, s1;
	v60 =	vld [tilespmem:s1+$0x11E00];
	v4 =	vadd.s32 v4, v5  }
0x127: {  	v5 =	vld [tilespmem:s24+$0x80];
	v4 =	vadd.s32 v6, v4;
	v6 =	vadd.s32 v8, v57  }
0x128: {  	v4 =	vadd.s32 v7, v4;
	v8 =	vld [tilespmem:s24+$0x100];
	v6 =	vadd.s32 v58, v6  }
0x129: {  	(xrf0) =	vadd.scan.msk.s32 $0xffff, v4;
	v4 =	vadd.s32 v59, v6  }
0x12a: {  	(xrf0) =	vadd.scan.msk.s32 $0xffff, v4  }
0x12b: {  	v7 =	vld [tilespmem:s24+$0x180]  }
0x12c: {  	v4 =	vadd.s32 v60, v5  }
0x12d: {  	v8 =	vadd.s32 v8, v4  }
0x12e: {  	s25 =	simm.s32 $0x30;
	s26 =	simm.s32 $0xC0  }
0x12f: {  	s3 =	sand.u32 $0x600, s26;
	s1 =	sand.u32 $0x70, s25;
	v5, _, _ =	vpop (xrf0)  }
0x130: {  	s1 =	sor.u32 s1, s3;
	v7 =	vadd.s32 v7, v8;
	(v2sf) =	vpush v5, $0xF;
	v8, _, _ =	vpop (xrf0)  }
0x131: {  	s28 =	sadd.s32 $0x11E00, s1;
	(v2sf) =	vpush v8, $0xF  }
0x132: {  	v61 =	vld [tilespmem:s28+$0x80]  }
0x133: {  	v6 =	vld [tilespmem:s1+$0x11E00]  }
0x134: {  	v62 =	vld [tilespmem:s28+$0x100]  }
0x135: {  	s29 =	simm.s32 $0x40;
	v63 =	vld [tilespmem:s28+$0x180];
	s1 =	simm.s32 $0x100;
	(xrf0) =	vadd.scan.msk.s32 $0xffff, v7  }
0x136: {  	s30 =	sand.u32 $0x70, s29;
	s31 =	sand.u32 $0x600, s1  }
0x137: {  	s2 =	sor.u32 s30, s31  }
0x138: {  	s3 =	sadd.s32 $0x11E00, s2;
	v4 =	vld [tilespmem:s2+$0x11E00];
	v6 =	vadd.s32 v6, v61  }
0x139: {  	v5 =	vld [tilespmem:s3+$0x80];
	v9 =	vadd.s32 v62, v6  }
0x13a: {  	s2 =	simm.s32 $0x50;
	v6 =	vld [tilespmem:s3+$0x100];
	v7 =	vadd.s32 v63, v9  }
.LBB2_10:
0x13b: {  	s4 =	sand.u32 $0x70, s2;
	v8 =	vld [tilespmem:s3+$0x180];
	s1 =	sadd.s32 $0x40, s1;
	(xrf0) =	vadd.scan.msk.s32 $0xffff, v7;
	v7, _, _ =	vpop (xrf0);
	p0 =	sne.s32 s2, $0x1F0  }
.Ltmp6:
0x13c: {  	s2 =	sadd.s32 $0x10, s2;
	s3 =	sand.u32 $0x600, s1;
	(v2sf) =	vpush v7, $0xF;
	(pc) =	sbr.rel @p0 .LBB2_10-.Ltmp6, $4  }
0x13d: {  	s4 =	sor.u32 s4, s3  }
0x13e: {  	s3 =	sadd.s32 $0x11E00, s4;
	v7 =	vadd.s32 v4, v5;
	v4 =	vld [tilespmem:s4+$0x11E00]  }
0x13f: {  	v5 =	vld [tilespmem:s3+$0x80];
	v7 =	vadd.s32 v6, v7;
	s4 =	spop (v2sf)  }
0x140: {  	v6 =	vld [tilespmem:s3+$0x100];
	v7 =	vadd.s32 v8, v7;
	s0 =	sadd.s32 s0, s4  }
0x141: {  	v8 =	vld [tilespmem:s3+$0x180];
	_ =	sdelay $0x2  }
0x142: {  	v4 =	vadd.s32 v4, v5  }
0x143: {  	v4 =	vadd.s32 v6, v4  }
0x144: {  	(xrf0) =	vadd.scan.msk.s32 $0xffff, v7;
	v4 =	vadd.s32 v8, v4  }
0x145: {  	(xrf0) =	vadd.scan.msk.s32 $0xffff, v4;
	_ =	sdelay $0x3  }
0x146: {  	v4, _, _ =	vpop (xrf0)  }
0x147: {  	(v2sf) =	vpush v4, $0xF;
	v4, _, _ =	vpop (xrf0)  }
0x148: {  	(v2sf) =	vpush v4, $0xF;
	v4, _, _ =	vpop (xrf0)  }
0x149: {  	(v2sf) =	vpush v4, $0xF;
	_ =	sdelay $0xa  }
0x14a: {  	s1 =	spop (v2sf)  }
0x14b: {  	s0 =	sadd.s32 s0, s1;
	s2 =	spop (v2sf)  }
0x14c: {  	s0 =	sadd.s32 s0, s2;
	s24 =	spop (v2sf)  }
0x14d: {  	s0 =	sadd.s32 s0, s24;
	s25 =	spop (v2sf)  }
0x14e: {  	s0 =	sadd.s32 s0, s25;
	s26 =	spop (v2sf)  }
0x14f: {  	s0 =	sadd.s32 s0, s26  }
0x150: {  	s28 =	scvt.s32.f32 s0;
	_ =	sdelay $0x1  }
0x151: {  	s0 =	smul.f32 $8.000000110e-01, s28;
	_ =	sdelay $0x1  }
0x152: {  	s29 =	scvt.f32.s32 s0;
	_ =	sdelay $0x1  }
0x153: {  	s30 =	scvt.s32.f32 s29;
	_ =	sdelay $0x1  }
0x154: {  	p0 =	slt.f32 s0, s30  }
0x155: {  	s0 =	simm.s32 $0x1  }
0x156: {  	s0 =	simm.s32 @!p0 $0x0;
	p0 =	por $0x0, $0x0  }
.Ltmp7:
0x157: {  	_ = 	snop;
	(pc) =	sbr.rel @p0 .LBB2_12-.Ltmp7, $4  }
0x158: {  	_ = 	snop  }
0x159: {  	p1 =	por $0x0, $0x0  }
0x15a: {  	p2 =	por $0x0, $0x0;
	[dreg:$0xb] =	wrdreg s18;
	s31 =	ssub.s32 s29, s0  }
0x15b: {  	s2 =	simm.s32 $0x10;
	s25 =	simm.s32 $0x0;
	[dreg:$0xc] =	wrdreg s28;
	v4 =	vmov s31  }
0x15c: {  	p0 =	por $0x0, $0x0  }
.Ltmp8:
0x15d: {  	_ = 	snop;
	(pc) =	sbr.rel @p0 .LBB2_14-.Ltmp8, $2  }
0x15e: {  	_ =	sdelay $0x2  }
0x15f: {  	s5 =	simm.s32 $0x20;
	p1 =	por $0x1, $0x1  }
0x160: {  	p0 =	por $0x0, $0x0  }
.Ltmp9:
0x161: {  	s0 =	sand.u32 $0x70, s25;
	s1 =	sand.u32 $0x600, s25;
	(pc) =	sbr.rel @p0 .LBB2_16-.Ltmp9, $4  }
0x162: {  	s0 =	sor.u32 s0, s1  }
0x163: {  	s12 =	sadd.s32 $0x11E00, s0;
	v10 =	vld [tilespmem:s0+$0x11E00]  }
0x164: {  	v12 =	vld [tilespmem:s12+$0x80]  }
0x165: {  	s4 =	simm.s32 $0x30;
	p2 =	por $0x1, $0x1;
	[dreg:$0x14] =	wrdreg s2;
	v14 =	vld [tilespmem:s12+$0x100]  }
0x166: {  	v5 =	vld [tilespmem:s12+$0x180]  }
0x167: {  	s7 =	simm.s32 $0x40;
	p0 =	por $0x0, $0x0  }
.Ltmp10:
0x168: {  	s0 =	sand.u32 $0x70, s2;
	s1 =	sand.u32 $0x600, s7;
	(pc) =	sbr.rel @p0 .LBB2_18-.Ltmp10, $4  }
0x169: {  	s0 =	sor.u32 s0, s1;
	v6 =	vadd.s32 v10, v12  }
0x16a: {  	s12 =	sadd.s32 $0x11E00, s0;
	v10 =	vld [tilespmem:s0+$0x11E00];
	v6 =	vadd.s32 v14, v6  }
0x16b: {  	v12 =	vld [tilespmem:s12+$0x80];
	v6 =	vadd.s32 v5, v6  }
0x16c: {  	s6 =	simm.s32 $0x40;
	[dreg:$0x1d] =	wrdreg s5;
	v14 =	vld [tilespmem:s12+$0x100];
	(xrf0) =	vadd.scan.msk.s32 $0xffff, v6  }
0x16d: {  	_ =	sdelay $0x1  }
0x16e: {  	v5 =	vld [tilespmem:s12+$0x180]  }
0x16f: {  	s7 =	simm.s32 $0x80;
	p0 =	por $0x0, $0x0  }
.Ltmp11:
0x170: {  	s0 =	sand.u32 $0x70, s5;
	s1 =	sand.u32 $0x600, s7;
	(pc) =	sbr.rel @p0 .LBB2_20-.Ltmp11, $4  }
0x171: {  	s0 =	sor.u32 s0, s1;
	v8 =	vadd.s32 v10, v12;
	v7, _, _ =	vpop (xrf0)  }
0x172: {  	s12 =	sadd.s32 $0x11E00, s0;
	v10 =	vld [tilespmem:s0+$0x11E00];
	v8 =	vadd.s32 v14, v8;
	v9 =	vadd.s32 s25, v7  }
0x173: {  	v12 =	vld [tilespmem:s12+$0x80];
	v5 =	vadd.s32 v5, v8;
	vm15 =	vlt.s32 v9, v4  }
0x174: {  	s5 =	simm.s32 $0x50;
	[dreg:$0x19] =	wrdreg s4;
	v14 =	vld [tilespmem:s12+$0x100];
	(v2sf) =	vpush v7, $0xF;
	(xrf0) =	vadd.scan.msk.s32 $0xffff, v5;
	v20 =	vsel vm15, $0x80000010, v3  }
0x175: {  	_ =	sdelay $0xa  }
0x176: {  	(xrf0) =	vmin.scan.msk.u32 $0xffff, v20  }
0x177: {  	v7 =	vld [tilespmem:s12+$0x180]  }
0x178: {  	s7 =	simm.s32 $0xC0;
	s0 =	sand.u32 $0x70, s4;
	p0 =	por $0x0, $0x0  }
.Ltmp12:
0x179: {  	s1 =	sand.u32 $0x600, s7;
	s2 =	spop (v2sf);
	(pc) =	sbr.rel @p0 .LBB2_22-.Ltmp12, $4  }
0x17a: {  	s0 =	sor.u32 s0, s1;
	v9 =	vadd.s32 v10, v12;
	v8, _, _ =	vpop (xrf0);
	s21 =	sadd.s32 $0x0, s2  }
0x17b: {  	s12 =	sadd.s32 $0x11E00, s0;
	v10 =	vld [tilespmem:s0+$0x11E00];
	v9 =	vadd.s32 v14, v9;
	v11 =	vadd.s32 s21, v8  }
0x17c: {  	v12 =	vld [tilespmem:s12+$0x80];
	v7 =	vadd.s32 v7, v9;
	(v2sf) =	vpush v8, $0xF;
	v8, _, _ =	vpop (xrf0);
	vm15 =	vlt.s32 v11, v4  }
0x17d: {  	s10 =	simm.s32 $0x60;
	v14 =	vld [tilespmem:s12+$0x100];
	(xrf0) =	vadd.scan.msk.s32 $0xffff, v7;
	[dreg:$0x17] =	wrdreg s21;
	(v2sf) =	vpush v8, $0xF;
	v9 =	vsel vm15, $0x80000010, v3  }
0x17e: {  	_ =	sdelay $0x9  }
0x17f: {  	(xrf0) =	vmin.scan.msk.u32 $0xffff, v9  }
0x180: {  	v8 =	vld [tilespmem:s12+$0x180]  }
0x181: {  	s7 =	simm.s32 $0x100;
	s0 =	sand.u32 $0x70, s6;
	p0 =	por $0x0, $0x0  }
.Ltmp13:
0x182: {  	s1 =	sand.u32 $0x600, s7;
	s2 =	spop (v2sf);
	(pc) =	sbr.rel @p0 .LBB2_24-.Ltmp13, $4  }
0x183: {  	s0 =	sor.u32 s0, s1;
	v10 =	vadd.s32 v10, v12;
	v11, _, _ =	vpop (xrf0);
	s17 =	sadd.s32 s21, s2  }
0x184: {  	s12 =	sadd.s32 $0x11E00, s0;
	v12 =	vadd.s32 v14, v10;
	v10 =	vld [tilespmem:s0+$0x11E00];
	v13 =	vadd.s32 s17, v11  }
0x185: {  	v14 =	vld [tilespmem:s12+$0x100];
	v8 =	vadd.s32 v8, v12;
	(v2sf) =	vpush v11, $0xF;
	v11, _, _ =	vpop (xrf0);
	vm15 =	vlt.s32 v13, v4  }
0x186: {  	s9 =	simm.s32 $0x70;
	v12 =	vld [tilespmem:s12+$0x80];
	(xrf0) =	vadd.scan.msk.s32 $0xffff, v8;
	(v2sf) =	vpush v11, $0xF;
	v16 =	vsel vm15, $0x80000010, v3  }
0x187: {  	_ =	sdelay $0x6  }
0x188: {  	(xrf0) =	vmin.scan.msk.u32 $0xffff, v16  }
0x189: {  	v11 =	vld [tilespmem:s12+$0x180]  }
0x18a: {  	v10 =	vadd.s32 v10, v12  }
0x18b: {  	s26 =	spop (v2sf);
	v10 =	vadd.s32 v14, v10  }
0x18c: {  	s1 =	sxor.u32 $0x80000000, s26  }
0x18d: {  	v13 =	vmov s1;
	v15, _, _ =	vpop (xrf0)  }
0x18e: {  	s0 =	simm.s32 $0x40;
	p0 =	por $0x1, $0x1;
	vm15 =	vgt.s32 v13, v1;
	v13 =	vadd.s32 v11, v10;
	v10, _, _ =	vpop (xrf0);
	s3 =	spop (v2sf);
	(v2sf) =	vpush v15, $0xF  }
0x18f: {  	[smem:$0x7F4] =	sst s0;
	s0 =	simm.s32 @!p0 $0x0;
	(v2sf) =	vpush v10, $0xF  }
0x190: {  	p5 =	por $0x1, $0x1;
	s0 =	simm.s32 @p0 $0x1;
	p0 =	por $0x1, $0x1  }
0x191: {  	s7 =	simm.s32 $0x140;
	[smem:$0x7F9] =	sst s0;
	s0 =	simm.s32 @!p0 $0x0  }
0x192: {  	s28 =	simm.s32 $0x50;
	s0 =	simm.s32 @p0 $0x1;
	p0 =	por $0x1, $0x1  }
0x193: {  	s29 =	sand.u32 $0x70, s5;
	[smem:$0x7FA] =	sst s0;
	s0 =	simm.s32 @!p0 $0x0  }
0x194: {  	s8 =	simm.s32 $0x0;
	s0 =	simm.s32 @p0 $0x1;
	p0 =	por $0x1, $0x1  }
0x195: {  	p3 =	por $0x1, $0x1;
	[smem:$0x7FB] =	sst s0;
	s0 =	simm.s32 @!p0 $0x0  }
0x196: {  	s2 =	sand.u32 $0x600, s7;
	p4 =	slt.s32 s1, $0x10;
	s0 =	simm.s32 @p0 $0x1  }
0x197: {  	p4 =	por !p5, !p4;
	[smem:$0x7FC] =	sst s0;
	s0 =	sadd.s32 $0x0, s26  }
0x198: {  	p4 =	por !p4, !p4;
	p0 =	por $0x0, $0x0;
	s0 =	sadd.s32 $0x80000000, s0  }
.Ltmp14:
0x199: {  	s8 =	smov.u32 @p4 s0;
	s0 =	simm.s32 @!p3 $0x0;
	(pc) =	sbr.rel @p0 .LBB2_26-.Ltmp14, $4  }
0x19a: {  	s1 =	sor.u32 s29, s2;
	s0 =	simm.s32 @p3 $0x1;
	s22 =	sadd.s32 s17, s3  }
0x19b: {  	s30 =	sadd.s32 $0x11E00, s1;
	v21 =	vld [tilespmem:s1+$0x11E00];
	v12 =	vnsel vm15, $0x0, v6;
	[smem:$0x7F8] =	sst s0;
	s0 =	simm.s32 @!p4 $0x0;
	v14 =	vadd.s32 s22, v15  }
0x19c: {  	s4 =	simm.s32 $0x0;
	[smem:$0x7F5] =	sst s28;
	v22 =	vld [tilespmem:s30+$0x80];
	(xrf0) =	vadd.scan.msk.s32 $0xffff, v12;
	s0 =	simm.s32 @p4 $0x1;
	vm15 =	vlt.s32 v14, v4  }
0x19d: {  	v23 =	vld [tilespmem:s30+$0x100];
	s4 =	simm.s32 @p4 $0x1;
	(xrf0) =	vadd.scan.msk.s32 $0xffff, v13;
	s26 =	simm.s32 $0x80;
	[smem:$0x7F6] =	sst s0;
	v18 =	vsel vm15, $0x80000010, v3  }
0x19e: {  	[dreg:$0x10] =	wrdreg s31;
	s0 =	spop (v2sf)  }
0x19f: {  	p5 =	por $0x0, $0x0;
	p6 =	por p4, p4;
	p3 =	seq.s32 s4, $0x0  }
0x1a0: {  	s7 =	simm.s32 $0x180;
	s2 =	sand.u32 $0x70, s10;
	s19 =	smov.u32 s4  }
0x1a1: {  	(xrf0) =	vmin.scan.msk.u32 $0xffff, v18;
	s24 =	smov.u32 s8;
	s6 =	simm.s32 $0x20;
	s13 =	simm.s32 $0x40  }
0x1a2: {  	v11 =	vld [tilespmem:s30+$0x180];
	s18 =	simm.s32 $0x50;
	s16 =	simm.s32 $0x0;
	s23 =	simm.s32 $0x0;
	v10, _, _ =	vpop (xrf0)  }
0x1a3: {  	s29 =	smov.u32 s17;
	s28 =	smov.u32 s22;
	s1 =	sxor.u32 $0x80000000, s0;
	v14, _, _ =	vpop (xrf0);
	(v2sf) =	vpush v10, $0xF  }
0x1a4: {  	s0 =	sadd.s32 $0x10, s0;
	s3 =	sand.u32 $0x600, s7;
	s31 =	spop (v2sf);
	v12 =	vmov s1;
	(v2sf) =	vpush v14, $0xF  }
0x1a5: {  	p0 =	slt.s32 s1, $0x10;
	s0 =	sadd.s32 $0x80000000, s0;
	s2 =	sor.u32 s2, s3;
	vm15 =	vgt.s32 v12, v1;
	v10 =	vadd.s32 v21, v22  }
.Ltmp15:
0x1a6: {  	s5 =	sadd.s32 s22, s31;
	p0 =	por !p3, !p0;
	v15 =	vnsel vm15, $0x0, v5;
	v12 =	vadd.s32 v23, v10;
	(pc) =	sbr.rel @p5 .LBB2_28-.Ltmp15, $4  }
0x1a7: {  	s3 =	simm.s32 $0x30;
	p3 =	por $0x1, $0x1;
	p0 =	por !p0, !p0;
	(xrf0) =	vadd.scan.msk.s32 $0xffff, v15;
	v17 =	vadd.s32 s5, v14;
	v14, _, _ =	vpop (xrf0);
	v11 =	vadd.s32 v11, v12  }
0x1a8: {  	s12 =	sadd.s32 $0x11E00, s2;
	s1 =	simm.s32 @!p3 $0x0;
	s19 =	simm.s32 @p0 $0x1;
	v10 =	vld [tilespmem:s2+$0x11E00];
	(v2sf) =	vpush v14, $0xF;
	(xrf0) =	vadd.scan.msk.s32 $0xffff, v11  }
0x1a9: {  	s24 =	smov.u32 @p0 s0;
	s0 =	simm.s32 $0x90;
	s1 =	simm.s32 @p3 $0x1;
	v12 =	vld [tilespmem:s12+$0x80];
	vm15 =	vlt.s32 v17, v4  }
0x1aa: {  	v19 =	vmovc v7;
	[smem:$0x7F7] =	sst s1;
	s1 =	smov.u32 s21;
	s21 =	smov.u32 s5;
	v14 =	vld [tilespmem:s12+$0x100];
	v15 =	vmov v13;
	v20 =	vsel vm15, $0x80000010, v3;
	v17 =	vmov v8  }
.LBB2_29:
0x1ab: {  	p5 =	seq.s32 s0, $0x1F0;
	s2 =	spop (v2sf)  }
0x1ac: {  	v24 =	vld [tilespmem:s12+$0x180];
	s12 =	smov.u32 s9;
	s9 =	smov.u32 s26;
	s26 =	smov.u32 s0  }
0x1ad: {  	(xrf0) =	vmin.scan.msk.u32 $0xffff, v20;
	v20, _, _ =	vpop (xrf0);
	p4 =	por p6, p6;
	p6 =	por p0, p0;
	p3 =	seq.s32 s19, $0x0  }
0x1ae: {  	v25, _, _ =	vpop (xrf0);
	s15 =	sxor.u32 $0x80000000, s2;
	s2 =	sadd.s32 s6, s2;
	(v2sf) =	vpush v20, $0xF;
	s6 =	smov.u32 s3  }
0x1af: {  	s7 =	sadd.s32 $0x40, s7;
	(v2sf) =	vpush v25, $0xF;
	p0 =	slt.s32 s15, $0x10;
	v20 =	vmov s15;
	s2 =	sadd.s32 $0x80000000, s2  }
0x1b0: {  	s3 =	smov.u32 s13;
	s13 =	smov.u32 s18;
	v10 =	vadd.s32 v10, v12;
	p0 =	por !p3, !p0;
	vm15 =	vgt.s32 v20, v1  }
0x1b1: {  	s18 =	smov.u32 s10;
	s10 =	smov.u32 s12;
	v14 =	vadd.s32 v14, v10;
	p0 =	por !p0, !p0;
	v12 =	vnsel vm15, $0x0, v19;
	v19 =	vmovc v17;
	v17 =	vmovc v15;
	v15 =	vmov v11  }
0x1b2: {  	s31 =	sand.u32 $0x600, s7;
	v11 =	vadd.s32 v24, v14;
	s19 =	simm.s32 @p0 $0x1;
	(xrf0) =	vadd.scan.msk.s32 $0xffff, v12;
	s12 =	spop (v2sf)  }
.Ltmp16:
0x1b3: {  	s15 =	sand.u32 $0x70, s10;
	(xrf0) =	vadd.scan.msk.s32 $0xffff, v11;
	v10, _, _ =	vpop (xrf0);
	s20 =	spop (v2sf);
	(pc) =	sbr.rel @!p5 .LBB2_29-.Ltmp16, $4  }
0x1b4: {  	s15 =	sor.u32 s15, s31;
	s16 =	sadd.s32 s16, s12;
	s5 =	sadd.s32 s5, s20;
	(v2sf) =	vpush v10, $0xF  }
0x1b5: {  	s24 =	smov.u32 @p0 s2;
	s12 =	sadd.s32 $0x11E00, s15;
	s23 =	smov.u32 @p4 s16;
	v10 =	vld [tilespmem:s15+$0x11E00];
	v14 =	vadd.s32 s5, v25  }
0x1b6: {  	s16 =	smov.u32 s1;
	s1 =	smov.u32 s29;
	s29 =	smov.u32 s28;
	v12 =	vld [tilespmem:s12+$0x80];
	vm15 =	vlt.s32 v14, v4  }
0x1b7: {  	s0 =	sadd.s32 $0x10, s0;
	s28 =	smov.u32 s21;
	s21 =	smov.u32 s5;
	v14 =	vld [tilespmem:s12+$0x100];
	v20 =	vsel vm15, $0x80000010, v3  }
0x1b8: {  	s2 =	smov.u32 s9;
	s9 =	smov.u32 s26;
	s31 =	rddreg [dreg:$0x10]  }
.LBB2_31:
0x1b9: {  	s0 =	sld [smem:$0x7FB];
	_ =	sdelay $0x2  }
0x1ba: {  	s15 =	sld [smem:$0x7F9];
	p3 =	seq.s32 s0, $0x1  }
0x1bb: {  	s26 =	sld [smem:$0x7F8];
	s0 =	simm.s32 @!p3 $0x0  }
0x1bc: {  	s7 =	sadd.s32 @p2 $0x40, s7;
	s0 =	simm.s32 @p3 $0x1  }
0x1bd: {  	p5 =	seq.s32 s15, $0x1;
	[smem:$0x7FB] =	sst s0;
	s0 =	smov.u32 s25  }
0x1be: {  	(xrf0) =	vmin.scan.msk.u32 @p3 $0xffff, v20;
	p3 =	seq.s32 s26, $0x1;
	s0 =	smov.u32 @p2 s7;
	s7 =	smov.u32 @p1 s2  }
0x1bf: {  	s2 =	simm.s32 @!p3 $0x0;
	s15 =	sand.u32 @p1 $0x70, s7;
	s20 =	sand.u32 @p1 $0x600, s0  }
0x1c0: {  	v24 =	vld @p2 [tilespmem:s12+$0x180];
	s2 =	simm.s32 @p3 $0x1;
	s12 =	sor.u32 @p1 s15, s20;
	s20 =	sld [smem:$0x7FC]  }
0x1c1: {  	[smem:$0x7F8] =	sst s2  }
0x1c2: {  	s26 =	sld [smem:$0x7F8]  }
0x1c3: {  	p4 =	seq.s32 s20, $0x1;
	s20 =	sld [smem:$0x7F7];
	_ =	sdelay $0x1  }
0x1c4: {  	v20, _, _ =	vpop @p3 (xrf0);
	s15 =	simm.s32 @!p4 $0x0;
	p3 =	seq.s32 s26, $0x1  }
0x1c5: {  	s26 =	sld [smem:$0x7FB];
	s15 =	simm.s32 @p4 $0x1;
	(v2sf) =	vpush @p3 v20, $0xF;
	p3 =	seq.s32 s20, $0x1  }
0x1c6: {  	[smem:$0x7FC] =	sst s15;
	s15 =	simm.s32 @!p3 $0x0  }
0x1c7: {  	s2 =	spop @p5 (v2sf);
	s15 =	simm.s32 @p3 $0x1  }
0x1c8: {  	[smem:$0x7F7] =	sst s15;
	s15 =	spop @p3 (v2sf);
	p3 =	seq.s32 s26, $0x1  }
0x1c9: {  	s20 =	spop @p3 (v2sf)  }
0x1ca: {  	v25, _, _ =	vpop @p4 (xrf0);
	s26 =	sxor.u32 @p5 $0x80000000, s2;
	s20 =	sadd.s32 @p3 s5, s20;
	s5 =	smov.u32 s25  }
0x1cb: {  	v27, _, _ =	vpop @p3 (xrf0);
	s5 =	smov.u32 @p3 s20;
	p3 =	slt.s32 @p5 s26, $0x10  }
0x1cc: {  	s20 =	simm.s32 @!p3 $0x0  }
0x1cd: {  	s20 =	simm.s32 @p3 $0x1;
	p3 =	seq.s32 @p5 s19, $0x0  }
0x1ce: {  	[smem:$0x7E5] =	sst s20;
	s20 =	simm.s32 @!p3 $0x0  }
0x1cf: {  	v29 =	vmov @p5 s26;
	s20 =	simm.s32 @p3 $0x1;
	s26 =	sld [smem:$0x7E5]  }
0x1d0: {  	[smem:$0x7E4] =	sst s20  }
0x1d1: {  	s20 =	sld [smem:$0x7E4];
	_ =	sdelay $0x2  }
0x1d2: {  	(v2sf) =	vpush @p4 v25, $0xF;
	p4 =	seq.s32 s26, $0x1;
	s26 =	sld [smem:$0x7FB];
	p3 =	seq.s32 s20, $0x1  }
0x1d3: {  	p3 =	por @p5 !p3, !p4  }
0x1d4: {  	s20 =	simm.s32 @!p3 $0x0  }
0x1d5: {  	s20 =	simm.s32 @p3 $0x1;
	p3 =	seq.s32 s26, $0x1;
	s26 =	sld [smem:$0x7FC]  }
0x1d6: {  	_ = 	snop  }
0x1d7: {  	[smem:$0x7E6] =	sst s20  }
0x1d8: {  	p4 =	seq.s32 s26, $0x1;
	s26 =	sld [smem:$0x7E6];
	_ =	sdelay $0x1  }
0x1d9: {  	v20 =	vld @p1 [tilespmem:s12+$0x11E00];
	s12 =	sadd.s32 @p1 $0x11E00, s12  }
0x1da: {  	v26 =	vld @p1 [tilespmem:s12+$0x80];
	(v2sf) =	vpush @p3 v27, $0xF;
	p3 =	seq.s32 s26, $0x1  }
0x1db: {  	v28 =	vld @p1 [tilespmem:s12+$0x100];
	s30 =	smov.u32 @p1 s12;
	s12 =	sld [smem:$0x7F7];
	p3 =	por @p5 !p3, !p3  }
0x1dc: {  	s2 =	sadd.s32 @p5 s6, s2;
	s6 =	simm.s32 @!p3 $0x0  }
0x1dd: {  	s6 =	simm.s32 @p3 $0x1  }
0x1de: {  	p3 =	seq.s32 s12, $0x1;
	[smem:$0x7EE] =	sst s6  }
0x1df: {  	s6 =	sadd.s32 @p3 s16, s15;
	s15 =	sld [smem:$0x7EE];
	_ =	sdelay $0x2  }
0x1e0: {  	p3 =	seq.s32 s15, $0x1  }
0x1e1: {  	p3 =	por !p3, !p5  }
0x1e2: {  	s16 =	sld [smem:$0x7FA];
	s12 =	simm.s32 @!p3 $0x0  }
0x1e3: {  	s12 =	simm.s32 @p3 $0x1  }
0x1e4: {  	vm15 =	vgt.s32 @p5 v29, v1;
	p3 =	por p5, p5;
	[smem:$0x7E7] =	sst s12;
	s12 =	simm.s32 @!p5 $0x0  }
0x1e5: {  	v19 =	vnsel @p5 vm15, $0x0, v19;
	s12 =	simm.s32 @p5 $0x1;
	p5 =	seq.s32 s16, $0x1;
	s20 =	sld [smem:$0x7E7]  }
0x1e6: {  	[smem:$0x7F9] =	sst s12;
	s12 =	simm.s32 @!p5 $0x0  }
0x1e7: {  	v10 =	vadd.s32 @p2 v10, v12;
	v12 =	vld @p1 [tilespmem:s30+$0x180];
	s30 =	sld [smem:$0x7E7];
	s12 =	simm.s32 @p5 $0x1  }
0x1e8: {  	[smem:$0x7FA] =	sst s12;
	s12 =	spop @p5 (v2sf);
	p5 =	seq.s32 s20, $0x1  }
0x1e9: {  	s19 =	simm.s32 @!p5 $0x1;
	s26 =	sld [smem:$0x7FA]  }
0x1ea: {  	s4 =	smov.u32 @p3 s19;
	s19 =	sld [smem:$0x7F7];
	_ =	sdelay $0x1  }
0x1eb: {  	s2 =	sadd.s32 @p3 $0x80000000, s2;
	s20 =	sld [smem:$0x7FA];
	p5 =	seq.s32 s26, $0x1  }
0x1ec: {  	(xrf0) =	vadd.scan.msk.s32 @p3 $0xffff, v19;
	s15 =	sxor.u32 @p5 $0x80000000, s12;
	p5 =	seq.s32 s30, $0x1;
	p3 =	seq.s32 s19, $0x1  }
0x1ed: {  	s2 =	smov.u32 @p5 s24;
	p5 =	por @p3 p6, p6  }
0x1ee: {  	s16 =	simm.s32 @!p5 $0x0  }
0x1ef: {  	s16 =	simm.s32 @p5 $0x1;
	p5 =	seq.s32 s20, $0x1  }
0x1f0: {  	p6 =	slt.s32 @p5 s15, $0x10  }
0x1f1: {  	v19 =	vpsel p1, v20, v21;
	[smem:$0x7E8] =	sst s16;
	v21 =	vmov @p5 s15;
	s15 =	simm.s32 @!p6 $0x0  }
0x1f2: {  	s24 =	sld [smem:$0x7E8];
	s15 =	simm.s32 @p6 $0x1  }
0x1f3: {  	[smem:$0x7E9] =	sst s15  }
0x1f4: {  	s26 =	sld [smem:$0x7E9]  }
0x1f5: {  	s30 =	sld [smem:$0x7F7];
	p6 =	seq.s32 s24, $0x1  }
0x1f6: {  	p6 =	por !p6, !p3  }
0x1f7: {  	p3 =	seq.s32 @p5 s4, $0x0;
	s6 =	smov.u32 @p6 s23;
	p6 =	seq.s32 s26, $0x1  }
0x1f8: {  	s16 =	smov.u32 s25;
	p3 =	por @p5 !p3, !p6;
	p6 =	seq.s32 s30, $0x1  }
0x1f9: {  	s16 =	smov.u32 @p6 s6;
	s6 =	sld [smem:$0x7F8]  }
0x1fa: {  	s19 =	rddreg [dreg:$0x14]  }
0x1fb: {  	s15 =	smov.u32 s19;
	p3 =	por @p5 !p3, !p3  }
0x1fc: {  	s15 =	smov.u32 @p5 s3;
	s3 =	simm.s32 @!p3 $0x0;
	p6 =	seq.s32 s6, $0x1  }
0x1fd: {  	s3 =	simm.s32 @p3 $0x1;
	p0 =	por @p6 p0, p0  }
0x1fe: {  	v25 =	vadd.s32 @p4 s5, v25;
	[smem:$0x7EF] =	sst s3;
	s3 =	simm.s32 @!p0 $0x0  }
0x1ff: {  	vm0 =	vlt.s32 @p4 v25, v4;
	s3 =	simm.s32 @p0 $0x1  }
0x200: {  	v10 =	vadd.s32 @p2 v14, v10;
	v14 =	vsel @p4 vm0, $0x80000010, v3;
	[smem:$0x7EA] =	sst s3  }
0x201: {  	v10 =	vadd.s32 @p2 v24, v10;
	v14 =	vpsel p4, v14, v18;
	v18 =	vpsel p1, v26, v22;
	s3 =	sadd.s32 @p5 s15, s12;
	s15 =	sld [smem:$0x7F9]  }
0x202: {  	v20 =	vpsel p1, v28, v23;
	(xrf0) =	vadd.scan.msk.s32 @p2 $0xffff, v10;
	v18 =	vadd.s32 @p1 v19, v18;
	s20 =	sld [smem:$0x7FB]  }
0x203: {  	(xrf0) =	vmin.scan.msk.u32 @p4 $0xffff, v14;
	v14 =	vadd.s32 @p1 v20, v18;
	s23 =	sld [smem:$0x7EA]  }
0x204: {  	p3 =	por !p3, !p5;
	p0 =	seq.s32 s15, $0x1  }
0x205: {  	s4 =	simm.s32 @!p3 $0x1;
	s8 =	smov.u32 @p0 s2;
	s2 =	sadd.s32 @p5 $0x80000000, s3  }
0x206: {  	v12 =	vadd.s32 @p1 v12, v14;
	v14, _, _ =	vpop @p0 (xrf0);
	p0 =	seq.s32 s20, $0x1;
	s2 =	smov.u32 @p3 s8;
	p3 =	seq.s32 s23, $0x1  }
0x207: {  	s0 =	sadd.s32 @p1 $0x40, s0;
	p3 =	por @!p6 p0, p0  }
0x208: {  	s24 =	sld [smem:$0x7F9];
	s30 =	sand.u32 $0x70, s9;
	s6 =	simm.s32 @!p3 $0x0  }
0x209: {  	s12 =	smov.u32 s25;
	s23 =	rddreg [dreg:$0x1d];
	s6 =	simm.s32 @p3 $0x1  }
0x20a: {  	s1 =	smov.u32 @p6 s1;
	s12 =	smov.u32 @p1 s0;
	[smem:$0x7EA] =	sst s6  }
0x20b: {  	s3 =	smov.u32 @p0 s13;
	s8 =	smov.u32 s23;
	s26 =	sld [smem:$0x7EA]  }
0x20c: {  	s12 =	sand.u32 $0x600, s12;
	s8 =	smov.u32 @p0 s3;
	s3 =	spop @p6 (v2sf)  }
0x20d: {  	s12 =	sor.u32 s30, s12;
	p3 =	seq.s32 s24, $0x1;
	s6 =	spop @p4 (v2sf)  }
0x20e: {  	s1 =	sadd.s32 @p6 s1, s3;
	(v2sf) =	vpush @p3 v14, $0xF;
	s0 =	sadd.s32 @p4 s5, s6;
	p3 =	seq.s32 s26, $0x1  }
0x20f: {  	s6 =	smov.u32 s25;
	s3 =	spop @p0 (v2sf);
	p3 =	por @p6 p3, p3  }
0x210: {  	s6 =	smov.u32 @p4 s0;
	s0 =	smov.u32 s25;
	p3 =	por !p3, !p6  }
0x211: {  	s15 =	sxor.u32 @p0 $0x80000000, s3;
	s0 =	smov.u32 @p5 s4;
	s4 =	simm.s32 @!p3 $0x0  }
0x212: {  	s30 =	sld [smem:$0x7F9];
	s4 =	simm.s32 @p3 $0x1;
	p3 =	slt.s32 @p0 s15, $0x10  }
0x213: {  	[smem:$0x7EB] =	sst s4;
	s4 =	simm.s32 @!p3 $0x0  }
0x214: {  	v58 =	vld [tilespmem:s12+$0x11E00];
	s13 =	sadd.s32 $0x11E00, s12;
	s4 =	simm.s32 @p3 $0x1;
	s12 =	sld [smem:$0x7EB]  }
0x215: {  	[smem:$0x7EC] =	sst s4  }
0x216: {  	s20 =	sld [smem:$0x7EC]  }
0x217: {  	s24 =	sld [smem:$0x7F6]  }
0x218: {  	v17 =	vpsel p5, v17, v5;
	vm15 =	vgt.s32 @p5 v21, v1;
	s26 =	sld [smem:$0x7EE];
	p6 =	seq.s32 s12, $0x1  }
0x219: {  	v17 =	vnsel @p5 vm15, $0x0, v17;
	p3 =	seq.s32 @p0 s0, $0x0;
	s1 =	smov.u32 @p6 s16;
	p6 =	seq.s32 s20, $0x1  }
0x21a: {  	(xrf0) =	vadd.scan.msk.s32 @p5 $0xffff, v17;
	s16 =	sld [smem:$0x7FB];
	p3 =	por @p0 !p3, !p6  }
0x21b: {  	p6 =	seq.s32 s26, $0x1;
	s26 =	sld [smem:$0x7F9];
	s4 =	simm.s32 @!p3 $0x0  }
0x21c: {  	v17, _, _ =	vpop @p2 (xrf0);
	v59 =	vld [tilespmem:s13+$0x80];
	s4 =	simm.s32 @p3 $0x1;
	p3 =	seq.s32 s24, $0x1;
	s24 =	sld [smem:$0x7F8]  }
0x21d: {  	v60 =	vld [tilespmem:s13+$0x100];
	(v2sf) =	vpush @p2 v17, $0xF;
	[smem:$0x7ED] =	sst s4;
	s4 =	smov.u32 @p0 s8;
	p0 =	seq.s32 s30, $0x1  }
0x21e: {  	v61 =	vld [tilespmem:s13+$0x180];
	s13 =	smov.u32 s19;
	v14, _, _ =	vpop @p4 (xrf0);
	p6 =	por @!p0 p3, p3;
	s20 =	sld [smem:$0x7ED]  }
0x21f: {  	(xrf0) =	vadd.scan.msk.s32 @p1 $0xffff, v12;
	(v2sf) =	vpush @p4 v14, $0xF;
	s8 =	smov.u32 s25;
	s30 =	sld [smem:$0x7F9];
	s12 =	simm.s32 @!p6 $0x0  }
0x220: {  	v14, _, _ =	vpop @p5 (xrf0);
	p3 =	seq.s32 s24, $0x1;
	s12 =	simm.s32 @p6 $0x1;
	p6 =	seq.s32 s16, $0x1  }
0x221: {  	(v2sf) =	vpush @p5 v14, $0xF;
	[smem:$0x7EE] =	sst s12;
	s8 =	smov.u32 @p6 s4;
	p0 =	seq.s32 s20, $0x1  }
0x222: {  	s12 =	smov.u32 s25;
	s20 =	rddreg [dreg:$0x19];
	p0 =	por @p6 !p0, !p0  }
0x223: {  	s12 =	smov.u32 @p3 s1;
	s1 =	smov.u32 s25;
	s3 =	sadd.s32 @p6 s8, s3  }
0x224: {  	p3 =	seq.s32 s26, $0x1;
	s8 =	smov.u32 s25;
	s4 =	simm.s32 @!p0 $0x0  }
0x225: {  	v18, _, _ =	vpop @p1 (xrf0);
	v14 =	vadd.s32 @p2 s6, v17;
	s1 =	smov.u32 @p5 s2;
	s2 =	smov.u32 @p3 s29;
	s29 =	sld [smem:$0x7EE]  }
0x226: {  	(v2sf) =	vpush @p1 v18, $0xF;
	vm15 =	vlt.s32 @p2 v14, v4;
	s4 =	simm.s32 @p0 $0x1;
	p0 =	por !p0, !p6;
	s8 =	smov.u32 @p3 s2  }
0x227: {  	v17 =	vsel @p2 vm15, $0x80000010, v3;
	[smem:$0x7F2] =	sst s4;
	s4 =	sadd.s32 @p6 $0x80000000, s3;
	s0 =	simm.s32 @!p0 $0x1  }
0x228: {  	v16 =	vpsel p2, v17, v16;
	s3 =	smov.u32 s20;
	s4 =	smov.u32 @p0 s1;
	p0 =	seq.s32 s29, $0x1  }
0x229: {  	(xrf0) =	vmin.scan.msk.u32 @p2 $0xffff, v16;
	s2 =	smov.u32 @p3 s8;
	s1 =	smov.u32 @p4 s18;
	p0 =	por @p3 p0, p0  }
0x22a: {  	v15 =	vpsel p6, v15, v7;
	v20 =	vmov @p6 s15;
	s2 =	smov.u32 @p3 s2;
	s3 =	smov.u32 @p4 s1;
	p0 =	por @!p3 p0, p0  }
0x22b: {  	v15 =	vpsel p6, v15, v6;
	vm15 =	vgt.s32 @p6 v20, v1;
	s1 =	smov.u32 @p4 s3;
	s3 =	spop @p3 (v2sf);
	p0 =	por @p3 p0, p0  }
0x22c: {  	v15 =	vnsel @p6 vm15, $0x0, v15;
	s8 =	spop @p2 (v2sf);
	s2 =	sadd.s32 @p3 s2, s3;
	s13 =	smov.u32 @p4 s1  }
0x22d: {  	s3 =	smov.u32 s25;
	p0 =	por !p0, !p3;
	s1 =	sadd.s32 @p2 s6, s8  }
0x22e: {  	s8 =	smov.u32 s25;
	s2 =	smov.u32 @p0 s12;
	s12 =	spop @p4 (v2sf)  }
0x22f: {  	(xrf0) =	vadd.scan.msk.s32 @p6 $0xffff, v15;
	v15, _, _ =	vpop @p2 (xrf0);
	s3 =	smov.u32 @p2 s1;
	s8 =	smov.u32 @p6 s0;
	s0 =	sxor.u32 @p4 $0x80000000, s12  }
0x230: {  	(v2sf) =	vpush @p2 v15, $0xF;
	s15 =	spop @p5 (v2sf);
	p3 =	seq.s32 @p4 s8, $0x0;
	p0 =	slt.s32 @p4 s0, $0x10  }
0x231: {  	v17 =	vmov @p4 s0;
	s0 =	smov.u32 @p4 s13;
	s13 =	smov.u32 s25;
	p0 =	por @p4 !p3, !p0  }
0x232: {  	p3 =	seq.s32 s30, $0x1;
	s0 =	sadd.s32 @p4 s0, s12;
	s12 =	sld [smem:$0x7F4]  }
0x233: {  	p0 =	por @p4 !p0, !p0;
	s13 =	smov.u32 @p3 s2;
	s2 =	smov.u32 s25  }
0x234: {  	v14 =	vadd.s32 v58, v59;
	s0 =	sadd.s32 @p4 $0x80000000, s0;
	p3 =	por !p0, !p4;
	s2 =	smov.u32 @p6 s4  }
0x235: {  	v14 =	vadd.s32 v60, v14;
	s1 =	spop @p1 (v2sf);
	s0 =	smov.u32 @p3 s2;
	s2 =	smov.u32 @p2 s10  }
0x236: {  	v14 =	vadd.s32 v61, v14;
	s16 =	sadd.s32 @p1 s3, s1;
	s12 =	smov.u32 @p2 s2  }
0x237: {  	(xrf0) =	vadd.scan.msk.s32 $0xffff, v14;
	s1 =	smov.u32 s25;
	s2 =	smov.u32 @p2 s12;
	s12 =	sld [smem:$0x7EF]  }
0x238: {  	s18 =	rddreg [dreg:$0x17];
	s1 =	smov.u32 @p1 s16;
	s16 =	simm.s32 @!p0 $0x0  }
0x239: {  	v15 =	vadd.s32 @p1 s3, v18;
	s4 =	smov.u32 @p5 s28;
	s16 =	simm.s32 @p0 $0x1;
	s10 =	smov.u32 s18  }
0x23a: {  	vm15 =	vlt.s32 @p1 v15, v4;
	s8 =	simm.s32 @!p3 $0x1;
	s10 =	smov.u32 @p5 s4;
	p0 =	seq.s32 s12, $0x1  }
0x23b: {  	v15 =	vsel @p1 vm15, $0x80000010, v3;
	s4 =	smov.u32 @p5 s10;
	s10 =	smov.u32 s25;
	p0 =	por @!p5 p0, p0  }
0x23c: {  	v11 =	vpsel p4, v11, v8;
	v16, _, _ =	vpop @p6 (xrf0);
	v9 =	vpsel p1, v15, v9;
	s23 =	smov.u32 @p2 s2;
	s2 =	smov.u32 @p5 s4;
	p3 =	por @p5 p0, p0  }
0x23d: {  	v11 =	vpsel p4, v11, v5;
	v62, _, _ =	vpop (xrf0);
	(xrf0) =	vmin.scan.msk.u32 @p1 $0xffff, v9;
	s4 =	smov.u32 @p2 s23;
	s2 =	smov.u32 @p5 s2;
	p3 =	por @!p5 p0, p0  }
0x23e: {  	v11 =	vpsel p4, v11, v0;
	vm15 =	vgt.s32 @p4 v17, v1;
	v63 =	vadd.s32 s1, v62;
	s10 =	smov.u32 @p2 s4;
	s2 =	sadd.s32 @p5 s2, s15;
	p3 =	por @p5 p3, p3  }
0x23f: {  	v11 =	vnsel @p4 vm15, $0x0, v11;
	vm15 =	vlt.s32 v63, v4;
	s4 =	smov.u32 s25;
	s12 =	spop @p2 (v2sf);
	p0 =	por !p3, !p5  }
0x240: {  	(xrf0) =	vadd.scan.msk.s32 @p4 $0xffff, v11;
	v4 =	vsel vm15, $0x80000010, v3;
	s4 =	smov.u32 @p4 s8;
	s15 =	sxor.u32 @p2 $0x80000000, s12;
	s8 =	simm.s32 @!p0 $0x0  }
0x241: {  	[smem:$0x7F3] =	sst s16;
	(xrf0) =	vmin.scan.msk.u32 $0xffff, v4;
	s8 =	simm.s32 @p0 $0x1;
	p0 =	slt.s32 @p2 s15, $0x10  }
0x242: {  	(v2sf) =	vpush @p6 v16, $0xF;
	[smem:$0x7F0] =	sst s8;
	s8 =	simm.s32 @!p0 $0x0  }
0x243: {  	(v2sf) =	vpush v62, $0xF;
	v4, _, _ =	vpop @p1 (xrf0);
	s8 =	simm.s32 @p0 $0x1;
	s16 =	sld [smem:$0x7F0]  }
0x244: {  	(v2sf) =	vpush @p1 v4, $0xF;
	[smem:$0x7F1] =	sst s8  }
0x245: {  	s8 =	sld [smem:$0x7F1]  }
0x246: {  	v4, _, _ =	vpop @p4 (xrf0);
	p3 =	seq.s32 s16, $0x1  }
0x247: {  	s29 =	sld [smem:$0x7F3];
	(v2sf) =	vpush @p4 v4, $0xF;
	v4, _, _ =	vpop (xrf0);
	p0 =	seq.s32 @p2 s4, $0x0;
	s2 =	smov.u32 @p3 s13  }
0x248: {  	(v2sf) =	vpush v4, $0xF;
	p3 =	seq.s32 s8, $0x1;
	s8 =	smov.u32 @p2 s10;
	s10 =	smov.u32 s25  }
0x249: {  	s23 =	sld [smem:$0x7F2];
	p3 =	por @p2 !p0, !p3;
	s10 =	smov.u32 @p5 s2  }
0x24a: {  	s2 =	sadd.s32 @p2 s8, s12;
	s12 =	smov.u32 s25;
	p5 =	por @p2 !p3, !p3  }
0x24b: {  	s12 =	smov.u32 @p4 s0;
	s8 =	sadd.s32 @p2 $0x80000000, s2;
	p3 =	por !p5, !p2  }
0x24c: {  	s16 =	smov.u32 s25;
	s8 =	smov.u32 @p3 s12;
	s12 =	sld [smem:$0x7F5]  }
0x24d: {  	v4 =	vpsel p2, v10, v13;
	s0 =	smov.u32 @p6 s21;
	s2 =	smov.u32 @p4 s5;
	s5 =	smov.u32 s17  }
0x24e: {  	v4 =	vpsel p2, v4, v7;
	p0 =	seq.s32 s23, $0x1;
	s5 =	smov.u32 @p6 s0;
	s22 =	smov.u32 @p4 s2  }
0x24f: {  	v4 =	vpsel p2, v4, v6;
	v6 =	vmov @p2 s15;
	s2 =	smov.u32 @p6 s5;
	s12 =	smov.u32 @p1 s7;
	s7 =	smov.u32 s25  }
0x250: {  	v4 =	vpsel p2, v4, v0;
	vm15 =	vgt.s32 @p2 v6, v1;
	s5 =	smov.u32 @p4 s22;
	s7 =	smov.u32 @p6 s2;
	s2 =	smov.u32 s18  }
0x251: {  	v7 =	vpsel p1, v12, v8;
	v4 =	vnsel @p2 vm15, $0x0, v4;
	s17 =	smov.u32 @p2 s6;
	s2 =	smov.u32 @p4 s5;
	s5 =	spop @p6 (v2sf)  }
0x252: {  	v6 =	vmov @p1 v7;
	(xrf0) =	vadd.scan.msk.s32 @p2 $0xffff, v4;
	p0 =	por @!p6 p0, p0;
	s0 =	smov.u32 @p1 s12;
	s24 =	spop (v2sf)  }
0x253: {  	v5 =	vpsel p1, v6, v5;
	s20 =	smov.u32 @p1 s0;
	s6 =	smov.u32 @p6 s7;
	s12 =	spop @p1 (v2sf)  }
0x254: {  	v4 =	vmov @p1 v5;
	s0 =	smov.u32 @p1 s20;
	s7 =	smov.u32 @p6 s6;
	s13 =	sxor.u32 @p1 $0x80000000, s12  }
0x255: {  	v4 =	vpsel p1, v4, v0;
	s6 =	smov.u32 s25;
	s19 =	smov.u32 @p1 s0;
	s0 =	smov.u32 @p2 s17;
	v5 =	vmov @p1 s13  }
0x256: {  	v4 =	vpsel p1, v4, v0;
	s6 =	smov.u32 @p2 s0;
	s0 =	smov.u32 @p6 s7;
	s7 =	spop @p4 (v2sf);
	vm15 =	vgt.s32 @p1 v5, v1  }
0x257: {  	s4 =	simm.s32 @!p3 $0x1;
	p3 =	por @p6 p0, p0;
	s26 =	spop (v2sf);
	v4 =	vnsel @p1 vm15, $0x0, v4  }
0x258: {  	p3 =	por @!p6 p0, p0;
	s16 =	smov.u32 @p2 s4;
	s28 =	sxor.u32 $0x80000000, s26;
	v5, _, _ =	vpop @p2 (xrf0);
	(xrf0) =	vadd.scan.msk.s32 @p1 $0xffff, v4  }
0x259: {  	s4 =	smov.u32 s25;
	p0 =	seq.s32 s29, $0x1;
	p3 =	por @p6 p3, p3;
	v4 =	vmov s28  }
0x25a: {  	s4 =	smov.u32 @p2 s8;
	s8 =	smov.u32 s25;
	p0 =	por @!p4 p0, p0;
	vm15 =	vgt.s32 v4, v1  }
0x25b: {  	p3 =	por !p3, !p6;
	p0 =	por @p4 p0, p0;
	s18 =	smov.u32 @p1 s3;
	(v2sf) =	vpush @p2 v5, $0xF;
	v4 =	vnsel vm15, $0x0, v14  }
0x25c: {  	p0 =	por @!p4 p0, p0;
	s3 =	smov.u32 @p1 s18;
	s2 =	smov.u32 @p4 s2;
	(xrf0) =	vadd.scan.msk.s32 $0xffff, v4  }
0x25d: {  	s3 =	smov.u32 @p1 s3;
	s2 =	smov.u32 @p4 s2;
	s24 =	smov.u32 s25  }
0x25e: {  	s3 =	smov.u32 @p1 s3;
	s2 =	smov.u32 @p4 s2;
	s15 =	smov.u32 @p6 s0;
	v4, _, _ =	vpop @p1 (xrf0)  }
0x25f: {  	s2 =	sadd.s32 @p4 s2, s7;
	s15 =	sadd.s32 @p6 s15, s5;
	s5 =	smov.u32 s25;
	(v2sf) =	vpush @p1 v4, $0xF  }
0x260: {  	s0 =	sadd.s32 s9, s26;
	s15 =	smov.u32 @p3 s10;
	s10 =	smov.u32 @p1 s19  }
0x261: {  	p3 =	slt.s32 @p1 s13, $0x10;
	s0 =	sadd.s32 $0x80000000, s0;
	s10 =	smov.u32 @p1 s10  }
0x262: {  	s8 =	smov.u32 @p6 s15;
	p6 =	seq.s32 @p1 s16, $0x0;
	s10 =	smov.u32 @p1 s10;
	v4, _, _ =	vpop (xrf0)  }
0x263: {  	p3 =	por @p1 !p6, !p3;
	p6 =	por @p4 p0, p0;
	s10 =	sadd.s32 @p1 s10, s12;
	(v2sf) =	vpush v4, $0xF  }
0x264: {  	p0 =	por @p1 !p3, !p3;
	p3 =	por !p6, !p4;
	s7 =	sadd.s32 @p1 $0x80000000, s10  }
0x265: {  	s2 =	smov.u32 @p3 s8;
	p3 =	por !p0, !p1;
	s8 =	smov.u32 s25  }
0x266: {  	p5 =	por @!p2 p0, p0;
	s7 =	smov.u32 @p3 s4;
	s8 =	smov.u32 @p4 s2  }
0x267: {  	s2 =	smov.u32 @p2 s6;
	s16 =	simm.s32 @!p3 $0x1;
	p3 =	por @p2 p5, p5  }
0x268: {  	s4 =	smov.u32 s25;
	p4 =	slt.s32 s28, $0x10;
	s2 =	smov.u32 @p2 s2  }
0x269: {  	p3 =	por @!p2 p0, p0;
	s4 =	smov.u32 @p1 s16;
	s2 =	smov.u32 @p2 s2  }
0x26a: {  	p3 =	por @p2 p3, p3;
	s2 =	smov.u32 @p2 s2;
	s6 =	spop @p2 (v2sf)  }
0x26b: {  	p0 =	por @!p1 p0, p0;
	p3 =	por !p3, !p2;
	s2 =	sadd.s32 @p2 s2, s6  }
0x26c: {  	p0 =	por @p1 p0, p0;
	p5 =	seq.s32 s4, $0x0;
	s2 =	smov.u32 @p3 s8  }
0x26d: {  	p0 =	por @!p1 p0, p0;
	s5 =	smov.u32 @p2 s2;
	s2 =	smov.u32 @p1 s3  }
0x26e: {  	p0 =	por @p1 p0, p0;
	s2 =	smov.u32 @p1 s2;
	s3 =	spop @p1 (v2sf)  }
0x26f: {  	p0 =	por !p0, !p1;
	p2 =	por !p5, !p4;
	s2 =	sadd.s32 @p1 s2, s3  }
0x270: {  	s24 =	smov.u32 @p1 s7;
	s2 =	smov.u32 @p0 s5;
	p0 =	por !p2, !p2  }
0x271: {  	s24 =	smov.u32 @p0 s0;
	s0 =	simm.s32 $0xFC20  }
0x272: {  	p6 =	por p0, p0;
	s30 =	spop (v2sf);
	[tilespmem:s0+$0xFFFFFFE0] =	vst v0  }
0x273: {  	s25 =	smov.u32 @p1 s2;
	s1 =	sadd.s32 s1, s30;
	p1 =	por p6, p6;
	[tilespmem:s0+$0x10] =	vst v0  }
0x274: {  	s2 =	simm.s32 $0x12600;
	[tilespmem:s0+$0x0] =	vst v0;
	s25 =	smov.u32 @p1 s1;
	s1 =	simm.s32 $0x0  }
.LBB2_32:
0x275: {  	s1 =	sadd.s32 $0x4, s1  }
0x276: {  	[tilespmem:s0+$0xFFFFFFF0] =	vst v0;
	s0 =	sadd.s32 $0x40, s0;
	p0 =	slt.u32 s1, $0xFC  }
.Ltmp17:
0x277: {  	[tilespmem:s0+$0xFFFFFFE0] =	vst v0;
	(pc) =	sbr.rel @p0 .LBB2_32-.Ltmp17, $3  }
0x278: {  	_ =	sdelay $0x1  }
0x279: {  	[tilespmem:s0+$0x10] =	vst v0  }
0x27a: {  	[tilespmem:s0+$0x0] =	vst v0  }
0x27b: {  	s30 =	sshll.u32 s24, $0x16;
	v5 =	vmov s24  }
0x27c: {  	[tilespmem:s0+$0xFFFFFFF0] =	vst v0;
	v4 =	vimm.s32 $0x0;
	v7 =	vimm.f32 $0.0e+00;
	s0 =	simm.s32 $0xFFFFFFFC;
	s1 =	simm.s32 $0x6C20;
	v6 =	vmov s30  }
.LBB2_34:
0x27d: {  	v8 =	vld [tilespmem:s1+$0xFFFFFFE0];
	_ =	sdelay $0x4  }
0x27e: {  	v9 =	vshra.s32 v8, $0x16  }
0x27f: {  	vm15 =	vne.s32 v8, $0x7FFFFFFF;
	vm0 =	veq.s32 v9, v5  }
0x280: {  	vm0 =	vmand vm15, vm0  }
0x281: {  	v46 =	vsel vm0, $0x1, v0  }
0x282: {  	(xrf0) =	vadd.scan.msk.s32 $0xffff, v46;
	_ =	sdelay $0x4  }
0x283: {  	v47 =	vshrl.u32 v8, $0xA  }
0x284: {  	v9 =	vand.u32 $0xFF0, v47;
	v10, _, _ =	vpop (xrf0)  }
0x285: {  	v9 =	vor.u32 v1, v9;
	v10 =	vadd.s32 v10, v4  }
0x286: {  	v10 =	vadd.s32 $0xFFFFFFFF, v10;
	_ =	sdelay $0x3  }
0x287: {  	[tilespmem:v9+s14+$0x0] =	vst.idx.add.s32.msk vm0, v2  }
0x288: {  	[tilespmem:v10+s2+$0x0] =	vst.idx.msk vm0, v8  }
0x289: {  	v9 =	vld [tilespmem:s1+$0xFFFFFFF0];
	_ =	sdelay $0x4  }
0x28a: {  	v48 =	vshra.s32 v9, $0x16  }
0x28b: {  	vm15 =	vne.s32 v9, $0x7FFFFFFF;
	vm1 =	veq.s32 v48, v5  }
0x28c: {  	vm1 =	vmand vm15, vm1  }
0x28d: {  	v49 =	vsel vm1, $0x1, v0  }
0x28e: {  	(xrf0) =	vadd.scan.msk.s32 $0xffff, v49;
	_ =	sdelay $0x3  }
0x28f: {  	v50 =	vmpcnt.ones.xlane vm0  }
0x290: {  	v11 =	vshrl.u32 v9, $0xA  }
0x291: {  	v4 =	vadd.s32 v4, v50;
	v51 =	vand.u32 $0xFF0, v11;
	v52, _, _ =	vpop (xrf0)  }
0x292: {  	v10 =	vor.u32 v1, v51;
	v11 =	vadd.s32 v52, v4  }
0x293: {  	v11 =	vadd.s32 $0xFFFFFFFF, v11;
	_ =	sdelay $0x3  }
0x294: {  	[tilespmem:v10+s14+$0x0] =	vst.idx.add.s32.msk vm1, v2  }
0x295: {  	[tilespmem:v11+s2+$0x0] =	vst.idx.msk vm1, v9  }
0x296: {  	v10 =	vld [tilespmem:s1+$0x0];
	_ =	sdelay $0x4  }
0x297: {  	v53 =	vshra.s32 v10, $0x16  }
0x298: {  	vm0 =	vne.s32 v10, $0x7FFFFFFF;
	vm15 =	veq.s32 v53, v5  }
0x299: {  	vm0 =	vmand vm0, vm15  }
0x29a: {  	v54 =	vsel vm0, $0x1, v0  }
0x29b: {  	(xrf0) =	vadd.scan.msk.s32 $0xffff, v54;
	_ =	sdelay $0x3  }
0x29c: {  	v55 =	vmpcnt.ones.xlane vm1  }
0x29d: {  	v12 =	vshrl.u32 v10, $0xA  }
0x29e: {  	v4 =	vadd.s32 v4, v55;
	v56 =	vand.u32 $0xFF0, v12;
	v57, _, _ =	vpop (xrf0)  }
0x29f: {  	v11 =	vor.u32 v1, v56;
	v12 =	vadd.s32 v57, v4  }
0x2a0: {  	v12 =	vadd.s32 $0xFFFFFFFF, v12;
	_ =	sdelay $0x3  }
0x2a1: {  	[tilespmem:v11+s14+$0x0] =	vst.idx.add.s32.msk vm0, v2  }
0x2a2: {  	[tilespmem:v12+s2+$0x0] =	vst.idx.msk vm0, v10  }
0x2a3: {  	v11 =	vld [tilespmem:s1+$0x10];
	_ =	sdelay $0x4  }
0x2a4: {  	v58 =	vshra.s32 v11, $0x16  }
0x2a5: {  	vm1 =	vne.s32 v11, $0x7FFFFFFF;
	vm15 =	veq.s32 v58, v5  }
0x2a6: {  	vm1 =	vmand vm1, vm15  }
0x2a7: {  	v59 =	vsel vm1, $0x1, v0  }
0x2a8: {  	(xrf0) =	vadd.scan.msk.s32 $0xffff, v59;
	_ =	sdelay $0x3  }
0x2a9: {  	v60 =	vmpcnt.ones.xlane vm0;
	vm0 =	vlt.s32 v8, v6  }
0x2aa: {  	v8 =	vnsel vm0, $0x0, v8;
	v13 =	vshrl.u32 v11, $0xA  }
0x2ab: {  	v4 =	vadd.s32 v4, v60;
	v7 =	vadd.f32 v8, v7;
	v8 =	vand.u32 $0xFF0, v13;
	v61, _, _ =	vpop (xrf0)  }
0x2ac: {  	s0 =	sadd.s32 $0x4, s0;
	vm0 =	vlt.s32 v9, v6;
	v8 =	vor.u32 v1, v8;
	v12 =	vadd.s32 v61, v4  }
0x2ad: {  	p0 =	slt.u32 s0, $0x8FC;
	v9 =	vnsel vm0, $0x0, v9;
	v12 =	vadd.s32 $0xFFFFFFFF, v12  }
.Ltmp18:
0x2ae: {  	vm0 =	vlt.s32 v10, v6;
	v7 =	vadd.f32 v9, v7;
	(pc) =	sbr.rel @p0 .LBB2_34-.Ltmp18, $4  }
0x2af: {  	v62 =	vnsel vm0, $0x0, v10  }
0x2b0: {  	v7 =	vadd.f32 v62, v7;
	vm0 =	vlt.s32 v11, v6;
	v63 =	vmpcnt.ones.xlane vm1  }
0x2b1: {  	[tilespmem:v8+s14+$0x0] =	vst.idx.add.s32.msk vm1, v2;
	v8 =	vnsel vm0, $0x0, v11  }
0x2b2: {  	s1 =	sadd.s32 $0x40, s1;
	v7 =	vadd.f32 v8, v7;
	v4 =	vadd.s32 v4, v63;
	[tilespmem:v12+s2+$0x0] =	vst.idx.msk vm1, v11  }
0x2b3: {  	_ = 	snop  }
0x2b4: {  	[tilespmem:$0x1B680] =	vst v7;
	v7 =	vld [tilespmem:$0x1FFE0];
	_ =	sdelay $0x4  }
0x2b5: {  	vm15 =	vnez.u8 v7;
	v7 =	vld [tilespmem:$0x1FFF0];
	_ =	sdelay $0x2  }
0x2b6: {  	s1 =	simm.s32 $0xFC80  }
0x2b7: {  	v6 =	vld [tilespmem:s1+$0xFFFFFF80]  }
0x2b8: {  	s0 =	simm.s32 $0x0;
	s3 =	simm.s32 $0x40;
	v5 =	vld [tilespmem:s1+$0xFFFFFF90];
	vm0 =	vnez.u8 v7  }
.LBB2_36:
0x2b9: {  	p0 =	sne.s32 s3, $0x3C0;
	v7 =	vld [tilespmem:s1+$0xFFFFFFA0]  }
0x2ba: {  	v8 =	vld [tilespmem:s1+$0xFFFFFFB0]  }
0x2bb: {  	v9 =	vld [tilespmem:s1+$0xFFFFFFC0]  }
0x2bc: {  	v10 =	vld [tilespmem:s1+$0xFFFFFFD0];
	(xrf0) =	vadd.scan.msk.s32 $0xffff, v6  }
0x2bd: {  	v6 =	vld [tilespmem:s1+$0xFFFFFFE0];
	(xrf0) =	vadd.scan.msk.s32 $0xffff, v5  }
0x2be: {  	v5 =	vld [tilespmem:s1+$0xFFFFFFF0];
	(xrf0) =	vadd.scan.msk.s32 $0xffff, v7  }
0x2bf: {  	v7 =	vld [tilespmem:s1+$0x0];
	(xrf0) =	vadd.scan.msk.s32 $0xffff, v8  }
0x2c0: {  	v8 =	vld [tilespmem:s1+$0x10];
	(xrf0) =	vadd.scan.msk.s32 $0xffff, v9  }
0x2c1: {  	v9 =	vld [tilespmem:s1+$0x20];
	(xrf0) =	vadd.scan.msk.s32 $0xffff, v10  }
0x2c2: {  	v10 =	vld [tilespmem:s1+$0x30];
	v11, _, _ =	vpop (xrf0);
	(xrf0) =	vadd.scan.msk.s32 $0xffff, v6  }
0x2c3: {  	v6 =	vld [tilespmem:s1+$0x40];
	v12, _, _ =	vpop (xrf0);
	(xrf0) =	vadd.scan.msk.s32 $0xffff, v5  }
0x2c4: {  	v5 =	vbroadcast v11, $0xF;
	v15 =	vbroadcast v12, $0xF;
	v12 =	vld [tilespmem:s1+$0x50];
	v13, _, _ =	vpop (xrf0);
	(xrf0) =	vadd.scan.msk.s32 $0xffff, v7  }
0x2c5: {  	v7 =	vbroadcast v13, $0xF;
	v13 =	vld [tilespmem:s1+$0x60];
	v14, _, _ =	vpop (xrf0);
	(xrf0) =	vadd.scan.msk.s32 $0xffff, v8  }
0x2c6: {  	v5 =	vsel vm15, v5, v15;
	v8 =	vbroadcast v14, $0xF;
	v11, _, _ =	vpop (xrf0);
	(xrf0) =	vadd.scan.msk.s32 $0xffff, v9  }
0x2c7: {  	v5 =	vsel vm0, v5, v7;
	v11 =	vbroadcast v11, $0xF;
	v9, _, _ =	vpop (xrf0);
	(xrf0) =	vadd.scan.msk.s32 $0xffff, v10  }
0x2c8: {  	v5 =	vsel vm2, v5, v8;
	v14 =	vbroadcast v9, $0xF;
	v9 =	vld [tilespmem:s1+$0x70];
	v10, _, _ =	vpop (xrf0);
	(xrf0) =	vadd.scan.msk.s32 $0xffff, v6  }
0x2c9: {  	v5 =	vsel vm3, v5, v11;
	v6 =	vbroadcast v10, $0xF;
	v7, _, _ =	vpop (xrf0);
	(xrf0) =	vadd.scan.msk.s32 $0xffff, v12  }
0x2ca: {  	v5 =	vsel vm4, v5, v14;
	v7 =	vbroadcast v7, $0xF;
	v8, _, _ =	vpop (xrf0);
	(xrf0) =	vadd.scan.msk.s32 $0xffff, v13  }
0x2cb: {  	v5 =	vsel vm5, v5, v6;
	v6 =	vbroadcast v8, $0xF;
	v8, _, _ =	vpop (xrf0)  }
0x2cc: {  	v5 =	vsel vm6, v5, v7;
	v7 =	vbroadcast v8, $0xF;
	v8, _, _ =	vpop (xrf0)  }
0x2cd: {  	v5 =	vsel vm7, v5, v6;
	v6 =	vbroadcast v8, $0xF;
	v8, _, _ =	vpop (xrf0);
	(xrf0) =	vadd.scan.msk.s32 $0xffff, v9  }
0x2ce: {  	v5 =	vsel vm8, v5, v7;
	v7 =	vbroadcast v8, $0xF;
	v8, _, _ =	vpop (xrf0)  }
0x2cf: {  	v5 =	vsel vm9, v5, v6;
	v6 =	vbroadcast v8, $0xF;
	v8, _, _ =	vpop (xrf0)  }
0x2d0: {  	v5 =	vsel vm10, v5, v7;
	v7 =	vbroadcast v8, $0xF;
	v8, _, _ =	vpop (xrf0)  }
0x2d1: {  	v5 =	vsel vm11, v5, v6;
	v8 =	vbroadcast v8, $0xF  }
0x2d2: {  	v5 =	vsel vm12, v5, v7  }
.Ltmp19:
0x2d3: {  	v5 =	vsel vm13, v5, v8;
	v6, _, _ =	vpop (xrf0);
	(pc) =	sbr.rel @p0 .LBB2_36-.Ltmp19, $4  }
0x2d4: {  	s2 =	sshra.s32 s0, $0x2;
	s0 =	smov.u32 s3;
	v5 =	vsel vm14, v5, v6  }
0x2d5: {  	s1 =	sadd.s32 $0x100, s1;
	[tilespmem:s2+$0x11C00] =	vst v5  }
0x2d6: {  	v6 =	vld [tilespmem:s1+$0xFFFFFF80]  }
0x2d7: {  	s3 =	sadd.s32 $0x40, s3;
	v5 =	vld [tilespmem:s1+$0xFFFFFF90]  }
0x2d8: {  	v7 =	vld [tilespmem:s1+$0xFFFFFFA0]  }
0x2d9: {  	v8 =	vld [tilespmem:s1+$0xFFFFFFB0]  }
0x2da: {  	v9 =	vld [tilespmem:s1+$0xFFFFFFC0]  }
0x2db: {  	(xrf0) =	vadd.scan.msk.s32 $0xffff, v6  }
0x2dc: {  	v10 =	vld [tilespmem:s1+$0xFFFFFFD0];
	(xrf0) =	vadd.scan.msk.s32 $0xffff, v5  }
0x2dd: {  	v6 =	vld [tilespmem:s1+$0xFFFFFFE0];
	(xrf0) =	vadd.scan.msk.s32 $0xffff, v7  }
0x2de: {  	v5 =	vld [tilespmem:s1+$0xFFFFFFF0];
	(xrf0) =	vadd.scan.msk.s32 $0xffff, v8  }
0x2df: {  	v7 =	vld [tilespmem:s1+$0x0];
	(xrf0) =	vadd.scan.msk.s32 $0xffff, v9;
	_ =	sdelay $0x1  }
0x2e0: {  	v45 =	vld [tilespmem:s1+$0x10];
	(xrf0) =	vadd.scan.msk.s32 $0xffff, v10;
	v11, _, _ =	vpop (xrf0)  }
0x2e1: {  	v46 =	vld [tilespmem:s1+$0x20];
	(xrf0) =	vadd.scan.msk.s32 $0xffff, v6;
	v12, _, _ =	vpop (xrf0)  }
0x2e2: {  	v47 =	vld [tilespmem:s1+$0x30];
	(xrf0) =	vadd.scan.msk.s32 $0xffff, v5;
	v5 =	vbroadcast v11, $0xF;
	v48 =	vbroadcast v12, $0xF;
	v13, _, _ =	vpop (xrf0)  }
0x2e3: {  	v6 =	vld [tilespmem:s1+$0x40];
	(xrf0) =	vadd.scan.msk.s32 $0xffff, v7;
	v7 =	vbroadcast v13, $0xF;
	v14, _, _ =	vpop (xrf0)  }
0x2e4: {  	v49 =	vld [tilespmem:s1+$0x50];
	v5 =	vsel vm15, v5, v48;
	v52, _, _ =	vpop (xrf0)  }
0x2e5: {  	v50 =	vld [tilespmem:s1+$0x60];
	(xrf0) =	vadd.scan.msk.s32 $0xffff, v45;
	v5 =	vsel vm0, v5, v7;
	v7 =	vbroadcast v52, $0xF  }
0x2e6: {  	v51 =	vbroadcast v14, $0xF;
	(xrf0) =	vadd.scan.msk.s32 $0xffff, v46  }
0x2e7: {  	v53, _, _ =	vpop (xrf0);
	(xrf0) =	vadd.scan.msk.s32 $0xffff, v47  }
0x2e8: {  	v5 =	vsel vm2, v5, v51;
	v54 =	vbroadcast v53, $0xF;
	v56, _, _ =	vpop (xrf0);
	(xrf0) =	vadd.scan.msk.s32 $0xffff, v6  }
0x2e9: {  	v5 =	vsel vm3, v5, v7;
	v6 =	vbroadcast v56, $0xF;
	v7, _, _ =	vpop (xrf0);
	(xrf0) =	vadd.scan.msk.s32 $0xffff, v49  }
0x2ea: {  	v55 =	vld [tilespmem:s1+$0x70];
	v5 =	vsel vm4, v5, v54;
	v7 =	vbroadcast v7, $0xF;
	v57, _, _ =	vpop (xrf0);
	(xrf0) =	vadd.scan.msk.s32 $0xffff, v50  }
0x2eb: {  	v5 =	vsel vm5, v5, v6;
	v6 =	vbroadcast v57, $0xF;
	v58, _, _ =	vpop (xrf0)  }
0x2ec: {  	v5 =	vsel vm6, v5, v7;
	v7 =	vbroadcast v58, $0xF;
	v59, _, _ =	vpop (xrf0)  }
0x2ed: {  	v5 =	vsel vm7, v5, v6;
	v6 =	vbroadcast v59, $0xF;
	v60, _, _ =	vpop (xrf0)  }
0x2ee: {  	v5 =	vsel vm8, v5, v7;
	v7 =	vbroadcast v60, $0xF;
	v61, _, _ =	vpop (xrf0)  }
0x2ef: {  	(xrf0) =	vadd.scan.msk.s32 $0xffff, v55;
	v5 =	vsel vm9, v5, v6;
	v6 =	vbroadcast v61, $0xF;
	v62, _, _ =	vpop (xrf0)  }
0x2f0: {  	v5 =	vsel vm10, v5, v7;
	v63, _, _ =	vpop (xrf0)  }
0x2f1: {  	v5 =	vsel vm11, v5, v6;
	v6 =	vbroadcast v63, $0xF  }
0x2f2: {  	v7 =	vbroadcast v62, $0xF;
	_ =	sdelay $0x1  }
0x2f3: {  	v5 =	vsel vm12, v5, v7  }
0x2f4: {  	v5 =	vsel vm13, v5, v6;
	v6, _, _ =	vpop (xrf0)  }
0x2f5: {  	s0 =	sshra.s32 s0, $0x2;
	s22 =	rddreg [dreg:$0x7];
	v5 =	vsel vm14, v5, v6  }
0x2f6: {  	s23 =	simm.s32 $0x80;
	s2 =	simm.s32 $0x400;
	s3 =	simm.s32 $0x11C00;
	[tilespmem:s0+$0x11C00] =	vst v5  }
0x2f7: {  	[spmem:s22] =	stream.strided.scatter [tilespmem:s3], [sflag:$0x1], $0x200, s2, s23, $0x38;
	[tilespmem:$0x1B980] =	vst v63  }
0x2f8: {  	_ =	swait.ge [sflag:s11], $0x200  }
0x2f9: {  	[sflag:s11] =	ssyncset.done $0x0  }
0x2fa: {  	[sflag:s11] =	ssyncadd.s32 $0xFFFFFE00  }
0x2fb: {  	s29 =	simm.s32 $0x200;
	[bflag:$0x0] =	sbarrier.arrive $0xFFFF  }
0x2fc: {  	s30 =	simm.s32 $0x11E00;
	p0 =	por $0x0, $0x0;
	s26 =	rddreg [dreg:$0x8]  }
0x2fd: {  	[tilespmem:s30], [sflag:$0x1] =	stream.strided.gather [spmem:s26], $0x800, s2, s29, $0x38;
	[tilespmem:$0x1B980] =	vst v63  }
.Ltmp20:
0x2fe: {  	_ =	swait.ge [sflag:s11], $0x800;
	(pc) =	sbr.rel @p0 .LBB2_38-.Ltmp20, $4  }
0x2ff: {  	[sflag:s11] =	ssyncset.done $0x0  }
0x300: {  	s31 =	ssub.s32 s31, s25;
	[sflag:s11] =	ssyncadd.s32 $0xFFFFF800  }
0x301: {  	s28 =	simm.s32 $0x0;
	p1 =	por $0x0, $0x0;
	[bflag:$0x0] =	sbarrier.arrive $0xFFFF  }
0x302: {  	p2 =	por $0x0, $0x0;
	v5 =	vmov s31;
	s2 =	simm.s32 $0x10;
	[dreg:$0x11] =	wrdreg s31  }
0x303: {  	p0 =	por $0x0, $0x0  }
.Ltmp21:
0x304: {  	_ = 	snop;
	(pc) =	sbr.rel @p0 .LBB2_40-.Ltmp21, $2  }
0x305: {  	_ =	sdelay $0x2  }
0x306: {  	s5 =	simm.s32 $0x20;
	p1 =	por $0x1, $0x1  }
0x307: {  	p0 =	por $0x0, $0x0  }
.Ltmp22:
0x308: {  	s0 =	sand.u32 $0x70, s28;
	s1 =	sand.u32 $0x200, s28;
	(pc) =	sbr.rel @p0 .LBB2_42-.Ltmp22, $4  }
0x309: {  	s0 =	sor.u32 s0, s1  }
0x30a: {  	s12 =	sadd.s32 $0x11E00, s0;
	v11 =	vld [tilespmem:s0+$0x11E00]  }
0x30b: {  	v13 =	vld [tilespmem:s12+$0x80]  }
0x30c: {  	s4 =	simm.s32 $0x30;
	p2 =	por $0x1, $0x1;
	[dreg:$0x15] =	wrdreg s2;
	v15 =	vld [tilespmem:s12+$0x100]  }
0x30d: {  	v6 =	vld [tilespmem:s12+$0x180]  }
0x30e: {  	s7 =	simm.s32 $0x40;
	p0 =	por $0x0, $0x0  }
.Ltmp23:
0x30f: {  	s0 =	sand.u32 $0x70, s2;
	s1 =	sand.u32 $0x200, s7;
	(pc) =	sbr.rel @p0 .LBB2_44-.Ltmp23, $4  }
0x310: {  	s0 =	sor.u32 s0, s1;
	v7 =	vadd.s32 v11, v13  }
0x311: {  	s12 =	sadd.s32 $0x11E00, s0;
	v11 =	vld [tilespmem:s0+$0x11E00];
	v7 =	vadd.s32 v15, v7  }
0x312: {  	v13 =	vld [tilespmem:s12+$0x80];
	v7 =	vadd.s32 v6, v7  }
0x313: {  	s6 =	simm.s32 $0x40;
	[dreg:$0x1e] =	wrdreg s5;
	v15 =	vld [tilespmem:s12+$0x100];
	(xrf0) =	vadd.scan.msk.s32 $0xffff, v7  }
0x314: {  	_ =	sdelay $0x1  }
0x315: {  	v6 =	vld [tilespmem:s12+$0x180]  }
0x316: {  	s7 =	simm.s32 $0x80;
	p0 =	por $0x0, $0x0  }
.Ltmp24:
0x317: {  	s0 =	sand.u32 $0x70, s5;
	s1 =	sand.u32 $0x200, s7;
	(pc) =	sbr.rel @p0 .LBB2_46-.Ltmp24, $4  }
0x318: {  	s0 =	sor.u32 s0, s1;
	v9 =	vadd.s32 v11, v13;
	v8, _, _ =	vpop (xrf0)  }
0x319: {  	s12 =	sadd.s32 $0x11E00, s0;
	v11 =	vld [tilespmem:s0+$0x11E00];
	v9 =	vadd.s32 v15, v9;
	v10 =	vadd.s32 s28, v8  }
0x31a: {  	v13 =	vld [tilespmem:s12+$0x80];
	v6 =	vadd.s32 v6, v9;
	vm0 =	vlt.s32 v10, v5  }
0x31b: {  	s5 =	simm.s32 $0x50;
	[dreg:$0x1a] =	wrdreg s4;
	v15 =	vld [tilespmem:s12+$0x100];
	(v2sf) =	vpush v8, $0xF;
	(xrf0) =	vadd.scan.msk.s32 $0xffff, v6;
	v21 =	vsel vm0, $0x80000010, v3  }
0x31c: {  	_ =	sdelay $0xa  }
0x31d: {  	(xrf0) =	vmin.scan.msk.u32 $0xffff, v21  }
0x31e: {  	v8 =	vld [tilespmem:s12+$0x180]  }
0x31f: {  	s7 =	simm.s32 $0xC0;
	s0 =	sand.u32 $0x70, s4;
	p0 =	por $0x0, $0x0  }
.Ltmp25:
0x320: {  	s1 =	sand.u32 $0x200, s7;
	s2 =	spop (v2sf);
	(pc) =	sbr.rel @p0 .LBB2_48-.Ltmp25, $4  }
0x321: {  	s0 =	sor.u32 s0, s1;
	v10 =	vadd.s32 v11, v13;
	v9, _, _ =	vpop (xrf0);
	s21 =	sadd.s32 $0x0, s2  }
0x322: {  	s12 =	sadd.s32 $0x11E00, s0;
	v11 =	vld [tilespmem:s0+$0x11E00];
	v10 =	vadd.s32 v15, v10;
	v12 =	vadd.s32 s21, v9  }
0x323: {  	v13 =	vld [tilespmem:s12+$0x80];
	v8 =	vadd.s32 v8, v10;
	(v2sf) =	vpush v9, $0xF;
	v9, _, _ =	vpop (xrf0);
	vm0 =	vlt.s32 v12, v5  }
0x324: {  	s10 =	simm.s32 $0x60;
	v15 =	vld [tilespmem:s12+$0x100];
	(xrf0) =	vadd.scan.msk.s32 $0xffff, v8;
	[dreg:$0x18] =	wrdreg s21;
	(v2sf) =	vpush v9, $0xF;
	v10 =	vsel vm0, $0x80000010, v3  }
0x325: {  	_ =	sdelay $0x9  }
0x326: {  	(xrf0) =	vmin.scan.msk.u32 $0xffff, v10  }
0x327: {  	v9 =	vld [tilespmem:s12+$0x180]  }
0x328: {  	s7 =	simm.s32 $0x100;
	s0 =	sand.u32 $0x70, s6;
	p0 =	por $0x0, $0x0  }
.Ltmp26:
0x329: {  	s1 =	sand.u32 $0x200, s7;
	s2 =	spop (v2sf);
	(pc) =	sbr.rel @p0 .LBB2_50-.Ltmp26, $4  }
0x32a: {  	s0 =	sor.u32 s0, s1;
	v11 =	vadd.s32 v11, v13;
	v12, _, _ =	vpop (xrf0);
	s17 =	sadd.s32 s21, s2  }
0x32b: {  	s12 =	sadd.s32 $0x11E00, s0;
	v13 =	vadd.s32 v15, v11;
	v11 =	vld [tilespmem:s0+$0x11E00];
	v14 =	vadd.s32 s17, v12  }
0x32c: {  	v15 =	vld [tilespmem:s12+$0x100];
	v9 =	vadd.s32 v9, v13;
	(v2sf) =	vpush v12, $0xF;
	v12, _, _ =	vpop (xrf0);
	vm0 =	vlt.s32 v14, v5  }
0x32d: {  	s9 =	simm.s32 $0x70;
	v13 =	vld [tilespmem:s12+$0x80];
	(xrf0) =	vadd.scan.msk.s32 $0xffff, v9;
	(v2sf) =	vpush v12, $0xF;
	v17 =	vsel vm0, $0x80000010, v3  }
0x32e: {  	_ =	sdelay $0x6  }
0x32f: {  	(xrf0) =	vmin.scan.msk.u32 $0xffff, v17  }
0x330: {  	v12 =	vld [tilespmem:s12+$0x180]  }
0x331: {  	v11 =	vadd.s32 v11, v13  }
0x332: {  	s26 =	spop (v2sf);
	v11 =	vadd.s32 v15, v11  }
0x333: {  	s1 =	sxor.u32 $0x80000000, s26  }
0x334: {  	v14 =	vmov s1;
	v16, _, _ =	vpop (xrf0)  }
0x335: {  	s0 =	simm.s32 $0x40;
	p0 =	por $0x1, $0x1;
	vm0 =	vgt.s32 v14, v1;
	v14 =	vadd.s32 v12, v11;
	v11, _, _ =	vpop (xrf0);
	s3 =	spop (v2sf);
	(v2sf) =	vpush v16, $0xF  }
0x336: {  	[smem:$0x7DB] =	sst s0;
	s0 =	simm.s32 @!p0 $0x0;
	(v2sf) =	vpush v11, $0xF  }
0x337: {  	p5 =	por $0x1, $0x1;
	s0 =	simm.s32 @p0 $0x1;
	p0 =	por $0x1, $0x1  }
0x338: {  	s7 =	simm.s32 $0x140;
	[smem:$0x7E0] =	sst s0;
	s0 =	simm.s32 @!p0 $0x0  }
0x339: {  	s29 =	simm.s32 $0x50;
	s0 =	simm.s32 @p0 $0x1;
	p0 =	por $0x1, $0x1  }
0x33a: {  	s30 =	sand.u32 $0x70, s5;
	[smem:$0x7E1] =	sst s0;
	s0 =	simm.s32 @!p0 $0x0  }
0x33b: {  	s8 =	simm.s32 $0x0;
	s0 =	simm.s32 @p0 $0x1;
	p0 =	por $0x1, $0x1  }
0x33c: {  	p3 =	por $0x1, $0x1;
	[smem:$0x7E2] =	sst s0;
	s0 =	simm.s32 @!p0 $0x0  }
0x33d: {  	s2 =	sand.u32 $0x200, s7;
	p4 =	slt.s32 s1, $0x10;
	s0 =	simm.s32 @p0 $0x1  }
0x33e: {  	p4 =	por !p5, !p4;
	[smem:$0x7E3] =	sst s0;
	s0 =	sadd.s32 $0x0, s26  }
0x33f: {  	p4 =	por !p4, !p4;
	p0 =	por $0x0, $0x0;
	s0 =	sadd.s32 $0x80000000, s0  }
.Ltmp27:
0x340: {  	s8 =	smov.u32 @p4 s0;
	s0 =	simm.s32 @!p3 $0x0;
	(pc) =	sbr.rel @p0 .LBB2_52-.Ltmp27, $4  }
0x341: {  	s1 =	sor.u32 s30, s2;
	s0 =	simm.s32 @p3 $0x1;
	s22 =	sadd.s32 s17, s3  }
0x342: {  	s31 =	sadd.s32 $0x11E00, s1;
	v22 =	vld [tilespmem:s1+$0x11E00];
	v13 =	vnsel vm0, $0x0, v7;
	[smem:$0x7DF] =	sst s0;
	s0 =	simm.s32 @!p4 $0x0;
	v15 =	vadd.s32 s22, v16  }
0x343: {  	s4 =	simm.s32 $0x0;
	[smem:$0x7DC] =	sst s29;
	v23 =	vld [tilespmem:s31+$0x80];
	(xrf0) =	vadd.scan.msk.s32 $0xffff, v13;
	s0 =	simm.s32 @p4 $0x1;
	vm0 =	vlt.s32 v15, v5  }
0x344: {  	s23 =	simm.s32 $0x80;
	v24 =	vld [tilespmem:s31+$0x100];
	s4 =	simm.s32 @p4 $0x1;
	(xrf0) =	vadd.scan.msk.s32 $0xffff, v14;
	[smem:$0x7DD] =	sst s0;
	v19 =	vsel vm0, $0x80000010, v3  }
0x345: {  	[dreg:$0xf] =	wrdreg s24;
	s0 =	spop (v2sf)  }
0x346: {  	p5 =	por $0x0, $0x0;
	p6 =	por p4, p4;
	p3 =	seq.s32 s4, $0x0  }
0x347: {  	s7 =	simm.s32 $0x180;
	s2 =	sand.u32 $0x70, s10;
	s19 =	smov.u32 s4  }
0x348: {  	(xrf0) =	vmin.scan.msk.u32 $0xffff, v19;
	s25 =	smov.u32 s8;
	s6 =	simm.s32 $0x20;
	s13 =	simm.s32 $0x40  }
0x349: {  	v12 =	vld [tilespmem:s31+$0x180];
	s18 =	simm.s32 $0x50;
	s16 =	simm.s32 $0x0;
	s30 =	smov.u32 s17;
	v11, _, _ =	vpop (xrf0)  }
0x34a: {  	s29 =	smov.u32 s22;
	s1 =	sxor.u32 $0x80000000, s0;
	s0 =	sadd.s32 $0x10, s0;
	v15, _, _ =	vpop (xrf0);
	(v2sf) =	vpush v11, $0xF  }
0x34b: {  	s3 =	sand.u32 $0x200, s7;
	s26 =	spop (v2sf);
	p0 =	slt.s32 s1, $0x10;
	v13 =	vmov s1;
	(v2sf) =	vpush v15, $0xF  }
0x34c: {  	s0 =	sadd.s32 $0x80000000, s0;
	s2 =	sor.u32 s2, s3;
	s5 =	sadd.s32 s22, s26;
	vm0 =	vgt.s32 v13, v1;
	v11 =	vadd.s32 v22, v23  }
.Ltmp28:
0x34d: {  	s3 =	simm.s32 $0x30;
	p0 =	por !p3, !p0;
	v16 =	vnsel vm0, $0x0, v6;
	v13 =	vadd.s32 v24, v11;
	(pc) =	sbr.rel @p5 .LBB2_54-.Ltmp28, $4  }
0x34e: {  	s26 =	simm.s32 $0x0;
	p3 =	por $0x1, $0x1;
	p0 =	por !p0, !p0;
	(xrf0) =	vadd.scan.msk.s32 $0xffff, v16;
	v18 =	vadd.s32 s5, v15;
	v15, _, _ =	vpop (xrf0);
	v12 =	vadd.s32 v12, v13  }
0x34f: {  	s12 =	sadd.s32 $0x11E00, s2;
	s1 =	simm.s32 @!p3 $0x0;
	s19 =	simm.s32 @p0 $0x1;
	v11 =	vld [tilespmem:s2+$0x11E00];
	(v2sf) =	vpush v15, $0xF;
	(xrf0) =	vadd.scan.msk.s32 $0xffff, v12  }
0x350: {  	s25 =	smov.u32 @p0 s0;
	s0 =	simm.s32 $0x90;
	s1 =	simm.s32 @p3 $0x1;
	v13 =	vld [tilespmem:s12+$0x80];
	vm0 =	vlt.s32 v18, v5  }
0x351: {  	v20 =	vmovc v8;
	[smem:$0x7DE] =	sst s1;
	s1 =	smov.u32 s21;
	s21 =	smov.u32 s5;
	v15 =	vld [tilespmem:s12+$0x100];
	v16 =	vmov v14;
	v21 =	vsel vm0, $0x80000010, v3;
	v18 =	vmov v9  }
.LBB2_55:
0x352: {  	p5 =	seq.s32 s0, $0xF0;
	s2 =	spop (v2sf)  }
0x353: {  	v25 =	vld [tilespmem:s12+$0x180];
	s12 =	smov.u32 s9;
	s9 =	smov.u32 s23;
	s23 =	smov.u32 s0  }
0x354: {  	(xrf0) =	vmin.scan.msk.u32 $0xffff, v21;
	v21, _, _ =	vpop (xrf0);
	p4 =	por p6, p6;
	p6 =	por p0, p0;
	p3 =	seq.s32 s19, $0x0  }
0x355: {  	v26, _, _ =	vpop (xrf0);
	s20 =	sxor.u32 $0x80000000, s2;
	s2 =	sadd.s32 s6, s2;
	(v2sf) =	vpush v21, $0xF;
	s6 =	smov.u32 s3  }
0x356: {  	s7 =	sadd.s32 $0x40, s7;
	(v2sf) =	vpush v26, $0xF;
	p0 =	slt.s32 s20, $0x10;
	v21 =	vmov s20;
	s2 =	sadd.s32 $0x80000000, s2  }
0x357: {  	s3 =	smov.u32 s13;
	s13 =	smov.u32 s18;
	v11 =	vadd.s32 v11, v13;
	p0 =	por !p3, !p0;
	vm0 =	vgt.s32 v21, v1  }
0x358: {  	s18 =	smov.u32 s10;
	s10 =	smov.u32 s12;
	v15 =	vadd.s32 v15, v11;
	p0 =	por !p0, !p0;
	v13 =	vnsel vm0, $0x0, v20;
	v20 =	vmovc v18;
	v18 =	vmovc v16;
	v16 =	vmov v12  }
0x359: {  	s15 =	sand.u32 $0x200, s7;
	v12 =	vadd.s32 v25, v15;
	s19 =	simm.s32 @p0 $0x1;
	(xrf0) =	vadd.scan.msk.s32 $0xffff, v13;
	s12 =	spop (v2sf)  }
.Ltmp29:
0x35a: {  	s20 =	sand.u32 $0x70, s10;
	(xrf0) =	vadd.scan.msk.s32 $0xffff, v12;
	v11, _, _ =	vpop (xrf0);
	s24 =	spop (v2sf);
	(pc) =	sbr.rel @!p5 .LBB2_55-.Ltmp29, $4  }
0x35b: {  	s15 =	sor.u32 s20, s15;
	s16 =	sadd.s32 s16, s12;
	s5 =	sadd.s32 s5, s24;
	(v2sf) =	vpush v11, $0xF  }
0x35c: {  	s25 =	smov.u32 @p0 s2;
	s12 =	sadd.s32 $0x11E00, s15;
	s26 =	smov.u32 @p4 s16;
	v11 =	vld [tilespmem:s15+$0x11E00];
	v15 =	vadd.s32 s5, v26  }
0x35d: {  	s16 =	smov.u32 s1;
	s1 =	smov.u32 s30;
	s30 =	smov.u32 s29;
	v13 =	vld [tilespmem:s12+$0x80];
	vm0 =	vlt.s32 v15, v5  }
0x35e: {  	s0 =	sadd.s32 $0x10, s0;
	s29 =	smov.u32 s21;
	s21 =	smov.u32 s5;
	v15 =	vld [tilespmem:s12+$0x100];
	v21 =	vsel vm0, $0x80000010, v3  }
0x35f: {  	s2 =	smov.u32 s9;
	s9 =	smov.u32 s23;
	s24 =	rddreg [dreg:$0xf]  }
.LBB2_57:
0x360: {  	s0 =	sld [smem:$0x7E2];
	_ =	sdelay $0x2  }
0x361: {  	s15 =	sld [smem:$0x7E0];
	p3 =	seq.s32 s0, $0x1  }
0x362: {  	s23 =	sld [smem:$0x7DF];
	s0 =	simm.s32 @!p3 $0x0  }
0x363: {  	s7 =	sadd.s32 @p2 $0x40, s7;
	s0 =	simm.s32 @p3 $0x1  }
0x364: {  	p5 =	seq.s32 s15, $0x1;
	[smem:$0x7E2] =	sst s0;
	s0 =	smov.u32 s28  }
0x365: {  	(xrf0) =	vmin.scan.msk.u32 @p3 $0xffff, v21;
	p3 =	seq.s32 s23, $0x1;
	s0 =	smov.u32 @p2 s7;
	s7 =	smov.u32 @p1 s2  }
0x366: {  	s2 =	simm.s32 @!p3 $0x0;
	s15 =	sand.u32 @p1 $0x70, s7;
	s20 =	sand.u32 @p1 $0x200, s0  }
0x367: {  	v25 =	vld @p2 [tilespmem:s12+$0x180];
	s2 =	simm.s32 @p3 $0x1;
	s12 =	sor.u32 @p1 s15, s20;
	s20 =	sld [smem:$0x7E3]  }
0x368: {  	[smem:$0x7DF] =	sst s2  }
0x369: {  	s23 =	sld [smem:$0x7DF]  }
0x36a: {  	p4 =	seq.s32 s20, $0x1;
	s20 =	sld [smem:$0x7DE];
	_ =	sdelay $0x1  }
0x36b: {  	v21, _, _ =	vpop @p3 (xrf0);
	s15 =	simm.s32 @!p4 $0x0;
	p3 =	seq.s32 s23, $0x1  }
0x36c: {  	s23 =	sld [smem:$0x7E2];
	s15 =	simm.s32 @p4 $0x1;
	(v2sf) =	vpush @p3 v21, $0xF;
	p3 =	seq.s32 s20, $0x1  }
0x36d: {  	[smem:$0x7E3] =	sst s15;
	s15 =	simm.s32 @!p3 $0x0  }
0x36e: {  	s2 =	spop @p5 (v2sf);
	s15 =	simm.s32 @p3 $0x1  }
0x36f: {  	[smem:$0x7DE] =	sst s15;
	s15 =	spop @p3 (v2sf);
	p3 =	seq.s32 s23, $0x1  }
0x370: {  	s20 =	spop @p3 (v2sf)  }
0x371: {  	v26, _, _ =	vpop @p4 (xrf0);
	s23 =	sxor.u32 @p5 $0x80000000, s2;
	s20 =	sadd.s32 @p3 s5, s20;
	s5 =	smov.u32 s28  }
0x372: {  	v28, _, _ =	vpop @p3 (xrf0);
	s5 =	smov.u32 @p3 s20;
	p3 =	slt.s32 @p5 s23, $0x10  }
0x373: {  	s20 =	simm.s32 @!p3 $0x0  }
0x374: {  	s20 =	simm.s32 @p3 $0x1;
	p3 =	seq.s32 @p5 s19, $0x0  }
0x375: {  	[smem:$0x7CC] =	sst s20;
	s20 =	simm.s32 @!p3 $0x0  }
0x376: {  	v30 =	vmov @p5 s23;
	s20 =	simm.s32 @p3 $0x1;
	s23 =	sld [smem:$0x7CC]  }
0x377: {  	[smem:$0x7CB] =	sst s20  }
0x378: {  	s20 =	sld [smem:$0x7CB];
	_ =	sdelay $0x2  }
0x379: {  	(v2sf) =	vpush @p4 v26, $0xF;
	p4 =	seq.s32 s23, $0x1;
	s23 =	sld [smem:$0x7E2];
	p3 =	seq.s32 s20, $0x1  }
0x37a: {  	p3 =	por @p5 !p3, !p4  }
0x37b: {  	s20 =	simm.s32 @!p3 $0x0  }
0x37c: {  	s20 =	simm.s32 @p3 $0x1;
	p3 =	seq.s32 s23, $0x1;
	s23 =	sld [smem:$0x7E3]  }
0x37d: {  	_ = 	snop  }
0x37e: {  	[smem:$0x7CD] =	sst s20  }
0x37f: {  	p4 =	seq.s32 s23, $0x1;
	s23 =	sld [smem:$0x7CD];
	_ =	sdelay $0x1  }
0x380: {  	v21 =	vld @p1 [tilespmem:s12+$0x11E00];
	s12 =	sadd.s32 @p1 $0x11E00, s12  }
0x381: {  	v27 =	vld @p1 [tilespmem:s12+$0x80];
	(v2sf) =	vpush @p3 v28, $0xF;
	p3 =	seq.s32 s23, $0x1  }
0x382: {  	v29 =	vld @p1 [tilespmem:s12+$0x100];
	s31 =	smov.u32 @p1 s12;
	s12 =	sld [smem:$0x7DE];
	p3 =	por @p5 !p3, !p3  }
0x383: {  	s2 =	sadd.s32 @p5 s6, s2;
	s6 =	simm.s32 @!p3 $0x0  }
0x384: {  	s6 =	simm.s32 @p3 $0x1  }
0x385: {  	p3 =	seq.s32 s12, $0x1;
	[smem:$0x7D5] =	sst s6  }
0x386: {  	s6 =	sadd.s32 @p3 s16, s15;
	s15 =	sld [smem:$0x7D5];
	_ =	sdelay $0x2  }
0x387: {  	p3 =	seq.s32 s15, $0x1  }
0x388: {  	p3 =	por !p3, !p5  }
0x389: {  	s16 =	sld [smem:$0x7E1];
	s12 =	simm.s32 @!p3 $0x0  }
0x38a: {  	s12 =	simm.s32 @p3 $0x1  }
0x38b: {  	vm0 =	vgt.s32 @p5 v30, v1;
	p3 =	por p5, p5;
	[smem:$0x7CE] =	sst s12;
	s12 =	simm.s32 @!p5 $0x0  }
0x38c: {  	v20 =	vnsel @p5 vm0, $0x0, v20;
	s12 =	simm.s32 @p5 $0x1;
	p5 =	seq.s32 s16, $0x1;
	s20 =	sld [smem:$0x7CE]  }
0x38d: {  	[smem:$0x7E0] =	sst s12;
	s12 =	simm.s32 @!p5 $0x0  }
0x38e: {  	v11 =	vadd.s32 @p2 v11, v13;
	v13 =	vld @p1 [tilespmem:s31+$0x180];
	s31 =	sld [smem:$0x7CE];
	s12 =	simm.s32 @p5 $0x1  }
0x38f: {  	[smem:$0x7E1] =	sst s12  }
0x390: {  	s23 =	sld [smem:$0x7E1]  }
0x391: {  	s12 =	spop @p5 (v2sf);
	p5 =	seq.s32 s20, $0x1;
	s20 =	sld [smem:$0x7DE]  }
0x392: {  	s19 =	simm.s32 @!p5 $0x1  }
0x393: {  	s2 =	sadd.s32 @p3 $0x80000000, s2;
	s4 =	smov.u32 @p3 s19;
	p5 =	seq.s32 s23, $0x1  }
0x394: {  	(xrf0) =	vadd.scan.msk.s32 @p3 $0xffff, v20;
	p3 =	seq.s32 s20, $0x1;
	s15 =	sxor.u32 @p5 $0x80000000, s12;
	p5 =	seq.s32 s31, $0x1  }
0x395: {  	s2 =	smov.u32 @p5 s25;
	p5 =	por @p3 p6, p6  }
0x396: {  	s23 =	sld [smem:$0x7E1];
	s16 =	simm.s32 @!p5 $0x0  }
0x397: {  	s16 =	simm.s32 @p5 $0x1  }
0x398: {  	[smem:$0x7CF] =	sst s16  }
0x399: {  	p5 =	seq.s32 s23, $0x1;
	s25 =	sld [smem:$0x7CF]  }
0x39a: {  	p6 =	slt.s32 @p5 s15, $0x10  }
0x39b: {  	v20 =	vpsel p1, v21, v22;
	v22 =	vmov @p5 s15;
	s15 =	simm.s32 @!p6 $0x0  }
0x39c: {  	s15 =	simm.s32 @p6 $0x1;
	p6 =	seq.s32 s25, $0x1  }
0x39d: {  	[smem:$0x7D0] =	sst s15;
	p6 =	por !p6, !p3  }
0x39e: {  	s6 =	smov.u32 @p6 s26;
	s26 =	sld [smem:$0x7D0]  }
0x39f: {  	s31 =	sld [smem:$0x7DE];
	_ =	sdelay $0x1  }
0x3a0: {  	p3 =	seq.s32 @p5 s4, $0x0;
	p6 =	seq.s32 s26, $0x1  }
0x3a1: {  	s16 =	smov.u32 s28;
	p3 =	por @p5 !p3, !p6;
	p6 =	seq.s32 s31, $0x1  }
0x3a2: {  	s16 =	smov.u32 @p6 s6;
	s6 =	sld [smem:$0x7DF]  }
0x3a3: {  	s19 =	rddreg [dreg:$0x15]  }
0x3a4: {  	s15 =	smov.u32 s19;
	p3 =	por @p5 !p3, !p3  }
0x3a5: {  	s15 =	smov.u32 @p5 s3;
	s3 =	simm.s32 @!p3 $0x0;
	p6 =	seq.s32 s6, $0x1  }
0x3a6: {  	s3 =	simm.s32 @p3 $0x1;
	p0 =	por @p6 p0, p0  }
0x3a7: {  	v26 =	vadd.s32 @p4 s5, v26;
	[smem:$0x7D6] =	sst s3;
	s3 =	simm.s32 @!p0 $0x0  }
0x3a8: {  	vm1 =	vlt.s32 @p4 v26, v5;
	s3 =	simm.s32 @p0 $0x1  }
0x3a9: {  	v11 =	vadd.s32 @p2 v15, v11;
	v15 =	vsel @p4 vm1, $0x80000010, v3;
	[smem:$0x7D1] =	sst s3  }
0x3aa: {  	v11 =	vadd.s32 @p2 v25, v11;
	v15 =	vpsel p4, v15, v19;
	v19 =	vpsel p1, v27, v23;
	s3 =	sadd.s32 @p5 s15, s12;
	s15 =	sld [smem:$0x7E0]  }
0x3ab: {  	v21 =	vpsel p1, v29, v24;
	(xrf0) =	vadd.scan.msk.s32 @p2 $0xffff, v11;
	v19 =	vadd.s32 @p1 v20, v19;
	s20 =	sld [smem:$0x7E2]  }
0x3ac: {  	(xrf0) =	vmin.scan.msk.u32 @p4 $0xffff, v15;
	v15 =	vadd.s32 @p1 v21, v19;
	s23 =	sld [smem:$0x7D1]  }
0x3ad: {  	p3 =	por !p3, !p5;
	p0 =	seq.s32 s15, $0x1  }
0x3ae: {  	s4 =	simm.s32 @!p3 $0x1;
	s8 =	smov.u32 @p0 s2;
	s2 =	sadd.s32 @p5 $0x80000000, s3  }
0x3af: {  	v13 =	vadd.s32 @p1 v13, v15;
	v15, _, _ =	vpop @p0 (xrf0);
	p0 =	seq.s32 s20, $0x1;
	s2 =	smov.u32 @p3 s8;
	p3 =	seq.s32 s23, $0x1  }
0x3b0: {  	s0 =	sadd.s32 @p1 $0x40, s0;
	p3 =	por @!p6 p0, p0  }
0x3b1: {  	s25 =	sld [smem:$0x7E0];
	s31 =	sand.u32 $0x70, s9;
	s6 =	simm.s32 @!p3 $0x0  }
0x3b2: {  	s12 =	smov.u32 s28;
	s23 =	rddreg [dreg:$0x1e];
	s6 =	simm.s32 @p3 $0x1  }
0x3b3: {  	s1 =	smov.u32 @p6 s1;
	s12 =	smov.u32 @p1 s0;
	[smem:$0x7D1] =	sst s6  }
0x3b4: {  	s3 =	smov.u32 @p0 s13;
	s8 =	smov.u32 s23;
	s26 =	sld [smem:$0x7D1]  }
0x3b5: {  	s12 =	sand.u32 $0x200, s12;
	s8 =	smov.u32 @p0 s3;
	s3 =	spop @p6 (v2sf)  }
0x3b6: {  	s12 =	sor.u32 s31, s12;
	p3 =	seq.s32 s25, $0x1;
	s6 =	spop @p4 (v2sf)  }
0x3b7: {  	s1 =	sadd.s32 @p6 s1, s3;
	(v2sf) =	vpush @p3 v15, $0xF;
	s0 =	sadd.s32 @p4 s5, s6;
	p3 =	seq.s32 s26, $0x1  }
0x3b8: {  	s6 =	smov.u32 s28;
	s3 =	spop @p0 (v2sf);
	p3 =	por @p6 p3, p3  }
0x3b9: {  	s6 =	smov.u32 @p4 s0;
	s0 =	smov.u32 s28;
	p3 =	por !p3, !p6  }
0x3ba: {  	s15 =	sxor.u32 @p0 $0x80000000, s3;
	s0 =	smov.u32 @p5 s4;
	s4 =	simm.s32 @!p3 $0x0  }
0x3bb: {  	s31 =	sld [smem:$0x7E0];
	s4 =	simm.s32 @p3 $0x1;
	p3 =	slt.s32 @p0 s15, $0x10  }
0x3bc: {  	[smem:$0x7D2] =	sst s4;
	s4 =	simm.s32 @!p3 $0x0  }
0x3bd: {  	v58 =	vld [tilespmem:s12+$0x11E00];
	s13 =	sadd.s32 $0x11E00, s12;
	s4 =	simm.s32 @p3 $0x1;
	s12 =	sld [smem:$0x7D2]  }
0x3be: {  	[smem:$0x7D3] =	sst s4  }
0x3bf: {  	s20 =	sld [smem:$0x7D3]  }
0x3c0: {  	s25 =	sld [smem:$0x7DD]  }
0x3c1: {  	v18 =	vpsel p5, v18, v6;
	vm0 =	vgt.s32 @p5 v22, v1;
	s26 =	sld [smem:$0x7D5];
	p6 =	seq.s32 s12, $0x1  }
0x3c2: {  	v18 =	vnsel @p5 vm0, $0x0, v18;
	p3 =	seq.s32 @p0 s0, $0x0;
	s1 =	smov.u32 @p6 s16;
	p6 =	seq.s32 s20, $0x1  }
0x3c3: {  	(xrf0) =	vadd.scan.msk.s32 @p5 $0xffff, v18;
	s16 =	sld [smem:$0x7E2];
	p3 =	por @p0 !p3, !p6  }
0x3c4: {  	p6 =	seq.s32 s26, $0x1;
	s26 =	sld [smem:$0x7E0];
	s4 =	simm.s32 @!p3 $0x0  }
0x3c5: {  	v18, _, _ =	vpop @p2 (xrf0);
	v59 =	vld [tilespmem:s13+$0x80];
	s4 =	simm.s32 @p3 $0x1;
	p3 =	seq.s32 s25, $0x1;
	s25 =	sld [smem:$0x7DF]  }
0x3c6: {  	v60 =	vld [tilespmem:s13+$0x100];
	(v2sf) =	vpush @p2 v18, $0xF;
	[smem:$0x7D4] =	sst s4;
	s4 =	smov.u32 @p0 s8;
	p0 =	seq.s32 s31, $0x1  }
0x3c7: {  	v61 =	vld [tilespmem:s13+$0x180];
	s13 =	smov.u32 s19;
	v15, _, _ =	vpop @p4 (xrf0);
	p6 =	por @!p0 p3, p3;
	s20 =	sld [smem:$0x7D4]  }
0x3c8: {  	(xrf0) =	vadd.scan.msk.s32 @p1 $0xffff, v13;
	(v2sf) =	vpush @p4 v15, $0xF;
	s8 =	smov.u32 s28;
	s31 =	sld [smem:$0x7E0];
	s12 =	simm.s32 @!p6 $0x0  }
0x3c9: {  	v15, _, _ =	vpop @p5 (xrf0);
	p3 =	seq.s32 s25, $0x1;
	s12 =	simm.s32 @p6 $0x1;
	p6 =	seq.s32 s16, $0x1  }
0x3ca: {  	(v2sf) =	vpush @p5 v15, $0xF;
	[smem:$0x7D5] =	sst s12;
	s8 =	smov.u32 @p6 s4;
	p0 =	seq.s32 s20, $0x1  }
0x3cb: {  	s12 =	smov.u32 s28;
	s20 =	rddreg [dreg:$0x1a];
	p0 =	por @p6 !p0, !p0  }
0x3cc: {  	s12 =	smov.u32 @p3 s1;
	s1 =	smov.u32 s28;
	s3 =	sadd.s32 @p6 s8, s3  }
0x3cd: {  	p3 =	seq.s32 s26, $0x1;
	s8 =	smov.u32 s28;
	s4 =	simm.s32 @!p0 $0x0  }
0x3ce: {  	v19, _, _ =	vpop @p1 (xrf0);
	v15 =	vadd.s32 @p2 s6, v18;
	s1 =	smov.u32 @p5 s2;
	s2 =	smov.u32 @p3 s30;
	s30 =	sld [smem:$0x7D5]  }
0x3cf: {  	(v2sf) =	vpush @p1 v19, $0xF;
	vm0 =	vlt.s32 @p2 v15, v5;
	s4 =	simm.s32 @p0 $0x1;
	p0 =	por !p0, !p6;
	s8 =	smov.u32 @p3 s2  }
0x3d0: {  	v18 =	vsel @p2 vm0, $0x80000010, v3;
	[smem:$0x7D9] =	sst s4;
	s4 =	sadd.s32 @p6 $0x80000000, s3;
	s0 =	simm.s32 @!p0 $0x1  }
0x3d1: {  	v17 =	vpsel p2, v18, v17;
	s3 =	smov.u32 s20;
	s4 =	smov.u32 @p0 s1;
	p0 =	seq.s32 s30, $0x1  }
0x3d2: {  	(xrf0) =	vmin.scan.msk.u32 @p2 $0xffff, v17;
	s2 =	smov.u32 @p3 s8;
	s1 =	smov.u32 @p4 s18;
	p0 =	por @p3 p0, p0  }
0x3d3: {  	v16 =	vpsel p6, v16, v8;
	v21 =	vmov @p6 s15;
	s2 =	smov.u32 @p3 s2;
	s3 =	smov.u32 @p4 s1;
	p0 =	por @!p3 p0, p0  }
0x3d4: {  	v16 =	vpsel p6, v16, v7;
	vm0 =	vgt.s32 @p6 v21, v1;
	s1 =	smov.u32 @p4 s3;
	s3 =	spop @p3 (v2sf);
	p0 =	por @p3 p0, p0  }
0x3d5: {  	v16 =	vnsel @p6 vm0, $0x0, v16;
	s8 =	spop @p2 (v2sf);
	s2 =	sadd.s32 @p3 s2, s3;
	s13 =	smov.u32 @p4 s1  }
0x3d6: {  	s3 =	smov.u32 s28;
	p0 =	por !p0, !p3;
	s1 =	sadd.s32 @p2 s6, s8  }
0x3d7: {  	s8 =	smov.u32 s28;
	s2 =	smov.u32 @p0 s12;
	s12 =	spop @p4 (v2sf)  }
0x3d8: {  	(xrf0) =	vadd.scan.msk.s32 @p6 $0xffff, v16;
	v16, _, _ =	vpop @p2 (xrf0);
	s3 =	smov.u32 @p2 s1;
	s8 =	smov.u32 @p6 s0;
	s0 =	sxor.u32 @p4 $0x80000000, s12  }
0x3d9: {  	(v2sf) =	vpush @p2 v16, $0xF;
	s15 =	spop @p5 (v2sf);
	p3 =	seq.s32 @p4 s8, $0x0;
	p0 =	slt.s32 @p4 s0, $0x10  }
0x3da: {  	v18 =	vmov @p4 s0;
	s0 =	smov.u32 @p4 s13;
	s13 =	smov.u32 s28;
	p0 =	por @p4 !p3, !p0  }
0x3db: {  	p3 =	seq.s32 s31, $0x1;
	s0 =	sadd.s32 @p4 s0, s12;
	s12 =	sld [smem:$0x7DB]  }
0x3dc: {  	p0 =	por @p4 !p0, !p0;
	s13 =	smov.u32 @p3 s2;
	s2 =	smov.u32 s28  }
0x3dd: {  	v15 =	vadd.s32 v58, v59;
	s0 =	sadd.s32 @p4 $0x80000000, s0;
	p3 =	por !p0, !p4;
	s2 =	smov.u32 @p6 s4  }
0x3de: {  	v15 =	vadd.s32 v60, v15;
	s1 =	spop @p1 (v2sf);
	s0 =	smov.u32 @p3 s2;
	s2 =	smov.u32 @p2 s10  }
0x3df: {  	v15 =	vadd.s32 v61, v15;
	s16 =	sadd.s32 @p1 s3, s1;
	s12 =	smov.u32 @p2 s2  }
0x3e0: {  	(xrf0) =	vadd.scan.msk.s32 $0xffff, v15;
	s1 =	smov.u32 s28;
	s2 =	smov.u32 @p2 s12;
	s12 =	sld [smem:$0x7D6]  }
0x3e1: {  	s18 =	rddreg [dreg:$0x18];
	s1 =	smov.u32 @p1 s16;
	s16 =	simm.s32 @!p0 $0x0  }
0x3e2: {  	v16 =	vadd.s32 @p1 s3, v19;
	s4 =	smov.u32 @p5 s29;
	s16 =	simm.s32 @p0 $0x1;
	s10 =	smov.u32 s18  }
0x3e3: {  	vm0 =	vlt.s32 @p1 v16, v5;
	s8 =	simm.s32 @!p3 $0x1;
	s10 =	smov.u32 @p5 s4;
	p0 =	seq.s32 s12, $0x1  }
0x3e4: {  	v16 =	vsel @p1 vm0, $0x80000010, v3;
	s4 =	smov.u32 @p5 s10;
	s10 =	smov.u32 s28;
	p0 =	por @!p5 p0, p0  }
0x3e5: {  	v12 =	vpsel p4, v12, v9;
	v17, _, _ =	vpop @p6 (xrf0);
	v10 =	vpsel p1, v16, v10;
	s23 =	smov.u32 @p2 s2;
	s2 =	smov.u32 @p5 s4;
	p3 =	por @p5 p0, p0  }
0x3e6: {  	v12 =	vpsel p4, v12, v6;
	v62, _, _ =	vpop (xrf0);
	(xrf0) =	vmin.scan.msk.u32 @p1 $0xffff, v10;
	s4 =	smov.u32 @p2 s23;
	s2 =	smov.u32 @p5 s2;
	p3 =	por @!p5 p0, p0  }
0x3e7: {  	v12 =	vpsel p4, v12, v0;
	vm0 =	vgt.s32 @p4 v18, v1;
	v63 =	vadd.s32 s1, v62;
	s10 =	smov.u32 @p2 s4;
	s2 =	sadd.s32 @p5 s2, s15;
	p3 =	por @p5 p3, p3  }
0x3e8: {  	v12 =	vnsel @p4 vm0, $0x0, v12;
	vm0 =	vlt.s32 v63, v5;
	s4 =	smov.u32 s28;
	s12 =	spop @p2 (v2sf);
	p0 =	por !p3, !p5  }
0x3e9: {  	(xrf0) =	vadd.scan.msk.s32 @p4 $0xffff, v12;
	v5 =	vsel vm0, $0x80000010, v3;
	s4 =	smov.u32 @p4 s8;
	s15 =	sxor.u32 @p2 $0x80000000, s12;
	s8 =	simm.s32 @!p0 $0x0  }
0x3ea: {  	[smem:$0x7DA] =	sst s16;
	(xrf0) =	vmin.scan.msk.u32 $0xffff, v5;
	s8 =	simm.s32 @p0 $0x1;
	p0 =	slt.s32 @p2 s15, $0x10  }
0x3eb: {  	(v2sf) =	vpush @p6 v17, $0xF;
	[smem:$0x7D7] =	sst s8;
	s8 =	simm.s32 @!p0 $0x0  }
0x3ec: {  	(v2sf) =	vpush v62, $0xF;
	v5, _, _ =	vpop @p1 (xrf0);
	s8 =	simm.s32 @p0 $0x1;
	s16 =	sld [smem:$0x7D7]  }
0x3ed: {  	(v2sf) =	vpush @p1 v5, $0xF;
	[smem:$0x7D8] =	sst s8  }
0x3ee: {  	s8 =	sld [smem:$0x7D8]  }
0x3ef: {  	v5, _, _ =	vpop @p4 (xrf0);
	p3 =	seq.s32 s16, $0x1  }
0x3f0: {  	s30 =	sld [smem:$0x7DA];
	(v2sf) =	vpush @p4 v5, $0xF;
	v5, _, _ =	vpop (xrf0);
	p0 =	seq.s32 @p2 s4, $0x0;
	s2 =	smov.u32 @p3 s13  }
0x3f1: {  	(v2sf) =	vpush v5, $0xF;
	p3 =	seq.s32 s8, $0x1;
	s8 =	smov.u32 @p2 s10;
	s10 =	smov.u32 s28  }
0x3f2: {  	s23 =	sld [smem:$0x7D9];
	p3 =	por @p2 !p0, !p3;
	s10 =	smov.u32 @p5 s2  }
0x3f3: {  	s2 =	sadd.s32 @p2 s8, s12;
	s12 =	smov.u32 s28;
	p5 =	por @p2 !p3, !p3  }
0x3f4: {  	s12 =	smov.u32 @p4 s0;
	s8 =	sadd.s32 @p2 $0x80000000, s2;
	p3 =	por !p5, !p2  }
0x3f5: {  	s16 =	smov.u32 s28;
	s8 =	smov.u32 @p3 s12;
	s12 =	sld [smem:$0x7DC]  }
0x3f6: {  	v5 =	vpsel p2, v11, v14;
	s0 =	smov.u32 @p6 s21;
	s2 =	smov.u32 @p4 s5;
	s5 =	smov.u32 s17  }
0x3f7: {  	v5 =	vpsel p2, v5, v8;
	p0 =	seq.s32 s23, $0x1;
	s5 =	smov.u32 @p6 s0;
	s22 =	smov.u32 @p4 s2  }
0x3f8: {  	v5 =	vpsel p2, v5, v7;
	v7 =	vmov @p2 s15;
	s2 =	smov.u32 @p6 s5;
	s12 =	smov.u32 @p1 s7;
	s7 =	smov.u32 s28  }
0x3f9: {  	v5 =	vpsel p2, v5, v0;
	vm0 =	vgt.s32 @p2 v7, v1;
	s5 =	smov.u32 @p4 s22;
	s7 =	smov.u32 @p6 s2;
	s2 =	smov.u32 s18  }
0x3fa: {  	v8 =	vpsel p1, v13, v9;
	v5 =	vnsel @p2 vm0, $0x0, v5;
	s17 =	smov.u32 @p2 s6;
	s2 =	smov.u32 @p4 s5;
	s5 =	spop @p6 (v2sf)  }
0x3fb: {  	v7 =	vmov @p1 v8;
	(xrf0) =	vadd.scan.msk.s32 @p2 $0xffff, v5;
	p0 =	por @!p6 p0, p0;
	s0 =	smov.u32 @p1 s12;
	s25 =	spop (v2sf)  }
0x3fc: {  	v6 =	vpsel p1, v7, v6;
	s20 =	smov.u32 @p1 s0;
	s6 =	smov.u32 @p6 s7;
	s12 =	spop @p1 (v2sf)  }
0x3fd: {  	v5 =	vmov @p1 v6;
	s0 =	smov.u32 @p1 s20;
	s7 =	smov.u32 @p6 s6;
	s13 =	sxor.u32 @p1 $0x80000000, s12  }
0x3fe: {  	v5 =	vpsel p1, v5, v0;
	s6 =	smov.u32 s28;
	s19 =	smov.u32 @p1 s0;
	s0 =	smov.u32 @p2 s17;
	v6 =	vmov @p1 s13  }
0x3ff: {  	v5 =	vpsel p1, v5, v0;
	s6 =	smov.u32 @p2 s0;
	s0 =	smov.u32 @p6 s7;
	s7 =	spop @p4 (v2sf);
	vm0 =	vgt.s32 @p1 v6, v1  }
0x400: {  	s4 =	simm.s32 @!p3 $0x1;
	p3 =	por @p6 p0, p0;
	s26 =	spop (v2sf);
	v5 =	vnsel @p1 vm0, $0x0, v5  }
0x401: {  	p3 =	por @!p6 p0, p0;
	s16 =	smov.u32 @p2 s4;
	s29 =	sxor.u32 $0x80000000, s26;
	v6, _, _ =	vpop @p2 (xrf0);
	(xrf0) =	vadd.scan.msk.s32 @p1 $0xffff, v5  }
0x402: {  	s4 =	smov.u32 s28;
	p0 =	seq.s32 s30, $0x1;
	p3 =	por @p6 p3, p3;
	v5 =	vmov s29  }
0x403: {  	s4 =	smov.u32 @p2 s8;
	s8 =	smov.u32 s28;
	p0 =	por @!p4 p0, p0;
	vm0 =	vgt.s32 v5, v1  }
0x404: {  	p3 =	por !p3, !p6;
	p0 =	por @p4 p0, p0;
	s2 =	smov.u32 @p4 s2;
	(v2sf) =	vpush @p2 v6, $0xF;
	v5 =	vnsel vm0, $0x0, v15  }
0x405: {  	p0 =	por @!p4 p0, p0;
	s18 =	smov.u32 @p1 s3;
	s2 =	smov.u32 @p4 s2;
	(xrf0) =	vadd.scan.msk.s32 $0xffff, v5  }
0x406: {  	s3 =	smov.u32 @p1 s18;
	s2 =	smov.u32 @p4 s2;
	s15 =	smov.u32 @p6 s0  }
0x407: {  	s2 =	sadd.s32 @p4 s2, s7;
	s15 =	sadd.s32 @p6 s15, s5;
	s5 =	smov.u32 s28;
	v5, _, _ =	vpop @p1 (xrf0)  }
0x408: {  	s15 =	smov.u32 @p3 s10;
	s10 =	smov.u32 @p1 s19;
	p3 =	slt.s32 @p1 s13, $0x10;
	(v2sf) =	vpush @p1 v5, $0xF  }
0x409: {  	s10 =	smov.u32 @p1 s10;
	s8 =	smov.u32 @p6 s15;
	p6 =	seq.s32 @p1 s16, $0x0  }
0x40a: {  	s10 =	smov.u32 @p1 s10;
	p3 =	por @p1 !p6, !p3;
	p6 =	por @p4 p0, p0  }
0x40b: {  	s10 =	sadd.s32 @p1 s10, s12;
	p0 =	por @p1 !p3, !p3;
	p3 =	por !p6, !p4;
	v5, _, _ =	vpop (xrf0)  }
0x40c: {  	s0 =	sadd.s32 s9, s26;
	s7 =	sadd.s32 @p1 $0x80000000, s10;
	s2 =	smov.u32 @p3 s8;
	(v2sf) =	vpush v5, $0xF  }
0x40d: {  	p3 =	por !p0, !p1;
	s8 =	smov.u32 s28;
	p5 =	por @!p2 p0, p0  }
0x40e: {  	s7 =	smov.u32 @p3 s4;
	s8 =	smov.u32 @p4 s2;
	s2 =	smov.u32 @p2 s6  }
0x40f: {  	s16 =	simm.s32 @!p3 $0x1;
	p3 =	por @p2 p5, p5;
	s4 =	smov.u32 @p1 s3  }
0x410: {  	s6 =	smov.u32 s28;
	s3 =	smov.u32 s28;
	p4 =	slt.s32 s29, $0x10  }
0x411: {  	s2 =	smov.u32 @p2 s2;
	p3 =	por @!p2 p0, p0;
	s6 =	smov.u32 @p1 s16  }
0x412: {  	s3 =	smov.u32 @p1 s7;
	s4 =	smov.u32 @p1 s4;
	s2 =	smov.u32 @p2 s2  }
0x413: {  	p3 =	por @p2 p3, p3;
	s2 =	smov.u32 @p2 s2;
	s7 =	spop @p2 (v2sf)  }
0x414: {  	p0 =	por @!p1 p0, p0;
	p3 =	por !p3, !p2;
	s2 =	sadd.s32 @p2 s2, s7  }
0x415: {  	p0 =	por @p1 p0, p0;
	p5 =	seq.s32 s6, $0x0;
	s2 =	smov.u32 @p3 s8  }
0x416: {  	p0 =	por @!p1 p0, p0;
	s5 =	smov.u32 @p2 s2;
	s2 =	smov.u32 @p1 s4  }
0x417: {  	p0 =	por @p1 p0, p0;
	s2 =	smov.u32 @p1 s2;
	s4 =	spop @p1 (v2sf)  }
0x418: {  	p0 =	por !p0, !p1;
	p2 =	por !p5, !p4;
	s2 =	sadd.s32 @p1 s2, s4  }
0x419: {  	s0 =	sadd.s32 $0x80000000, s0;
	s2 =	smov.u32 @p0 s5;
	p0 =	por !p2, !p2  }
0x41a: {  	s3 =	smov.u32 @p0 s0;
	s0 =	simm.s32 $0xFC20  }
0x41b: {  	p6 =	por p0, p0;
	s31 =	spop (v2sf);
	[tilespmem:s0+$0xFFFFFFE0] =	vst v0  }
0x41c: {  	s28 =	smov.u32 @p1 s2;
	s1 =	sadd.s32 s1, s31;
	p1 =	por p6, p6;
	[tilespmem:s0+$0x10] =	vst v0  }
0x41d: {  	[tilespmem:s0+$0x0] =	vst v0;
	s28 =	smov.u32 @p1 s1;
	s1 =	simm.s32 $0x0  }
.LBB2_58:
0x41e: {  	s1 =	sadd.s32 $0x4, s1  }
0x41f: {  	[tilespmem:s0+$0xFFFFFFF0] =	vst v0;
	s0 =	sadd.s32 $0x40, s0;
	p0 =	slt.u32 s1, $0x7C  }
.Ltmp30:
0x420: {  	[tilespmem:s0+$0xFFFFFFE0] =	vst v0;
	(pc) =	sbr.rel @p0 .LBB2_58-.Ltmp30, $3  }
0x421: {  	_ =	sdelay $0x1  }
0x422: {  	[tilespmem:s0+$0x10] =	vst v0  }
0x423: {  	[tilespmem:s0+$0x0] =	vst v0  }
0x424: {  	v4 =	vxor.u32 $0x80000000, v4  }
0x425: {  	(xrf0) =	vmax.scan.msk.u32 $0xffff, v4;
	_ =	sdelay $0x5  }
0x426: {  	v4, _, _ =	vpop (xrf0)  }
0x427: {  	(v2sf) =	vpush v4, $0xF;
	_ =	sdelay $0xe  }
0x428: {  	s29 =	spop (v2sf)  }
0x429: {  	s1 =	sadd.s32 $0x8000000F, s29  }
0x42a: {  	s2 =	sand.u32 $0xF, s1  }
0x42b: {  	s30 =	sshra.s32 s1, $0x1F;
	p1 =	slt.s32 s1, $0x1;
	p0 =	sne.s32 s2, $0x0  }
0x42c: {  	s2 =	sshrl.u32 s30, $0x1C;
	p0 =	por !p1, !p0  }
0x42d: {  	s1 =	sadd.s32 s2, s1;
	s2 =	simm.s32 $0x1;
	p0 =	por !p0, !p0  }
0x42e: {  	s1 =	sshra.s32 s1, $0x4;
	s2 =	simm.s32 @!p0 $0x0  }
0x42f: {  	s4 =	ssub.s32 s1, s2  }
0x430: {  	v5 =	vld [tilespmem:$0x1FFF0];
	p4 =	slt.s32 s4, $0x1  }
.Ltmp31:
0x431: {  	_ = 	snop;
	(pc) =	sbr.rel @p4 .LBB2_66-.Ltmp31, $3  }
0x432: {  	_ =	sdelay $0x1  }
0x433: {  	[tilespmem:s0+$0xFFFFFFF0] =	vst v0;
	s31 =	sshll.u32 s24, $0x8;
	s0 =	sxor.u32 $0x80000000, s29  }
0x434: {  	s5 =	sadd.s32 s31, s3;
	vm0 =	vnez.u8 v5;
	v4 =	vmov s0  }
0x435: {  	p1 =	sne.s32 s4, $0x1  }
.Ltmp32:
0x436: {  	_ = 	snop;
	(pc) =	sbr.rel @!p1 .LBB2_61-.Ltmp32, $3  }
0x437: {  	_ =	sdelay $0x1  }
0x438: {  	s1 =	simm.s32 $0x12600  }
0x439: {  	v5 =	vmov s5;
	s0 =	simm.s32 $0x0;
	p0 =	por $0x0, $0x0;
	v6 =	vld [tilespmem:s1+$0x0];
	s1 =	sadd.s32 $0xFFFFFFFF, s4  }
0x43a: {  	_ =	sdelay $0x3  }
0x43b: {  	v7 =	vor.u32 s0, v1;
	v8 =	vshra.s32 v6, $0xE  }
0x43c: {  	vm0 =	vlt.s32 v7, v4;
	v6 =	vshrl.u32 v6, $0x3;
	vm1 =	veq.s32 v8, v5  }
0x43d: {  	v6 =	vand.u32 $0x7F0, v6;
	vm0 =	vmand vm0, vm1  }
0x43e: {  	v6 =	vor.u32 v1, v6  }
0x43f: {  	p1 =	sne.s32 s1, $0x1  }
.Ltmp33:
0x440: {  	_ = 	snop;
	(pc) =	sbr.rel @!p1 .LBB2_63-.Ltmp33, $3  }
0x441: {  	_ =	sdelay $0x1  }
0x442: {  	s2 =	simm.s32 $0x12610;
	[tilespmem:v6+s14+$0x0] =	vst.idx.add.s32.msk vm0, v2  }
0x443: {  	s3 =	sadd.s32 $0xFFFFFFFF, s1;
	p0 =	por $0x1, $0x1;
	s1 =	simm.s32 $0x0;
	v6 =	vld [tilespmem:s2+$0x0]  }
.LBB2_64:
0x444: {  	p1 =	sne.s32 s3, $0x1;
	_ =	sdelay $0x2  }
0x445: {  	s1 =	sadd.s32 $0x10, s1  }
0x446: {  	v7 =	vor.u32 s1, v1;
	v8 =	vshra.s32 v6, $0xE  }
0x447: {  	vm0 =	vlt.s32 v7, v4;
	v6 =	vshrl.u32 v6, $0x3;
	vm1 =	veq.s32 v8, v5  }
0x448: {  	v6 =	vand.u32 $0x7F0, v6;
	vm0 =	vmand vm0, vm1  }
0x449: {  	v6 =	vor.u32 v1, v6;
	_ =	sdelay $0x1  }
.Ltmp34:
0x44a: {  	(pc) =	sbr.rel @p1 .LBB2_64-.Ltmp34, $3  }
0x44b: {  	_ =	sdelay $0x1  }
0x44c: {  	s2 =	sadd.s32 $0x10, s2;
	[tilespmem:v6+s14+$0x0] =	vst.idx.add.s32.msk vm0, v2  }
0x44d: {  	s3 =	sadd.s32 $0xFFFFFFFF, s3;
	v6 =	vld [tilespmem:s2+$0x0]  }
.LBB2_65:
0x44e: {  	_ =	sdelay $0x1  }
0x44f: {  	s1 =	sadd.s32 @p0 $0x10, s1  }
0x450: {  	s0 =	smov.u32 @p0 s1  }
0x451: {  	v7 =	vor.u32 s0, v1;
	v8 =	vshra.s32 v6, $0xE  }
0x452: {  	vm0 =	vlt.s32 v7, v4;
	vm1 =	veq.s32 v8, v5;
	v5 =	vshrl.u32 v6, $0x3  }
0x453: {  	vm0 =	vmand vm0, vm1;
	v5 =	vand.u32 $0x7F0, v5  }
0x454: {  	v5 =	vor.u32 v1, v5;
	_ =	sdelay $0x4  }
0x455: {  	[tilespmem:v5+s14+$0x0] =	vst.idx.add.s32.msk vm0, v2  }
0x456: {  	v5 =	vld [tilespmem:$0x1FFF0];
	_ =	sdelay $0x4  }
0x457: {  	vm0 =	vnez.u8 v5  }
.LBB2_66:
0x458: {  	s1 =	simm.s32 $0xFC80  }
0x459: {  	s0 =	rddreg [dreg:$0x11];
	v5 =	vld [tilespmem:s1+$0xFFFFFF80]  }
0x45a: {  	s3 =	simm.s32 $0x40;
	s30 =	ssub.s32 s0, s28;
	s0 =	simm.s32 $0x0;
	v6 =	vld [tilespmem:s1+$0xFFFFFF90]  }
.LBB2_67:
0x45b: {  	p0 =	sne.s32 s3, $0x1C0;
	v7 =	vld [tilespmem:s1+$0xFFFFFFA0]  }
0x45c: {  	v8 =	vld [tilespmem:s1+$0xFFFFFFB0]  }
0x45d: {  	v9 =	vld [tilespmem:s1+$0xFFFFFFC0]  }
0x45e: {  	v10 =	vld [tilespmem:s1+$0xFFFFFFD0];
	(xrf0) =	vadd.scan.msk.s32 $0xffff, v5  }
0x45f: {  	v5 =	vld [tilespmem:s1+$0xFFFFFFE0];
	(xrf0) =	vadd.scan.msk.s32 $0xffff, v6  }
0x460: {  	v6 =	vld [tilespmem:s1+$0xFFFFFFF0];
	(xrf0) =	vadd.scan.msk.s32 $0xffff, v7  }
0x461: {  	v7 =	vld [tilespmem:s1+$0x0];
	(xrf0) =	vadd.scan.msk.s32 $0xffff, v8  }
0x462: {  	v8 =	vld [tilespmem:s1+$0x10];
	(xrf0) =	vadd.scan.msk.s32 $0xffff, v9  }
0x463: {  	v9 =	vld [tilespmem:s1+$0x20];
	(xrf0) =	vadd.scan.msk.s32 $0xffff, v10  }
0x464: {  	v10 =	vld [tilespmem:s1+$0x30];
	v11, _, _ =	vpop (xrf0);
	(xrf0) =	vadd.scan.msk.s32 $0xffff, v5  }
0x465: {  	v5 =	vld [tilespmem:s1+$0x40];
	v12, _, _ =	vpop (xrf0);
	(xrf0) =	vadd.scan.msk.s32 $0xffff, v6  }
0x466: {  	v6 =	vbroadcast v11, $0xF;
	v15 =	vbroadcast v12, $0xF;
	v12 =	vld [tilespmem:s1+$0x50];
	v13, _, _ =	vpop (xrf0);
	(xrf0) =	vadd.scan.msk.s32 $0xffff, v7  }
0x467: {  	v7 =	vbroadcast v13, $0xF;
	v13 =	vld [tilespmem:s1+$0x60];
	v14, _, _ =	vpop (xrf0);
	(xrf0) =	vadd.scan.msk.s32 $0xffff, v8  }
0x468: {  	v6 =	vsel vm15, v6, v15;
	v8 =	vbroadcast v14, $0xF;
	v11, _, _ =	vpop (xrf0);
	(xrf0) =	vadd.scan.msk.s32 $0xffff, v9  }
0x469: {  	v6 =	vsel vm0, v6, v7;
	v11 =	vbroadcast v11, $0xF;
	v9, _, _ =	vpop (xrf0);
	(xrf0) =	vadd.scan.msk.s32 $0xffff, v10  }
0x46a: {  	v6 =	vsel vm2, v6, v8;
	v14 =	vbroadcast v9, $0xF;
	v9 =	vld [tilespmem:s1+$0x70];
	v10, _, _ =	vpop (xrf0);
	(xrf0) =	vadd.scan.msk.s32 $0xffff, v5  }
0x46b: {  	v5 =	vsel vm3, v6, v11;
	v6 =	vbroadcast v10, $0xF;
	v7, _, _ =	vpop (xrf0);
	(xrf0) =	vadd.scan.msk.s32 $0xffff, v12  }
0x46c: {  	v5 =	vsel vm4, v5, v14;
	v7 =	vbroadcast v7, $0xF;
	v8, _, _ =	vpop (xrf0);
	(xrf0) =	vadd.scan.msk.s32 $0xffff, v13  }
0x46d: {  	v5 =	vsel vm5, v5, v6;
	v6 =	vbroadcast v8, $0xF;
	v8, _, _ =	vpop (xrf0)  }
0x46e: {  	v5 =	vsel vm6, v5, v7;
	v7 =	vbroadcast v8, $0xF;
	v8, _, _ =	vpop (xrf0)  }
0x46f: {  	v5 =	vsel vm7, v5, v6;
	v6 =	vbroadcast v8, $0xF;
	v8, _, _ =	vpop (xrf0);
	(xrf0) =	vadd.scan.msk.s32 $0xffff, v9  }
0x470: {  	v5 =	vsel vm8, v5, v7;
	v7 =	vbroadcast v8, $0xF;
	v8, _, _ =	vpop (xrf0)  }
0x471: {  	v5 =	vsel vm9, v5, v6;
	v6 =	vbroadcast v8, $0xF;
	v8, _, _ =	vpop (xrf0)  }
0x472: {  	v5 =	vsel vm10, v5, v7;
	v7 =	vbroadcast v8, $0xF;
	v8, _, _ =	vpop (xrf0)  }
0x473: {  	v5 =	vsel vm11, v5, v6;
	v8 =	vbroadcast v8, $0xF  }
0x474: {  	v5 =	vsel vm12, v5, v7  }
.Ltmp35:
0x475: {  	v5 =	vsel vm13, v5, v8;
	v6, _, _ =	vpop (xrf0);
	(pc) =	sbr.rel @p0 .LBB2_67-.Ltmp35, $4  }
0x476: {  	s2 =	sshra.s32 s0, $0x2;
	s0 =	smov.u32 s3;
	v5 =	vsel vm14, v5, v6  }
0x477: {  	s1 =	sadd.s32 $0x100, s1;
	[tilespmem:s2+$0x11C00] =	vst v5  }
0x478: {  	v5 =	vld [tilespmem:s1+$0xFFFFFF80]  }
0x479: {  	s3 =	sadd.s32 $0x40, s3;
	v6 =	vld [tilespmem:s1+$0xFFFFFF90]  }
0x47a: {  	v7 =	vld [tilespmem:s1+$0xFFFFFFA0]  }
0x47b: {  	v8 =	vld [tilespmem:s1+$0xFFFFFFB0]  }
0x47c: {  	v9 =	vld [tilespmem:s1+$0xFFFFFFC0]  }
0x47d: {  	(xrf0) =	vadd.scan.msk.s32 $0xffff, v5  }
0x47e: {  	v10 =	vld [tilespmem:s1+$0xFFFFFFD0];
	(xrf0) =	vadd.scan.msk.s32 $0xffff, v6  }
0x47f: {  	v5 =	vld [tilespmem:s1+$0xFFFFFFE0];
	(xrf0) =	vadd.scan.msk.s32 $0xffff, v7  }
0x480: {  	v6 =	vld [tilespmem:s1+$0xFFFFFFF0];
	(xrf0) =	vadd.scan.msk.s32 $0xffff, v8  }
0x481: {  	v7 =	vld [tilespmem:s1+$0x0];
	(xrf0) =	vadd.scan.msk.s32 $0xffff, v9;
	_ =	sdelay $0x1  }
0x482: {  	v45 =	vld [tilespmem:s1+$0x10];
	(xrf0) =	vadd.scan.msk.s32 $0xffff, v10;
	v11, _, _ =	vpop (xrf0)  }
0x483: {  	v46 =	vld [tilespmem:s1+$0x20];
	(xrf0) =	vadd.scan.msk.s32 $0xffff, v5;
	v12, _, _ =	vpop (xrf0)  }
0x484: {  	v47 =	vld [tilespmem:s1+$0x30];
	(xrf0) =	vadd.scan.msk.s32 $0xffff, v6;
	v6 =	vbroadcast v11, $0xF;
	v48 =	vbroadcast v12, $0xF;
	v13, _, _ =	vpop (xrf0)  }
0x485: {  	v5 =	vld [tilespmem:s1+$0x40];
	(xrf0) =	vadd.scan.msk.s32 $0xffff, v7;
	v7 =	vbroadcast v13, $0xF;
	v14, _, _ =	vpop (xrf0)  }
0x486: {  	v49 =	vld [tilespmem:s1+$0x50];
	v6 =	vsel vm15, v6, v48;
	v52, _, _ =	vpop (xrf0)  }
0x487: {  	v50 =	vld [tilespmem:s1+$0x60];
	(xrf0) =	vadd.scan.msk.s32 $0xffff, v45;
	v6 =	vsel vm0, v6, v7;
	v7 =	vbroadcast v52, $0xF  }
0x488: {  	v51 =	vbroadcast v14, $0xF;
	(xrf0) =	vadd.scan.msk.s32 $0xffff, v46  }
0x489: {  	v53, _, _ =	vpop (xrf0);
	(xrf0) =	vadd.scan.msk.s32 $0xffff, v47  }
0x48a: {  	v6 =	vsel vm2, v6, v51;
	v54 =	vbroadcast v53, $0xF;
	v56, _, _ =	vpop (xrf0);
	(xrf0) =	vadd.scan.msk.s32 $0xffff, v5  }
0x48b: {  	v5 =	vsel vm3, v6, v7;
	v6 =	vbroadcast v56, $0xF;
	v7, _, _ =	vpop (xrf0);
	(xrf0) =	vadd.scan.msk.s32 $0xffff, v49  }
0x48c: {  	v55 =	vld [tilespmem:s1+$0x70];
	v5 =	vsel vm4, v5, v54;
	v7 =	vbroadcast v7, $0xF;
	v57, _, _ =	vpop (xrf0);
	(xrf0) =	vadd.scan.msk.s32 $0xffff, v50  }
0x48d: {  	v5 =	vsel vm5, v5, v6;
	v6 =	vbroadcast v57, $0xF;
	v58, _, _ =	vpop (xrf0)  }
0x48e: {  	v5 =	vsel vm6, v5, v7;
	v7 =	vbroadcast v58, $0xF;
	v59, _, _ =	vpop (xrf0)  }
0x48f: {  	v5 =	vsel vm7, v5, v6;
	v6 =	vbroadcast v59, $0xF;
	v60, _, _ =	vpop (xrf0)  }
0x490: {  	v5 =	vsel vm8, v5, v7;
	v7 =	vbroadcast v60, $0xF;
	v61, _, _ =	vpop (xrf0)  }
0x491: {  	(xrf0) =	vadd.scan.msk.s32 $0xffff, v55;
	v5 =	vsel vm9, v5, v6;
	v6 =	vbroadcast v61, $0xF;
	v62, _, _ =	vpop (xrf0)  }
0x492: {  	v5 =	vsel vm10, v5, v7;
	v63, _, _ =	vpop (xrf0)  }
0x493: {  	v5 =	vsel vm11, v5, v6;
	v6 =	vbroadcast v63, $0xF  }
0x494: {  	v7 =	vbroadcast v62, $0xF;
	_ =	sdelay $0x1  }
0x495: {  	v5 =	vsel vm12, v5, v7  }
0x496: {  	v5 =	vsel vm13, v5, v6;
	v6, _, _ =	vpop (xrf0)  }
0x497: {  	s0 =	sshra.s32 s0, $0x2;
	s23 =	rddreg [dreg:$0x7];
	v5 =	vsel vm14, v5, v6  }
0x498: {  	s24 =	simm.s32 $0x80;
	s2 =	simm.s32 $0x400;
	s3 =	simm.s32 $0x11C00;
	[tilespmem:s0+$0x11C00] =	vst v5  }
0x499: {  	[spmem:s23] =	stream.strided.scatter [tilespmem:s3], [sflag:$0x1], $0x200, s2, s24, $0x38;
	[tilespmem:$0x1B980] =	vst v63  }
0x49a: {  	_ =	swait.ge [sflag:s11], $0x200  }
0x49b: {  	[sflag:s11] =	ssyncset.done $0x0  }
0x49c: {  	[sflag:s11] =	ssyncadd.s32 $0xFFFFFE00  }
0x49d: {  	[bflag:$0x0] =	sbarrier.arrive $0xFFFF  }
0x49e: {  	s26 =	simm.s32 $0x200;
	s31 =	simm.s32 $0x11E00;
	s25 =	rddreg [dreg:$0x8]  }
0x49f: {  	[tilespmem:s31], [sflag:$0x1] =	stream.strided.gather [spmem:s25], $0x800, s2, s26, $0x38;
	[tilespmem:$0x1B980] =	vst v63  }
0x4a0: {  	_ =	swait.ge [sflag:s11], $0x800  }
0x4a1: {  	p1 =	por $0x0, $0x0;
	[sflag:s11] =	ssyncset.done $0x0  }
0x4a2: {  	p0 =	por $0x0, $0x0;
	s0 =	simm.s32 @!p1 $0x0;
	[sflag:s11] =	ssyncadd.s32 $0xFFFFF800  }
.Ltmp36:
0x4a3: {  	s0 =	simm.s32 @p1 $0x1;
	[bflag:$0x0] =	sbarrier.arrive $0xFFFF;
	(pc) =	sbr.rel @p0 .LBB2_69-.Ltmp36, $4  }
0x4a4: {  	[smem:$0x7C9] =	sst s0  }
0x4a5: {  	s28 =	simm.s32 $0x80000000;
	[dreg:$0xd] =	wrdreg s4;
	s0 =	simm.s32 @!p4 $0x0  }
0x4a6: {  	s29 =	simm.s32 $0x11F00;
	[dreg:$0xe] =	wrdreg s5;
	s0 =	simm.s32 @p4 $0x1  }
0x4a7: {  	p3 =	por $0x0, $0x0;
	v5 =	vmov s30;
	s26 =	simm.s32 $0x0;
	[smem:$0x7CA] =	sst s0  }
0x4a8: {  	p0 =	por $0x0, $0x0  }
.Ltmp37:
0x4a9: {  	_ = 	snop;
	(pc) =	sbr.rel @p0 .LBB2_71-.Ltmp37, $1  }
0x4aa: {  	_ =	sdelay $0x3  }
0x4ab: {  	p0 =	por $0x0, $0x0  }
.Ltmp38:
0x4ac: {  	_ = 	snop;
	(pc) =	sbr.rel @p0 .LBB2_73-.Ltmp38, $4  }
0x4ad: {  	v10 =	vld [tilespmem:s29+$0xFFFFFF00]  }
0x4ae: {  	v12 =	vld [tilespmem:s29+$0xFFFFFF80]  }
0x4af: {  	v13 =	vld [tilespmem:s29+$0x0]  }
0x4b0: {  	v14 =	vld [tilespmem:s29+$0x80]  }
0x4b1: {  	p0 =	por $0x0, $0x0  }
.Ltmp39:
0x4b2: {  	s17 =	simm.s32 $0x11F10;
	(pc) =	sbr.rel @p0 .LBB2_75-.Ltmp39, $4  }
0x4b3: {  	v6 =	vadd.s32 v10, v12;
	v10 =	vld [tilespmem:s17+$0xFFFFFF00]  }
0x4b4: {  	v12 =	vld [tilespmem:s17+$0xFFFFFF80];
	v6 =	vadd.s32 v13, v6  }
0x4b5: {  	v13 =	vld [tilespmem:s17+$0x0];
	v6 =	vadd.s32 v14, v6  }
0x4b6: {  	v14 =	vld [tilespmem:s17+$0x80];
	(xrf0) =	vadd.scan.msk.s32 $0xffff, v6  }
0x4b7: {  	_ =	sdelay $0x1  }
0x4b8: {  	p0 =	por $0x0, $0x0  }
.Ltmp40:
0x4b9: {  	s17 =	simm.s32 $0x11F20;
	(pc) =	sbr.rel @p0 .LBB2_77-.Ltmp40, $4  }
0x4ba: {  	p1 =	por $0x1, $0x1;
	v7 =	vadd.s32 v10, v12;
	v10 =	vld [tilespmem:s17+$0xFFFFFF00]  }
0x4bb: {  	s0 =	simm.s32 @!p1 $0x0;
	v12 =	vld [tilespmem:s17+$0xFFFFFF80];
	v7 =	vadd.s32 v13, v7;
	v9, _, _ =	vpop (xrf0)  }
0x4bc: {  	s0 =	simm.s32 @p1 $0x1;
	v13 =	vld [tilespmem:s17+$0x0];
	v8 =	vadd.s32 v14, v7;
	v7 =	vadd.s32 s26, v9  }
0x4bd: {  	[smem:$0x7C9] =	sst s0;
	v14 =	vld [tilespmem:s17+$0x80];
	(xrf0) =	vadd.scan.msk.s32 $0xffff, v8;
	(v2sf) =	vpush v9, $0xF;
	vm15 =	vlt.s32 v7, v5  }
0x4be: {  	_ =	sdelay $0x8  }
0x4bf: {  	v7 =	vsel vm15, $0x80000010, v3  }
0x4c0: {  	(xrf0) =	vmin.scan.msk.u32 $0xffff, v7;
	_ =	sdelay $0x1  }
0x4c1: {  	p0 =	por $0x0, $0x0  }
.Ltmp41:
0x4c2: {  	s17 =	simm.s32 $0x11F30;
	(pc) =	sbr.rel @p0 .LBB2_79-.Ltmp41, $4  }
0x4c3: {  	v7 =	vadd.s32 v10, v12;
	v10 =	vld [tilespmem:s17+$0xFFFFFF00];
	s0 =	spop (v2sf)  }
0x4c4: {  	v12 =	vld [tilespmem:s17+$0xFFFFFF80];
	v7 =	vadd.s32 v13, v7;
	v9, _, _ =	vpop (xrf0);
	s19 =	sadd.s32 $0x0, s0  }
0x4c5: {  	v13 =	vld [tilespmem:s17+$0x0];
	v7 =	vadd.s32 v14, v7;
	v11, _, _ =	vpop (xrf0);
	(v2sf) =	vpush v9, $0xF;
	v9 =	vadd.s32 s19, v9  }
0x4c6: {  	v14 =	vld [tilespmem:s17+$0x80];
	(xrf0) =	vadd.scan.msk.s32 $0xffff, v7;
	(v2sf) =	vpush v11, $0xF;
	vm15 =	vlt.s32 v9, v5  }
0x4c7: {  	_ =	sdelay $0x9  }
0x4c8: {  	v9 =	vsel vm15, $0x80000010, v3  }
0x4c9: {  	(xrf0) =	vmin.scan.msk.u32 $0xffff, v9;
	_ =	sdelay $0x1  }
0x4ca: {  	p0 =	por $0x0, $0x0;
	s0 =	spop (v2sf)  }
.Ltmp42:
0x4cb: {  	s17 =	simm.s32 $0x11F40;
	v11, _, _ =	vpop (xrf0);
	s3 =	sadd.s32 s19, s0;
	(pc) =	sbr.rel @p0 .LBB2_81-.Ltmp42, $4  }
0x4cc: {  	v9 =	vadd.s32 v10, v12;
	v10 =	vld [tilespmem:s17+$0xFFFFFF00];
	(v2sf) =	vpush v11, $0xF;
	v11 =	vadd.s32 s3, v11  }
0x4cd: {  	v12 =	vld [tilespmem:s17+$0xFFFFFF80];
	v9 =	vadd.s32 v13, v9;
	vm15 =	vlt.s32 v11, v5;
	v11 =	vimm.s32 $0x0  }
0x4ce: {  	v13 =	vld [tilespmem:s17+$0x0];
	v9 =	vadd.s32 v14, v9;
	v15, _, _ =	vpop (xrf0);
	v11 =	vsel vm15, $0xFFFFFFFF, v11  }
0x4cf: {  	s22 =	simm.s32 $0x80000070;
	[dreg:$0x12] =	wrdreg s19;
	v14 =	vld [tilespmem:s17+$0x80];
	(xrf0) =	vadd.scan.msk.s32 $0xffff, v9;
	(v2sf) =	vpush v15, $0xF;
	[tilespmem:$0x1FFD0] =	vst v11  }
0x4d0: {  	_ =	sdelay $0x6  }
0x4d1: {  	s25 =	spop (v2sf)  }
0x4d2: {  	v11 =	vsel vm15, $0x80000010, v3;
	s1 =	sxor.u32 $0x80000000, s25  }
0x4d3: {  	p1 =	por $0x1, $0x1;
	(xrf0) =	vmin.scan.msk.u32 $0xffff, v11;
	p0 =	slt.s32 s1, $0x10  }
0x4d4: {  	s0 =	simm.s32 $0x80000040;
	p0 =	por !p1, !p0  }
0x4d5: {  	v10 =	vadd.s32 v10, v12;
	p5 =	por !p0, !p0;
	p0 =	por $0x1, $0x1;
	s31 =	spop (v2sf)  }
.Ltmp43:
0x4d6: {  	s17 =	simm.s32 $0x11F50;
	v11 =	vadd.s32 v13, v10;
	v13 =	vmov s1;
	v15, _, _ =	vpop (xrf0);
	s20 =	sadd.s32 s3, s31;
	(pc) =	sbr.rel @p0 .LBB2_83-.Ltmp43, $4  }
0x4d7: {  	s15 =	simm.s32 $0x0;
	[dreg:$0x16] =	wrdreg s0;
	s0 =	sadd.s32 $0x80000000, s25;
	v12 =	vld [tilespmem:s17+$0xFFFFFF80];
	v11 =	vadd.s32 v14, v11;
	(v2sf) =	vpush v15, $0xF;
	v15 =	vadd.s32 s20, v15  }
0x4d8: {  	v10 =	vld [tilespmem:s17+$0xFFFFFF00];
	vm0 =	vgt.s32 v13, v1;
	s15 =	smov.u32 @p5 s0;
	s0 =	simm.s32 @!p5 $0x0;
	vm15 =	vlt.s32 v15, v5;
	v15 =	vimm.s32 $0x0  }
0x4d9: {  	s25 =	simm.s32 $0x0;
	v13 =	vld [tilespmem:s17+$0x0];
	(xrf0) =	vadd.scan.msk.s32 $0xffff, v11;
	v17 =	vnsel vm0, $0x0, v6;
	s0 =	simm.s32 @p5 $0x1;
	v16, _, _ =	vpop (xrf0);
	v15 =	vsel vm15, $0xFFFFFFFF, v15  }
0x4da: {  	s18 =	simm.s32 $0x80000080;
	v14 =	vld [tilespmem:s17+$0x80];
	s25 =	simm.s32 @p5 $0x1;
	(xrf0) =	vadd.scan.msk.s32 $0xffff, v17;
	[smem:$0x7C0] =	sst s0;
	(v2sf) =	vpush v16, $0xF;
	[tilespmem:$0x1FFC0] =	vst v15  }
0x4db: {  	_ =	sdelay $0x6  }
0x4dc: {  	v10 =	vadd.s32 v10, v12  }
0x4dd: {  	v15 =	vsel vm15, $0x80000010, v3;
	v10 =	vadd.s32 v13, v10  }
0x4de: {  	(xrf0) =	vmin.scan.msk.u32 $0xffff, v15  }
0x4df: {  	s0 =	simm.s32 $0x80000050;
	s24 =	spop (v2sf);
	v62, _, _ =	vpop (xrf0)  }
0x4e0: {  	s16 =	simm.s32 $0x80000060;
	s17 =	simm.s32 $0x80000030;
	v16 =	vadd.s32 v14, v10;
	v10, _, _ =	vpop (xrf0);
	s31 =	spop (v2sf);
	(v2sf) =	vpush v62, $0xF  }
0x4e1: {  	s21 =	simm.s32 $0x80000010;
	s23 =	simm.s32 $0x80000020;
	p0 =	por $0x1, $0x1;
	(v2sf) =	vpush v10, $0xF  }
0x4e2: {  	p1 =	seq.s32 s25, $0x0;
	[smem:$0x7BC] =	sst s0;
	s0 =	simm.s32 @!p0 $0x0  }
0x4e3: {  	[dreg:$0x1f] =	wrdreg s20;
	s0 =	simm.s32 @p0 $0x1;
	p0 =	por $0x1, $0x1  }
0x4e4: {  	s5 =	smov.u32 s15;
	[smem:$0x7C4] =	sst s0;
	s0 =	simm.s32 @!p0 $0x0;
	v10, _, _ =	vpop (xrf0)  }
0x4e5: {  	[smem:$0x7BD] =	sst s16;
	s0 =	simm.s32 @p0 $0x1;
	p0 =	por $0x1, $0x1;
	(v2sf) =	vpush v10, $0xF  }
0x4e6: {  	s1 =	sxor.u32 $0x80000000, s24;
	[smem:$0x7C5] =	sst s0;
	s0 =	simm.s32 @!p0 $0x0  }
0x4e7: {  	[dreg:$0x1c] =	wrdreg s17;
	p6 =	slt.s32 s1, $0x10;
	s0 =	simm.s32 @p0 $0x1  }
0x4e8: {  	s17 =	simm.s32 $0x11F60;
	p0 =	por !p1, !p6;
	[smem:$0x7C8] =	sst s0  }
0x4e9: {  	s0 =	sadd.s32 $0x80000010, s24;
	p2 =	por !p0, !p0;
	p0 =	por $0x0, $0x0  }
.Ltmp44:
0x4ea: {  	s5 =	smov.u32 @p2 s0;
	s0 =	simm.s32 @!p2 $0x0;
	(pc) =	sbr.rel @p0 .LBB2_85-.Ltmp44, $4  }
0x4eb: {  	[dreg:$0x1b] =	wrdreg s21;
	v18 =	vld [tilespmem:s17+$0xFFFFFF00];
	v63 =	vmov s1;
	p1 =	por p5, p5;
	s0 =	simm.s32 @p2 $0x1  }
0x4ec: {  	v19 =	vld [tilespmem:s17+$0xFFFFFF80];
	vm0 =	vgt.s32 v63, v1;
	[smem:$0x7BE] =	sst s0;
	s0 =	simm.s32 @!p1 $0x0;
	s12 =	sadd.s32 s20, s31  }
0x4ed: {  	s13 =	smov.u32 s25;
	[dreg:$0x13] =	wrdreg s23;
	v21 =	vld [tilespmem:s17+$0x0];
	v13 =	vnsel vm0, $0x0, v8;
	(xrf0) =	vadd.scan.msk.s32 $0xffff, v16;
	s0 =	simm.s32 @p1 $0x1;
	v12 =	vadd.s32 s12, v62  }
0x4ee: {  	s28 =	simm.s32 $0x80000090;
	v22 =	vld [tilespmem:s17+$0x80];
	(xrf0) =	vadd.scan.msk.s32 $0xffff, v13;
	s13 =	simm.s32 @p2 $0x1;
	[smem:$0x7BF] =	sst s0;
	vm1 =	vlt.s32 v12, v5  }
0x4ef: {  	p0 =	por $0x1, $0x1  }
0x4f0: {  	s8 =	smov.u32 s30;
	s24 =	spop (v2sf);
	p5 =	por $0x0, $0x0  }
0x4f1: {  	p4 =	por p1, p1;
	p6 =	seq.s32 s13, $0x0;
	s17 =	simm.s32 $0x11F70  }
0x4f2: {  	v10 =	vsel vm1, $0x80000010, v3;
	s23 =	smov.u32 s5;
	s16 =	smov.u32 s13;
	s6 =	simm.s32 $0x0  }
0x4f3: {  	s21 =	simm.s32 $0x80000030;
	s31 =	simm.s32 $0x80000040;
	s10 =	smov.u32 s3;
	(xrf0) =	vmin.scan.msk.u32 $0xffff, v10  }
0x4f4: {  	s9 =	simm.s32 $0x0;
	s7 =	smov.u32 s20;
	s4 =	simm.s32 $0x80000050  }
0x4f5: {  	s0 =	simm.s32 @!p0 $0x0;
	s1 =	sxor.u32 $0x80000000, s24;
	s2 =	spop (v2sf)  }
0x4f6: {  	s0 =	simm.s32 @p0 $0x1;
	p0 =	por $0x1, $0x1;
	p3 =	slt.s32 s1, $0x10;
	v14, _, _ =	vpop (xrf0)  }
0x4f7: {  	v10 =	vadd.s32 v18, v19;
	v13 =	vmov s1;
	s30 =	sadd.s32 s12, s2;
	s1 =	simm.s32 $0x800000A0;
	[smem:$0x7C2] =	sst s0;
	(v2sf) =	vpush v14, $0xF  }
0x4f8: {  	s0 =	simm.s32 @!p0 $0x0;
	p1 =	por !p6, !p3;
	v12 =	vadd.s32 v21, v10;
	p6 =	por p4, p4;
	v17, _, _ =	vpop (xrf0)  }
.Ltmp45:
0x4f9: {  	vm0 =	vgt.s32 v13, v1;
	s0 =	simm.s32 @p0 $0x1;
	p0 =	por $0x1, $0x1;
	v15 =	vadd.s32 v22, v12;
	(v2sf) =	vpush v17, $0xF;
	v17, _, _ =	vpop (xrf0);
	(pc) =	sbr.rel @p5 .LBB2_87-.Ltmp45, $4  }
0x4fa: {  	v10 =	vld [tilespmem:s17+$0xFFFFFF00];
	p1 =	por !p1, !p1;
	v20 =	vnsel vm0, $0x0, v7;
	[smem:$0x7C3] =	sst s0;
	s0 =	simm.s32 @!p0 $0x0;
	(xrf0) =	vadd.scan.msk.s32 $0xffff, v15;
	v23 =	vadd.s32 s30, v14;
	(v2sf) =	vpush v17, $0xF  }
0x4fb: {  	p3 =	por $0x1, $0x1;
	v13 =	vld [tilespmem:s17+$0x0];
	s16 =	simm.s32 @p1 $0x1;
	s0 =	simm.s32 @p0 $0x1  }
0x4fc: {  	v12 =	vld [tilespmem:s17+$0xFFFFFF80];
	p0 =	por p2, p2;
	[smem:$0x7C6] =	sst s0;
	s0 =	sadd.s32 $0x80000020, s24  }
0x4fd: {  	v14 =	vld [tilespmem:s17+$0x80];
	(xrf0) =	vadd.scan.msk.s32 $0xffff, v20;
	vm15 =	vlt.s32 v23, v5;
	v20 =	vmovc v11;
	s24 =	simm.s32 $0x80000060;
	s23 =	smov.u32 @p1 s0;
	s0 =	smov.u32 s19;
	v23 =	vmov v9;
	v17 =	vmov v16  }
.LBB2_88:
0x4fe: {  	p5 =	seq.s32 s1, $0x80000070  }
0x4ff: {  	s20 =	spop (v2sf);
	s2 =	smov.u32 s18;
	s18 =	smov.u32 s28  }
0x500: {  	v24, _, _ =	vpop (xrf0);
	v25 =	vsel vm15, $0x80000010, v3;
	s28 =	smov.u32 s1;
	p4 =	por p0, p0;
	p0 =	por p1, p1  }
0x501: {  	v10 =	vadd.s32 v10, v12;
	(v2sf) =	vpush v24, $0xF;
	(xrf0) =	vmin.scan.msk.u32 $0xffff, v25;
	s20 =	sadd.s32 s6, s20;
	s6 =	smov.u32 s0;
	s0 =	smov.u32 s10  }
0x502: {  	s10 =	smov.u32 s7;
	s7 =	smov.u32 s12;
	v10 =	vadd.s32 v13, v10;
	s9 =	smov.u32 @p6 s20  }
0x503: {  	s12 =	smov.u32 s30;
	p6 =	por p4, p4;
	v25 =	vadd.s32 v14, v10;
	s20 =	spop (v2sf)  }
0x504: {  	s17 =	sadd.s32 $0x10, s17;
	(xrf0) =	vadd.scan.msk.s32 $0xffff, v25;
	s19 =	sxor.u32 $0x80000000, s20;
	s20 =	sadd.s32 s21, s20;
	v12, _, _ =	vpop (xrf0)  }
.Ltmp46:
0x505: {  	p4 =	seq.s32 s16, $0x0;
	v10 =	vld [tilespmem:s17+$0xFFFFFF00];
	p1 =	slt.s32 s19, $0x10;
	v13 =	vmov s19;
	(v2sf) =	vpush v12, $0xF;
	(pc) =	sbr.rel @!p5 .LBB2_88-.Ltmp46, $4  }
0x506: {  	s21 =	smov.u32 s31;
	v12 =	vld [tilespmem:s17+$0xFFFFFF80];
	s19 =	spop (v2sf);
	p1 =	por !p4, !p1;
	vm0 =	vgt.s32 v13, v1  }
0x507: {  	s31 =	smov.u32 s4;
	v13 =	vld [tilespmem:s17+$0x0];
	s30 =	sadd.s32 s30, s19;
	v26, _, _ =	vpop (xrf0);
	p1 =	por !p1, !p1;
	v27 =	vnsel vm0, $0x0, v23;
	v23 =	vmov v20;
	v20 =	vmov v17  }
0x508: {  	s4 =	smov.u32 s24;
	v17 =	vmovc v15;
	v15 =	vmov v25;
	v14 =	vld [tilespmem:s17+$0x80];
	v24 =	vadd.s32 s30, v24;
	(v2sf) =	vpush v26, $0xF;
	s23 =	smov.u32 @p1 s20;
	s16 =	simm.s32 @p1 $0x1;
	(xrf0) =	vadd.scan.msk.s32 $0xffff, v27  }
0x509: {  	s1 =	sadd.s32 $0x10, s1;
	s24 =	smov.u32 s22;
	s22 =	smov.u32 s2;
	vm15 =	vlt.s32 v24, v5  }
0x50a: {  	p2 =	por $0x1, $0x1;
	s20 =	smov.u32 s18  }
0x50b: {  	[smem:$0x7C1] =	sst s12;
	s18 =	smov.u32 s28;
	s1 =	simm.s32 @!p2 $0x0  }
0x50c: {  	s12 =	smov.u32 s30;
	s30 =	smov.u32 s8;
	s1 =	simm.s32 @p2 $0x1  }
0x50d: {  	s28 =	simm.s32 $0x80000000;
	s8 =	smov.u32 s20;
	[smem:$0x7C7] =	sst s1  }
.LBB2_90:
0x50e: {  	s19 =	sld [smem:$0x7C8];
	_ =	sdelay $0x1  }
0x50f: {  	s1 =	simm.s32 @!p3 $0x0  }
0x510: {  	s1 =	simm.s32 @p3 $0x1;
	p2 =	seq.s32 s19, $0x1  }
0x511: {  	[smem:$0x7AC] =	sst s1;
	s1 =	simm.s32 @!p2 $0x0  }
0x512: {  	s20 =	sld [smem:$0x7C4];
	s1 =	simm.s32 @p2 $0x1  }
0x513: {  	[smem:$0x7C8] =	sst s1;
	s1 =	spop @p3 (v2sf)  }
0x514: {  	s2 =	sadd.s32 @p3 s6, s1;
	s6 =	sld [smem:$0x7C9]  }
0x515: {  	p4 =	por !p6, !p3;
	p3 =	seq.s32 s20, $0x1;
	s20 =	sld [smem:$0x7C7]  }
0x516: {  	v24, _, _ =	vpop @p2 (xrf0);
	s1 =	spop @p3 (v2sf);
	s2 =	smov.u32 @p4 s9;
	p5 =	seq.s32 @p3 s16, $0x0  }
0x517: {  	(v2sf) =	vpush @p2 v24, $0xF;
	s9 =	sxor.u32 @p3 $0x80000000, s1;
	s19 =	sadd.s32 @p3 s21, s1;
	p2 =	seq.s32 s6, $0x1  }
0x518: {  	s21 =	sld [smem:$0x7C3];
	p4 =	slt.s32 @p3 s9, $0x10;
	s1 =	simm.s32 @!p2 $0x0  }
0x519: {  	p6 =	seq.s32 s20, $0x1;
	p4 =	por @p3 !p5, !p4;
	s1 =	simm.s32 @p2 $0x1  }
0x51a: {  	s6 =	spop @p2 (v2sf);
	p4 =	por @p3 !p4, !p4;
	[smem:$0x7C9] =	sst s1  }
0x51b: {  	s1 =	sadd.s32 @p6 $0x10, s17;
	s17 =	sadd.s32 @p2 s12, s6;
	s6 =	simm.s32 @!p4 $0x0  }
0x51c: {  	s20 =	simm.s32 $0x11F00;
	s6 =	simm.s32 @p4 $0x1  }
0x51d: {  	v25 =	vsel @p2 vm15, $0x80000010, v3;
	p5 =	por !p4, !p3;
	[smem:$0x7B2] =	sst s6;
	s6 =	smov.u32 s26  }
0x51e: {  	(xrf0) =	vmin.scan.msk.u32 @p2 $0xffff, v25;
	s20 =	smov.u32 @p6 s1;
	s6 =	smov.u32 @p2 s17;
	p2 =	seq.s32 s21, $0x1  }
0x51f: {  	s19 =	smov.u32 @p5 s23;
	s23 =	sld [smem:$0x7C5];
	s1 =	simm.s32 @!p2 $0x0  }
0x520: {  	s1 =	simm.s32 @p2 $0x1  }
0x521: {  	v25, _, _ =	vpop @p2 (xrf0);
	[smem:$0x7C3] =	sst s1;
	s1 =	smov.u32 s26  }
0x522: {  	(v2sf) =	vpush @p2 v25, $0xF;
	s1 =	smov.u32 @p2 s10;
	p2 =	seq.s32 s23, $0x1  }
0x523: {  	v10 =	vadd.s32 @p6 v10, v12;
	v12 =	vmov @p3 s9;
	s21 =	rddreg [dreg:$0x12];
	s9 =	simm.s32 @!p2 $0x0  }
0x524: {  	s23 =	rddreg [dreg:$0x13];
	s9 =	simm.s32 @p2 $0x1  }
0x525: {  	s17 =	smov.u32 @p3 s7;
	[smem:$0x7C5] =	sst s9  }
0x526: {  	s7 =	smov.u32 s21;
	s9 =	smov.u32 @p2 s31;
	s31 =	sld [smem:$0x7AC]  }
0x527: {  	s7 =	smov.u32 @p3 s17;
	s17 =	smov.u32 s23  }
0x528: {  	s17 =	smov.u32 @p2 s9;
	s9 =	sld [smem:$0x7C6]  }
0x529: {  	p4 =	seq.s32 s31, $0x1;
	s31 =	sld [smem:$0x7C2]  }
0x52a: {  	s16 =	simm.s32 @!p5 $0x1  }
0x52b: {  	s13 =	smov.u32 @p3 s16;
	s10 =	smov.u32 s26  }
0x52c: {  	s10 =	smov.u32 @p4 s2;
	p2 =	seq.s32 s9, $0x1;
	p5 =	seq.s32 s31, $0x1  }
0x52d: {  	s9 =	sld [smem:$0x7C8];
	p0 =	por @p5 p0, p0;
	s2 =	simm.s32 @!p5 $0x0  }
0x52e: {  	s16 =	sld [smem:$0x7C9];
	s2 =	simm.s32 @p5 $0x1;
	p0 =	por @p5 p0, p0  }
0x52f: {  	[smem:$0x7C2] =	sst s2;
	s2 =	simm.s32 @!p0 $0x0  }
0x530: {  	p4 =	seq.s32 s9, $0x1;
	s2 =	simm.s32 @p0 $0x1;
	s9 =	sld [smem:$0x7C2]  }
0x531: {  	[smem:$0x7AD] =	sst s2  }
0x532: {  	v10 =	vadd.s32 @p6 v13, v10;
	vm0 =	vgt.s32 @p3 v12, v1;
	s31 =	sld [smem:$0x7AD]  }
0x533: {  	v10 =	vadd.s32 @p6 v14, v10;
	v14 =	vnsel @p3 vm0, $0x0, v23;
	v23 =	vadd.s32 @p4 s6, v24  }
0x534: {  	s0 =	smov.u32 @p5 s0;
	vm0 =	vlt.s32 @p4 v23, v5;
	p0 =	seq.s32 s16, $0x1  }
0x535: {  	vm1 =	vmmov @p4 vm0;
	s16 =	sld [smem:$0x7C2];
	p4 =	seq.s32 s9, $0x1;
	p5 =	seq.s32 s31, $0x1  }
0x536: {  	p5 =	por @!p4 p0, p0  }
0x537: {  	s2 =	smov.u32 @p0 s4;
	s4 =	simm.s32 @!p5 $0x0  }
0x538: {  	s4 =	simm.s32 @p5 $0x1;
	p5 =	seq.s32 s16, $0x1;
	s16 =	sld [smem:$0x7C8]  }
0x539: {  	[smem:$0x7AD] =	sst s4;
	s4 =	spop @p5 (v2sf)  }
0x53a: {  	s0 =	sadd.s32 @p5 s0, s4;
	s4 =	sld [smem:$0x7AD]  }
0x53b: {  	s31 =	rddreg [dreg:$0x1c]  }
0x53c: {  	v25, _, _ =	vpop @p0 (xrf0);
	s9 =	smov.u32 s31;
	p4 =	seq.s32 s16, $0x1;
	s16 =	sld [smem:$0x7C5]  }
0x53d: {  	(v2sf) =	vpush @p0 v25, $0xF;
	s9 =	smov.u32 @p0 s2;
	p0 =	seq.s32 s4, $0x1  }
0x53e: {  	p0 =	por !p0, !p5  }
0x53f: {  	s2 =	sadd.s32 @p2 $0x10, s20;
	s0 =	smov.u32 @p0 s10;
	p0 =	seq.s32 s16, $0x1  }
0x540: {  	s29 =	smov.u32 @p2 s2;
	s2 =	spop @p0 (v2sf)  }
0x541: {  	s10 =	sadd.s32 @p0 s17, s2;
	s2 =	sxor.u32 @p0 $0x80000000, s2  }
0x542: {  	s4 =	spop @p4 (v2sf);
	p5 =	slt.s32 @p0 s2, $0x10  }
0x543: {  	v13 =	vld @p2 [tilespmem:s20+$0xFFFFFF00];
	s16 =	sadd.s32 @p4 s6, s4;
	s4 =	simm.s32 @!p5 $0x0  }
0x544: {  	v12 =	vld @p2 [tilespmem:s20+$0xFFFFFF80];
	s4 =	simm.s32 @p5 $0x1;
	p5 =	seq.s32 @p0 s13, $0x0  }
0x545: {  	(xrf0) =	vadd.scan.msk.s32 @p6 $0xffff, v10;
	v24 =	vld @p2 [tilespmem:s20+$0x0];
	[smem:$0x7AF] =	sst s4;
	s4 =	simm.s32 @!p5 $0x0  }
0x546: {  	(xrf0) =	vadd.scan.msk.s32 @p3 $0xffff, v14;
	v14 =	vld @p2 [tilespmem:s20+$0x80];
	s4 =	simm.s32 @p5 $0x1;
	s20 =	sld [smem:$0x7AF]  }
0x547: {  	[smem:$0x7AE] =	sst s4  }
0x548: {  	s5 =	smov.u32 @p3 s19;
	s19 =	sld [smem:$0x7AE];
	_ =	sdelay $0x1  }
0x549: {  	v23 =	vsel @p4 vm1, $0x80000010, v3;
	s4 =	smov.u32 s26  }
0x54a: {  	(xrf0) =	vmin.scan.msk.u32 @p4 $0xffff, v23;
	s4 =	smov.u32 @p4 s16;
	p5 =	seq.s32 s20, $0x1;
	p4 =	seq.s32 s19, $0x1  }
0x54b: {  	s17 =	sld [smem:$0x7C3];
	p4 =	por @p0 !p4, !p5  }
0x54c: {  	s20 =	sld [smem:$0x7BF];
	s16 =	simm.s32 @!p4 $0x0  }
0x54d: {  	s19 =	sld [smem:$0x7C2];
	s16 =	simm.s32 @p4 $0x1  }
0x54e: {  	[smem:$0x7B0] =	sst s16  }
0x54f: {  	p5 =	por p0, p0;
	p4 =	seq.s32 s17, $0x1;
	s17 =	sld [smem:$0x7B0]  }
0x550: {  	p0 =	por @p4 p1, p1;
	s16 =	smov.u32 s26;
	p1 =	seq.s32 s19, $0x1  }
0x551: {  	s16 =	smov.u32 @p1 s0;
	p1 =	seq.s32 s20, $0x1  }
0x552: {  	p0 =	por @!p4 p1, p1;
	p1 =	seq.s32 s17, $0x1  }
0x553: {  	p1 =	por @p5 !p1, !p1  }
0x554: {  	s0 =	simm.s32 @!p1 $0x0  }
0x555: {  	s0 =	simm.s32 @p1 $0x1  }
0x556: {  	[smem:$0x7B7] =	sst s0  }
0x557: {  	s20 =	sld [smem:$0x7B7]  }
0x558: {  	p0 =	por @p4 p0, p0  }
0x559: {  	s19 =	sld [smem:$0x7C8];
	s0 =	simm.s32 @!p0 $0x0  }
0x55a: {  	s17 =	sld [smem:$0x7C9];
	s0 =	simm.s32 @p0 $0x1;
	p0 =	seq.s32 s20, $0x1  }
0x55b: {  	[smem:$0x7B1] =	sst s0;
	p0 =	por !p0, !p5  }
0x55c: {  	s10 =	smov.u32 @p0 s5;
	s5 =	sld [smem:$0x7B1]  }
0x55d: {  	v12 =	vpsel p2, v12, v19;
	v13 =	vpsel p2, v13, v18;
	p1 =	seq.s32 s19, $0x1;
	s0 =	smov.u32 @p4 s1;
	s1 =	simm.s32 @!p0 $0x0  }
0x55e: {  	v12 =	vadd.s32 @p2 v13, v12;
	v13 =	vpsel p2, v14, v22;
	s19 =	sld [smem:$0x7C5];
	s0 =	smov.u32 @p4 s0;
	s1 =	simm.s32 @p0 $0x1  }
0x55f: {  	v19, _, _ =	vpop @p6 (xrf0);
	v18 =	vpsel p2, v24, v21;
	[smem:$0x7B3] =	sst s1;
	s1 =	spop @p4 (v2sf);
	p0 =	seq.s32 s5, $0x1  }
0x560: {  	v12 =	vadd.s32 @p2 v18, v12;
	v14, _, _ =	vpop @p3 (xrf0);
	(v2sf) =	vpush @p6 v19, $0xF;
	s20 =	rddreg [dreg:$0x1b];
	s0 =	sadd.s32 @p4 s0, s1;
	p5 =	por @p4 p0, p0  }
0x561: {  	v12 =	vadd.s32 @p2 v13, v12;
	(v2sf) =	vpush @p3 v14, $0xF;
	v13, _, _ =	vpop @p1 (xrf0);
	p5 =	por @!p4 p0, p0;
	p0 =	seq.s32 s17, $0x1;
	s17 =	sld [smem:$0x7BE]  }
0x562: {  	(v2sf) =	vpush @p1 v13, $0xF;
	p1 =	por !p5, !p4;
	p5 =	seq.s32 s19, $0x1;
	s19 =	sld [smem:$0x7B2]  }
0x563: {  	s5 =	smov.u32 s20;
	s1 =	smov.u32 @p0 s9;
	s9 =	sld [smem:$0x7C0]  }
0x564: {  	v13 =	vmov @p5 s2;
	s0 =	smov.u32 @p1 s16;
	s5 =	smov.u32 @p0 s1;
	s2 =	sld [smem:$0x7B3]  }
0x565: {  	p1 =	por p5, p5;
	s1 =	smov.u32 s26;
	s16 =	sld [smem:$0x7B7]  }
0x566: {  	v14 =	vmov @p5 v20;
	s1 =	smov.u32 @p4 s0;
	p4 =	seq.s32 s17, $0x1;
	p5 =	seq.s32 s19, $0x1  }
0x567: {  	s17 =	sld [smem:$0x7C9];
	p5 =	por @!p3 p4, p4;
	p0 =	seq.s32 s2, $0x1  }
0x568: {  	p4 =	seq.s32 s16, $0x1;
	s13 =	simm.s32 @!p0 $0x1;
	p0 =	seq.s32 s9, $0x1  }
0x569: {  	p4 =	por @!p1 p0, p0  }
0x56a: {  	s15 =	smov.u32 @p1 s10;
	s0 =	simm.s32 @!p4 $0x0  }
0x56b: {  	p0 =	seq.s32 s17, $0x1;
	s0 =	simm.s32 @p4 $0x1;
	p4 =	por @p3 p5, p5  }
0x56c: {  	[smem:$0x7B7] =	sst s0;
	s0 =	spop @p0 (v2sf);
	p4 =	por @!p3 p0, p0  }
0x56d: {  	s2 =	smov.u32 @p3 s7;
	s10 =	sxor.u32 @p0 $0x80000000, s0;
	s7 =	simm.s32 @!p4 $0x0  }
0x56e: {  	s7 =	simm.s32 @p4 $0x1;
	p4 =	slt.s32 @p0 s10, $0x10  }
0x56f: {  	[smem:$0x7B5] =	sst s7;
	s7 =	simm.s32 @!p4 $0x0  }
0x570: {  	s7 =	simm.s32 @p4 $0x1  }
0x571: {  	[smem:$0x7B4] =	sst s7  }
0x572: {  	s7 =	sld [smem:$0x7B4];
	_ =	sdelay $0x1  }
0x573: {  	v55 =	vld [tilespmem:$0x1FFC0];
	(xrf0) =	vadd.scan.msk.s32 @p2 $0xffff, v12;
	s25 =	smov.u32 @p1 s13  }
0x574: {  	p5 =	seq.s32 @p0 s25, $0x0;
	p4 =	seq.s32 s7, $0x1  }
0x575: {  	p5 =	por @p0 !p5, !p4  }
0x576: {  	v18 =	vadd.s32 @p6 s4, v19;
	s17 =	smov.u32 @p6 s22;
	s22 =	sld [smem:$0x7BC];
	s7 =	simm.s32 @!p5 $0x0  }
0x577: {  	v14 =	vpsel p1, v14, v7;
	vm0 =	vgt.s32 @p1 v13, v1;
	s19 =	sld [smem:$0x7B5];
	s7 =	simm.s32 @p5 $0x1  }
0x578: {  	vm1 =	vlt.s32 @p6 v18, v5;
	v13 =	vnsel @p1 vm0, $0x0, v14;
	vm0 =	vnez.u8 v55;
	[smem:$0x7B6] =	sst s7  }
0x579: {  	v18, _, _ =	vpop @p2 (xrf0);
	vm0 =	vmmov @p6 vm1;
	s2 =	smov.u32 @p3 s2;
	s7 =	sld [smem:$0x7B6]  }
0x57a: {  	(v2sf) =	vpush @p2 v18, $0xF;
	(xrf0) =	vadd.scan.msk.s32 @p1 $0xffff, v13;
	s16 =	sld [smem:$0x7C1];
	v13 =	vsel @p6 vm0, $0x80000010, v3;
	s2 =	smov.u32 @p3 s2;
	p4 =	seq.s32 s19, $0x1  }
0x57b: {  	(xrf0) =	vmin.scan.msk.u32 @p6 $0xffff, v13;
	s13 =	sld [smem:$0x7C8];
	s22 =	smov.u32 @p6 s17;
	p4 =	por @p3 p4, p4  }
0x57c: {  	s17 =	smov.u32 s26;
	p5 =	por @p3 p4, p4;
	p4 =	seq.s32 s7, $0x1  }
0x57d: {  	s9 =	sadd.s32 @p0 s5, s0;
	s0 =	spop @p6 (v2sf);
	p4 =	por @p0 !p4, !p4  }
0x57e: {  	s0 =	sadd.s32 @p6 s4, s0;
	p5 =	por @!p3 p0, p0;
	s5 =	simm.s32 @!p4 $0x0  }
0x57f: {  	s19 =	rddreg [dreg:$0x16];
	p5 =	por !p5, !p3;
	s5 =	simm.s32 @p4 $0x1  }
0x580: {  	v56 =	vld [tilespmem:s29+$0xFFFFFF00];
	v21, _, _ =	vpop @p1 (xrf0);
	s7 =	smov.u32 s26;
	p4 =	por !p4, !p0;
	[smem:$0x7BA] =	sst s5  }
0x581: {  	v57 =	vld [tilespmem:s29+$0xFFFFFF80];
	(v2sf) =	vpush @p1 v21, $0xF;
	v14, _, _ =	vpop @p6 (xrf0);
	s5 =	spop @p3 (v2sf);
	s9 =	smov.u32 @p4 s15;
	s25 =	simm.s32 @!p4 $0x1  }
0x582: {  	v58 =	vld [tilespmem:s29+$0x0];
	(v2sf) =	vpush @p6 v14, $0xF;
	v14 =	vmov @p0 v17;
	v17 =	vmov @p0 s10;
	s10 =	smov.u32 s28;
	s2 =	sadd.s32 @p3 s2, s5;
	s7 =	smov.u32 @p0 s25  }
0x583: {  	v59 =	vld [tilespmem:s29+$0x80];
	s5 =	smov.u32 s26;
	s2 =	smov.u32 @p5 s1;
	s1 =	smov.u32 s26  }
0x584: {  	s17 =	smov.u32 @p0 s9;
	s1 =	smov.u32 @p3 s2;
	p3 =	seq.s32 s13, $0x1  }
0x585: {  	s13 =	smov.u32 s19;
	s2 =	smov.u32 @p3 s24;
	s15 =	spop @p3 (v2sf)  }
0x586: {  	v13 =	vadd.s32 v56, v57;
	s5 =	smov.u32 @p6 s0;
	s13 =	smov.u32 @p3 s2;
	s2 =	sxor.u32 @p3 $0x80000000, s15  }
0x587: {  	v13 =	vadd.s32 v58, v13;
	s0 =	smov.u32 s23;
	p5 =	seq.s32 @p3 s7, $0x0;
	p4 =	slt.s32 @p3 s2, $0x10  }
0x588: {  	v60 =	vld [tilespmem:$0x1FFD0];
	v13 =	vadd.s32 v59, v13;
	s0 =	smov.u32 @p3 s13;
	s13 =	smov.u32 s3;
	p5 =	por @p3 !p5, !p4  }
0x589: {  	(xrf0) =	vadd.scan.msk.s32 $0xffff, v13;
	s13 =	smov.u32 @p1 s16;
	s16 =	spop @p2 (v2sf);
	s10 =	smov.u32 @p3 s0  }
0x58a: {  	s0 =	smov.u32 s26;
	s16 =	sadd.s32 @p2 s5, s16;
	p4 =	por @p3 !p5, !p5  }
0x58b: {  	v14 =	vpsel p0, v14, v9;
	vm0 =	vgt.s32 @p0 v17, v1;
	v17 =	vmov @p3 s2;
	s10 =	sadd.s32 @p3 s10, s15;
	s15 =	sld [smem:$0x7B7];
	s2 =	simm.s32 @!p4 $0x0  }
0x58c: {  	s9 =	smov.u32 s26;
	v14 =	vpsel p0, v14, v8;
	v18 =	vadd.s32 @p2 s5, v18;
	s0 =	smov.u32 @p2 s16;
	s2 =	simm.s32 @p4 $0x1  }
0x58d: {  	v14 =	vnsel @p0 vm0, $0x0, v14;
	vm0 =	vnez.u8 v60;
	vm1 =	vlt.s32 @p2 v18, v5;
	p4 =	por !p4, !p3;
	[smem:$0x7BB] =	sst s2;
	s2 =	smov.u32 @p1 s13  }
0x58e: {  	v15 =	vpsel p3, v15, v11;
	vm0 =	vmmov @p2 vm1;
	s10 =	smov.u32 @p4 s17;
	s7 =	simm.s32 @!p4 $0x1;
	p4 =	seq.s32 s15, $0x1  }
0x58f: {  	v61, _, _ =	vpop (xrf0);
	(xrf0) =	vadd.scan.msk.s32 @p0 $0xffff, v14;
	v15 =	vpsel p3, v15, v7;
	v18 =	vsel @p2 vm0, $0x80000010, v3;
	s9 =	smov.u32 @p1 s2;
	s2 =	smov.u32 @p6 s22;
	p4 =	por @p1 p4, p4  }
0x590: {  	v15 =	vpsel p3, v15, v6;
	vm0 =	vgt.s32 @p3 v17, v1;
	v62 =	vadd.s32 s0, v61;
	s13 =	spop @p1 (v2sf);
	s31 =	smov.u32 @p6 s2;
	p4 =	por @!p1 p0, p0  }
0x591: {  	v15 =	vnsel @p3 vm0, $0x0, v15;
	vm0 =	vlt.s32 v62, v5;
	s2 =	smov.u32 @p1 s9;
	s9 =	smov.u32 @p6 s31;
	p4 =	por @p1 p4, p4  }
0x592: {  	(xrf0) =	vmin.scan.msk.u32 @p2 $0xffff, v18;
	v5 =	vsel vm0, $0x80000010, v3;
	s2 =	smov.u32 @p1 s2;
	s20 =	smov.u32 @p6 s9;
	p4 =	por @p1 p4, p4  }
0x593: {  	s2 =	smov.u32 @p1 s2;
	s9 =	smov.u32 s26;
	p4 =	por @!p1 p0, p0  }
0x594: {  	(xrf0) =	vadd.scan.msk.s32 @p3 $0xffff, v15;
	s15 =	spop @p6 (v2sf);
	s9 =	smov.u32 @p3 s7;
	p4 =	por !p4, !p1  }
0x595: {  	(v2sf) =	vpush v61, $0xF;
	(xrf0) =	vmin.scan.msk.u32 $0xffff, v5;
	v5, _, _ =	vpop @p0 (xrf0);
	s2 =	sadd.s32 @p1 s2, s13;
	s13 =	sxor.u32 @p6 $0x80000000, s15;
	s7 =	simm.s32 @!p4 $0x0  }
0x596: {  	(v2sf) =	vpush @p0 v5, $0xF;
	s7 =	simm.s32 @p4 $0x1;
	p4 =	slt.s32 @p6 s13, $0x10  }
0x597: {  	[smem:$0x7B8] =	sst s7;
	s7 =	simm.s32 @!p4 $0x0  }
0x598: {  	v5, _, _ =	vpop @p2 (xrf0);
	s7 =	simm.s32 @p4 $0x1;
	s16 =	sld [smem:$0x7B8]  }
0x599: {  	(v2sf) =	vpush @p2 v5, $0xF;
	[smem:$0x7B9] =	sst s7  }
0x59a: {  	s3 =	smov.u32 @p3 s6;
	s6 =	smov.u32 s26;
	v5, _, _ =	vpop @p3 (xrf0);
	s17 =	sld [smem:$0x7B9]  }
0x59b: {  	s6 =	smov.u32 @p3 s3;
	(v2sf) =	vpush @p3 v5, $0xF  }
0x59c: {  	p5 =	seq.s32 @p6 s9, $0x0;
	s7 =	smov.u32 s26;
	p4 =	seq.s32 s16, $0x1  }
0x59d: {  	v5, _, _ =	vpop (xrf0);
	s2 =	smov.u32 @p4 s1;
	s1 =	smov.u32 @p6 s20;
	p4 =	seq.s32 s17, $0x1  }
0x59e: {  	(v2sf) =	vpush v5, $0xF;
	s20 =	sld [smem:$0x7BA];
	s7 =	smov.u32 @p1 s2;
	p4 =	por @p6 !p5, !p4  }
0x59f: {  	s1 =	smov.u32 @p6 s1;
	s2 =	smov.u32 s26;
	p1 =	por @p6 !p4, !p4  }
0x5a0: {  	s2 =	smov.u32 @p3 s10;
	s1 =	sadd.s32 @p6 s1, s15;
	p4 =	por !p1, !p6  }
0x5a1: {  	s3 =	smov.u32 @p3 s6;
	s10 =	smov.u32 @p0 s12;
	s1 =	smov.u32 @p4 s2  }
0x5a2: {  	s2 =	smov.u32 @p2 s8;
	s9 =	simm.s32 @!p4 $0x1;
	s8 =	rddreg [dreg:$0x1f]  }
0x5a3: {  	v5 =	vmov @p6 v10;
	p4 =	seq.s32 s20, $0x1;
	s8 =	smov.u32 @p0 s10;
	s10 =	sld [smem:$0x7BD]  }
0x5a4: {  	s25 =	sld [smem:$0x7BB];
	s22 =	spop (v2sf);
	v5 =	vpsel p6, v5, v16;
	p4 =	por @!p0 p0, p0  }
0x5a5: {  	s31 =	sld [smem:$0x7CA];
	v5 =	vpsel p6, v5, v9;
	s6 =	spop @p0 (v2sf);
	p4 =	por @p0 p4, p4  }
0x5a6: {  	v5 =	vpsel p6, v5, v8;
	v8 =	vmov @p6 s13;
	p4 =	por @!p0 p0, p0;
	s10 =	smov.u32 @p2 s2;
	s2 =	smov.u32 @p0 s8  }
0x5a7: {  	v5 =	vpsel p6, v5, v0;
	vm0 =	vgt.s32 @p6 v8, v1;
	s8 =	smov.u32 s21;
	s21 =	smov.u32 @p6 s4;
	p4 =	por @p0 p4, p4  }
0x5a8: {  	v5 =	vnsel @p6 vm0, $0x0, v5;
	s8 =	smov.u32 @p0 s2;
	s2 =	smov.u32 @p2 s10;
	s10 =	spop @p2 (v2sf)  }
0x5a9: {  	v9 =	vmov @p2 v12;
	(xrf0) =	vadd.scan.msk.s32 @p6 $0xffff, v5;
	p5 =	por @p0 p4, p4;
	p4 =	seq.s32 s25, $0x1;
	s19 =	smov.u32 @p2 s2  }
0x5aa: {  	v63 =	vpsel p2, v9, v11;
	s2 =	smov.u32 @p0 s8;
	s12 =	sxor.u32 @p2 $0x80000000, s10;
	s13 =	spop @p3 (v2sf)  }
0x5ab: {  	v5 =	vpsel p2, v63, v7;
	p4 =	por @!p3 p0, p0;
	p5 =	por @!p0 p0, p0;
	s8 =	smov.u32 @p2 s19  }
0x5ac: {  	v5 =	vpsel p2, v5, v6;
	s2 =	smov.u32 @p0 s2;
	v6 =	vmov @p2 s12;
	p4 =	por @p3 p4, p4;
	s23 =	smov.u32 @p2 s8  }
0x5ad: {  	v5 =	vpsel p2, v5, v0;
	p5 =	por !p5, !p0;
	vm0 =	vgt.s32 @p2 v6, v1;
	s4 =	smov.u32 @p2 s23;
	s23 =	spop (v2sf)  }
0x5ae: {  	s2 =	smov.u32 @p0 s2;
	s8 =	smov.u32 @p3 s3;
	v5 =	vnsel @p2 vm0, $0x0, v5;
	s24 =	sxor.u32 $0x80000000, s23  }
0x5af: {  	s3 =	smov.u32 s26;
	p4 =	por @!p3 p0, p0;
	s2 =	smov.u32 @p0 s2;
	v6, _, _ =	vpop @p6 (xrf0);
	(xrf0) =	vadd.scan.msk.s32 @p2 $0xffff, v5;
	v5 =	vmov s24  }
0x5b0: {  	s3 =	smov.u32 @p6 s9;
	s9 =	smov.u32 s26;
	s28 =	smov.u32 @p2 s4;
	vm0 =	vgt.s32 v5, v1  }
0x5b1: {  	s9 =	smov.u32 @p6 s1;
	s2 =	sadd.s32 @p0 s2, s6;
	s6 =	smov.u32 @p3 s8;
	v5 =	vnsel vm0, $0x0, v13  }
0x5b2: {  	s8 =	smov.u32 s26;
	s4 =	smov.u32 s26;
	(v2sf) =	vpush @p6 v6, $0xF;
	s6 =	smov.u32 @p3 s6;
	(xrf0) =	vadd.scan.msk.s32 $0xffff, v5  }
0x5b3: {  	s2 =	smov.u32 @p5 s7;
	p5 =	por @p3 p4, p4;
	p4 =	slt.s32 @p2 s12, $0x10  }
0x5b4: {  	s7 =	smov.u32 s26;
	s8 =	smov.u32 @p2 s5;
	s6 =	smov.u32 @p3 s6  }
0x5b5: {  	s7 =	smov.u32 @p0 s2;
	p0 =	por @p3 p5, p5;
	p5 =	seq.s32 @p2 s3, $0x0  }
0x5b6: {  	s5 =	smov.u32 @p2 s8;
	s8 =	smov.u32 s26;
	p0 =	por @!p3 p0, p0;
	v5, _, _ =	vpop @p2 (xrf0)  }
0x5b7: {  	s2 =	sadd.s32 @p3 s6, s13;
	p4 =	por @p2 !p5, !p4;
	p0 =	por !p0, !p3;
	(v2sf) =	vpush @p2 v5, $0xF  }
0x5b8: {  	s6 =	smov.u32 @p2 s28;
	s2 =	smov.u32 @p0 s7;
	p0 =	por @p2 !p4, !p4;
	v5, _, _ =	vpop (xrf0)  }
0x5b9: {  	s5 =	smov.u32 @p2 s5;
	s6 =	smov.u32 @p2 s6;
	p1 =	por @!p6 p0, p0;
	(v2sf) =	vpush v5, $0xF  }
0x5ba: {  	s6 =	sadd.s32 @p2 s6, s10;
	s7 =	smov.u32 s26;
	p1 =	por @p6 p1, p1  }
0x5bb: {  	s7 =	smov.u32 @p3 s2;
	s2 =	smov.u32 @p6 s21;
	p1 =	por @!p6 p0, p0  }
0x5bc: {  	p4 =	por !p0, !p2;
	s2 =	smov.u32 @p6 s2;
	p1 =	por @p6 p1, p1  }
0x5bd: {  	s6 =	smov.u32 @p4 s9;
	s3 =	simm.s32 @!p4 $0x1;
	p1 =	por @p6 p1, p1  }
0x5be: {  	p4 =	slt.s32 s24, $0x10;
	p1 =	por @!p6 p0, p0;
	p0 =	por @!p2 p0, p0  }
0x5bf: {  	s2 =	smov.u32 @p6 s2;
	s8 =	smov.u32 @p2 s3;
	p0 =	por @p2 p0, p0  }
0x5c0: {  	s2 =	smov.u32 @p6 s2;
	p5 =	seq.s32 s8, $0x0;
	p0 =	por @!p2 p0, p0  }
0x5c1: {  	s2 =	smov.u32 @p6 s2;
	p0 =	por @p2 p0, p0;
	s3 =	spop @p6 (v2sf)  }
0x5c2: {  	p0 =	por @p2 p0, p0;
	s2 =	sadd.s32 @p6 s2, s3;
	s3 =	smov.u32 @p2 s5  }
0x5c3: {  	p1 =	por !p1, !p6;
	p0 =	por @!p2 p0, p0;
	s3 =	smov.u32 @p2 s3  }
0x5c4: {  	p0 =	por !p0, !p2;
	s2 =	smov.u32 @p1 s7;
	s3 =	smov.u32 @p2 s3  }
0x5c5: {  	p1 =	por !p5, !p4;
	s4 =	smov.u32 @p6 s2;
	s2 =	smov.u32 @p2 s3  }
0x5c6: {  	p1 =	por !p1, !p1;
	s2 =	smov.u32 @p2 s2;
	s3 =	spop @p2 (v2sf)  }
0x5c7: {  	p6 =	por p1, p1;
	s3 =	sadd.s32 @p2 s2, s3;
	s2 =	smov.u32 s26  }
0x5c8: {  	v5 =	vld [tilespmem:$0x1FFE0];
	s3 =	smov.u32 @p0 s4;
	p0 =	por p6, p6;
	s29 =	spop (v2sf)  }
0x5c9: {  	s26 =	smov.u32 @p2 s3;
	p0 =	por p0, p0;
	s0 =	sadd.s32 s0, s29  }
0x5ca: {  	s26 =	smov.u32 @p0 s0;
	s0 =	simm.s32 $0xFC20  }
0x5cb: {  	s25 =	rddreg [dreg:$0xd];
	[tilespmem:s0+$0xFFFFFFE0] =	vst v0  }
0x5cc: {  	s1 =	sadd.s32 s18, s23;
	p4 =	seq.s32 s31, $0x1;
	s2 =	smov.u32 @p2 s6;
	[tilespmem:s0+$0x10] =	vst v0  }
0x5cd: {  	vm15 =	vnez.u8 v5;
	s2 =	smov.u32 @p1 s1;
	s1 =	simm.s32 $0x0;
	s3 =	rddreg [dreg:$0xe];
	[tilespmem:s0+$0x0] =	vst v0  }
.LBB2_91:
0x5ce: {  	s1 =	sadd.s32 $0x4, s1  }
0x5cf: {  	[tilespmem:s0+$0xFFFFFFF0] =	vst v0;
	s0 =	sadd.s32 $0x40, s0;
	p0 =	slt.u32 s1, $0x7C  }
.Ltmp47:
0x5d0: {  	[tilespmem:s0+$0xFFFFFFE0] =	vst v0;
	(pc) =	sbr.rel @p0 .LBB2_91-.Ltmp47, $3  }
0x5d1: {  	_ =	sdelay $0x1  }
0x5d2: {  	[tilespmem:s0+$0x10] =	vst v0  }
0x5d3: {  	[tilespmem:s0+$0x0] =	vst v0  }
0x5d4: {  	v5 =	vld [tilespmem:$0x1FFF0]  }
.Ltmp48:
0x5d5: {  	_ = 	snop;
	(pc) =	sbr.rel @p4 .LBB2_99-.Ltmp48, $3  }
0x5d6: {  	_ =	sdelay $0x1  }
0x5d7: {  	s31 =	sshll.u32 s3, $0x7  }
0x5d8: {  	[tilespmem:s0+$0xFFFFFFF0] =	vst v0;
	s1 =	sadd.s32 s31, s2;
	vm1 =	vnez.u8 v5  }
0x5d9: {  	p1 =	sne.s32 s25, $0x1  }
.Ltmp49:
0x5da: {  	_ = 	snop;
	(pc) =	sbr.rel @!p1 .LBB2_94-.Ltmp49, $3  }
0x5db: {  	_ =	sdelay $0x1  }
0x5dc: {  	s2 =	simm.s32 $0x12600  }
0x5dd: {  	v5 =	vmov s1;
	s0 =	simm.s32 $0x0;
	p0 =	por $0x0, $0x0;
	v6 =	vld [tilespmem:s2+$0x0];
	s2 =	sadd.s32 $0xFFFFFFFF, s25  }
0x5de: {  	_ =	sdelay $0x3  }
0x5df: {  	v7 =	vor.u32 s0, v1;
	v8 =	vshra.s32 v6, $0x7  }
0x5e0: {  	vm0 =	vlt.s32 v7, v4;
	v6 =	vshll.u32 v6, $0x4;
	vm1 =	veq.s32 v8, v5  }
0x5e1: {  	v6 =	vor.u32 v1, v6;
	vm0 =	vmand vm0, vm1  }
0x5e2: {  	v6 =	vand.u32 $0x7FF, v6  }
0x5e3: {  	p1 =	sne.s32 s2, $0x1  }
.Ltmp50:
0x5e4: {  	_ = 	snop;
	(pc) =	sbr.rel @!p1 .LBB2_96-.Ltmp50, $3  }
0x5e5: {  	_ =	sdelay $0x1  }
0x5e6: {  	s3 =	simm.s32 $0x12610;
	[tilespmem:v6+s14+$0x0] =	vst.idx.add.s32.msk vm0, v2  }
0x5e7: {  	s4 =	sadd.s32 $0xFFFFFFFF, s2;
	p0 =	por $0x1, $0x1;
	s2 =	simm.s32 $0x0;
	v6 =	vld [tilespmem:s3+$0x0]  }
.LBB2_97:
0x5e8: {  	p1 =	sne.s32 s4, $0x1;
	_ =	sdelay $0x2  }
0x5e9: {  	s2 =	sadd.s32 $0x10, s2  }
0x5ea: {  	v7 =	vor.u32 s2, v1;
	v8 =	vshra.s32 v6, $0x7  }
0x5eb: {  	vm0 =	vlt.s32 v7, v4;
	v6 =	vshll.u32 v6, $0x4;
	vm1 =	veq.s32 v8, v5  }
0x5ec: {  	v6 =	vor.u32 v1, v6;
	vm0 =	vmand vm0, vm1  }
0x5ed: {  	v6 =	vand.u32 $0x7FF, v6;
	_ =	sdelay $0x1  }
.Ltmp51:
0x5ee: {  	(pc) =	sbr.rel @p1 .LBB2_97-.Ltmp51, $3  }
0x5ef: {  	_ =	sdelay $0x1  }
0x5f0: {  	s3 =	sadd.s32 $0x10, s3;
	[tilespmem:v6+s14+$0x0] =	vst.idx.add.s32.msk vm0, v2  }
0x5f1: {  	s4 =	sadd.s32 $0xFFFFFFFF, s4;
	v6 =	vld [tilespmem:s3+$0x0]  }
.LBB2_98:
0x5f2: {  	_ =	sdelay $0x1  }
0x5f3: {  	s2 =	sadd.s32 @p0 $0x10, s2  }
0x5f4: {  	s0 =	smov.u32 @p0 s2  }
0x5f5: {  	v7 =	vor.u32 s0, v1;
	v8 =	vshra.s32 v6, $0x7  }
0x5f6: {  	vm0 =	vlt.s32 v7, v4;
	vm1 =	veq.s32 v8, v5;
	v5 =	vshll.u32 v6, $0x4  }
0x5f7: {  	vm0 =	vmand vm0, vm1;
	v5 =	vor.u32 v1, v5  }
0x5f8: {  	v5 =	vand.u32 $0x7FF, v5;
	_ =	sdelay $0x4  }
0x5f9: {  	[tilespmem:v5+s14+$0x0] =	vst.idx.add.s32.msk vm0, v2  }
0x5fa: {  	v5 =	vld [tilespmem:$0x1FFF0];
	_ =	sdelay $0x4  }
0x5fb: {  	vm1 =	vnez.u8 v5  }
.LBB2_99:
0x5fc: {  	s4 =	simm.s32 $0xFC80  }
0x5fd: {  	v5 =	vld [tilespmem:s4+$0xFFFFFF80]  }
0x5fe: {  	s0 =	ssub.s32 s30, s26;
	s3 =	simm.s32 $0x0;
	s5 =	simm.s32 $0x40;
	v6 =	vld [tilespmem:s4+$0xFFFFFF90]  }
.LBB2_100:
0x5ff: {  	p0 =	sne.s32 s5, $0x1C0;
	v7 =	vld [tilespmem:s4+$0xFFFFFFA0]  }
0x600: {  	v8 =	vld [tilespmem:s4+$0xFFFFFFB0]  }
0x601: {  	v9 =	vld [tilespmem:s4+$0xFFFFFFC0]  }
0x602: {  	v10 =	vld [tilespmem:s4+$0xFFFFFFD0];
	(xrf0) =	vadd.scan.msk.s32 $0xffff, v5  }
0x603: {  	v5 =	vld [tilespmem:s4+$0xFFFFFFE0];
	(xrf0) =	vadd.scan.msk.s32 $0xffff, v6  }
0x604: {  	v6 =	vld [tilespmem:s4+$0xFFFFFFF0];
	(xrf0) =	vadd.scan.msk.s32 $0xffff, v7  }
0x605: {  	v7 =	vld [tilespmem:s4+$0x0];
	(xrf0) =	vadd.scan.msk.s32 $0xffff, v8  }
0x606: {  	v8 =	vld [tilespmem:s4+$0x10];
	(xrf0) =	vadd.scan.msk.s32 $0xffff, v9  }
0x607: {  	v9 =	vld [tilespmem:s4+$0x20];
	(xrf0) =	vadd.scan.msk.s32 $0xffff, v10  }
0x608: {  	v10 =	vld [tilespmem:s4+$0x30];
	v11, _, _ =	vpop (xrf0);
	(xrf0) =	vadd.scan.msk.s32 $0xffff, v5  }
0x609: {  	v5 =	vld [tilespmem:s4+$0x40];
	v12, _, _ =	vpop (xrf0);
	(xrf0) =	vadd.scan.msk.s32 $0xffff, v6  }
0x60a: {  	v6 =	vbroadcast v11, $0xF;
	v15 =	vbroadcast v12, $0xF;
	v12 =	vld [tilespmem:s4+$0x50];
	v13, _, _ =	vpop (xrf0);
	(xrf0) =	vadd.scan.msk.s32 $0xffff, v7  }
0x60b: {  	v7 =	vbroadcast v13, $0xF;
	v13 =	vld [tilespmem:s4+$0x60];
	v14, _, _ =	vpop (xrf0);
	(xrf0) =	vadd.scan.msk.s32 $0xffff, v8  }
0x60c: {  	v6 =	vsel vm15, v6, v15;
	v8 =	vbroadcast v14, $0xF;
	v11, _, _ =	vpop (xrf0);
	(xrf0) =	vadd.scan.msk.s32 $0xffff, v9  }
0x60d: {  	v6 =	vsel vm1, v6, v7;
	v11 =	vbroadcast v11, $0xF;
	v9, _, _ =	vpop (xrf0);
	(xrf0) =	vadd.scan.msk.s32 $0xffff, v10  }
0x60e: {  	v6 =	vsel vm2, v6, v8;
	v14 =	vbroadcast v9, $0xF;
	v9 =	vld [tilespmem:s4+$0x70];
	v10, _, _ =	vpop (xrf0);
	(xrf0) =	vadd.scan.msk.s32 $0xffff, v5  }
0x60f: {  	v5 =	vsel vm3, v6, v11;
	v6 =	vbroadcast v10, $0xF;
	v7, _, _ =	vpop (xrf0);
	(xrf0) =	vadd.scan.msk.s32 $0xffff, v12  }
0x610: {  	v5 =	vsel vm4, v5, v14;
	v7 =	vbroadcast v7, $0xF;
	v8, _, _ =	vpop (xrf0);
	(xrf0) =	vadd.scan.msk.s32 $0xffff, v13  }
0x611: {  	v5 =	vsel vm5, v5, v6;
	v6 =	vbroadcast v8, $0xF;
	v8, _, _ =	vpop (xrf0)  }
0x612: {  	v5 =	vsel vm6, v5, v7;
	v7 =	vbroadcast v8, $0xF;
	v8, _, _ =	vpop (xrf0)  }
0x613: {  	v5 =	vsel vm7, v5, v6;
	v6 =	vbroadcast v8, $0xF;
	v8, _, _ =	vpop (xrf0);
	(xrf0) =	vadd.scan.msk.s32 $0xffff, v9  }
0x614: {  	v5 =	vsel vm8, v5, v7;
	v7 =	vbroadcast v8, $0xF;
	v8, _, _ =	vpop (xrf0)  }
0x615: {  	v5 =	vsel vm9, v5, v6;
	v6 =	vbroadcast v8, $0xF;
	v8, _, _ =	vpop (xrf0)  }
0x616: {  	v5 =	vsel vm10, v5, v7;
	v7 =	vbroadcast v8, $0xF;
	v8, _, _ =	vpop (xrf0)  }
0x617: {  	v5 =	vsel vm11, v5, v6;
	v8 =	vbroadcast v8, $0xF  }
0x618: {  	v5 =	vsel vm12, v5, v7  }
.Ltmp52:
0x619: {  	v5 =	vsel vm13, v5, v8;
	v6, _, _ =	vpop (xrf0);
	(pc) =	sbr.rel @p0 .LBB2_100-.Ltmp52, $4  }
0x61a: {  	s2 =	sshra.s32 s3, $0x2;
	s3 =	smov.u32 s5;
	v5 =	vsel vm14, v5, v6  }
0x61b: {  	s4 =	sadd.s32 $0x100, s4;
	[tilespmem:s2+$0x11C00] =	vst v5  }
0x61c: {  	v5 =	vld [tilespmem:s4+$0xFFFFFF80]  }
0x61d: {  	s5 =	sadd.s32 $0x40, s5;
	v6 =	vld [tilespmem:s4+$0xFFFFFF90]  }
0x61e: {  	_ = 	snop  }
0x61f: {  	v7 =	vld [tilespmem:s4+$0xFFFFFFA0]  }
0x620: {  	v8 =	vld [tilespmem:s4+$0xFFFFFFB0]  }
0x621: {  	v9 =	vld [tilespmem:s4+$0xFFFFFFC0];
	(xrf0) =	vadd.scan.msk.s32 $0xffff, v5  }
0x622: {  	v10 =	vld [tilespmem:s4+$0xFFFFFFD0];
	(xrf0) =	vadd.scan.msk.s32 $0xffff, v6  }
0x623: {  	v5 =	vld [tilespmem:s4+$0xFFFFFFE0]  }
0x624: {  	v6 =	vld [tilespmem:s4+$0xFFFFFFF0];
	(xrf0) =	vadd.scan.msk.s32 $0xffff, v7  }
0x625: {  	(xrf0) =	vadd.scan.msk.s32 $0xffff, v8  }
0x626: {  	(xrf0) =	vadd.scan.msk.s32 $0xffff, v9  }
0x627: {  	v7 =	vld [tilespmem:s4+$0x0];
	(xrf0) =	vadd.scan.msk.s32 $0xffff, v10;
	v11, _, _ =	vpop (xrf0)  }
0x628: {  	v8 =	vld [tilespmem:s4+$0x10];
	(xrf0) =	vadd.scan.msk.s32 $0xffff, v5;
	v12, _, _ =	vpop (xrf0)  }
0x629: {  	v9 =	vld [tilespmem:s4+$0x20];
	(xrf0) =	vadd.scan.msk.s32 $0xffff, v6;
	v6 =	vbroadcast v11, $0xF;
	v11 =	vbroadcast v12, $0xF;
	_ =	sdelay $0x1  }
0x62a: {  	v10 =	vld [tilespmem:s4+$0x30];
	v13, _, _ =	vpop (xrf0)  }
0x62b: {  	v5 =	vld [tilespmem:s4+$0x40];
	(xrf0) =	vadd.scan.msk.s32 $0xffff, v7;
	v7 =	vbroadcast v13, $0xF;
	v14, _, _ =	vpop (xrf0)  }
0x62c: {  	v55 =	vld [tilespmem:s4+$0x50];
	(xrf0) =	vadd.scan.msk.s32 $0xffff, v8;
	v6 =	vsel vm15, v6, v11;
	v8 =	vbroadcast v14, $0xF;
	v11, _, _ =	vpop (xrf0)  }
0x62d: {  	v56 =	vld [tilespmem:s4+$0x60];
	v6 =	vsel vm1, v6, v7;
	(xrf0) =	vadd.scan.msk.s32 $0xffff, v9;
	v7 =	vbroadcast v11, $0xF;
	v9, _, _ =	vpop (xrf0)  }
0x62e: {  	v6 =	vsel vm2, v6, v8;
	v8 =	vbroadcast v9, $0xF  }
0x62f: {  	(xrf0) =	vadd.scan.msk.s32 $0xffff, v10  }
0x630: {  	v10, _, _ =	vpop (xrf0);
	(xrf0) =	vadd.scan.msk.s32 $0xffff, v5  }
0x631: {  	v5 =	vsel vm3, v6, v7;
	v6 =	vbroadcast v10, $0xF;
	v7, _, _ =	vpop (xrf0);
	(xrf0) =	vadd.scan.msk.s32 $0xffff, v55  }
0x632: {  	v9 =	vld [tilespmem:s4+$0x70];
	v5 =	vsel vm4, v5, v8;
	v7 =	vbroadcast v7, $0xF;
	v8, _, _ =	vpop (xrf0);
	(xrf0) =	vadd.scan.msk.s32 $0xffff, v56  }
0x633: {  	v5 =	vsel vm5, v5, v6;
	v6 =	vbroadcast v8, $0xF;
	v8, _, _ =	vpop (xrf0)  }
0x634: {  	v5 =	vsel vm6, v5, v7;
	v7 =	vbroadcast v8, $0xF;
	v8, _, _ =	vpop (xrf0)  }
0x635: {  	v5 =	vsel vm7, v5, v6;
	v6 =	vbroadcast v8, $0xF;
	v8, _, _ =	vpop (xrf0)  }
0x636: {  	v5 =	vsel vm8, v5, v7;
	v7 =	vbroadcast v8, $0xF;
	v8, _, _ =	vpop (xrf0)  }
0x637: {  	(xrf0) =	vadd.scan.msk.s32 $0xffff, v9;
	v5 =	vsel vm9, v5, v6;
	v6 =	vbroadcast v8, $0xF;
	v8, _, _ =	vpop (xrf0)  }
0x638: {  	v5 =	vsel vm10, v5, v7;
	v7 =	vbroadcast v8, $0xF;
	v8, _, _ =	vpop (xrf0)  }
0x639: {  	v5 =	vsel vm11, v5, v6;
	v6 =	vbroadcast v8, $0xF;
	_ =	sdelay $0x2  }
0x63a: {  	v5 =	vsel vm12, v5, v7  }
0x63b: {  	v5 =	vsel vm13, v5, v6;
	v6, _, _ =	vpop (xrf0)  }
0x63c: {  	s2 =	sshra.s32 s3, $0x2;
	s17 =	rddreg [dreg:$0x7];
	v5 =	vsel vm14, v5, v6  }
0x63d: {  	s18 =	simm.s32 $0x80;
	s19 =	simm.s32 $0x400;
	s5 =	simm.s32 $0x11C00;
	[tilespmem:s2+$0x11C00] =	vst v5  }
0x63e: {  	[spmem:s17] =	stream.strided.scatter [tilespmem:s5], [sflag:$0x1], $0x200, s19, s18, $0x38;
	[tilespmem:$0x1B980] =	vst v63  }
0x63f: {  	_ =	swait.ge [sflag:s11], $0x200  }
0x640: {  	[sflag:s11] =	ssyncset.done $0x0  }
0x641: {  	[sflag:s11] =	ssyncadd.s32 $0xFFFFFE00  }
0x642: {  	[bflag:$0x0] =	sbarrier.arrive $0xFFFF  }
0x643: {  	s21 =	simm.s32 $0x200;
	s22 =	simm.s32 $0x11E00;
	s20 =	rddreg [dreg:$0x8]  }
0x644: {  	[tilespmem:s22], [sflag:$0x1] =	stream.strided.gather [spmem:s20], $0x800, s19, s21, $0x38;
	[tilespmem:$0x1B980] =	vst v63  }
0x645: {  	_ =	swait.ge [sflag:s11], $0x800  }
0x646: {  	[sflag:s11] =	ssyncset.done $0x0  }
0x647: {  	[sflag:s11] =	ssyncadd.s32 $0xFFFFF800  }
0x648: {  	s23 =	simm.s32 $0x11F00;
	[bflag:$0x0] =	sbarrier.arrive $0xFFFF  }
0x649: {  	v5 =	vld [tilespmem:s23+$0xFFFFFF00]  }
0x64a: {  	v6 =	vld [tilespmem:s23+$0xFFFFFF80]  }
0x64b: {  	v7 =	vld [tilespmem:s23+$0x0]  }
0x64c: {  	v8 =	vld [tilespmem:s23+$0x80];
	_ =	sdelay $0x2  }
0x64d: {  	v5 =	vadd.s32 v5, v6  }
0x64e: {  	v5 =	vadd.s32 v7, v5  }
0x64f: {  	v7 =	vadd.s32 v8, v5  }
0x650: {  	(xrf0) =	vadd.scan.msk.s32 $0xffff, v7;
	_ =	sdelay $0x5  }
0x651: {  	v6, _, _ =	vpop (xrf0)  }
0x652: {  	s24 =	simm.s32 $0x11F10;
	(v2sf) =	vpush v6, $0xF  }
0x653: {  	s3 =	simm.s32 $0x0;
	v9 =	vld [tilespmem:s24+$0xFFFFFF80]  }
0x654: {  	v5 =	vmov s0;
	v8 =	vld [tilespmem:s24+$0xFFFFFF00];
	v6 =	vadd.s32 s3, v6  }
0x655: {  	vm0 =	vlt.s32 v6, v5;
	v6 =	vld [tilespmem:s24+$0x0]  }
0x656: {  	v11 =	vld [tilespmem:s24+$0x80];
	v10 =	vsel vm0, $0x80000010, v3  }
0x657: {  	(xrf0) =	vmin.scan.msk.u32 $0xffff, v10;
	_ =	sdelay $0x1  }
0x658: {  	v8 =	vadd.s32 v8, v9  }
0x659: {  	v6 =	vadd.s32 v6, v8  }
0x65a: {  	v8 =	vadd.s32 v11, v6  }
0x65b: {  	(xrf0) =	vadd.scan.msk.s32 $0xffff, v8  }
0x65c: {  	v6, _, _ =	vpop (xrf0)  }
0x65d: {  	(v2sf) =	vpush v6, $0xF;
	_ =	sdelay $0x2  }
0x65e: {  	s26 =	spop (v2sf)  }
0x65f: {  	v6, _, _ =	vpop (xrf0);
	s4 =	sadd.s32 $0x0, s26  }
0x660: {  	v10 =	vadd.s32 s4, v6  }
0x661: {  	vm0 =	vlt.s32 v10, v5  }
0x662: {  	s28 =	simm.s32 $0x11F20;
	v57 =	vsel vm0, $0x80000010, v3  }
0x663: {  	v9 =	vld [tilespmem:s28+$0xFFFFFF00];
	(xrf0) =	vmin.scan.msk.u32 $0xffff, v57  }
0x664: {  	v11 =	vld [tilespmem:s28+$0xFFFFFF80];
	_ =	sdelay $0x1  }
0x665: {  	(v2sf) =	vpush v6, $0xF  }
0x666: {  	v10 =	vld [tilespmem:s28+$0x0]  }
0x667: {  	v58 =	vld [tilespmem:s28+$0x80]  }
0x668: {  	v6 =	vadd.s32 v9, v11;
	v9, _, _ =	vpop (xrf0)  }
0x669: {  	s29 =	spop (v2sf);
	(v2sf) =	vpush v9, $0xF;
	_ =	sdelay $0x1  }
0x66a: {  	v6 =	vadd.s32 v10, v6  }
0x66b: {  	v6 =	vadd.s32 v58, v6  }
0x66c: {  	(xrf0) =	vadd.scan.msk.s32 $0xffff, v6;
	s6 =	sxor.u32 $0x80000000, s29  }
0x66d: {  	v9 =	vmov s6  }
0x66e: {  	vm0 =	vgt.s32 v9, v1  }
0x66f: {  	v7 =	vnsel vm0, $0x0, v7  }
0x670: {  	s30 =	simm.s32 $0x11F30  }
0x671: {  	v10 =	vld [tilespmem:s30+$0xFFFFFF80]  }
0x672: {  	v9 =	vld [tilespmem:s30+$0xFFFFFF00];
	(xrf0) =	vadd.scan.msk.s32 $0xffff, v7;
	v7, _, _ =	vpop (xrf0)  }
0x673: {  	s7 =	spop (v2sf);
	(v2sf) =	vpush v7, $0xF  }
0x674: {  	v11 =	vld [tilespmem:s30+$0x0];
	s5 =	sadd.s32 s4, s7  }
0x675: {  	v59 =	vld [tilespmem:s30+$0x80];
	v7 =	vadd.s32 s5, v7  }
0x676: {  	vm0 =	vlt.s32 v7, v5  }
0x677: {  	v7 =	vadd.s32 v9, v10;
	v9 =	vsel vm0, $0x80000010, v3;
	s7 =	spop (v2sf)  }
0x678: {  	(xrf0) =	vmin.scan.msk.u32 $0xffff, v9;
	s9 =	sxor.u32 $0x80000000, s7  }
0x679: {  	v7 =	vadd.s32 v11, v7;
	v9 =	vmov s9  }
0x67a: {  	v60, _, _ =	vpop (xrf0);
	v7 =	vadd.s32 v59, v7;
	vm0 =	vgt.s32 v9, v1  }
0x67b: {  	(v2sf) =	vpush v60, $0xF;
	(xrf0) =	vadd.scan.msk.s32 $0xffff, v7;
	v8 =	vnsel vm0, $0x0, v8;
	_ =	sdelay $0x2  }
0x67c: {  	(xrf0) =	vadd.scan.msk.s32 $0xffff, v8;
	v8, _, _ =	vpop (xrf0)  }
0x67d: {  	s16 =	simm.s32 $0x11F40;
	(v2sf) =	vpush v8, $0xF  }
0x67e: {  	v10 =	vld [tilespmem:s16+$0xFFFFFF00]  }
0x67f: {  	v9 =	vld [tilespmem:s16+$0xFFFFFF80];
	v62, _, _ =	vpop (xrf0)  }
0x680: {  	v11 =	vld [tilespmem:s16+$0x0];
	s8 =	spop (v2sf);
	(v2sf) =	vpush v62, $0xF  }
0x681: {  	p0 =	slt.s32 s6, $0x10;
	s6 =	sadd.s32 s5, s8  }
0x682: {  	v61 =	vld [tilespmem:s16+$0x80];
	v63 =	vadd.s32 s6, v62  }
0x683: {  	vm0 =	vlt.s32 v63, v5  }
0x684: {  	s15 =	simm.s32 $0x80000010;
	s13 =	simm.s32 $0x80000020;
	p1 =	por $0x1, $0x1;
	v9 =	vadd.s32 v10, v9;
	v8 =	vsel vm0, $0x80000010, v3  }
0x685: {  	s10 =	simm.s32 $0x80000030;
	s12 =	simm.s32 $0x0;
	p0 =	por !p1, !p0;
	v9 =	vadd.s32 v11, v9;
	(xrf0) =	vmin.scan.msk.u32 $0xffff, v8  }
0x686: {  	s17 =	simm.s32 $0x80000050;
	s2 =	sadd.s32 $0x80000000, s29;
	p0 =	por !p0, !p0  }
0x687: {  	s12 =	simm.s32 @p0 $0x1;
	p6 =	slt.s32 s9, $0x10;
	s9 =	simm.s32 $0x0;
	v8 =	vadd.s32 v61, v9  }
0x688: {  	p2 =	seq.s32 s12, $0x0;
	s9 =	smov.u32 @p0 s2;
	s31 =	spop (v2sf);
	v9, _, _ =	vpop (xrf0);
	(xrf0) =	vadd.scan.msk.s32 $0xffff, v8  }
0x689: {  	p1 =	por !p2, !p6;
	s8 =	simm.s32 $0x80000040;
	s2 =	sadd.s32 $0x0, s31;
	(v2sf) =	vpush v9, $0xF  }
.LBB2_102:
0x68a: {  	p2 =	sne.s32 s17, $0x80000070;
	s3 =	smov.u32 @p0 s2  }
0x68b: {  	v9, _, _ =	vpop (xrf0);
	s2 =	smov.u32 s17;
	s17 =	sadd.s32 $0x10, s17;
	s18 =	smov.u32 s6  }
0x68c: {  	p0 =	por !p1, !p1;
	s15 =	sadd.s32 s15, s7;
	(v2sf) =	vpush v9, $0xF;
	s7 =	spop (v2sf)  }
0x68d: {  	s16 =	sadd.s32 $0x10, s16;
	s12 =	simm.s32 @p0 $0x1;
	s19 =	sxor.u32 $0x80000000, s7  }
0x68e: {  	s9 =	smov.u32 @p0 s15;
	p3 =	seq.s32 s12, $0x0;
	v9 =	vld [tilespmem:s16+$0xFFFFFF00];
	v10, _, _ =	vpop (xrf0);
	p1 =	slt.s32 s19, $0x10;
	v11 =	vmov s19  }
0x68f: {  	s15 =	smov.u32 s13;
	v12 =	vld [tilespmem:s16+$0xFFFFFF80];
	(v2sf) =	vpush v10, $0xF;
	s19 =	spop (v2sf);
	p1 =	por !p3, !p1;
	vm0 =	vgt.s32 v11, v1  }
0x690: {  	s13 =	smov.u32 s10;
	s10 =	smov.u32 s8;
	v11 =	vld [tilespmem:s16+$0x0];
	s6 =	sadd.s32 s6, s19;
	v13 =	vnsel vm0, $0x0, v6;
	v6 =	vmov v7;
	v7 =	vmov v8  }
0x691: {  	s8 =	smov.u32 s2;
	v8 =	vld [tilespmem:s16+$0x80];
	v10 =	vadd.s32 s6, v10;
	(xrf0) =	vadd.scan.msk.s32 $0xffff, v13  }
0x692: {  	vm0 =	vlt.s32 v10, v5  }
0x693: {  	v10 =	vsel vm0, $0x80000010, v3  }
0x694: {  	v9 =	vadd.s32 v9, v12;
	(xrf0) =	vmin.scan.msk.u32 $0xffff, v10  }
.Ltmp53:
0x695: {  	v10 =	vadd.s32 v11, v9;
	(pc) =	sbr.rel @p2 .LBB2_102-.Ltmp53, $4  }
0x696: {  	v8 =	vadd.s32 v8, v10  }
0x697: {  	(xrf0) =	vadd.scan.msk.s32 $0xffff, v8;
	v9, _, _ =	vpop (xrf0)  }
0x698: {  	(v2sf) =	vpush v9, $0xF;
	s2 =	spop (v2sf)  }
0x699: {  	s2 =	sadd.s32 s4, s2;
	s4 =	smov.u32 s5;
	s5 =	smov.u32 s18  }
0x69a: {  	_ =	sdelay $0x2  }
0x69b: {  	s17 =	spop (v2sf)  }
0x69c: {  	v9, _, _ =	vpop (xrf0);
	s18 =	sxor.u32 $0x80000000, s17;
	s16 =	spop (v2sf)  }
0x69d: {  	v10, _, _ =	vpop (xrf0);
	v11 =	vmov s18;
	s16 =	sadd.s32 s6, s16  }
0x69e: {  	vm0 =	vgt.s32 v11, v1;
	v63 =	vadd.s32 s16, v10  }
0x69f: {  	v6 =	vnsel vm0, $0x0, v6;
	vm0 =	vlt.s32 v63, v5  }
0x6a0: {  	(xrf0) =	vadd.scan.msk.s32 $0xffff, v6;
	v5 =	vsel vm0, $0x80000010, v3  }
0x6a1: {  	(xrf0) =	vmin.scan.msk.u32 $0xffff, v5;
	_ =	sdelay $0x3  }
0x6a2: {  	(v2sf) =	vpush v9, $0xF  }
0x6a3: {  	(v2sf) =	vpush v10, $0xF;
	v5, _, _ =	vpop (xrf0)  }
0x6a4: {  	(v2sf) =	vpush v5, $0xF;
	v5, _, _ =	vpop (xrf0)  }
0x6a5: {  	(v2sf) =	vpush v5, $0xF;
	_ =	sdelay $0xa  }
0x6a6: {  	s19 =	spop (v2sf)  }
0x6a7: {  	s20 =	spop (v2sf)  }
0x6a8: {  	s21 =	sxor.u32 $0x80000000, s20;
	s22 =	spop (v2sf)  }
0x6a9: {  	v5 =	vmov s21;
	s22 =	spop (v2sf)  }
0x6aa: {  	vm0 =	vgt.s32 v5, v1;
	s23 =	spop (v2sf)  }
0x6ab: {  	v5 =	vnsel vm0, $0x0, v7;
	s24 =	sxor.u32 $0x80000000, s23  }
0x6ac: {  	(xrf0) =	vadd.scan.msk.s32 $0xffff, v5;
	v5 =	vmov s24  }
0x6ad: {  	vm0 =	vgt.s32 v5, v1  }
0x6ae: {  	v5 =	vnsel vm0, $0x0, v8  }
0x6af: {  	(xrf0) =	vadd.scan.msk.s32 $0xffff, v5;
	_ =	sdelay $0x2  }
0x6b0: {  	v5, _, _ =	vpop (xrf0)  }
0x6b1: {  	(v2sf) =	vpush v5, $0xF;
	_ =	sdelay $0x1  }
0x6b2: {  	v5, _, _ =	vpop (xrf0)  }
0x6b3: {  	(v2sf) =	vpush v5, $0xF  }
0x6b4: {  	p1 =	por !p1, !p1  }
0x6b5: {  	s12 =	simm.s32 @p1 $0x1  }
0x6b6: {  	p3 =	seq.s32 s12, $0x0;
	p2 =	slt.s32 s18, $0x10  }
0x6b7: {  	s3 =	smov.u32 @p0 s2;
	s2 =	sadd.s32 s15, s7;
	p2 =	por !p3, !p2  }
0x6b8: {  	s1 =	sshll.u32 s1, $0x7;
	s15 =	rddreg [dreg:$0x6];
	p0 =	por !p2, !p2  }
0x6b9: {  	s9 =	smov.u32 @p1 s2;
	s12 =	simm.s32 @p0 $0x1;
	s2 =	sadd.s32 s4, s19  }
0x6ba: {  	s18 =	rddreg [dreg:$0xb];
	p3 =	seq.s32 s12, $0x0;
	s3 =	smov.u32 @p1 s2  }
0x6bb: {  	s2 =	sadd.s32 s13, s17;
	s13 =	rddreg [dreg:$0x5];
	p2 =	slt.s32 s21, $0x10  }
0x6bc: {  	s9 =	smov.u32 @p0 s2;
	p1 =	por !p3, !p2;
	s4 =	sadd.s32 s5, s22  }
0x6bd: {  	s2 =	sadd.s32 s10, s20;
	s3 =	smov.u32 @p0 s4;
	p0 =	por !p1, !p1  }
0x6be: {  	s10 =	rddreg [dreg:$0x3];
	s12 =	simm.s32 @p0 $0x1;
	s9 =	smov.u32 @p0 s2  }
0x6bf: {  	p6 =	seq.s32 s12, $0x0;
	p5 =	slt.s32 s24, $0x10;
	s30 =	spop (v2sf)  }
.Ltmp54:
0x6c0: {  	p1 =	por !p6, !p5;
	s4 =	sadd.s32 s6, s30;
	(pc) =	sbr.rel @p4 .LBB2_110-.Ltmp54, $4  }
0x6c1: {  	s2 =	sadd.s32 s8, s23;
	s3 =	smov.u32 @p0 s4;
	p0 =	por !p1, !p1  }
0x6c2: {  	s12 =	rddreg [dreg:$0x4];
	s9 =	smov.u32 @p0 s2;
	s31 =	spop (v2sf)  }
0x6c3: {  	s8 =	simm.s32 $0x2400;
	s1 =	sadd.s32 s1, s9;
	s2 =	sadd.s32 s16, s31  }
0x6c4: {  	s9 =	simm.s32 $0x0;
	s16 =	simm.s32 $0x4800;
	s3 =	smov.u32 @p0 s2  }
0x6c5: {  	p1 =	sne.s32 s25, $0x1  }
.Ltmp55:
0x6c6: {  	_ = 	snop;
	(pc) =	sbr.rel @!p1 .LBB2_105-.Ltmp55, $4  }
0x6c7: {  	_ = 	snop  }
0x6c8: {  	s4 =	simm.s32 $0x12600  }
0x6c9: {  	v7 =	vld [tilespmem:s4+$0x0]  }
0x6ca: {  	v5 =	vld [tilespmem:$0x1B680];
	v6 =	vmov s1;
	s2 =	simm.s32 $0x0;
	p0 =	por $0x0, $0x0;
	s4 =	sadd.s32 $0xFFFFFFFF, s25  }
0x6cb: {  	_ =	sdelay $0x1  }
0x6cc: {  	v8 =	vor.u32 s2, v1  }
0x6cd: {  	vm0 =	vlt.s32 v8, v4;
	vm1 =	vlt.s32 v7, v6  }
0x6ce: {  	vm0 =	vmand vm0, vm1  }
0x6cf: {  	p1 =	sne.s32 s4, $0x1;
	v7 =	vnsel vm0, $0x0, v7  }
.Ltmp56:
0x6d0: {  	v5 =	vadd.f32 v7, v5;
	(pc) =	sbr.rel @!p1 .LBB2_107-.Ltmp56, $4  }
0x6d1: {  	_ = 	snop  }
0x6d2: {  	s5 =	simm.s32 $0x12610;
	[tilespmem:$0x1B680] =	vst v5  }
0x6d3: {  	v7 =	vld [tilespmem:s5+$0x0]  }
0x6d4: {  	s6 =	sadd.s32 $0xFFFFFFFF, s4;
	p0 =	por $0x1, $0x1;
	s4 =	simm.s32 $0x0  }
.LBB2_108:
0x6d5: {  	p1 =	sne.s32 s6, $0x1;
	_ =	sdelay $0x1  }
0x6d6: {  	s4 =	sadd.s32 $0x10, s4  }
0x6d7: {  	v8 =	vor.u32 s4, v1  }
0x6d8: {  	vm1 =	vlt.s32 v7, v6;
	vm0 =	vlt.s32 v8, v4  }
0x6d9: {  	vm0 =	vmand vm0, vm1  }
.Ltmp57:
0x6da: {  	v7 =	vnsel vm0, $0x0, v7;
	(pc) =	sbr.rel @p1 .LBB2_108-.Ltmp57, $3  }
0x6db: {  	v5 =	vadd.f32 v7, v5;
	_ =	sdelay $0x1  }
0x6dc: {  	s5 =	sadd.s32 $0x10, s5;
	[tilespmem:$0x1B680] =	vst v5  }
0x6dd: {  	s6 =	sadd.s32 $0xFFFFFFFF, s6;
	v7 =	vld [tilespmem:s5+$0x0]  }
.Ltmp58:
0x6de: {  	_ = 	snop;
	(pc) =	sbr.rel .LBB2_109-.Ltmp58, $1  }
0x6df: {  	_ =	sdelay $0x3  }
.LBB2_12:
0x6e0: {  	p0 =	por $0x0, $0x0  }
0x6e1: {  	s0 =	simm.s32 @!p0 $0x0  }
0x6e2: {  	s0 =	simm.s32 @p0 $0x1;
	p0 =	por $0x0, $0x0  }
0x6e3: {  	[smem:$0x7F7] =	sst s0;
	s0 =	simm.s32 @!p0 $0x0  }
0x6e4: {  	s0 =	simm.s32 @p0 $0x1;
	p0 =	por $0x0, $0x0  }
0x6e5: {  	[smem:$0x7F8] =	sst s0;
	s0 =	simm.s32 @!p0 $0x0  }
0x6e6: {  	s0 =	simm.s32 @p0 $0x1;
	p0 =	por $0x0, $0x0  }
0x6e7: {  	[smem:$0x7F9] =	sst s0;
	s0 =	simm.s32 @!p0 $0x0  }
0x6e8: {  	s0 =	simm.s32 @p0 $0x1;
	p0 =	por $0x0, $0x0  }
0x6e9: {  	[smem:$0x7FA] =	sst s0;
	s0 =	simm.s32 @!p0 $0x0  }
0x6ea: {  	s0 =	simm.s32 @p0 $0x1;
	p0 =	por $0x0, $0x0  }
0x6eb: {  	[smem:$0x7FB] =	sst s0;
	s0 =	simm.s32 @!p0 $0x0  }
0x6ec: {  	s0 =	simm.s32 @p0 $0x1  }
0x6ed: {  	[smem:$0x7FC] =	sst s0  }
.Ltmp59:
0x6ee: {  	(pc) =	sbr.rel .LBB2_31-.Ltmp59, $4  }
0x6ef: {  	_ = 	snop  }
0x6f0: {  	s9 =	simm.s32 $0x0;
	s19 =	simm.s32 $0x0  }
0x6f1: {  	s7 =	simm.s32 $0x0;
	s5 =	simm.s32 $0x0;
	s24 =	simm.s32 $0x0  }
0x6f2: {  	s23 =	simm.s32 $0x0;
	s4 =	simm.s32 $0x0;
	s8 =	simm.s32 $0x0  }
.LBB2_38:
0x6f3: {  	p0 =	por $0x0, $0x0  }
0x6f4: {  	s0 =	simm.s32 @!p0 $0x0  }
0x6f5: {  	s0 =	simm.s32 @p0 $0x1;
	p0 =	por $0x0, $0x0  }
0x6f6: {  	[smem:$0x7DE] =	sst s0;
	s0 =	simm.s32 @!p0 $0x0  }
0x6f7: {  	s0 =	simm.s32 @p0 $0x1;
	p0 =	por $0x0, $0x0  }
0x6f8: {  	[smem:$0x7DF] =	sst s0;
	s0 =	simm.s32 @!p0 $0x0  }
0x6f9: {  	s0 =	simm.s32 @p0 $0x1;
	p0 =	por $0x0, $0x0  }
0x6fa: {  	[smem:$0x7E0] =	sst s0;
	s0 =	simm.s32 @!p0 $0x0  }
0x6fb: {  	s0 =	simm.s32 @p0 $0x1;
	p0 =	por $0x0, $0x0  }
0x6fc: {  	[smem:$0x7E1] =	sst s0;
	s0 =	simm.s32 @!p0 $0x0  }
0x6fd: {  	s0 =	simm.s32 @p0 $0x1;
	p0 =	por $0x0, $0x0  }
0x6fe: {  	[smem:$0x7E2] =	sst s0;
	s0 =	simm.s32 @!p0 $0x0  }
0x6ff: {  	s0 =	simm.s32 @p0 $0x1  }
0x700: {  	[smem:$0x7E3] =	sst s0  }
.Ltmp60:
0x701: {  	(pc) =	sbr.rel .LBB2_57-.Ltmp60, $4  }
0x702: {  	_ = 	snop  }
0x703: {  	s9 =	simm.s32 $0x0;
	s19 =	simm.s32 $0x0  }
0x704: {  	s7 =	simm.s32 $0x0;
	s5 =	simm.s32 $0x0;
	s25 =	simm.s32 $0x0  }
0x705: {  	s26 =	simm.s32 $0x0;
	s4 =	simm.s32 $0x0;
	s8 =	simm.s32 $0x0  }
.LBB2_69:
0x706: {  	p0 =	por $0x0, $0x0  }
0x707: {  	s0 =	simm.s32 @!p0 $0x0  }
0x708: {  	s0 =	simm.s32 @p0 $0x1;
	p0 =	por $0x0, $0x0  }
0x709: {  	[smem:$0x7C2] =	sst s0;
	s0 =	simm.s32 @!p0 $0x0  }
0x70a: {  	s0 =	simm.s32 @p0 $0x1;
	p0 =	por $0x0, $0x0  }
0x70b: {  	[smem:$0x7C3] =	sst s0;
	s0 =	simm.s32 @!p0 $0x0  }
0x70c: {  	s0 =	simm.s32 @p0 $0x1;
	p0 =	por $0x0, $0x0  }
0x70d: {  	s18 =	simm.s32 $0x80000000;
	[smem:$0x7C4] =	sst s0;
	s0 =	simm.s32 @!p0 $0x0  }
0x70e: {  	s9 =	simm.s32 $0x0;
	s0 =	simm.s32 @p0 $0x1;
	p0 =	por $0x0, $0x0  }
0x70f: {  	s12 =	simm.s32 $0x0;
	[smem:$0x7C5] =	sst s0;
	s0 =	simm.s32 @!p0 $0x0  }
0x710: {  	s17 =	simm.s32 $0x11F00;
	s0 =	simm.s32 @p0 $0x1;
	p0 =	por $0x0, $0x0  }
.Ltmp61:
0x711: {  	[smem:$0x7C6] =	sst s0;
	s0 =	simm.s32 @!p0 $0x0;
	(pc) =	sbr.rel .LBB2_90-.Ltmp61, $4  }
0x712: {  	s16 =	simm.s32 $0x0;
	s0 =	simm.s32 @p0 $0x1;
	p0 =	por $0x0, $0x0  }
0x713: {  	s23 =	simm.s32 $0x0;
	[smem:$0x7C7] =	sst s0;
	s0 =	simm.s32 @!p0 $0x0  }
0x714: {  	s13 =	simm.s32 $0x0;
	s5 =	simm.s32 $0x0;
	s0 =	simm.s32 @p0 $0x1  }
0x715: {  	s25 =	simm.s32 $0x0;
	s15 =	simm.s32 $0x0;
	[smem:$0x7C8] =	sst s0  }
.LBB2_14:
0x716: {  	p0 =	por $0x0, $0x0  }
0x717: {  	s0 =	simm.s32 @!p0 $0x0  }
0x718: {  	s0 =	simm.s32 @p0 $0x1;
	p0 =	por $0x0, $0x0  }
0x719: {  	[smem:$0x7F7] =	sst s0;
	s0 =	simm.s32 @!p0 $0x0  }
0x71a: {  	s0 =	simm.s32 @p0 $0x1;
	p0 =	por $0x0, $0x0  }
0x71b: {  	[smem:$0x7F8] =	sst s0;
	s0 =	simm.s32 @!p0 $0x0  }
0x71c: {  	s0 =	simm.s32 @p0 $0x1;
	p0 =	por $0x0, $0x0  }
0x71d: {  	[smem:$0x7F9] =	sst s0;
	s0 =	simm.s32 @!p0 $0x0  }
0x71e: {  	s0 =	simm.s32 @p0 $0x1;
	p0 =	por $0x0, $0x0  }
0x71f: {  	[smem:$0x7FA] =	sst s0;
	s0 =	simm.s32 @!p0 $0x0  }
0x720: {  	s0 =	simm.s32 @p0 $0x1;
	p0 =	por $0x0, $0x0  }
0x721: {  	[smem:$0x7FB] =	sst s0;
	s0 =	simm.s32 @!p0 $0x0  }
0x722: {  	s0 =	simm.s32 @p0 $0x1  }
0x723: {  	[smem:$0x7FC] =	sst s0  }
.Ltmp62:
0x724: {  	(pc) =	sbr.rel .LBB2_31-.Ltmp62, $4  }
0x725: {  	_ = 	snop  }
0x726: {  	s2 =	simm.s32 $0x0;
	s9 =	simm.s32 $0x10;
	s19 =	simm.s32 $0x0  }
0x727: {  	s7 =	simm.s32 $0x0;
	s5 =	simm.s32 $0x0;
	s24 =	simm.s32 $0x0  }
0x728: {  	s23 =	simm.s32 $0x0;
	s4 =	simm.s32 $0x0;
	s8 =	simm.s32 $0x0  }
.LBB2_40:
0x729: {  	p0 =	por $0x0, $0x0  }
0x72a: {  	s0 =	simm.s32 @!p0 $0x0  }
0x72b: {  	s0 =	simm.s32 @p0 $0x1;
	p0 =	por $0x0, $0x0  }
0x72c: {  	[smem:$0x7DE] =	sst s0;
	s0 =	simm.s32 @!p0 $0x0  }
0x72d: {  	s0 =	simm.s32 @p0 $0x1;
	p0 =	por $0x0, $0x0  }
0x72e: {  	[smem:$0x7DF] =	sst s0;
	s0 =	simm.s32 @!p0 $0x0  }
0x72f: {  	s0 =	simm.s32 @p0 $0x1;
	p0 =	por $0x0, $0x0  }
0x730: {  	[smem:$0x7E0] =	sst s0;
	s0 =	simm.s32 @!p0 $0x0  }
0x731: {  	s0 =	simm.s32 @p0 $0x1;
	p0 =	por $0x0, $0x0  }
0x732: {  	[smem:$0x7E1] =	sst s0;
	s0 =	simm.s32 @!p0 $0x0  }
0x733: {  	s0 =	simm.s32 @p0 $0x1;
	p0 =	por $0x0, $0x0  }
0x734: {  	[smem:$0x7E2] =	sst s0;
	s0 =	simm.s32 @!p0 $0x0  }
0x735: {  	s0 =	simm.s32 @p0 $0x1  }
0x736: {  	[smem:$0x7E3] =	sst s0  }
.Ltmp63:
0x737: {  	(pc) =	sbr.rel .LBB2_57-.Ltmp63, $4  }
0x738: {  	_ = 	snop  }
0x739: {  	s2 =	simm.s32 $0x0;
	s9 =	simm.s32 $0x10;
	s19 =	simm.s32 $0x0  }
0x73a: {  	s7 =	simm.s32 $0x0;
	s5 =	simm.s32 $0x0;
	s25 =	simm.s32 $0x0  }
0x73b: {  	s26 =	simm.s32 $0x0;
	s4 =	simm.s32 $0x0;
	s8 =	simm.s32 $0x0  }
.LBB2_71:
0x73c: {  	p0 =	por $0x0, $0x0  }
0x73d: {  	s0 =	simm.s32 @!p0 $0x0  }
0x73e: {  	s0 =	simm.s32 @p0 $0x1;
	p0 =	por $0x0, $0x0  }
0x73f: {  	[smem:$0x7C2] =	sst s0;
	s0 =	simm.s32 @!p0 $0x0  }
0x740: {  	s0 =	simm.s32 @p0 $0x1;
	p0 =	por $0x0, $0x0  }
0x741: {  	[smem:$0x7C3] =	sst s0;
	s0 =	simm.s32 @!p0 $0x0  }
0x742: {  	s8 =	simm.s32 $0x80000000;
	s0 =	simm.s32 @p0 $0x1;
	p0 =	por $0x0, $0x0  }
0x743: {  	s18 =	simm.s32 $0x80000010;
	[smem:$0x7C4] =	sst s0;
	s0 =	simm.s32 @!p0 $0x0  }
0x744: {  	s9 =	simm.s32 $0x0;
	s0 =	simm.s32 @p0 $0x1;
	p0 =	por $0x1, $0x1  }
0x745: {  	s12 =	simm.s32 $0x0;
	[smem:$0x7C5] =	sst s0;
	s0 =	simm.s32 @!p0 $0x0  }
0x746: {  	s17 =	simm.s32 $0x11F00;
	s0 =	simm.s32 @p0 $0x1;
	p0 =	por $0x0, $0x0  }
.Ltmp64:
0x747: {  	[smem:$0x7C6] =	sst s0;
	s0 =	simm.s32 @!p0 $0x0;
	(pc) =	sbr.rel .LBB2_90-.Ltmp64, $4  }
0x748: {  	s16 =	simm.s32 $0x0;
	s0 =	simm.s32 @p0 $0x1;
	p0 =	por $0x0, $0x0  }
0x749: {  	s23 =	simm.s32 $0x0;
	[smem:$0x7C7] =	sst s0;
	s0 =	simm.s32 @!p0 $0x0  }
0x74a: {  	s13 =	simm.s32 $0x0;
	s5 =	simm.s32 $0x0;
	s0 =	simm.s32 @p0 $0x1  }
0x74b: {  	s25 =	simm.s32 $0x0;
	s15 =	simm.s32 $0x0;
	[smem:$0x7C8] =	sst s0  }
.LBB2_16:
0x74c: {  	p0 =	por $0x0, $0x0  }
0x74d: {  	s0 =	simm.s32 @!p0 $0x0  }
0x74e: {  	s0 =	simm.s32 @p0 $0x1;
	p0 =	por $0x0, $0x0  }
0x74f: {  	[smem:$0x7F7] =	sst s0;
	s0 =	simm.s32 @!p0 $0x0  }
0x750: {  	s0 =	simm.s32 @p0 $0x1;
	p0 =	por $0x0, $0x0  }
0x751: {  	[smem:$0x7F8] =	sst s0;
	s0 =	simm.s32 @!p0 $0x0  }
0x752: {  	s0 =	simm.s32 @p0 $0x1;
	p0 =	por $0x0, $0x0  }
0x753: {  	[smem:$0x7F9] =	sst s0;
	s0 =	simm.s32 @!p0 $0x0  }
0x754: {  	s0 =	simm.s32 @p0 $0x1;
	p0 =	por $0x0, $0x0  }
0x755: {  	[smem:$0x7FA] =	sst s0;
	s0 =	simm.s32 @!p0 $0x0  }
0x756: {  	s0 =	simm.s32 @p0 $0x1;
	p0 =	por $0x0, $0x0  }
0x757: {  	[smem:$0x7FB] =	sst s0;
	s0 =	simm.s32 @!p0 $0x0  }
0x758: {  	s0 =	simm.s32 @p0 $0x1  }
0x759: {  	[smem:$0x7FC] =	sst s0  }
.Ltmp65:
0x75a: {  	(pc) =	sbr.rel .LBB2_31-.Ltmp65, $4  }
0x75b: {  	s2 =	simm.s32 $0x10  }
0x75c: {  	s9 =	simm.s32 $0x20;
	s19 =	simm.s32 $0x0;
	s10 =	simm.s32 $0x0  }
0x75d: {  	s7 =	simm.s32 $0x0;
	s5 =	simm.s32 $0x0;
	s24 =	simm.s32 $0x0  }
0x75e: {  	s23 =	simm.s32 $0x0;
	s4 =	simm.s32 $0x0;
	s8 =	simm.s32 $0x0  }
.LBB2_42:
0x75f: {  	p0 =	por $0x0, $0x0  }
0x760: {  	s0 =	simm.s32 @!p0 $0x0  }
0x761: {  	s0 =	simm.s32 @p0 $0x1;
	p0 =	por $0x0, $0x0  }
0x762: {  	[smem:$0x7DE] =	sst s0;
	s0 =	simm.s32 @!p0 $0x0  }
0x763: {  	s0 =	simm.s32 @p0 $0x1;
	p0 =	por $0x0, $0x0  }
0x764: {  	[smem:$0x7DF] =	sst s0;
	s0 =	simm.s32 @!p0 $0x0  }
0x765: {  	s0 =	simm.s32 @p0 $0x1;
	p0 =	por $0x0, $0x0  }
0x766: {  	[smem:$0x7E0] =	sst s0;
	s0 =	simm.s32 @!p0 $0x0  }
0x767: {  	s0 =	simm.s32 @p0 $0x1;
	p0 =	por $0x0, $0x0  }
0x768: {  	[smem:$0x7E1] =	sst s0;
	s0 =	simm.s32 @!p0 $0x0  }
0x769: {  	s0 =	simm.s32 @p0 $0x1;
	p0 =	por $0x0, $0x0  }
0x76a: {  	[smem:$0x7E2] =	sst s0;
	s0 =	simm.s32 @!p0 $0x0  }
0x76b: {  	s0 =	simm.s32 @p0 $0x1  }
0x76c: {  	[smem:$0x7E3] =	sst s0  }
.Ltmp66:
0x76d: {  	(pc) =	sbr.rel .LBB2_57-.Ltmp66, $4  }
0x76e: {  	s2 =	simm.s32 $0x10  }
0x76f: {  	s9 =	simm.s32 $0x20;
	s19 =	simm.s32 $0x0;
	s10 =	simm.s32 $0x0  }
0x770: {  	s7 =	simm.s32 $0x0;
	s5 =	simm.s32 $0x0;
	s25 =	simm.s32 $0x0  }
0x771: {  	s26 =	simm.s32 $0x0;
	s4 =	simm.s32 $0x0;
	s8 =	simm.s32 $0x0  }
.LBB2_73:
0x772: {  	p0 =	por $0x0, $0x0  }
0x773: {  	s0 =	simm.s32 @!p0 $0x0  }
0x774: {  	s0 =	simm.s32 @p0 $0x1;
	p0 =	por $0x0, $0x0  }
0x775: {  	[smem:$0x7C2] =	sst s0;
	s0 =	simm.s32 @!p0 $0x0  }
0x776: {  	s0 =	simm.s32 @p0 $0x1;
	p0 =	por $0x0, $0x0  }
0x777: {  	s8 =	simm.s32 $0x80000010;
	[smem:$0x7C3] =	sst s0;
	s0 =	simm.s32 @!p0 $0x0  }
0x778: {  	s18 =	simm.s32 $0x80000020;
	s0 =	simm.s32 @p0 $0x1;
	p0 =	por $0x0, $0x0  }
0x779: {  	s9 =	simm.s32 $0x0;
	[smem:$0x7C4] =	sst s0;
	s0 =	simm.s32 @!p0 $0x0  }
0x77a: {  	s12 =	simm.s32 $0x0;
	s0 =	simm.s32 @p0 $0x1;
	p0 =	por $0x1, $0x1  }
0x77b: {  	s17 =	simm.s32 $0x11F00;
	[smem:$0x7C5] =	sst s0;
	s0 =	simm.s32 @!p0 $0x0  }
0x77c: {  	s16 =	simm.s32 $0x0;
	s0 =	simm.s32 @p0 $0x1;
	p0 =	por $0x1, $0x1  }
.Ltmp67:
0x77d: {  	[smem:$0x7C6] =	sst s0;
	s0 =	simm.s32 @!p0 $0x0;
	(pc) =	sbr.rel .LBB2_90-.Ltmp67, $4  }
0x77e: {  	s23 =	simm.s32 $0x0;
	s0 =	simm.s32 @p0 $0x1;
	p0 =	por $0x0, $0x0  }
0x77f: {  	s22 =	simm.s32 $0x80000000;
	[smem:$0x7C7] =	sst s0;
	s0 =	simm.s32 @!p0 $0x0  }
0x780: {  	s13 =	simm.s32 $0x0;
	s5 =	simm.s32 $0x0;
	s0 =	simm.s32 @p0 $0x1  }
0x781: {  	s25 =	simm.s32 $0x0;
	s15 =	simm.s32 $0x0;
	[smem:$0x7C8] =	sst s0  }
.LBB2_18:
0x782: {  	p0 =	por $0x0, $0x0  }
0x783: {  	s0 =	simm.s32 @!p0 $0x0  }
0x784: {  	s0 =	simm.s32 @p0 $0x1;
	p0 =	por $0x0, $0x0  }
0x785: {  	[smem:$0x7F7] =	sst s0;
	s0 =	simm.s32 @!p0 $0x0  }
0x786: {  	s0 =	simm.s32 @p0 $0x1;
	p0 =	por $0x0, $0x0  }
0x787: {  	[smem:$0x7F8] =	sst s0;
	s0 =	simm.s32 @!p0 $0x0  }
0x788: {  	s0 =	simm.s32 @p0 $0x1;
	p0 =	por $0x0, $0x0  }
0x789: {  	[smem:$0x7F9] =	sst s0;
	s0 =	simm.s32 @!p0 $0x0  }
0x78a: {  	s0 =	simm.s32 @p0 $0x1;
	p0 =	por $0x0, $0x0  }
0x78b: {  	[smem:$0x7FA] =	sst s0;
	s0 =	simm.s32 @!p0 $0x0  }
0x78c: {  	s0 =	simm.s32 @p0 $0x1;
	p0 =	por $0x1, $0x1  }
0x78d: {  	[smem:$0x7FB] =	sst s0;
	s0 =	simm.s32 @!p0 $0x0  }
0x78e: {  	s0 =	simm.s32 @p0 $0x1  }
0x78f: {  	[smem:$0x7FC] =	sst s0  }
.Ltmp68:
0x790: {  	(pc) =	sbr.rel .LBB2_31-.Ltmp68, $4  }
0x791: {  	s2 =	simm.s32 $0x20  }
0x792: {  	s9 =	simm.s32 $0x30;
	s19 =	simm.s32 $0x0;
	s18 =	simm.s32 $0x0  }
0x793: {  	s10 =	simm.s32 $0x10;
	s5 =	simm.s32 $0x0;
	s24 =	simm.s32 $0x0  }
0x794: {  	v11 =	vmov v6;
	s23 =	simm.s32 $0x0;
	s4 =	simm.s32 $0x0;
	s8 =	simm.s32 $0x0  }
.LBB2_44:
0x795: {  	p0 =	por $0x0, $0x0  }
0x796: {  	s0 =	simm.s32 @!p0 $0x0  }
0x797: {  	s0 =	simm.s32 @p0 $0x1;
	p0 =	por $0x0, $0x0  }
0x798: {  	[smem:$0x7DE] =	sst s0;
	s0 =	simm.s32 @!p0 $0x0  }
0x799: {  	s0 =	simm.s32 @p0 $0x1;
	p0 =	por $0x0, $0x0  }
0x79a: {  	[smem:$0x7DF] =	sst s0;
	s0 =	simm.s32 @!p0 $0x0  }
0x79b: {  	s0 =	simm.s32 @p0 $0x1;
	p0 =	por $0x0, $0x0  }
0x79c: {  	[smem:$0x7E0] =	sst s0;
	s0 =	simm.s32 @!p0 $0x0  }
0x79d: {  	s0 =	simm.s32 @p0 $0x1;
	p0 =	por $0x0, $0x0  }
0x79e: {  	[smem:$0x7E1] =	sst s0;
	s0 =	simm.s32 @!p0 $0x0  }
0x79f: {  	s0 =	simm.s32 @p0 $0x1;
	p0 =	por $0x1, $0x1  }
0x7a0: {  	[smem:$0x7E2] =	sst s0;
	s0 =	simm.s32 @!p0 $0x0  }
0x7a1: {  	s0 =	simm.s32 @p0 $0x1  }
0x7a2: {  	[smem:$0x7E3] =	sst s0  }
.Ltmp69:
0x7a3: {  	(pc) =	sbr.rel .LBB2_57-.Ltmp69, $4  }
0x7a4: {  	s2 =	simm.s32 $0x20  }
0x7a5: {  	s9 =	simm.s32 $0x30;
	s19 =	simm.s32 $0x0;
	s18 =	simm.s32 $0x0  }
0x7a6: {  	s10 =	simm.s32 $0x10;
	s5 =	simm.s32 $0x0;
	s25 =	simm.s32 $0x0  }
0x7a7: {  	v12 =	vmov v7;
	s26 =	simm.s32 $0x0;
	s4 =	simm.s32 $0x0;
	s8 =	simm.s32 $0x0  }
.LBB2_75:
0x7a8: {  	p0 =	por $0x0, $0x0  }
0x7a9: {  	s0 =	simm.s32 @!p0 $0x0  }
0x7aa: {  	s0 =	simm.s32 @p0 $0x1;
	p0 =	por $0x0, $0x0  }
0x7ab: {  	[smem:$0x7C2] =	sst s0;
	s0 =	simm.s32 @!p0 $0x0  }
0x7ac: {  	s0 =	simm.s32 @p0 $0x1;
	p0 =	por $0x0, $0x0  }
0x7ad: {  	s8 =	simm.s32 $0x80000020;
	[smem:$0x7C3] =	sst s0;
	s0 =	simm.s32 @!p0 $0x0  }
0x7ae: {  	s18 =	simm.s32 $0x80000030;
	s0 =	simm.s32 @p0 $0x1;
	p0 =	por $0x0, $0x0  }
0x7af: {  	s9 =	simm.s32 $0x0;
	[smem:$0x7C4] =	sst s0;
	s0 =	simm.s32 @!p0 $0x0  }
0x7b0: {  	s12 =	simm.s32 $0x0;
	s0 =	simm.s32 @p0 $0x1;
	p0 =	por $0x1, $0x1  }
0x7b1: {  	s16 =	simm.s32 $0x0;
	[smem:$0x7C5] =	sst s0;
	s0 =	simm.s32 @!p0 $0x0  }
0x7b2: {  	s23 =	simm.s32 $0x0;
	s0 =	simm.s32 @p0 $0x1;
	p0 =	por $0x1, $0x1  }
.Ltmp70:
0x7b3: {  	[smem:$0x7C6] =	sst s0;
	s0 =	simm.s32 @!p0 $0x0;
	(pc) =	sbr.rel .LBB2_90-.Ltmp70, $4  }
0x7b4: {  	s24 =	simm.s32 $0x80000000;
	s0 =	simm.s32 @p0 $0x1;
	p0 =	por $0x1, $0x1  }
0x7b5: {  	s22 =	simm.s32 $0x80000010;
	[smem:$0x7C7] =	sst s0;
	s0 =	simm.s32 @!p0 $0x0  }
0x7b6: {  	s13 =	simm.s32 $0x0;
	s5 =	simm.s32 $0x0;
	s0 =	simm.s32 @p0 $0x1  }
0x7b7: {  	v15 =	vmov v6;
	s25 =	simm.s32 $0x0;
	s15 =	simm.s32 $0x0;
	[smem:$0x7C8] =	sst s0  }
.LBB2_20:
0x7b8: {  	p0 =	por $0x0, $0x0  }
0x7b9: {  	s0 =	simm.s32 @!p0 $0x0  }
0x7ba: {  	s0 =	simm.s32 @p0 $0x1;
	p0 =	por $0x0, $0x0  }
0x7bb: {  	[smem:$0x7F7] =	sst s0;
	s0 =	simm.s32 @!p0 $0x0  }
0x7bc: {  	s0 =	simm.s32 @p0 $0x1;
	p0 =	por $0x0, $0x0  }
0x7bd: {  	[smem:$0x7F8] =	sst s0;
	s0 =	simm.s32 @!p0 $0x0  }
0x7be: {  	s0 =	simm.s32 @p0 $0x1;
	p0 =	por $0x0, $0x0  }
0x7bf: {  	[smem:$0x7F9] =	sst s0;
	s0 =	simm.s32 @!p0 $0x0  }
0x7c0: {  	s0 =	simm.s32 @p0 $0x1;
	p0 =	por $0x1, $0x1  }
0x7c1: {  	[smem:$0x7FA] =	sst s0;
	s0 =	simm.s32 @!p0 $0x0  }
0x7c2: {  	s0 =	simm.s32 @p0 $0x1;
	p0 =	por $0x1, $0x1  }
0x7c3: {  	[smem:$0x7FB] =	sst s0;
	s0 =	simm.s32 @!p0 $0x0  }
0x7c4: {  	s0 =	simm.s32 @p0 $0x1  }
0x7c5: {  	[smem:$0x7FC] =	sst s0  }
.Ltmp71:
0x7c6: {  	(pc) =	sbr.rel .LBB2_31-.Ltmp71, $4  }
0x7c7: {  	s2 =	simm.s32 $0x30;
	s9 =	simm.s32 $0x40;
	s19 =	simm.s32 $0x0  }
0x7c8: {  	s13 =	simm.s32 $0x0;
	s18 =	simm.s32 $0x10;
	s10 =	simm.s32 $0x20  }
0x7c9: {  	s5 =	simm.s32 $0x0;
	s24 =	simm.s32 $0x0;
	s23 =	simm.s32 $0x0  }
0x7ca: {  	v15 =	vmov v6;
	v11 =	vmov v5;
	s21 =	simm.s32 $0x0;
	s4 =	simm.s32 $0x0;
	s8 =	simm.s32 $0x0  }
.LBB2_46:
0x7cb: {  	p0 =	por $0x0, $0x0  }
0x7cc: {  	s0 =	simm.s32 @!p0 $0x0  }
0x7cd: {  	s0 =	simm.s32 @p0 $0x1;
	p0 =	por $0x0, $0x0  }
0x7ce: {  	[smem:$0x7DE] =	sst s0;
	s0 =	simm.s32 @!p0 $0x0  }
0x7cf: {  	s0 =	simm.s32 @p0 $0x1;
	p0 =	por $0x0, $0x0  }
0x7d0: {  	[smem:$0x7DF] =	sst s0;
	s0 =	simm.s32 @!p0 $0x0  }
0x7d1: {  	s0 =	simm.s32 @p0 $0x1;
	p0 =	por $0x0, $0x0  }
0x7d2: {  	[smem:$0x7E0] =	sst s0;
	s0 =	simm.s32 @!p0 $0x0  }
0x7d3: {  	s0 =	simm.s32 @p0 $0x1;
	p0 =	por $0x1, $0x1  }
0x7d4: {  	[smem:$0x7E1] =	sst s0;
	s0 =	simm.s32 @!p0 $0x0  }
0x7d5: {  	s0 =	simm.s32 @p0 $0x1;
	p0 =	por $0x1, $0x1  }
0x7d6: {  	[smem:$0x7E2] =	sst s0;
	s0 =	simm.s32 @!p0 $0x0  }
0x7d7: {  	s0 =	simm.s32 @p0 $0x1  }
0x7d8: {  	[smem:$0x7E3] =	sst s0  }
.Ltmp72:
0x7d9: {  	(pc) =	sbr.rel .LBB2_57-.Ltmp72, $4  }
0x7da: {  	s2 =	simm.s32 $0x30;
	s9 =	simm.s32 $0x40;
	s19 =	simm.s32 $0x0  }
0x7db: {  	s13 =	simm.s32 $0x0;
	s18 =	simm.s32 $0x10;
	s10 =	simm.s32 $0x20  }
0x7dc: {  	s5 =	simm.s32 $0x0;
	s25 =	simm.s32 $0x0;
	s26 =	simm.s32 $0x0  }
0x7dd: {  	v16 =	vmov v7;
	v12 =	vmov v6;
	s21 =	simm.s32 $0x0;
	s4 =	simm.s32 $0x0;
	s8 =	simm.s32 $0x0  }
.LBB2_77:
0x7de: {  	p0 =	por $0x0, $0x0  }
0x7df: {  	s0 =	simm.s32 @!p0 $0x0  }
0x7e0: {  	s0 =	simm.s32 @p0 $0x1;
	p0 =	por $0x0, $0x0  }
0x7e1: {  	[smem:$0x7C2] =	sst s0;
	s0 =	simm.s32 @!p0 $0x0  }
0x7e2: {  	s8 =	simm.s32 $0x80000030;
	s0 =	simm.s32 @p0 $0x1;
	p0 =	por $0x0, $0x0  }
0x7e3: {  	s18 =	simm.s32 $0x80000040;
	[smem:$0x7C3] =	sst s0;
	s0 =	simm.s32 @!p0 $0x0  }
0x7e4: {  	s9 =	simm.s32 $0x0;
	s0 =	simm.s32 @p0 $0x1;
	p0 =	por $0x0, $0x0  }
0x7e5: {  	s12 =	simm.s32 $0x0;
	[smem:$0x7C4] =	sst s0;
	s0 =	simm.s32 @!p0 $0x0  }
0x7e6: {  	s16 =	simm.s32 $0x0;
	s0 =	simm.s32 @p0 $0x1;
	p0 =	por $0x1, $0x1  }
0x7e7: {  	s4 =	simm.s32 $0x80000000;
	[smem:$0x7C5] =	sst s0;
	s0 =	simm.s32 @!p0 $0x0  }
0x7e8: {  	s23 =	simm.s32 $0x0;
	s0 =	simm.s32 @p0 $0x1;
	p0 =	por $0x1, $0x1  }
.Ltmp73:
0x7e9: {  	[smem:$0x7C6] =	sst s0;
	s0 =	simm.s32 @!p0 $0x0;
	(pc) =	sbr.rel .LBB2_90-.Ltmp73, $4  }
0x7ea: {  	s24 =	simm.s32 $0x80000010;
	s0 =	simm.s32 @p0 $0x1;
	p0 =	por $0x1, $0x1  }
0x7eb: {  	s22 =	simm.s32 $0x80000020;
	[smem:$0x7C7] =	sst s0;
	s0 =	simm.s32 @!p0 $0x0  }
0x7ec: {  	s13 =	simm.s32 $0x0;
	s5 =	simm.s32 $0x0;
	s0 =	simm.s32 @p0 $0x1  }
0x7ed: {  	v17 =	vmov v6;
	v15 =	vmov v8;
	s25 =	simm.s32 $0x0;
	s15 =	simm.s32 $0x0;
	[smem:$0x7C8] =	sst s0  }
.LBB2_22:
0x7ee: {  	p0 =	por $0x0, $0x0  }
0x7ef: {  	s0 =	simm.s32 @!p0 $0x0  }
0x7f0: {  	s0 =	simm.s32 @p0 $0x1;
	p0 =	por $0x0, $0x0  }
0x7f1: {  	[smem:$0x7F7] =	sst s0;
	s0 =	simm.s32 @!p0 $0x0  }
0x7f2: {  	s0 =	simm.s32 @p0 $0x1;
	p0 =	por $0x0, $0x0  }
0x7f3: {  	[smem:$0x7F8] =	sst s0;
	s0 =	simm.s32 @!p0 $0x0  }
0x7f4: {  	s0 =	simm.s32 @p0 $0x1;
	p0 =	por $0x1, $0x1  }
0x7f5: {  	[smem:$0x7F9] =	sst s0;
	s0 =	simm.s32 @!p0 $0x0  }
0x7f6: {  	s0 =	simm.s32 @p0 $0x1;
	p0 =	por $0x1, $0x1  }
0x7f7: {  	[smem:$0x7FA] =	sst s0;
	s0 =	simm.s32 @!p0 $0x0  }
0x7f8: {  	s0 =	simm.s32 @p0 $0x1;
	p0 =	por $0x1, $0x1  }
0x7f9: {  	s2 =	simm.s32 $0x40;
	[smem:$0x7FB] =	sst s0;
	s0 =	simm.s32 @!p0 $0x0  }
.Ltmp74:
0x7fa: {  	s9 =	simm.s32 $0x50;
	s0 =	simm.s32 @p0 $0x1;
	(pc) =	sbr.rel .LBB2_31-.Ltmp74, $4  }
0x7fb: {  	s3 =	simm.s32 $0x0;
	s19 =	simm.s32 $0x0;
	[smem:$0x7FC] =	sst s0  }
0x7fc: {  	s13 =	simm.s32 $0x10;
	s18 =	simm.s32 $0x20;
	s10 =	simm.s32 $0x30  }
0x7fd: {  	s24 =	simm.s32 $0x0;
	s23 =	simm.s32 $0x0;
	s5 =	smov.u32 s21  }
0x7fe: {  	v11 =	vmovc v7;
	v20 =	vmov v9;
	v17 =	vmov v6;
	v15 =	vmov v5;
	s28 =	simm.s32 $0x0;
	s4 =	simm.s32 $0x0;
	s8 =	simm.s32 $0x0  }
.LBB2_48:
0x7ff: {  	p0 =	por $0x0, $0x0  }
0x800: {  	s0 =	simm.s32 @!p0 $0x0  }
0x801: {  	s0 =	simm.s32 @p0 $0x1;
	p0 =	por $0x0, $0x0  }
0x802: {  	[smem:$0x7DE] =	sst s0;
	s0 =	simm.s32 @!p0 $0x0  }
0x803: {  	s0 =	simm.s32 @p0 $0x1;
	p0 =	por $0x0, $0x0  }
0x804: {  	[smem:$0x7DF] =	sst s0;
	s0 =	simm.s32 @!p0 $0x0  }
0x805: {  	s0 =	simm.s32 @p0 $0x1;
	p0 =	por $0x1, $0x1  }
0x806: {  	[smem:$0x7E0] =	sst s0;
	s0 =	simm.s32 @!p0 $0x0  }
0x807: {  	s0 =	simm.s32 @p0 $0x1;
	p0 =	por $0x1, $0x1  }
0x808: {  	[smem:$0x7E1] =	sst s0;
	s0 =	simm.s32 @!p0 $0x0  }
0x809: {  	s0 =	simm.s32 @p0 $0x1;
	p0 =	por $0x1, $0x1  }
0x80a: {  	s2 =	simm.s32 $0x40;
	[smem:$0x7E2] =	sst s0;
	s0 =	simm.s32 @!p0 $0x0  }
.Ltmp75:
0x80b: {  	s9 =	simm.s32 $0x50;
	s0 =	simm.s32 @p0 $0x1;
	(pc) =	sbr.rel .LBB2_57-.Ltmp75, $4  }
0x80c: {  	s3 =	simm.s32 $0x0;
	s19 =	simm.s32 $0x0;
	[smem:$0x7E3] =	sst s0  }
0x80d: {  	s13 =	simm.s32 $0x10;
	s18 =	simm.s32 $0x20;
	s10 =	simm.s32 $0x30  }
0x80e: {  	s25 =	simm.s32 $0x0;
	s26 =	simm.s32 $0x0;
	s5 =	smov.u32 s21  }
0x80f: {  	v12 =	vmovc v8;
	v21 =	vmov v10;
	v18 =	vmov v7;
	v16 =	vmov v6;
	s29 =	simm.s32 $0x0;
	s4 =	simm.s32 $0x0;
	s8 =	simm.s32 $0x0  }
.LBB2_79:
0x810: {  	p0 =	por $0x0, $0x0  }
0x811: {  	s8 =	simm.s32 $0x80000040;
	s0 =	simm.s32 @!p0 $0x0  }
0x812: {  	s18 =	simm.s32 $0x80000050;
	s0 =	simm.s32 @p0 $0x1;
	p0 =	por $0x0, $0x0  }
0x813: {  	s9 =	simm.s32 $0x0;
	[smem:$0x7C2] =	sst s0;
	s0 =	simm.s32 @!p0 $0x0  }
0x814: {  	s25 =	simm.s32 $0x0;
	s0 =	simm.s32 @p0 $0x1;
	p0 =	por $0x0, $0x0  }
0x815: {  	s16 =	simm.s32 $0x0;
	[smem:$0x7C3] =	sst s0;
	s0 =	simm.s32 @!p0 $0x0  }
0x816: {  	s31 =	simm.s32 $0x80000000;
	s0 =	simm.s32 @p0 $0x1;
	p0 =	por $0x1, $0x1  }
0x817: {  	s4 =	simm.s32 $0x80000010;
	[smem:$0x7C4] =	sst s0;
	s0 =	simm.s32 @!p0 $0x0  }
0x818: {  	s23 =	simm.s32 $0x0;
	s0 =	simm.s32 @p0 $0x1;
	p0 =	por $0x1, $0x1  }
0x819: {  	s12 =	smov.u32 s19;
	[smem:$0x7C5] =	sst s0;
	s0 =	simm.s32 @!p0 $0x0  }
0x81a: {  	s24 =	simm.s32 $0x80000020;
	s0 =	simm.s32 @p0 $0x1;
	p0 =	por $0x1, $0x1  }
.Ltmp76:
0x81b: {  	[smem:$0x7C6] =	sst s0;
	s0 =	simm.s32 @!p0 $0x0;
	(pc) =	sbr.rel .LBB2_90-.Ltmp76, $4  }
0x81c: {  	s22 =	simm.s32 $0x80000030;
	s0 =	simm.s32 @p0 $0x1;
	p0 =	por $0x1, $0x1  }
0x81d: {  	s13 =	simm.s32 $0x0;
	[smem:$0x7C7] =	sst s0;
	s0 =	simm.s32 @!p0 $0x0  }
0x81e: {  	s5 =	simm.s32 $0x0;
	[smem:$0x7C1] =	sst s25;
	s0 =	simm.s32 @p0 $0x1  }
0x81f: {  	v17 =	vmov v8;
	v15 =	vmov v7;
	v20 =	vmov v6;
	s15 =	simm.s32 $0x0;
	s25 =	simm.s32 $0x0;
	[smem:$0x7C8] =	sst s0  }
.LBB2_24:
0x820: {  	p0 =	por $0x0, $0x0  }
0x821: {  	s0 =	simm.s32 @!p0 $0x0  }
0x822: {  	s2 =	simm.s32 $0x50;
	s0 =	simm.s32 @p0 $0x1;
	p0 =	por $0x0, $0x0  }
0x823: {  	s9 =	simm.s32 $0x60;
	[smem:$0x7F7] =	sst s0;
	s0 =	simm.s32 @!p0 $0x0  }
0x824: {  	s6 =	simm.s32 $0x0;
	s0 =	simm.s32 @p0 $0x1;
	p0 =	por $0x1, $0x1  }
0x825: {  	s3 =	simm.s32 $0x10;
	[smem:$0x7F8] =	sst s0;
	s0 =	simm.s32 @!p0 $0x0  }
0x826: {  	s19 =	simm.s32 $0x0;
	s0 =	simm.s32 @p0 $0x1;
	p0 =	por $0x1, $0x1  }
0x827: {  	s13 =	simm.s32 $0x20;
	[smem:$0x7F9] =	sst s0;
	s0 =	simm.s32 @!p0 $0x0  }
0x828: {  	s18 =	simm.s32 $0x30;
	s0 =	simm.s32 @p0 $0x1;
	p0 =	por $0x1, $0x1  }
0x829: {  	s10 =	simm.s32 $0x40;
	[smem:$0x7FA] =	sst s0;
	s0 =	simm.s32 @!p0 $0x0  }
.Ltmp77:
0x82a: {  	s0 =	simm.s32 @p0 $0x1;
	p0 =	por $0x1, $0x1;
	(pc) =	sbr.rel .LBB2_31-.Ltmp77, $4  }
0x82b: {  	s24 =	simm.s32 $0x0;
	[smem:$0x7FB] =	sst s0;
	s0 =	simm.s32 @!p0 $0x0  }
0x82c: {  	s23 =	simm.s32 $0x0;
	s5 =	smov.u32 s17;
	s0 =	simm.s32 @p0 $0x1  }
0x82d: {  	s29 =	simm.s32 $0x0;
	s28 =	smov.u32 s21;
	[smem:$0x7FC] =	sst s0  }
0x82e: {  	v20 =	vmovc v16;
	v19 =	vmovc v6;
	v17 =	vmov v5;
	v15 =	vmov v7;
	v11 =	vmov v8;
	s21 =	smov.u32 s17;
	s4 =	simm.s32 $0x0;
	s8 =	simm.s32 $0x0  }
.LBB2_50:
0x82f: {  	p0 =	por $0x0, $0x0  }
0x830: {  	s0 =	simm.s32 @!p0 $0x0  }
0x831: {  	s2 =	simm.s32 $0x50;
	s0 =	simm.s32 @p0 $0x1;
	p0 =	por $0x0, $0x0  }
0x832: {  	s9 =	simm.s32 $0x60;
	[smem:$0x7DE] =	sst s0;
	s0 =	simm.s32 @!p0 $0x0  }
0x833: {  	s6 =	simm.s32 $0x0;
	s0 =	simm.s32 @p0 $0x1;
	p0 =	por $0x1, $0x1  }
0x834: {  	s3 =	simm.s32 $0x10;
	[smem:$0x7DF] =	sst s0;
	s0 =	simm.s32 @!p0 $0x0  }
0x835: {  	s19 =	simm.s32 $0x0;
	s0 =	simm.s32 @p0 $0x1;
	p0 =	por $0x1, $0x1  }
0x836: {  	s13 =	simm.s32 $0x20;
	[smem:$0x7E0] =	sst s0;
	s0 =	simm.s32 @!p0 $0x0  }
0x837: {  	s18 =	simm.s32 $0x30;
	s0 =	simm.s32 @p0 $0x1;
	p0 =	por $0x1, $0x1  }
0x838: {  	s10 =	simm.s32 $0x40;
	[smem:$0x7E1] =	sst s0;
	s0 =	simm.s32 @!p0 $0x0  }
.Ltmp78:
0x839: {  	s0 =	simm.s32 @p0 $0x1;
	p0 =	por $0x1, $0x1;
	(pc) =	sbr.rel .LBB2_57-.Ltmp78, $4  }
0x83a: {  	s25 =	simm.s32 $0x0;
	[smem:$0x7E2] =	sst s0;
	s0 =	simm.s32 @!p0 $0x0  }
0x83b: {  	s26 =	simm.s32 $0x0;
	s5 =	smov.u32 s17;
	s0 =	simm.s32 @p0 $0x1  }
0x83c: {  	s30 =	simm.s32 $0x0;
	s29 =	smov.u32 s21;
	[smem:$0x7E3] =	sst s0  }
0x83d: {  	v21 =	vmovc v17;
	v20 =	vmovc v7;
	v18 =	vmov v6;
	v16 =	vmov v8;
	v12 =	vmov v9;
	s21 =	smov.u32 s17;
	s4 =	simm.s32 $0x0;
	s8 =	simm.s32 $0x0  }
.LBB2_81:
0x83e: {  	s0 =	simm.s32 $0x80000010;
	s25 =	simm.s32 $0x80000020  }
0x83f: {  	p0 =	por $0x0, $0x0;
	s8 =	simm.s32 $0x80000050;
	s18 =	simm.s32 $0x80000060  }
0x840: {  	s9 =	simm.s32 $0x0;
	[dreg:$0x1b] =	wrdreg s0;
	s0 =	simm.s32 @!p0 $0x0  }
0x841: {  	s7 =	simm.s32 $0x0;
	s0 =	simm.s32 @p0 $0x1;
	p0 =	por $0x0, $0x0  }
0x842: {  	s21 =	simm.s32 $0x80000000;
	[smem:$0x7C2] =	sst s0;
	s0 =	simm.s32 @!p0 $0x0  }
0x843: {  	s16 =	simm.s32 $0x0;
	s0 =	simm.s32 @p0 $0x1;
	p0 =	por $0x1, $0x1  }
0x844: {  	s31 =	simm.s32 $0x80000010;
	[smem:$0x7C3] =	sst s0;
	s0 =	simm.s32 @!p0 $0x0  }
0x845: {  	s4 =	simm.s32 $0x80000020;
	s0 =	simm.s32 @p0 $0x1;
	p0 =	por $0x1, $0x1  }
0x846: {  	s23 =	simm.s32 $0x0;
	[smem:$0x7C4] =	sst s0;
	s0 =	simm.s32 @!p0 $0x0  }
0x847: {  	s12 =	smov.u32 s3;
	s0 =	simm.s32 @p0 $0x1;
	p0 =	por $0x1, $0x1  }
0x848: {  	s24 =	simm.s32 $0x80000030;
	[smem:$0x7C5] =	sst s0;
	s0 =	simm.s32 @!p0 $0x0  }
0x849: {  	s22 =	simm.s32 $0x80000040;
	s0 =	simm.s32 @p0 $0x1;
	p0 =	por $0x1, $0x1  }
.Ltmp79:
0x84a: {  	[smem:$0x7C6] =	sst s0;
	s0 =	simm.s32 @!p0 $0x0;
	(pc) =	sbr.rel .LBB2_90-.Ltmp79, $4  }
0x84b: {  	[smem:$0x7C1] =	sst s19;
	s0 =	simm.s32 @p0 $0x1;
	p0 =	por $0x1, $0x1  }
0x84c: {  	s13 =	simm.s32 $0x0;
	[smem:$0x7C7] =	sst s0;
	s0 =	simm.s32 @!p0 $0x0  }
0x84d: {  	s5 =	simm.s32 $0x0;
	[dreg:$0x13] =	wrdreg s25;
	s0 =	simm.s32 @p0 $0x1  }
0x84e: {  	v15 =	vmovc v9;
	v23 =	vmov v6;
	v20 =	vmov v8;
	v17 =	vmov v7;
	s15 =	simm.s32 $0x0;
	s25 =	simm.s32 $0x0;
	[smem:$0x7C8] =	sst s0  }
.LBB2_26:
0x84f: {  	p0 =	por $0x0, $0x0;
	s2 =	simm.s32 $0x60;
	s6 =	simm.s32 $0x10  }
0x850: {  	s3 =	simm.s32 $0x20;
	s13 =	simm.s32 $0x30;
	s18 =	simm.s32 $0x40  }
.Ltmp80:
0x851: {  	s12 =	smov.u32 s30;
	s19 =	smov.u32 s4;
	(pc) =	sbr.rel .LBB2_31-.Ltmp80, $4  }
0x852: {  	s10 =	simm.s32 $0x50;
	s5 =	smov.u32 s22;
	s24 =	smov.u32 s8  }
0x853: {  	s23 =	simm.s32 $0x0;
	s1 =	simm.s32 $0x0;
	s0 =	simm.s32 @!p0 $0x0  }
0x854: {  	v20 =	vmov v18;
	v19 =	vmov v5;
	v17 =	vmov v7;
	s29 =	smov.u32 s21;
	s28 =	smov.u32 s17;
	s0 =	simm.s32 @p0 $0x1  }
0x855: {  	v15 =	vmovc v8;
	v11 =	vmovc v13;
	s21 =	smov.u32 s22;
	p0 =	por p4, p4;
	v10 =	vmov v21;
	[smem:$0x7F7] =	sst s0;
	v12 =	vmov v22;
	v14 =	vmov v23  }
.LBB2_52:
0x856: {  	p0 =	por $0x0, $0x0;
	s2 =	simm.s32 $0x60;
	s6 =	simm.s32 $0x10  }
0x857: {  	s3 =	simm.s32 $0x20;
	s13 =	simm.s32 $0x30;
	s18 =	simm.s32 $0x40  }
.Ltmp81:
0x858: {  	s12 =	smov.u32 s31;
	s19 =	smov.u32 s4;
	(pc) =	sbr.rel .LBB2_57-.Ltmp81, $4  }
0x859: {  	s10 =	simm.s32 $0x50;
	s5 =	smov.u32 s22;
	s25 =	smov.u32 s8  }
0x85a: {  	s26 =	simm.s32 $0x0;
	s1 =	simm.s32 $0x0;
	s0 =	simm.s32 @!p0 $0x0  }
0x85b: {  	v21 =	vmov v19;
	v20 =	vmov v6;
	v18 =	vmov v8;
	s30 =	smov.u32 s21;
	s29 =	smov.u32 s17;
	s0 =	simm.s32 @p0 $0x1  }
0x85c: {  	v16 =	vmovc v9;
	v12 =	vmovc v14;
	s21 =	smov.u32 s22;
	p0 =	por p4, p4;
	v11 =	vmov v22;
	[smem:$0x7DE] =	sst s0;
	v13 =	vmov v23;
	v15 =	vmov v24  }
.LBB2_83:
0x85d: {  	s0 =	simm.s32 $0x80000030  }
0x85e: {  	s23 =	simm.s32 $0x80000010;
	p0 =	por $0x0, $0x0;
	s24 =	simm.s32 $0x80000020  }
0x85f: {  	s8 =	simm.s32 $0x80000060;
	s18 =	simm.s32 $0x80000070;
	s10 =	simm.s32 $0x0  }
0x860: {  	s21 =	simm.s32 $0x80000010;
	[dreg:$0x1c] =	wrdreg s0;
	s0 =	simm.s32 @!p0 $0x0  }
0x861: {  	s31 =	simm.s32 $0x80000020;
	s0 =	simm.s32 @p0 $0x1;
	p0 =	por $0x1, $0x1  }
0x862: {  	s9 =	simm.s32 $0x0;
	[smem:$0x7C2] =	sst s0;
	s0 =	simm.s32 @!p0 $0x0  }
0x863: {  	s12 =	smov.u32 s20;
	s0 =	simm.s32 @p0 $0x1;
	p0 =	por $0x1, $0x1  }
0x864: {  	s4 =	simm.s32 $0x80000030;
	[smem:$0x7C3] =	sst s0;
	s0 =	simm.s32 @!p0 $0x0  }
0x865: {  	p1 =	por p5, p5;
	s0 =	simm.s32 @p0 $0x1;
	p0 =	por $0x1, $0x1  }
0x866: {  	s7 =	smov.u32 s19;
	[smem:$0x7C4] =	sst s0;
	s0 =	simm.s32 @!p0 $0x0  }
0x867: {  	[smem:$0x7C1] =	sst s3;
	s0 =	simm.s32 @p0 $0x1;
	p0 =	por $0x1, $0x1  }
0x868: {  	s16 =	smov.u32 s25;
	[smem:$0x7C5] =	sst s0;
	s0 =	simm.s32 @!p0 $0x0  }
0x869: {  	s22 =	simm.s32 $0x80000050;
	s0 =	simm.s32 @p0 $0x1;
	p0 =	por $0x1, $0x1  }
.Ltmp82:
0x86a: {  	[smem:$0x7C6] =	sst s0;
	s0 =	simm.s32 @!p0 $0x0;
	(pc) =	sbr.rel .LBB2_90-.Ltmp82, $4  }
0x86b: {  	[dreg:$0x1b] =	wrdreg s23;
	s0 =	simm.s32 @p0 $0x1;
	p0 =	por $0x1, $0x1  }
0x86c: {  	s13 =	simm.s32 $0x0;
	[smem:$0x7C7] =	sst s0;
	s0 =	simm.s32 @!p0 $0x0  }
0x86d: {  	s5 =	simm.s32 $0x0;
	[dreg:$0x13] =	wrdreg s24;
	s0 =	simm.s32 @p0 $0x1  }
0x86e: {  	v23 =	vmovc v8;
	v20 =	vmov v7;
	v17 =	vmov v9;
	v15 =	vmov v11;
	s24 =	simm.s32 $0x80000040;
	s23 =	smov.u32 s15;
	[smem:$0x7C8] =	sst s0  }
.LBB2_28:
.Ltmp83:
0x86f: {  	s2 =	simm.s32 $0x70;
	(pc) =	sbr.rel .LBB2_31-.Ltmp83, $4  }
0x870: {  	s9 =	simm.s32 $0x80;
	s6 =	simm.s32 $0x20;
	s3 =	simm.s32 $0x30  }
0x871: {  	s13 =	simm.s32 $0x40;
	s18 =	simm.s32 $0x50;
	s16 =	simm.s32 $0x0  }
0x872: {  	s23 =	simm.s32 $0x0;
	s1 =	rddreg [dreg:$0x17];
	s29 =	smov.u32 s17  }
0x873: {  	v19 =	vmov v7;
	v17 =	vmov v8;
	v15 =	vmov v13;
	s28 =	smov.u32 s22;
	s21 =	smov.u32 s5;
	s31 =	rddreg [dreg:$0x10]  }
.LBB2_54:
.Ltmp84:
0x874: {  	s2 =	simm.s32 $0x70;
	(pc) =	sbr.rel .LBB2_57-.Ltmp84, $4  }
0x875: {  	s9 =	simm.s32 $0x80;
	s6 =	simm.s32 $0x20;
	s3 =	simm.s32 $0x30  }
0x876: {  	s13 =	simm.s32 $0x40;
	s18 =	simm.s32 $0x50;
	s16 =	simm.s32 $0x0  }
0x877: {  	s26 =	simm.s32 $0x0;
	s1 =	rddreg [dreg:$0x18];
	s30 =	smov.u32 s17  }
0x878: {  	v20 =	vmov v8;
	v18 =	vmov v9;
	v16 =	vmov v14;
	s29 =	smov.u32 s22;
	s21 =	smov.u32 s5;
	s24 =	rddreg [dreg:$0xf]  }
.LBB2_85:
0x879: {  	p0 =	por $0x1, $0x1;
	s8 =	simm.s32 $0x80000070;
	s21 =	simm.s32 $0x80000020  }
0x87a: {  	s31 =	simm.s32 $0x80000030;
	s4 =	simm.s32 $0x80000040;
	s10 =	smov.u32 s19  }
0x87b: {  	s9 =	simm.s32 $0x0;
	s7 =	smov.u32 s3;
	s0 =	simm.s32 @!p0 $0x0  }
0x87c: {  	[smem:$0x7C1] =	sst s20;
	s0 =	simm.s32 @p0 $0x1;
	p0 =	por $0x1, $0x1  }
0x87d: {  	s16 =	smov.u32 s13;
	[smem:$0x7C2] =	sst s0;
	s0 =	simm.s32 @!p0 $0x0  }
0x87e: {  	s23 =	smov.u32 s5;
	s0 =	simm.s32 @p0 $0x1;
	p0 =	por $0x1, $0x1  }
.Ltmp85:
0x87f: {  	[smem:$0x7C3] =	sst s0;
	s0 =	simm.s32 @!p0 $0x0;
	(pc) =	sbr.rel .LBB2_90-.Ltmp85, $4  }
0x880: {  	s24 =	simm.s32 $0x80000050;
	s0 =	simm.s32 @p0 $0x1;
	p0 =	por $0x1, $0x1  }
0x881: {  	s22 =	simm.s32 $0x80000060;
	[smem:$0x7C6] =	sst s0;
	s0 =	simm.s32 @!p0 $0x0  }
0x882: {  	vm15 =	vmmov vm1;
	v23 =	vmovc v7;
	v20 =	vmov v9;
	v17 =	vmov v11;
	s28 =	simm.s32 $0x80000000;
	s0 =	simm.s32 @p0 $0x1;
	p0 =	por p1, p1  }
0x883: {  	v15 =	vmovc v16;
	v10 =	vmovc v18;
	v12 =	vmov v19;
	v13 =	vmov v21;
	v14 =	vmov v22;
	p1 =	por p2, p2;
	[smem:$0x7C7] =	sst s0;
	s0 =	simm.s32 $0x0  }
.LBB2_87:
0x884: {  	p2 =	por $0x1, $0x1;
	s18 =	simm.s32 $0x80000090  }
0x885: {  	s6 =	simm.s32 $0x0;
	[smem:$0x7C1] =	sst s12;
	s21 =	simm.s32 $0x80000030  }
.Ltmp86:
0x886: {  	s31 =	simm.s32 $0x80000040;
	s10 =	smov.u32 s3;
	(pc) =	sbr.rel .LBB2_90-.Ltmp86, $4  }
0x887: {  	s9 =	simm.s32 $0x0;
	s7 =	rddreg [dreg:$0x1f];
	s0 =	simm.s32 @!p2 $0x0  }
0x888: {  	s12 =	smov.u32 s30;
	s4 =	simm.s32 $0x80000050;
	s0 =	simm.s32 @p2 $0x1  }
0x889: {  	s24 =	simm.s32 $0x80000060;
	s30 =	smov.u32 s8;
	[smem:$0x7C7] =	sst s0  }
0x88a: {  	v23 =	vmov v9;
	v20 =	vmov v11;
	v17 =	vmov v16;
	s8 =	simm.s32 $0x80000080;
	s28 =	simm.s32 $0x80000000;
	s0 =	rddreg [dreg:$0x12]  }
.LBB2_61:
.Ltmp87:
0x88b: {  	(pc) =	sbr.rel .LBB2_65-.Ltmp87, $2  }
0x88c: {  	_ =	sdelay $0x2  }
0x88d: {  	s1 =	simm.s32 $0x0  }
.LBB2_94:
.Ltmp88:
0x88e: {  	(pc) =	sbr.rel .LBB2_98-.Ltmp88, $2  }
0x88f: {  	_ =	sdelay $0x2  }
0x890: {  	s2 =	simm.s32 $0x0  }
.LBB2_63:
.Ltmp89:
0x891: {  	(pc) =	sbr.rel .LBB2_65-.Ltmp89, $2  }
0x892: {  	_ =	sdelay $0x2  }
0x893: {  	s1 =	simm.s32 $0x0  }
.LBB2_96:
.Ltmp90:
0x894: {  	(pc) =	sbr.rel .LBB2_98-.Ltmp90, $2  }
0x895: {  	_ =	sdelay $0x2  }
0x896: {  	s2 =	simm.s32 $0x0  }
.LBB2_107:
.Ltmp91:
0x897: {  	(pc) =	sbr.rel .LBB2_109-.Ltmp91, $2  }
0x898: {  	_ =	sdelay $0x2  }
0x899: {  	s4 =	simm.s32 $0x0  }
.LBB2_111:
0x89a: {  	_ =	sfence.sel $0x180000  }
0x89b: {  	[bflag:$0x0] =	sbarrier.arrive $0xFFFF  }
0x89c: {  	_ =	strace $0x90000047  }
0x89d: {  	s0 =	stileid.u32;
	[bflag:$0x2] =	sbarrier.arrive $0xFFFF  }
0x89e: {  	p0 =	sne.s32 s0, $0x0;
	s0 =	rddreg [dreg:$0x2]  }
0x89f: {  	s0 =	sadd.s32 @!p0 $0x100000, s0  }
0x8a0: {  	[sflag:s0] =	ssyncadd.tile.s32 @!p0 $0x1;
	_ =	shalt  }
.Lfunc_end2:
_tile_overlayer_lowered:
.L_overlay_start_2:
0x8a1: {  	(tag) =	ssettag $0x2  }
0x8a2: {  	s0 =	rddreg [dreg:$0x0];
	s2 =	stileid.u32  }
0x8a3: {  	s1 =	rddreg [dreg:$0x1];
	p0 =	sne.s32 s2, $0x0  }
0x8a4: {  	s3 =	rddreg [dreg:$0x2];
	[bflag:$0x3] =	sbarrier.arrive $0xFFFF;
	s2 =	simm.s32 @!p0 $0x1C01  }
0x8a5: {  	[timem:s3], [sflag:s2] =	dma.local @!p0 [hbm:s0], s1  }
0x8a6: {  	s0 =	simm.s32 @!p0 $0x1  }
0x8a7: {  	_ =	swait.ge @!p0 [sflag:s0], s1  }
0x8a8: {  	s1 =	ssub.s32 @!p0 $0x0, s1;
	[sflag:s0] =	ssyncset.done @!p0 $0x0  }
0x8a9: {  	[sflag:s0] =	ssyncadd.s32 @!p0 s1  }
0x8aa: {  	[bflag:$0x3] =	sbarrier.arrive $0xFFFF  }
0x8ab: {  	_ =	shalt  }

</sc_bundles>
